<compile_context>
chip_gen: v7x
topology: tpu7x:2x2x1
jax: 0.10.2.dev20260603
libtpu: 0.0.44.dev20260713+nightly
codegen_flags: <defaults>
</compile_context>

<pallas_src>
import jax
import jax.numpy as jnp
from jax import lax
from jax.experimental import pallas as pl
from jax.experimental.pallas import tpu as pltpu
from jax.experimental.pallas import tpu_sc as plsc

_B = 16
_S = 2048
_D = 256
_TOTAL = 16384
_HALF = _S // 2
_C = 128
_NCHUNK = _HALF // _C
_L = 16
_NS = 16
_ZROWS = _C // _NS


def _body(flat, cu, out, cu_v, zsh, buf0, buf1, buf2, gidx, sidx,
          sem_c, sem_z, sem_i0, sem_i1, sem_i2, sem_o0, sem_o1, sem_o2):
    cid = lax.axis_index("c")
    sid = lax.axis_index("s")
    wid = cid * 16 + sid
    b = wid // 2
    h = wid % 2

    pltpu.async_copy(cu, cu_v.at[pl.ds(0, _B + 1)], sem_c)
    pltpu.make_async_copy(cu, cu_v.at[pl.ds(0, _B + 1)], sem_c).wait()
    start = cu_v[pl.ds(b, 16)][0]
    ln = cu_v[pl.ds(b + 1, 16)][0] - start
    t = jnp.clip(ln - h * _HALF, 0, _HALF)
    base = b * _S + h * _HALF
    floor_t = (t // _C) * _C
    nz = (_HALF - floor_t) // _C
    nd = (t + _C - 1) // _C

    lanes = lax.iota(jnp.int32, _L)

    def _off(i):
        return jnp.minimum(i * _C, t - _C)

    def _fill_idx(ref, slot, first_row):
        for k in range(_C // _L):
            ref[slot, pl.ds(k * _L, _L)] = first_row + k * _L + lanes

    def _gather(i, slot, isem):
        _fill_idx(gidx, slot, start + h * _HALF + _off(i))
        pltpu.async_copy(flat.at[gidx.at[slot]], (buf0, buf1, buf2)[slot], isem)

    bufs = (buf0, buf1, buf2)
    isems = (sem_i0, sem_i1, sem_i2)
    osems = (sem_o0, sem_o1, sem_o2)

    @pl.when(0 < nd)
    def _():
        _gather(0, 0, sem_i0)
    @pl.when(1 < nd)
    def _():
        _gather(1, 1, sem_i1)

    def _zero(i, _):
        buf2[i // (_D // _L), pl.ds((i % (_D // _L)) * _L, _L)] = (
            jnp.zeros((_L,), jnp.float32))
        return 0
    lax.fori_loop(0, _ZROWS * (_D // _L), _zero, 0, unroll=8)
    pltpu.sync_copy(buf2.at[pl.ds(0, _ZROWS), :],
                    zsh.at[pl.ds(sid * _ZROWS, _ZROWS), :])
    plsc.subcore_barrier()

    for j in range(_NCHUNK):
        @pl.when(j < nz)
        def _():
            row = pl.multiple_of(base + floor_t + j * _C, _C)
            pltpu.async_copy(zsh, out.at[pl.ds(row, _C), :], sem_z)

    for i in range(_NCHUNK):
        @pl.when(i < nd)
        def _():
            pltpu.make_async_copy(
                flat.at[gidx.at[i % 3]], bufs[i % 3], isems[i % 3]).wait()
            @pl.when(i == nd - 1)
            def _():
                for j in range(_NCHUNK):
                    @pl.when(j < nz)
                    def _():
                        pltpu.make_async_copy(
                            zsh, out.at[pl.ds(base, _C), :], sem_z).wait()
                _fill_idx(sidx, i % 3, base + _off(i))
                pltpu.async_copy(bufs[i % 3], out.at[sidx.at[i % 3]],
                                 osems[i % 3])
            @pl.when(i != nd - 1)
            def _():
                row = pl.multiple_of(base + i * _C, _C)
                pltpu.async_copy(bufs[i % 3], out.at[pl.ds(row, _C), :],
                                 osems[i % 3])
        @pl.when(i + 2 < nd)
        def _():
            if i >= 1:
                pltpu.make_async_copy(
                    bufs[(i - 1) % 3], out.at[pl.ds(base, _C), :],
                    osems[(i - 1) % 3]).wait()
            _gather(i + 2, (i + 2) % 3, isems[(i + 2) % 3])

    @pl.when(nd >= 3)
    def _():
        pltpu.make_async_copy(buf0, out.at[pl.ds(base, _C), :], sem_o0).wait()
        pltpu.make_async_copy(buf1, out.at[pl.ds(base, _C), :], sem_o1).wait()
        pltpu.make_async_copy(buf2, out.at[pl.ds(base, _C), :], sem_o2).wait()
    @pl.when(nd == 2)
    def _():
        pltpu.make_async_copy(buf0, out.at[pl.ds(base, _C), :], sem_o0).wait()
        pltpu.make_async_copy(buf1, out.at[pl.ds(base, _C), :], sem_o1).wait()
    @pl.when(nd == 1)
    def _():
        pltpu.make_async_copy(buf0, out.at[pl.ds(base, _C), :], sem_o0).wait()
    @pl.when(nd == 0)
    def _():
        for j in range(_NCHUNK):
            @pl.when(j < nz)
            def _():
                pltpu.make_async_copy(
                    zsh, out.at[pl.ds(base, _C), :], sem_z).wait()


def kernel(flat, cu_seqlens):
    cu = cu_seqlens.astype(jnp.int32)
    mesh = plsc.VectorSubcoreMesh(core_axis_name="c", subcore_axis_name="s")
    run = pl.kernel(
        _body,
        out_type=jax.ShapeDtypeStruct((_B * _S, _D), jnp.float32),
        mesh=mesh,
        compiler_params=pltpu.CompilerParams(use_tc_tiling_on_sc=True),
        scratch_types=[
            pltpu.VMEM((40,), jnp.int32),
            pltpu.VMEM_SHARED((_C, _D), jnp.float32),
            pltpu.VMEM((_C, _D), jnp.float32),
            pltpu.VMEM((_C, _D), jnp.float32),
            pltpu.VMEM((_C, _D), jnp.float32),
            pltpu.VMEM((3, _C), jnp.int32),
            pltpu.VMEM((3, _C), jnp.int32),
            pltpu.SemaphoreType.DMA,
            pltpu.SemaphoreType.DMA,
            pltpu.SemaphoreType.DMA,
            pltpu.SemaphoreType.DMA,
            pltpu.SemaphoreType.DMA,
            pltpu.SemaphoreType.DMA,
            pltpu.SemaphoreType.DMA,
            pltpu.SemaphoreType.DMA,
        ],
    )
    out = run(flat, cu)
    return out.reshape(_B, _S, _D)

# --- scband reference (transcript-rebuilt; emitter-appended) ---
"""Pipeline reference for scband-cast-ragged-to-dense-22763326668891 (READ-ONLY COPY).

The authoritative reference and input builder live on the scoring server;
editing this copy changes nothing except your own understanding.
"""

import jax, jax.numpy as jnp
import numpy as np

B = 16
MAX_SEQLEN = 2048
D = 256
TOTAL = 16384


def setup_inputs(seed: int = 0) -> dict:
    key = jax.random.key(seed)
    k1, k2 = jax.random.split(key)
    # Build valid cu_seqlens: monotonically increasing, starting at 0 and ending
    # at TOTAL, with every row length guaranteed to be in [224, 1824] <= MAX_SEQLEN.
    off = jax.random.randint(k2, (B - 1,), -400, 400)
    inner = (jnp.arange(1, B) * (TOTAL // B) + off).astype(jnp.int32)
    cu_seqlens = jnp.concatenate([
        jnp.array([0], dtype=jnp.int32),
        inner,
        jnp.array([TOTAL], dtype=jnp.int32),
    ])
    flat = jax.random.normal(k1, (TOTAL, D), dtype=jnp.float32)
    return {"flat": flat, "cu_seqlens": cu_seqlens}


def reference(flat, cu_seqlens):
    # Equivalent of tf.RaggedTensor.to_tensor(): scatter each ragged row's
    # tokens into a zero-padded dense [B, MAX_SEQLEN, D] tensor.
    total = flat.shape[0]
    tok = jnp.arange(total)
    # segment id of each flat token: index of the ragged row it belongs to
    seg = jnp.searchsorted(cu_seqlens, tok, side='right') - 1
    # position within the row
    pos = tok - cu_seqlens[seg]
    dense = jnp.zeros((B, MAX_SEQLEN, flat.shape[1]), dtype=flat.dtype)
    dense = dense.at[seg, pos].set(flat)
    return dense

if __name__ == "__main__":
    import jax
    _d = setup_inputs()
    print(jax.jit(kernel)(*tuple(_d.values())))

</pallas_src>

<mosaic_0001>
#map = affine_map<(d0, d1) -> (0, 0)>
#map1 = affine_map<(d0, d1) -> (0)>
module attributes {stable_mosaic.version = 14 : i64} {
  func.func @_body(%arg0: i32, %arg1: i32, %arg2: memref<16384x256xf32, #tpu.memory_space<hbm>>, %arg3: memref<17xi32, #tpu.memory_space<hbm>>, %arg4: memref<32768x256xf32, #tpu.memory_space<hbm>>, %arg5: memref<40xi32, #tpu.memory_space<vmem>>, %arg6: memref<128x256xf32, #tpu.memory_space<vmem_shared>>, %arg7: memref<128x256xf32, #tpu.memory_space<vmem>>, %arg8: memref<128x256xf32, #tpu.memory_space<vmem>>, %arg9: memref<128x256xf32, #tpu.memory_space<vmem>>, %arg10: memref<3x128xi32, #tpu.memory_space<vmem>>, %arg11: memref<3x128xi32, #tpu.memory_space<vmem>>, %arg12: memref<!tpu.dma_semaphore, #tpu.memory_space<semaphore_mem>>, %arg13: memref<!tpu.dma_semaphore, #tpu.memory_space<semaphore_mem>>, %arg14: memref<!tpu.dma_semaphore, #tpu.memory_space<semaphore_mem>>, %arg15: memref<!tpu.dma_semaphore, #tpu.memory_space<semaphore_mem>>, %arg16: memref<!tpu.dma_semaphore, #tpu.memory_space<semaphore_mem>>, %arg17: memref<!tpu.dma_semaphore, #tpu.memory_space<semaphore_mem>>, %arg18: memref<!tpu.dma_semaphore, #tpu.memory_space<semaphore_mem>>, %arg19: memref<!tpu.dma_semaphore, #tpu.memory_space<semaphore_mem>>) attributes {dimension_semantics = [#tpu.dimension_semantics<core_parallel>, #tpu.dimension_semantics<subcore_parallel>], iteration_bounds = array<i64: 2, 16>, scalar_prefetch = 0 : i64, scratch_operands = 15 : i64, tpu.core_type = #tpu.core_type<sc_vector_subcore>, window_params = [{transform_indices = #map}, {transform_indices = #map1}, {transform_indices = #map}]} {
    %mul3A = arith.constant 16 : i32
    %mul3A_0 = arith.muli %arg0, %mul3A : i32
    %add3A = arith.addi %mul3A_0, %arg1 : i32
    %jit3A = arith.constant 2 : i32
    %div3A = arith.divsi %add3A, %jit3A : i32
    %sign3A = arith.constant 0 : i32
    %sign3A_1 = arith.cmpi sgt, %add3A, %sign3A : i32
    %sign3A_2 = arith.extui %sign3A_1 : i1 to i32
    %sign3A_3 = arith.constant 0 : i32
    %sign3A_4 = arith.cmpi slt, %add3A, %sign3A_3 : i32
    %sign3A_5 = arith.extui %sign3A_4 : i1 to i32
    %sign3A_6 = arith.subi %sign3A_2, %sign3A_5 : i32
    %sign3A_7 = arith.constant 0 : i32
    %sign3A_8 = arith.cmpi sgt, %jit3A, %sign3A_7 : i32
    %sign3A_9 = arith.extui %sign3A_8 : i1 to i32
    %sign3A_10 = arith.constant 0 : i32
    %sign3A_11 = arith.cmpi slt, %jit3A, %sign3A_10 : i32
    %sign3A_12 = arith.extui %sign3A_11 : i1 to i32
    %sign3A_13 = arith.subi %sign3A_9, %sign3A_12 : i32
    %ne3A = arith.cmpi ne, %sign3A_6, %sign3A_13 : i32
    %rem3A = arith.remsi %add3A, %jit3A : i32
    %ne3A_14 = arith.constant 0 : i32
    %ne3A_15 = arith.cmpi ne, %rem3A, %ne3A_14 : i32
    %and3A = arith.andi %ne3A, %ne3A_15 : i1
    %sub3A = arith.constant 1 : i32
    %sub3A_16 = arith.subi %div3A, %sub3A : i32
    %select_n3A = arith.select %and3A, %sub3A_16, %div3A : i32
    %jit3A_17 = arith.constant 2 : i32
    %eq3A = arith.constant 0 : i32
    %eq3A_18 = arith.cmpi eq, %jit3A_17, %eq3A : i32
    %jit3A_19 = arith.constant 1 : i32
    %select_n3A_20 = arith.select %eq3A_18, %jit3A_19, %jit3A_17 : i32
    %rem3A_21 = arith.remsi %add3A, %select_n3A_20 : i32
    %ne3A_22 = arith.constant 0 : i32
    %ne3A_23 = arith.cmpi ne, %rem3A_21, %ne3A_22 : i32
    %lt3A = arith.constant 0 : i32
    %lt3A_24 = arith.cmpi slt, %rem3A_21, %lt3A : i32
    %lt3A_25 = arith.constant 0 : i32
    %lt3A_26 = arith.cmpi slt, %select_n3A_20, %lt3A_25 : i32
    %ne3A_27 = arith.xori %lt3A_24, %lt3A_26 : i1
    %and3A_28 = arith.andi %ne3A_27, %ne3A_23 : i1
    %add3A_29 = arith.addi %rem3A_21, %select_n3A_20 : i32
    %select_n3A_30 = arith.select %and3A_28, %add3A_29, %rem3A_21 : i32
    %dma_start3A = arith.constant 0 : i32
    %dma_start3A_31 = tpu.memref_slice %arg5[%dma_start3A] : memref<40xi32, #tpu.memory_space<vmem>> -> memref<17xi32, #tpu.memory_space<vmem>>
    %dma_start3A_32 = arith.constant 0 : i32
    %dma_start3A_33 = tpu.memref_slice %arg5[%dma_start3A_32] : memref<40xi32, #tpu.memory_space<vmem>> -> memref<17xi32, #tpu.memory_space<vmem>>
    tpu.enqueue_dma source(%arg3 : memref<17xi32, #tpu.memory_space<hbm>>) target(%dma_start3A_33 : memref<17xi32, #tpu.memory_space<vmem>>) target_semaphore(%arg12 : memref<!tpu.dma_semaphore, #tpu.memory_space<semaphore_mem>>)
    %dma_wait3A = arith.constant 0 : i32
    %dma_wait3A_34 = tpu.memref_slice %arg5[%dma_wait3A] : memref<40xi32, #tpu.memory_space<vmem>> -> memref<17xi32, #tpu.memory_space<vmem>>
    %dma_wait3A_35 = arith.constant 0 : i32
    %dma_wait3A_36 = tpu.memref_slice %arg5[%dma_wait3A_35] : memref<40xi32, #tpu.memory_space<vmem>> -> memref<17xi32, #tpu.memory_space<vmem>>
    tpu.wait_dma2 semaphore(%arg12 : memref<!tpu.dma_semaphore, #tpu.memory_space<semaphore_mem>>) src(%arg3 : memref<17xi32, #tpu.memory_space<hbm>>) dst(%dma_wait3A_36 : memref<17xi32, #tpu.memory_space<vmem>>)
    %get3A = arith.index_cast %select_n3A : i32 to index
    %get3A_37 = tpu.vector_load %arg5[%get3A] {strides = array<i32>} : memref<40xi32, #tpu.memory_space<vmem>>, vector<16xi32>,
    %get3A_38 = vector.shape_cast %get3A_37 : vector<16xi32> to vector<16xi32>
    %slice3A = vector.extract_strided_slice %get3A_38 {offsets = [0], sizes = [1], strides = [1]} : vector<16xi32> to vector<1xi32>
    %squeeze3A = vector.extract %slice3A[0] : i32 from vector<1xi32>
    %add3A_39 = arith.constant 1 : i32
    %add3A_40 = arith.addi %select_n3A, %add3A_39 : i32
    %get3A_41 = arith.index_cast %add3A_40 : i32 to index
    %get3A_42 = tpu.vector_load %arg5[%get3A_41] {strides = array<i32>} : memref<40xi32, #tpu.memory_space<vmem>>, vector<16xi32>,
    %get3A_43 = vector.shape_cast %get3A_42 : vector<16xi32> to vector<16xi32>
    %slice3A_44 = vector.extract_strided_slice %get3A_43 {offsets = [0], sizes = [1], strides = [1]} : vector<16xi32> to vector<1xi32>
    %squeeze3A_45 = vector.extract %slice3A_44[0] : i32 from vector<1xi32>
    %sub3A_46 = arith.subi %squeeze3A_45, %squeeze3A : i32
    %mul3A_47 = arith.constant 1024 : i32
    %mul3A_48 = arith.muli %select_n3A_30, %mul3A_47 : i32
    %sub3A_49 = arith.subi %sub3A_46, %mul3A_48 : i32
    %jit3A_50 = arith.constant 0 : i32
    %jit3A_51 = arith.constant 1024 : i32
    %max3A = arith.maxsi %jit3A_50, %sub3A_49 : i32
    %min3A = arith.minsi %jit3A_51, %max3A : i32
    %mul3A_52 = arith.constant 2048 : i32
    %mul3A_53 = arith.muli %select_n3A, %mul3A_52 : i32
    %mul3A_54 = arith.constant 1024 : i32
    %mul3A_55 = arith.muli %select_n3A_30, %mul3A_54 : i32
    %add3A_56 = arith.addi %mul3A_53, %mul3A_55 : i32
    %jit3A_57 = arith.constant 128 : i32
    %div3A_58 = arith.divsi %min3A, %jit3A_57 : i32
    %sign3A_59 = arith.constant 0 : i32
    %sign3A_60 = arith.cmpi sgt, %min3A, %sign3A_59 : i32
    %sign3A_61 = arith.extui %sign3A_60 : i1 to i32
    %sign3A_62 = arith.constant 0 : i32
    %sign3A_63 = arith.cmpi slt, %min3A, %sign3A_62 : i32
    %sign3A_64 = arith.extui %sign3A_63 : i1 to i32
    %sign3A_65 = arith.subi %sign3A_61, %sign3A_64 : i32
    %sign3A_66 = arith.constant 0 : i32
    %sign3A_67 = arith.cmpi sgt, %jit3A_57, %sign3A_66 : i32
    %sign3A_68 = arith.extui %sign3A_67 : i1 to i32
    %sign3A_69 = arith.constant 0 : i32
    %sign3A_70 = arith.cmpi slt, %jit3A_57, %sign3A_69 : i32
    %sign3A_71 = arith.extui %sign3A_70 : i1 to i32
    %sign3A_72 = arith.subi %sign3A_68, %sign3A_71 : i32
    %ne3A_73 = arith.cmpi ne, %sign3A_65, %sign3A_72 : i32
    %rem3A_74 = arith.remsi %min3A, %jit3A_57 : i32
    %ne3A_75 = arith.constant 0 : i32
    %ne3A_76 = arith.cmpi ne, %rem3A_74, %ne3A_75 : i32
    %and3A_77 = arith.andi %ne3A_73, %ne3A_76 : i1
    %sub3A_78 = arith.constant 1 : i32
    %sub3A_79 = arith.subi %div3A_58, %sub3A_78 : i32
    %select_n3A_80 = arith.select %and3A_77, %sub3A_79, %div3A_58 : i32
    %mul3A_81 = arith.constant 128 : i32
    %mul3A_82 = arith.muli %select_n3A_80, %mul3A_81 : i32
    %sub3A_83 = arith.constant 1024 : i32
    %sub3A_84 = arith.subi %sub3A_83, %mul3A_82 : i32
    %jit3A_85 = arith.constant 128 : i32
    %div3A_86 = arith.divsi %sub3A_84, %jit3A_85 : i32
    %sign3A_87 = arith.constant 0 : i32
    %sign3A_88 = arith.cmpi sgt, %sub3A_84, %sign3A_87 : i32
    %sign3A_89 = arith.extui %sign3A_88 : i1 to i32
    %sign3A_90 = arith.constant 0 : i32
    %sign3A_91 = arith.cmpi slt, %sub3A_84, %sign3A_90 : i32
    %sign3A_92 = arith.extui %sign3A_91 : i1 to i32
    %sign3A_93 = arith.subi %sign3A_89, %sign3A_92 : i32
    %sign3A_94 = arith.constant 0 : i32
    %sign3A_95 = arith.cmpi sgt, %jit3A_85, %sign3A_94 : i32
    %sign3A_96 = arith.extui %sign3A_95 : i1 to i32
    %sign3A_97 = arith.constant 0 : i32
    %sign3A_98 = arith.cmpi slt, %jit3A_85, %sign3A_97 : i32
    %sign3A_99 = arith.extui %sign3A_98 : i1 to i32
    %sign3A_100 = arith.subi %sign3A_96, %sign3A_99 : i32
    %ne3A_101 = arith.cmpi ne, %sign3A_93, %sign3A_100 : i32
    %rem3A_102 = arith.remsi %sub3A_84, %jit3A_85 : i32
    %ne3A_103 = arith.constant 0 : i32
    %ne3A_104 = arith.cmpi ne, %rem3A_102, %ne3A_103 : i32
    %and3A_105 = arith.andi %ne3A_101, %ne3A_104 : i1
    %sub3A_106 = arith.constant 1 : i32
    %sub3A_107 = arith.subi %div3A_86, %sub3A_106 : i32
    %select_n3A_108 = arith.select %and3A_105, %sub3A_107, %div3A_86 : i32
    %add3A_109 = arith.constant 128 : i32
    %add3A_110 = arith.addi %min3A, %add3A_109 : i32
    %sub3A_111 = arith.constant 1 : i32
    %sub3A_112 = arith.subi %add3A_110, %sub3A_111 : i32
    %jit3A_113 = arith.constant 128 : i32
    %div3A_114 = arith.divsi %sub3A_112, %jit3A_113 : i32
    %sign3A_115 = arith.constant 0 : i32
    %sign3A_116 = arith.cmpi sgt, %sub3A_112, %sign3A_115 : i32
    %sign3A_117 = arith.extui %sign3A_116 : i1 to i32
    %sign3A_118 = arith.constant 0 : i32
    %sign3A_119 = arith.cmpi slt, %sub3A_112, %sign3A_118 : i32
    %sign3A_120 = arith.extui %sign3A_119 : i1 to i32
    %sign3A_121 = arith.subi %sign3A_117, %sign3A_120 : i32
    %sign3A_122 = arith.constant 0 : i32
    %sign3A_123 = arith.cmpi sgt, %jit3A_113, %sign3A_122 : i32
    %sign3A_124 = arith.extui %sign3A_123 : i1 to i32
    %sign3A_125 = arith.constant 0 : i32
    %sign3A_126 = arith.cmpi slt, %jit3A_113, %sign3A_125 : i32
    %sign3A_127 = arith.extui %sign3A_126 : i1 to i32
    %sign3A_128 = arith.subi %sign3A_124, %sign3A_127 : i32
    %ne3A_129 = arith.cmpi ne, %sign3A_121, %sign3A_128 : i32
    %rem3A_130 = arith.remsi %sub3A_112, %jit3A_113 : i32
    %ne3A_131 = arith.constant 0 : i32
    %ne3A_132 = arith.cmpi ne, %rem3A_130, %ne3A_131 : i32
    %and3A_133 = arith.andi %ne3A_129, %ne3A_132 : i1
    %sub3A_134 = arith.constant 1 : i32
    %sub3A_135 = arith.subi %div3A_114, %sub3A_134 : i32
    %select_n3A_136 = arith.select %and3A_133, %sub3A_135, %div3A_114 : i32
    %iota3A = tpu.iota {dimensions = array<i32: 0>} : vector<16xi32>
    %gt3A = arith.constant 0 : i32
    %gt3A_137 = arith.cmpi sgt, %select_n3A_136, %gt3A : i32
    %convert_element_type3A = arith.extui %gt3A_137 : i1 to i32
    %cond3A = arith.constant 0 : i32
    %cond3A_138 = arith.cmpi ne, %convert_element_type3A, %cond3A : i32
    scf.if %cond3A_138 {
      %mul3A_291 = arith.constant 1024 : i32
      %mul3A_292 = arith.muli %select_n3A_30, %mul3A_291 : i32
      %add3A_293 = arith.addi %squeeze3A, %mul3A_292 : i32
      %sub3A_294 = arith.constant 128 : i32
      %sub3A_295 = arith.subi %min3A, %sub3A_294 : i32
      %min3A_296 = arith.constant 0 : i32
      %min3A_297 = arith.minsi %min3A_296, %sub3A_295 : i32
      %add3A_298 = arith.addi %add3A_293, %min3A_297 : i32
      %add3A_299 = arith.constant 0 : i32
      %add3A_300 = arith.addi %add3A_298, %add3A_299 : i32
      %add3A_301 = vector.broadcast %add3A_300 : i32 to vector<16xi32>
      %add3A_302 = arith.addi %add3A_301, %iota3A : vector<16xi32>
      %swap3A = arith.constant 0 : i32
      %swap3A_303 = arith.index_cast %swap3A : i32 to index
      %swap3A_304 = arith.constant 0 : index
      %swap3A_305 = tpu.vector_load %arg10[%swap3A_303, %swap3A_304] {strides = array<i32>} : memref<3x128xi32, #tpu.memory_space<vmem>>, vector<1x16xi32>,
      %swap3A_306 = vector.shape_cast %swap3A_305 : vector<1x16xi32> to vector<16xi32>
      %swap3A_307 = vector.shape_cast %add3A_302 : vector<16xi32> to vector<1x16xi32>
      tpu.vector_store %arg10[%swap3A_303, %swap3A_304], %swap3A_307 {strides = array<i32>} : memref<3x128xi32, #tpu.memory_space<vmem>>, vector<1x16xi32>,
      %add3A_308 = arith.constant 16 : i32
      %add3A_309 = arith.addi %add3A_298, %add3A_308 : i32
      %add3A_310 = vector.broadcast %add3A_309 : i32 to vector<16xi32>
      %add3A_311 = arith.addi %add3A_310, %iota3A : vector<16xi32>
      %swap3A_312 = arith.constant 0 : i32
      %swap3A_313 = arith.index_cast %swap3A_312 : i32 to index
      %swap3A_314 = arith.constant 16 : index
      %swap3A_315 = tpu.vector_load %arg10[%swap3A_313, %swap3A_314] {strides = array<i32>} : memref<3x128xi32, #tpu.memory_space<vmem>>, vector<1x16xi32>,
      %swap3A_316 = vector.shape_cast %swap3A_315 : vector<1x16xi32> to vector<16xi32>
      %swap3A_317 = vector.shape_cast %add3A_311 : vector<16xi32> to vector<1x16xi32>
      tpu.vector_store %arg10[%swap3A_313, %swap3A_314], %swap3A_317 {strides = array<i32>} : memref<3x128xi32, #tpu.memory_space<vmem>>, vector<1x16xi32>,
      %add3A_318 = arith.constant 32 : i32
      %add3A_319 = arith.addi %add3A_298, %add3A_318 : i32
      %add3A_320 = vector.broadcast %add3A_319 : i32 to vector<16xi32>
      %add3A_321 = arith.addi %add3A_320, %iota3A : vector<16xi32>
      %swap3A_322 = arith.constant 0 : i32
      %swap3A_323 = arith.index_cast %swap3A_322 : i32 to index
      %swap3A_324 = arith.constant 32 : index
      %swap3A_325 = tpu.vector_load %arg10[%swap3A_323, %swap3A_324] {strides = array<i32>} : memref<3x128xi32, #tpu.memory_space<vmem>>, vector<1x16xi32>,
      %swap3A_326 = vector.shape_cast %swap3A_325 : vector<1x16xi32> to vector<16xi32>
      %swap3A_327 = vector.shape_cast %add3A_321 : vector<16xi32> to vector<1x16xi32>
      tpu.vector_store %arg10[%swap3A_323, %swap3A_324], %swap3A_327 {strides = array<i32>} : memref<3x128xi32, #tpu.memory_space<vmem>>, vector<1x16xi32>,
      %add3A_328 = arith.constant 48 : i32
      %add3A_329 = arith.addi %add3A_298, %add3A_328 : i32
      %add3A_330 = vector.broadcast %add3A_329 : i32 to vector<16xi32>
      %add3A_331 = arith.addi %add3A_330, %iota3A : vector<16xi32>
      %swap3A_332 = arith.constant 0 : i32
      %swap3A_333 = arith.index_cast %swap3A_332 : i32 to index
      %swap3A_334 = arith.constant 48 : index
      %swap3A_335 = tpu.vector_load %arg10[%swap3A_333, %swap3A_334] {strides = array<i32>} : memref<3x128xi32, #tpu.memory_space<vmem>>, vector<1x16xi32>,
      %swap3A_336 = vector.shape_cast %swap3A_335 : vector<1x16xi32> to vector<16xi32>
      %swap3A_337 = vector.shape_cast %add3A_331 : vector<16xi32> to vector<1x16xi32>
      tpu.vector_store %arg10[%swap3A_333, %swap3A_334], %swap3A_337 {strides = array<i32>} : memref<3x128xi32, #tpu.memory_space<vmem>>, vector<1x16xi32>,
      %add3A_338 = arith.constant 64 : i32
      %add3A_339 = arith.addi %add3A_298, %add3A_338 : i32
      %add3A_340 = vector.broadcast %add3A_339 : i32 to vector<16xi32>
      %add3A_341 = arith.addi %add3A_340, %iota3A : vector<16xi32>
      %swap3A_342 = arith.constant 0 : i32
      %swap3A_343 = arith.index_cast %swap3A_342 : i32 to index
      %swap3A_344 = arith.constant 64 : index
      %swap3A_345 = tpu.vector_load %arg10[%swap3A_343, %swap3A_344] {strides = array<i32>} : memref<3x128xi32, #tpu.memory_space<vmem>>, vector<1x16xi32>,
      %swap3A_346 = vector.shape_cast %swap3A_345 : vector<1x16xi32> to vector<16xi32>
      %swap3A_347 = vector.shape_cast %add3A_341 : vector<16xi32> to vector<1x16xi32>
      tpu.vector_store %arg10[%swap3A_343, %swap3A_344], %swap3A_347 {strides = array<i32>} : memref<3x128xi32, #tpu.memory_space<vmem>>, vector<1x16xi32>,
      %add3A_348 = arith.constant 80 : i32
      %add3A_349 = arith.addi %add3A_298, %add3A_348 : i32
      %add3A_350 = vector.broadcast %add3A_349 : i32 to vector<16xi32>
      %add3A_351 = arith.addi %add3A_350, %iota3A : vector<16xi32>
      %swap3A_352 = arith.constant 0 : i32
      %swap3A_353 = arith.index_cast %swap3A_352 : i32 to index
      %swap3A_354 = arith.constant 80 : index
      %swap3A_355 = tpu.vector_load %arg10[%swap3A_353, %swap3A_354] {strides = array<i32>} : memref<3x128xi32, #tpu.memory_space<vmem>>, vector<1x16xi32>,
      %swap3A_356 = vector.shape_cast %swap3A_355 : vector<1x16xi32> to vector<16xi32>
      %swap3A_357 = vector.shape_cast %add3A_351 : vector<16xi32> to vector<1x16xi32>
      tpu.vector_store %arg10[%swap3A_353, %swap3A_354], %swap3A_357 {strides = array<i32>} : memref<3x128xi32, #tpu.memory_space<vmem>>, vector<1x16xi32>,
      %add3A_358 = arith.constant 96 : i32
      %add3A_359 = arith.addi %add3A_298, %add3A_358 : i32
      %add3A_360 = vector.broadcast %add3A_359 : i32 to vector<16xi32>
      %add3A_361 = arith.addi %add3A_360, %iota3A : vector<16xi32>
      %swap3A_362 = arith.constant 0 : i32
      %swap3A_363 = arith.index_cast %swap3A_362 : i32 to index
      %swap3A_364 = arith.constant 96 : index
      %swap3A_365 = tpu.vector_load %arg10[%swap3A_363, %swap3A_364] {strides = array<i32>} : memref<3x128xi32, #tpu.memory_space<vmem>>, vector<1x16xi32>,
      %swap3A_366 = vector.shape_cast %swap3A_365 : vector<1x16xi32> to vector<16xi32>
      %swap3A_367 = vector.shape_cast %add3A_361 : vector<16xi32> to vector<1x16xi32>
      tpu.vector_store %arg10[%swap3A_363, %swap3A_364], %swap3A_367 {strides = array<i32>} : memref<3x128xi32, #tpu.memory_space<vmem>>, vector<1x16xi32>,
      %add3A_368 = arith.constant 112 : i32
      %add3A_369 = arith.addi %add3A_298, %add3A_368 : i32
      %add3A_370 = vector.broadcast %add3A_369 : i32 to vector<16xi32>
      %add3A_371 = arith.addi %add3A_370, %iota3A : vector<16xi32>
      %swap3A_372 = arith.constant 0 : i32
      %swap3A_373 = arith.index_cast %swap3A_372 : i32 to index
      %swap3A_374 = arith.constant 112 : index
      %swap3A_375 = tpu.vector_load %arg10[%swap3A_373, %swap3A_374] {strides = array<i32>} : memref<3x128xi32, #tpu.memory_space<vmem>>, vector<1x16xi32>,
      %swap3A_376 = vector.shape_cast %swap3A_375 : vector<1x16xi32> to vector<16xi32>
      %swap3A_377 = vector.shape_cast %add3A_371 : vector<16xi32> to vector<1x16xi32>
      tpu.vector_store %arg10[%swap3A_373, %swap3A_374], %swap3A_377 {strides = array<i32>} : memref<3x128xi32, #tpu.memory_space<vmem>>, vector<1x16xi32>,
      %dma_start3A_378 = arith.constant 0 : i32
      %dma_start3A_379 = arith.constant 0 : i32
      %dma_start3A_380 = tpu.memref_slice %arg10[%dma_start3A_378, %dma_start3A_379] : memref<3x128xi32, #tpu.memory_space<vmem>> -> memref<1x128xi32, #tpu.memory_space<vmem>>
      %dma_start3A_381 = tpu.memref_squeeze %dma_start3A_380 : memref<1x128xi32, #tpu.memory_space<vmem>> -> memref<128xi32, #tpu.memory_space<vmem>>
      %dma_start3A_382 = arith.constant 0 : i32
      %dma_start3A_383 = arith.constant 0 : i32
      %dma_start3A_384 = tpu.memref_slice %arg2[%dma_start3A_382, %dma_start3A_383] : memref<16384x256xf32, #tpu.memory_space<hbm>> -> memref<16384x256xf32, #tpu.memory_space<hbm>>
      tpu.enqueue_indirect_dma source(%dma_start3A_384 : memref<16384x256xf32, #tpu.memory_space<hbm>>) target(%arg7 : memref<128x256xf32, #tpu.memory_space<vmem>>) offsets(%dma_start3A_381 : memref<128xi32, #tpu.memory_space<vmem>>) semaphore(%arg14 : memref<!tpu.dma_semaphore, #tpu.memory_space<semaphore_mem>>)
    } else {
    }
    %gt3A_139 = arith.constant 1 : i32
    %gt3A_140 = arith.cmpi sgt, %select_n3A_136, %gt3A_139 : i32
    %convert_element_type3A_141 = arith.extui %gt3A_140 : i1 to i32
    %cond3A_142 = arith.constant 0 : i32
    %cond3A_143 = arith.cmpi ne, %convert_element_type3A_141, %cond3A_142 : i32
    scf.if %cond3A_143 {
      %mul3A_291 = arith.constant 1024 : i32
      %mul3A_292 = arith.muli %select_n3A_30, %mul3A_291 : i32
      %add3A_293 = arith.addi %squeeze3A, %mul3A_292 : i32
      %sub3A_294 = arith.constant 128 : i32
      %sub3A_295 = arith.subi %min3A, %sub3A_294 : i32
      %min3A_296 = arith.constant 128 : i32
      %min3A_297 = arith.minsi %min3A_296, %sub3A_295 : i32
      %add3A_298 = arith.addi %add3A_293, %min3A_297 : i32
      %add3A_299 = arith.constant 0 : i32
      %add3A_300 = arith.addi %add3A_298, %add3A_299 : i32
      %add3A_301 = vector.broadcast %add3A_300 : i32 to vector<16xi32>
      %add3A_302 = arith.addi %add3A_301, %iota3A : vector<16xi32>
      %swap3A = arith.constant 1 : i32
      %swap3A_303 = arith.index_cast %swap3A : i32 to index
      %swap3A_304 = arith.constant 0 : index
      %swap3A_305 = tpu.vector_load %arg10[%swap3A_303, %swap3A_304] {strides = array<i32>} : memref<3x128xi32, #tpu.memory_space<vmem>>, vector<1x16xi32>,
      %swap3A_306 = vector.shape_cast %swap3A_305 : vector<1x16xi32> to vector<16xi32>
      %swap3A_307 = vector.shape_cast %add3A_302 : vector<16xi32> to vector<1x16xi32>
      tpu.vector_store %arg10[%swap3A_303, %swap3A_304], %swap3A_307 {strides = array<i32>} : memref<3x128xi32, #tpu.memory_space<vmem>>, vector<1x16xi32>,
      %add3A_308 = arith.constant 16 : i32
      %add3A_309 = arith.addi %add3A_298, %add3A_308 : i32
      %add3A_310 = vector.broadcast %add3A_309 : i32 to vector<16xi32>
      %add3A_311 = arith.addi %add3A_310, %iota3A : vector<16xi32>
      %swap3A_312 = arith.constant 1 : i32
      %swap3A_313 = arith.index_cast %swap3A_312 : i32 to index
      %swap3A_314 = arith.constant 16 : index
      %swap3A_315 = tpu.vector_load %arg10[%swap3A_313, %swap3A_314] {strides = array<i32>} : memref<3x128xi32, #tpu.memory_space<vmem>>, vector<1x16xi32>,
      %swap3A_316 = vector.shape_cast %swap3A_315 : vector<1x16xi32> to vector<16xi32>
      %swap3A_317 = vector.shape_cast %add3A_311 : vector<16xi32> to vector<1x16xi32>
      tpu.vector_store %arg10[%swap3A_313, %swap3A_314], %swap3A_317 {strides = array<i32>} : memref<3x128xi32, #tpu.memory_space<vmem>>, vector<1x16xi32>,
      %add3A_318 = arith.constant 32 : i32
      %add3A_319 = arith.addi %add3A_298, %add3A_318 : i32
      %add3A_320 = vector.broadcast %add3A_319 : i32 to vector<16xi32>
      %add3A_321 = arith.addi %add3A_320, %iota3A : vector<16xi32>
      %swap3A_322 = arith.constant 1 : i32
      %swap3A_323 = arith.index_cast %swap3A_322 : i32 to index
      %swap3A_324 = arith.constant 32 : index
      %swap3A_325 = tpu.vector_load %arg10[%swap3A_323, %swap3A_324] {strides = array<i32>} : memref<3x128xi32, #tpu.memory_space<vmem>>, vector<1x16xi32>,
      %swap3A_326 = vector.shape_cast %swap3A_325 : vector<1x16xi32> to vector<16xi32>
      %swap3A_327 = vector.shape_cast %add3A_321 : vector<16xi32> to vector<1x16xi32>
      tpu.vector_store %arg10[%swap3A_323, %swap3A_324], %swap3A_327 {strides = array<i32>} : memref<3x128xi32, #tpu.memory_space<vmem>>, vector<1x16xi32>,
      %add3A_328 = arith.constant 48 : i32
      %add3A_329 = arith.addi %add3A_298, %add3A_328 : i32
      %add3A_330 = vector.broadcast %add3A_329 : i32 to vector<16xi32>
      %add3A_331 = arith.addi %add3A_330, %iota3A : vector<16xi32>
      %swap3A_332 = arith.constant 1 : i32
      %swap3A_333 = arith.index_cast %swap3A_332 : i32 to index
      %swap3A_334 = arith.constant 48 : index
      %swap3A_335 = tpu.vector_load %arg10[%swap3A_333, %swap3A_334] {strides = array<i32>} : memref<3x128xi32, #tpu.memory_space<vmem>>, vector<1x16xi32>,
      %swap3A_336 = vector.shape_cast %swap3A_335 : vector<1x16xi32> to vector<16xi32>
      %swap3A_337 = vector.shape_cast %add3A_331 : vector<16xi32> to vector<1x16xi32>
      tpu.vector_store %arg10[%swap3A_333, %swap3A_334], %swap3A_337 {strides = array<i32>} : memref<3x128xi32, #tpu.memory_space<vmem>>, vector<1x16xi32>,
      %add3A_338 = arith.constant 64 : i32
      %add3A_339 = arith.addi %add3A_298, %add3A_338 : i32
      %add3A_340 = vector.broadcast %add3A_339 : i32 to vector<16xi32>
      %add3A_341 = arith.addi %add3A_340, %iota3A : vector<16xi32>
      %swap3A_342 = arith.constant 1 : i32
      %swap3A_343 = arith.index_cast %swap3A_342 : i32 to index
      %swap3A_344 = arith.constant 64 : index
      %swap3A_345 = tpu.vector_load %arg10[%swap3A_343, %swap3A_344] {strides = array<i32>} : memref<3x128xi32, #tpu.memory_space<vmem>>, vector<1x16xi32>,
      %swap3A_346 = vector.shape_cast %swap3A_345 : vector<1x16xi32> to vector<16xi32>
      %swap3A_347 = vector.shape_cast %add3A_341 : vector<16xi32> to vector<1x16xi32>
      tpu.vector_store %arg10[%swap3A_343, %swap3A_344], %swap3A_347 {strides = array<i32>} : memref<3x128xi32, #tpu.memory_space<vmem>>, vector<1x16xi32>,
      %add3A_348 = arith.constant 80 : i32
      %add3A_349 = arith.addi %add3A_298, %add3A_348 : i32
      %add3A_350 = vector.broadcast %add3A_349 : i32 to vector<16xi32>
      %add3A_351 = arith.addi %add3A_350, %iota3A : vector<16xi32>
      %swap3A_352 = arith.constant 1 : i32
      %swap3A_353 = arith.index_cast %swap3A_352 : i32 to index
      %swap3A_354 = arith.constant 80 : index
      %swap3A_355 = tpu.vector_load %arg10[%swap3A_353, %swap3A_354] {strides = array<i32>} : memref<3x128xi32, #tpu.memory_space<vmem>>, vector<1x16xi32>,
      %swap3A_356 = vector.shape_cast %swap3A_355 : vector<1x16xi32> to vector<16xi32>
      %swap3A_357 = vector.shape_cast %add3A_351 : vector<16xi32> to vector<1x16xi32>
      tpu.vector_store %arg10[%swap3A_353, %swap3A_354], %swap3A_357 {strides = array<i32>} : memref<3x128xi32, #tpu.memory_space<vmem>>, vector<1x16xi32>,
      %add3A_358 = arith.constant 96 : i32
      %add3A_359 = arith.addi %add3A_298, %add3A_358 : i32
      %add3A_360 = vector.broadcast %add3A_359 : i32 to vector<16xi32>
      %add3A_361 = arith.addi %add3A_360, %iota3A : vector<16xi32>
      %swap3A_362 = arith.constant 1 : i32
      %swap3A_363 = arith.index_cast %swap3A_362 : i32 to index
      %swap3A_364 = arith.constant 96 : index
      %swap3A_365 = tpu.vector_load %arg10[%swap3A_363, %swap3A_364] {strides = array<i32>} : memref<3x128xi32, #tpu.memory_space<vmem>>, vector<1x16xi32>,
      %swap3A_366 = vector.shape_cast %swap3A_365 : vector<1x16xi32> to vector<16xi32>
      %swap3A_367 = vector.shape_cast %add3A_361 : vector<16xi32> to vector<1x16xi32>
      tpu.vector_store %arg10[%swap3A_363, %swap3A_364], %swap3A_367 {strides = array<i32>} : memref<3x128xi32, #tpu.memory_space<vmem>>, vector<1x16xi32>,
      %add3A_368 = arith.constant 112 : i32
      %add3A_369 = arith.addi %add3A_298, %add3A_368 : i32
      %add3A_370 = vector.broadcast %add3A_369 : i32 to vector<16xi32>
      %add3A_371 = arith.addi %add3A_370, %iota3A : vector<16xi32>
      %swap3A_372 = arith.constant 1 : i32
      %swap3A_373 = arith.index_cast %swap3A_372 : i32 to index
      %swap3A_374 = arith.constant 112 : index
      %swap3A_375 = tpu.vector_load %arg10[%swap3A_373, %swap3A_374] {strides = array<i32>} : memref<3x128xi32, #tpu.memory_space<vmem>>, vector<1x16xi32>,
      %swap3A_376 = vector.shape_cast %swap3A_375 : vector<1x16xi32> to vector<16xi32>
      %swap3A_377 = vector.shape_cast %add3A_371 : vector<16xi32> to vector<1x16xi32>
      tpu.vector_store %arg10[%swap3A_373, %swap3A_374], %swap3A_377 {strides = array<i32>} : memref<3x128xi32, #tpu.memory_space<vmem>>, vector<1x16xi32>,
      %dma_start3A_378 = arith.constant 1 : i32
      %dma_start3A_379 = arith.constant 0 : i32
      %dma_start3A_380 = tpu.memref_slice %arg10[%dma_start3A_378, %dma_start3A_379] : memref<3x128xi32, #tpu.memory_space<vmem>> -> memref<1x128xi32, #tpu.memory_space<vmem>>
      %dma_start3A_381 = tpu.memref_squeeze %dma_start3A_380 : memref<1x128xi32, #tpu.memory_space<vmem>> -> memref<128xi32, #tpu.memory_space<vmem>>
      %dma_start3A_382 = arith.constant 0 : i32
      %dma_start3A_383 = arith.constant 0 : i32
      %dma_start3A_384 = tpu.memref_slice %arg2[%dma_start3A_382, %dma_start3A_383] : memref<16384x256xf32, #tpu.memory_space<hbm>> -> memref<16384x256xf32, #tpu.memory_space<hbm>>
      tpu.enqueue_indirect_dma source(%dma_start3A_384 : memref<16384x256xf32, #tpu.memory_space<hbm>>) target(%arg8 : memref<128x256xf32, #tpu.memory_space<vmem>>) offsets(%dma_start3A_381 : memref<128xi32, #tpu.memory_space<vmem>>) semaphore(%arg15 : memref<!tpu.dma_semaphore, #tpu.memory_space<semaphore_mem>>)
    } else {
    }
    %scan3A = arith.constant 0 : i32
    %scan3A_144 = arith.constant 0 : i32
    %scan3A_145 = arith.constant 128 : i32
    %scan3A_146 = arith.addi %scan3A_144, %scan3A_145 : i32
    %scan3A_147 = arith.constant 8 : i32
    %scan3A_148 = scf.for %scan3A_291 = %scan3A_144 to %scan3A_146 step %scan3A_147 iter_args(%scan3A_292 = %scan3A) -> (i32)  : i32 {
      %broadcast_in_dim3A = arith.constant 0.000000e+00 : f32
      %broadcast_in_dim3A_293 = vector.broadcast %broadcast_in_dim3A : f32 to vector<16xf32>
      %jit3A_294 = arith.constant 16 : i32
      %div3A_295 = arith.divsi %scan3A_291, %jit3A_294 : i32
      %sign3A_296 = arith.constant 0 : i32
      %sign3A_297 = arith.cmpi sgt, %scan3A_291, %sign3A_296 : i32
      %sign3A_298 = arith.extui %sign3A_297 : i1 to i32
      %sign3A_299 = arith.constant 0 : i32
      %sign3A_300 = arith.cmpi slt, %scan3A_291, %sign3A_299 : i32
      %sign3A_301 = arith.extui %sign3A_300 : i1 to i32
      %sign3A_302 = arith.subi %sign3A_298, %sign3A_301 : i32
      %sign3A_303 = arith.constant 0 : i32
      %sign3A_304 = arith.cmpi sgt, %jit3A_294, %sign3A_303 : i32
      %sign3A_305 = arith.extui %sign3A_304 : i1 to i32
      %sign3A_306 = arith.constant 0 : i32
      %sign3A_307 = arith.cmpi slt, %jit3A_294, %sign3A_306 : i32
      %sign3A_308 = arith.extui %sign3A_307 : i1 to i32
      %sign3A_309 = arith.subi %sign3A_305, %sign3A_308 : i32
      %ne3A_310 = arith.cmpi ne, %sign3A_302, %sign3A_309 : i32
      %rem3A_311 = arith.remsi %scan3A_291, %jit3A_294 : i32
      %ne3A_312 = arith.constant 0 : i32
      %ne3A_313 = arith.cmpi ne, %rem3A_311, %ne3A_312 : i32
      %and3A_314 = arith.andi %ne3A_310, %ne3A_313 : i1
      %sub3A_315 = arith.constant 1 : i32
      %sub3A_316 = arith.subi %div3A_295, %sub3A_315 : i32
      %select_n3A_317 = arith.select %and3A_314, %sub3A_316, %div3A_295 : i32
      %jit3A_318 = arith.constant 16 : i32
      %eq3A_319 = arith.constant 0 : i32
      %eq3A_320 = arith.cmpi eq, %jit3A_318, %eq3A_319 : i32
      %jit3A_321 = arith.constant 1 : i32
      %select_n3A_322 = arith.select %eq3A_320, %jit3A_321, %jit3A_318 : i32
      %rem3A_323 = arith.remsi %scan3A_291, %select_n3A_322 : i32
      %ne3A_324 = arith.constant 0 : i32
      %ne3A_325 = arith.cmpi ne, %rem3A_323, %ne3A_324 : i32
      %lt3A_326 = arith.constant 0 : i32
      %lt3A_327 = arith.cmpi slt, %rem3A_323, %lt3A_326 : i32
      %lt3A_328 = arith.constant 0 : i32
      %lt3A_329 = arith.cmpi slt, %select_n3A_322, %lt3A_328 : i32
      %ne3A_330 = arith.xori %lt3A_327, %lt3A_329 : i1
      %and3A_331 = arith.andi %ne3A_330, %ne3A_325 : i1
      %add3A_332 = arith.addi %rem3A_323, %select_n3A_322 : i32
      %select_n3A_333 = arith.select %and3A_331, %add3A_332, %rem3A_323 : i32
      %mul3A_334 = arith.constant 16 : i32
      %mul3A_335 = arith.muli %select_n3A_333, %mul3A_334 : i32
      %swap3A = arith.index_cast %select_n3A_317 : i32 to index
      %swap3A_336 = arith.index_cast %mul3A_335 : i32 to index
      %swap3A_337 = tpu.vector_load %arg9[%swap3A, %swap3A_336] {strides = array<i32>} : memref<128x256xf32, #tpu.memory_space<vmem>>, vector<1x16xf32>,
      %swap3A_338 = vector.shape_cast %swap3A_337 : vector<1x16xf32> to vector<16xf32>
      %swap3A_339 = vector.shape_cast %broadcast_in_dim3A_293 : vector<16xf32> to vector<1x16xf32>
      tpu.vector_store %arg9[%swap3A, %swap3A_336], %swap3A_339 {strides = array<i32>} : memref<128x256xf32, #tpu.memory_space<vmem>>, vector<1x16xf32>,
      %scan3A_340 = arith.constant 0 : i32
      %scan3A_341 = arith.constant 1 : i32
      %scan3A_342 = arith.addi %scan3A_291, %scan3A_341 : i32
      %broadcast_in_dim3A_343 = arith.constant 0.000000e+00 : f32
      %broadcast_in_dim3A_344 = vector.broadcast %broadcast_in_dim3A_343 : f32 to vector<16xf32>
      %jit3A_345 = arith.constant 16 : i32
      %div3A_346 = arith.divsi %scan3A_342, %jit3A_345 : i32
      %sign3A_347 = arith.constant 0 : i32
      %sign3A_348 = arith.cmpi sgt, %scan3A_342, %sign3A_347 : i32
      %sign3A_349 = arith.extui %sign3A_348 : i1 to i32
      %sign3A_350 = arith.constant 0 : i32
      %sign3A_351 = arith.cmpi slt, %scan3A_342, %sign3A_350 : i32
      %sign3A_352 = arith.extui %sign3A_351 : i1 to i32
      %sign3A_353 = arith.subi %sign3A_349, %sign3A_352 : i32
      %sign3A_354 = arith.constant 0 : i32
      %sign3A_355 = arith.cmpi sgt, %jit3A_345, %sign3A_354 : i32
      %sign3A_356 = arith.extui %sign3A_355 : i1 to i32
      %sign3A_357 = arith.constant 0 : i32
      %sign3A_358 = arith.cmpi slt, %jit3A_345, %sign3A_357 : i32
      %sign3A_359 = arith.extui %sign3A_358 : i1 to i32
      %sign3A_360 = arith.subi %sign3A_356, %sign3A_359 : i32
      %ne3A_361 = arith.cmpi ne, %sign3A_353, %sign3A_360 : i32
      %rem3A_362 = arith.remsi %scan3A_342, %jit3A_345 : i32
      %ne3A_363 = arith.constant 0 : i32
      %ne3A_364 = arith.cmpi ne, %rem3A_362, %ne3A_363 : i32
      %and3A_365 = arith.andi %ne3A_361, %ne3A_364 : i1
      %sub3A_366 = arith.constant 1 : i32
      %sub3A_367 = arith.subi %div3A_346, %sub3A_366 : i32
      %select_n3A_368 = arith.select %and3A_365, %sub3A_367, %div3A_346 : i32
      %jit3A_369 = arith.constant 16 : i32
      %eq3A_370 = arith.constant 0 : i32
      %eq3A_371 = arith.cmpi eq, %jit3A_369, %eq3A_370 : i32
      %jit3A_372 = arith.constant 1 : i32
      %select_n3A_373 = arith.select %eq3A_371, %jit3A_372, %jit3A_369 : i32
      %rem3A_374 = arith.remsi %scan3A_342, %select_n3A_373 : i32
      %ne3A_375 = arith.constant 0 : i32
      %ne3A_376 = arith.cmpi ne, %rem3A_374, %ne3A_375 : i32
      %lt3A_377 = arith.constant 0 : i32
      %lt3A_378 = arith.cmpi slt, %rem3A_374, %lt3A_377 : i32
      %lt3A_379 = arith.constant 0 : i32
      %lt3A_380 = arith.cmpi slt, %select_n3A_373, %lt3A_379 : i32
      %ne3A_381 = arith.xori %lt3A_378, %lt3A_380 : i1
      %and3A_382 = arith.andi %ne3A_381, %ne3A_376 : i1
      %add3A_383 = arith.addi %rem3A_374, %select_n3A_373 : i32
      %select_n3A_384 = arith.select %and3A_382, %add3A_383, %rem3A_374 : i32
      %mul3A_385 = arith.constant 16 : i32
      %mul3A_386 = arith.muli %select_n3A_384, %mul3A_385 : i32
      %swap3A_387 = arith.index_cast %select_n3A_368 : i32 to index
      %swap3A_388 = arith.index_cast %mul3A_386 : i32 to index
      %swap3A_389 = tpu.vector_load %arg9[%swap3A_387, %swap3A_388] {strides = array<i32>} : memref<128x256xf32, #tpu.memory_space<vmem>>, vector<1x16xf32>,
      %swap3A_390 = vector.shape_cast %swap3A_389 : vector<1x16xf32> to vector<16xf32>
      %swap3A_391 = vector.shape_cast %broadcast_in_dim3A_344 : vector<16xf32> to vector<1x16xf32>
      tpu.vector_store %arg9[%swap3A_387, %swap3A_388], %swap3A_391 {strides = array<i32>} : memref<128x256xf32, #tpu.memory_space<vmem>>, vector<1x16xf32>,
      %scan3A_392 = arith.constant 0 : i32
      %scan3A_393 = arith.constant 2 : i32
      %scan3A_394 = arith.addi %scan3A_291, %scan3A_393 : i32
      %broadcast_in_dim3A_395 = arith.constant 0.000000e+00 : f32
      %broadcast_in_dim3A_396 = vector.broadcast %broadcast_in_dim3A_395 : f32 to vector<16xf32>
      %jit3A_397 = arith.constant 16 : i32
      %div3A_398 = arith.divsi %scan3A_394, %jit3A_397 : i32
      %sign3A_399 = arith.constant 0 : i32
      %sign3A_400 = arith.cmpi sgt, %scan3A_394, %sign3A_399 : i32
      %sign3A_401 = arith.extui %sign3A_400 : i1 to i32
      %sign3A_402 = arith.constant 0 : i32
      %sign3A_403 = arith.cmpi slt, %scan3A_394, %sign3A_402 : i32
      %sign3A_404 = arith.extui %sign3A_403 : i1 to i32
      %sign3A_405 = arith.subi %sign3A_401, %sign3A_404 : i32
      %sign3A_406 = arith.constant 0 : i32
      %sign3A_407 = arith.cmpi sgt, %jit3A_397, %sign3A_406 : i32
      %sign3A_408 = arith.extui %sign3A_407 : i1 to i32
      %sign3A_409 = arith.constant 0 : i32
      %sign3A_410 = arith.cmpi slt, %jit3A_397, %sign3A_409 : i32
      %sign3A_411 = arith.extui %sign3A_410 : i1 to i32
      %sign3A_412 = arith.subi %sign3A_408, %sign3A_411 : i32
      %ne3A_413 = arith.cmpi ne, %sign3A_405, %sign3A_412 : i32
      %rem3A_414 = arith.remsi %scan3A_394, %jit3A_397 : i32
      %ne3A_415 = arith.constant 0 : i32
      %ne3A_416 = arith.cmpi ne, %rem3A_414, %ne3A_415 : i32
      %and3A_417 = arith.andi %ne3A_413, %ne3A_416 : i1
      %sub3A_418 = arith.constant 1 : i32
      %sub3A_419 = arith.subi %div3A_398, %sub3A_418 : i32
      %select_n3A_420 = arith.select %and3A_417, %sub3A_419, %div3A_398 : i32
      %jit3A_421 = arith.constant 16 : i32
      %eq3A_422 = arith.constant 0 : i32
      %eq3A_423 = arith.cmpi eq, %jit3A_421, %eq3A_422 : i32
      %jit3A_424 = arith.constant 1 : i32
      %select_n3A_425 = arith.select %eq3A_423, %jit3A_424, %jit3A_421 : i32
      %rem3A_426 = arith.remsi %scan3A_394, %select_n3A_425 : i32
      %ne3A_427 = arith.constant 0 : i32
      %ne3A_428 = arith.cmpi ne, %rem3A_426, %ne3A_427 : i32
      %lt3A_429 = arith.constant 0 : i32
      %lt3A_430 = arith.cmpi slt, %rem3A_426, %lt3A_429 : i32
      %lt3A_431 = arith.constant 0 : i32
      %lt3A_432 = arith.cmpi slt, %select_n3A_425, %lt3A_431 : i32
      %ne3A_433 = arith.xori %lt3A_430, %lt3A_432 : i1
      %and3A_434 = arith.andi %ne3A_433, %ne3A_428 : i1
      %add3A_435 = arith.addi %rem3A_426, %select_n3A_425 : i32
      %select_n3A_436 = arith.select %and3A_434, %add3A_435, %rem3A_426 : i32
      %mul3A_437 = arith.constant 16 : i32
      %mul3A_438 = arith.muli %select_n3A_436, %mul3A_437 : i32
      %swap3A_439 = arith.index_cast %select_n3A_420 : i32 to index
      %swap3A_440 = arith.index_cast %mul3A_438 : i32 to index
      %swap3A_441 = tpu.vector_load %arg9[%swap3A_439, %swap3A_440] {strides = array<i32>} : memref<128x256xf32, #tpu.memory_space<vmem>>, vector<1x16xf32>,
      %swap3A_442 = vector.shape_cast %swap3A_441 : vector<1x16xf32> to vector<16xf32>
      %swap3A_443 = vector.shape_cast %broadcast_in_dim3A_396 : vector<16xf32> to vector<1x16xf32>
      tpu.vector_store %arg9[%swap3A_439, %swap3A_440], %swap3A_443 {strides = array<i32>} : memref<128x256xf32, #tpu.memory_space<vmem>>, vector<1x16xf32>,
      %scan3A_444 = arith.constant 0 : i32
      %scan3A_445 = arith.constant 3 : i32
      %scan3A_446 = arith.addi %scan3A_291, %scan3A_445 : i32
      %broadcast_in_dim3A_447 = arith.constant 0.000000e+00 : f32
      %broadcast_in_dim3A_448 = vector.broadcast %broadcast_in_dim3A_447 : f32 to vector<16xf32>
      %jit3A_449 = arith.constant 16 : i32
      %div3A_450 = arith.divsi %scan3A_446, %jit3A_449 : i32
      %sign3A_451 = arith.constant 0 : i32
      %sign3A_452 = arith.cmpi sgt, %scan3A_446, %sign3A_451 : i32
      %sign3A_453 = arith.extui %sign3A_452 : i1 to i32
      %sign3A_454 = arith.constant 0 : i32
      %sign3A_455 = arith.cmpi slt, %scan3A_446, %sign3A_454 : i32
      %sign3A_456 = arith.extui %sign3A_455 : i1 to i32
      %sign3A_457 = arith.subi %sign3A_453, %sign3A_456 : i32
      %sign3A_458 = arith.constant 0 : i32
      %sign3A_459 = arith.cmpi sgt, %jit3A_449, %sign3A_458 : i32
      %sign3A_460 = arith.extui %sign3A_459 : i1 to i32
      %sign3A_461 = arith.constant 0 : i32
      %sign3A_462 = arith.cmpi slt, %jit3A_449, %sign3A_461 : i32
      %sign3A_463 = arith.extui %sign3A_462 : i1 to i32
      %sign3A_464 = arith.subi %sign3A_460, %sign3A_463 : i32
      %ne3A_465 = arith.cmpi ne, %sign3A_457, %sign3A_464 : i32
      %rem3A_466 = arith.remsi %scan3A_446, %jit3A_449 : i32
      %ne3A_467 = arith.constant 0 : i32
      %ne3A_468 = arith.cmpi ne, %rem3A_466, %ne3A_467 : i32
      %and3A_469 = arith.andi %ne3A_465, %ne3A_468 : i1
      %sub3A_470 = arith.constant 1 : i32
      %sub3A_471 = arith.subi %div3A_450, %sub3A_470 : i32
      %select_n3A_472 = arith.select %and3A_469, %sub3A_471, %div3A_450 : i32
      %jit3A_473 = arith.constant 16 : i32
      %eq3A_474 = arith.constant 0 : i32
      %eq3A_475 = arith.cmpi eq, %jit3A_473, %eq3A_474 : i32
      %jit3A_476 = arith.constant 1 : i32
      %select_n3A_477 = arith.select %eq3A_475, %jit3A_476, %jit3A_473 : i32
      %rem3A_478 = arith.remsi %scan3A_446, %select_n3A_477 : i32
      %ne3A_479 = arith.constant 0 : i32
      %ne3A_480 = arith.cmpi ne, %rem3A_478, %ne3A_479 : i32
      %lt3A_481 = arith.constant 0 : i32
      %lt3A_482 = arith.cmpi slt, %rem3A_478, %lt3A_481 : i32
      %lt3A_483 = arith.constant 0 : i32
      %lt3A_484 = arith.cmpi slt, %select_n3A_477, %lt3A_483 : i32
      %ne3A_485 = arith.xori %lt3A_482, %lt3A_484 : i1
      %and3A_486 = arith.andi %ne3A_485, %ne3A_480 : i1
      %add3A_487 = arith.addi %rem3A_478, %select_n3A_477 : i32
      %select_n3A_488 = arith.select %and3A_486, %add3A_487, %rem3A_478 : i32
      %mul3A_489 = arith.constant 16 : i32
      %mul3A_490 = arith.muli %select_n3A_488, %mul3A_489 : i32
      %swap3A_491 = arith.index_cast %select_n3A_472 : i32 to index
      %swap3A_492 = arith.index_cast %mul3A_490 : i32 to index
      %swap3A_493 = tpu.vector_load %arg9[%swap3A_491, %swap3A_492] {strides = array<i32>} : memref<128x256xf32, #tpu.memory_space<vmem>>, vector<1x16xf32>,
      %swap3A_494 = vector.shape_cast %swap3A_493 : vector<1x16xf32> to vector<16xf32>
      %swap3A_495 = vector.shape_cast %broadcast_in_dim3A_448 : vector<16xf32> to vector<1x16xf32>
      tpu.vector_store %arg9[%swap3A_491, %swap3A_492], %swap3A_495 {strides = array<i32>} : memref<128x256xf32, #tpu.memory_space<vmem>>, vector<1x16xf32>,
      %scan3A_496 = arith.constant 0 : i32
      %scan3A_497 = arith.constant 4 : i32
      %scan3A_498 = arith.addi %scan3A_291, %scan3A_497 : i32
      %broadcast_in_dim3A_499 = arith.constant 0.000000e+00 : f32
      %broadcast_in_dim3A_500 = vector.broadcast %broadcast_in_dim3A_499 : f32 to vector<16xf32>
      %jit3A_501 = arith.constant 16 : i32
      %div3A_502 = arith.divsi %scan3A_498, %jit3A_501 : i32
      %sign3A_503 = arith.constant 0 : i32
      %sign3A_504 = arith.cmpi sgt, %scan3A_498, %sign3A_503 : i32
      %sign3A_505 = arith.extui %sign3A_504 : i1 to i32
      %sign3A_506 = arith.constant 0 : i32
      %sign3A_507 = arith.cmpi slt, %scan3A_498, %sign3A_506 : i32
      %sign3A_508 = arith.extui %sign3A_507 : i1 to i32
      %sign3A_509 = arith.subi %sign3A_505, %sign3A_508 : i32
      %sign3A_510 = arith.constant 0 : i32
      %sign3A_511 = arith.cmpi sgt, %jit3A_501, %sign3A_510 : i32
      %sign3A_512 = arith.extui %sign3A_511 : i1 to i32
      %sign3A_513 = arith.constant 0 : i32
      %sign3A_514 = arith.cmpi slt, %jit3A_501, %sign3A_513 : i32
      %sign3A_515 = arith.extui %sign3A_514 : i1 to i32
      %sign3A_516 = arith.subi %sign3A_512, %sign3A_515 : i32
      %ne3A_517 = arith.cmpi ne, %sign3A_509, %sign3A_516 : i32
      %rem3A_518 = arith.remsi %scan3A_498, %jit3A_501 : i32
      %ne3A_519 = arith.constant 0 : i32
      %ne3A_520 = arith.cmpi ne, %rem3A_518, %ne3A_519 : i32
      %and3A_521 = arith.andi %ne3A_517, %ne3A_520 : i1
      %sub3A_522 = arith.constant 1 : i32
      %sub3A_523 = arith.subi %div3A_502, %sub3A_522 : i32
      %select_n3A_524 = arith.select %and3A_521, %sub3A_523, %div3A_502 : i32
      %jit3A_525 = arith.constant 16 : i32
      %eq3A_526 = arith.constant 0 : i32
      %eq3A_527 = arith.cmpi eq, %jit3A_525, %eq3A_526 : i32
      %jit3A_528 = arith.constant 1 : i32
      %select_n3A_529 = arith.select %eq3A_527, %jit3A_528, %jit3A_525 : i32
      %rem3A_530 = arith.remsi %scan3A_498, %select_n3A_529 : i32
      %ne3A_531 = arith.constant 0 : i32
      %ne3A_532 = arith.cmpi ne, %rem3A_530, %ne3A_531 : i32
      %lt3A_533 = arith.constant 0 : i32
      %lt3A_534 = arith.cmpi slt, %rem3A_530, %lt3A_533 : i32
      %lt3A_535 = arith.constant 0 : i32
      %lt3A_536 = arith.cmpi slt, %select_n3A_529, %lt3A_535 : i32
      %ne3A_537 = arith.xori %lt3A_534, %lt3A_536 : i1
      %and3A_538 = arith.andi %ne3A_537, %ne3A_532 : i1
      %add3A_539 = arith.addi %rem3A_530, %select_n3A_529 : i32
      %select_n3A_540 = arith.select %and3A_538, %add3A_539, %rem3A_530 : i32
      %mul3A_541 = arith.constant 16 : i32
      %mul3A_542 = arith.muli %select_n3A_540, %mul3A_541 : i32
      %swap3A_543 = arith.index_cast %select_n3A_524 : i32 to index
      %swap3A_544 = arith.index_cast %mul3A_542 : i32 to index
      %swap3A_545 = tpu.vector_load %arg9[%swap3A_543, %swap3A_544] {strides = array<i32>} : memref<128x256xf32, #tpu.memory_space<vmem>>, vector<1x16xf32>,
      %swap3A_546 = vector.shape_cast %swap3A_545 : vector<1x16xf32> to vector<16xf32>
      %swap3A_547 = vector.shape_cast %broadcast_in_dim3A_500 : vector<16xf32> to vector<1x16xf32>
      tpu.vector_store %arg9[%swap3A_543, %swap3A_544], %swap3A_547 {strides = array<i32>} : memref<128x256xf32, #tpu.memory_space<vmem>>, vector<1x16xf32>,
      %scan3A_548 = arith.constant 0 : i32
      %scan3A_549 = arith.constant 5 : i32
      %scan3A_550 = arith.addi %scan3A_291, %scan3A_549 : i32
      %broadcast_in_dim3A_551 = arith.constant 0.000000e+00 : f32
      %broadcast_in_dim3A_552 = vector.broadcast %broadcast_in_dim3A_551 : f32 to vector<16xf32>
      %jit3A_553 = arith.constant 16 : i32
      %div3A_554 = arith.divsi %scan3A_550, %jit3A_553 : i32
      %sign3A_555 = arith.constant 0 : i32
      %sign3A_556 = arith.cmpi sgt, %scan3A_550, %sign3A_555 : i32
      %sign3A_557 = arith.extui %sign3A_556 : i1 to i32
      %sign3A_558 = arith.constant 0 : i32
      %sign3A_559 = arith.cmpi slt, %scan3A_550, %sign3A_558 : i32
      %sign3A_560 = arith.extui %sign3A_559 : i1 to i32
      %sign3A_561 = arith.subi %sign3A_557, %sign3A_560 : i32
      %sign3A_562 = arith.constant 0 : i32
      %sign3A_563 = arith.cmpi sgt, %jit3A_553, %sign3A_562 : i32
      %sign3A_564 = arith.extui %sign3A_563 : i1 to i32
      %sign3A_565 = arith.constant 0 : i32
      %sign3A_566 = arith.cmpi slt, %jit3A_553, %sign3A_565 : i32
      %sign3A_567 = arith.extui %sign3A_566 : i1 to i32
      %sign3A_568 = arith.subi %sign3A_564, %sign3A_567 : i32
      %ne3A_569 = arith.cmpi ne, %sign3A_561, %sign3A_568 : i32
      %rem3A_570 = arith.remsi %scan3A_550, %jit3A_553 : i32
      %ne3A_571 = arith.constant 0 : i32
      %ne3A_572 = arith.cmpi ne, %rem3A_570, %ne3A_571 : i32
      %and3A_573 = arith.andi %ne3A_569, %ne3A_572 : i1
      %sub3A_574 = arith.constant 1 : i32
      %sub3A_575 = arith.subi %div3A_554, %sub3A_574 : i32
      %select_n3A_576 = arith.select %and3A_573, %sub3A_575, %div3A_554 : i32
      %jit3A_577 = arith.constant 16 : i32
      %eq3A_578 = arith.constant 0 : i32
      %eq3A_579 = arith.cmpi eq, %jit3A_577, %eq3A_578 : i32
      %jit3A_580 = arith.constant 1 : i32
      %select_n3A_581 = arith.select %eq3A_579, %jit3A_580, %jit3A_577 : i32
      %rem3A_582 = arith.remsi %scan3A_550, %select_n3A_581 : i32
      %ne3A_583 = arith.constant 0 : i32
      %ne3A_584 = arith.cmpi ne, %rem3A_582, %ne3A_583 : i32
      %lt3A_585 = arith.constant 0 : i32
      %lt3A_586 = arith.cmpi slt, %rem3A_582, %lt3A_585 : i32
      %lt3A_587 = arith.constant 0 : i32
      %lt3A_588 = arith.cmpi slt, %select_n3A_581, %lt3A_587 : i32
      %ne3A_589 = arith.xori %lt3A_586, %lt3A_588 : i1
      %and3A_590 = arith.andi %ne3A_589, %ne3A_584 : i1
      %add3A_591 = arith.addi %rem3A_582, %select_n3A_581 : i32
      %select_n3A_592 = arith.select %and3A_590, %add3A_591, %rem3A_582 : i32
      %mul3A_593 = arith.constant 16 : i32
      %mul3A_594 = arith.muli %select_n3A_592, %mul3A_593 : i32
      %swap3A_595 = arith.index_cast %select_n3A_576 : i32 to index
      %swap3A_596 = arith.index_cast %mul3A_594 : i32 to index
      %swap3A_597 = tpu.vector_load %arg9[%swap3A_595, %swap3A_596] {strides = array<i32>} : memref<128x256xf32, #tpu.memory_space<vmem>>, vector<1x16xf32>,
      %swap3A_598 = vector.shape_cast %swap3A_597 : vector<1x16xf32> to vector<16xf32>
      %swap3A_599 = vector.shape_cast %broadcast_in_dim3A_552 : vector<16xf32> to vector<1x16xf32>
      tpu.vector_store %arg9[%swap3A_595, %swap3A_596], %swap3A_599 {strides = array<i32>} : memref<128x256xf32, #tpu.memory_space<vmem>>, vector<1x16xf32>,
      %scan3A_600 = arith.constant 0 : i32
      %scan3A_601 = arith.constant 6 : i32
      %scan3A_602 = arith.addi %scan3A_291, %scan3A_601 : i32
      %broadcast_in_dim3A_603 = arith.constant 0.000000e+00 : f32
      %broadcast_in_dim3A_604 = vector.broadcast %broadcast_in_dim3A_603 : f32 to vector<16xf32>
      %jit3A_605 = arith.constant 16 : i32
      %div3A_606 = arith.divsi %scan3A_602, %jit3A_605 : i32
      %sign3A_607 = arith.constant 0 : i32
      %sign3A_608 = arith.cmpi sgt, %scan3A_602, %sign3A_607 : i32
      %sign3A_609 = arith.extui %sign3A_608 : i1 to i32
      %sign3A_610 = arith.constant 0 : i32
      %sign3A_611 = arith.cmpi slt, %scan3A_602, %sign3A_610 : i32
      %sign3A_612 = arith.extui %sign3A_611 : i1 to i32
      %sign3A_613 = arith.subi %sign3A_609, %sign3A_612 : i32
      %sign3A_614 = arith.constant 0 : i32
      %sign3A_615 = arith.cmpi sgt, %jit3A_605, %sign3A_614 : i32
      %sign3A_616 = arith.extui %sign3A_615 : i1 to i32
      %sign3A_617 = arith.constant 0 : i32
      %sign3A_618 = arith.cmpi slt, %jit3A_605, %sign3A_617 : i32
      %sign3A_619 = arith.extui %sign3A_618 : i1 to i32
      %sign3A_620 = arith.subi %sign3A_616, %sign3A_619 : i32
      %ne3A_621 = arith.cmpi ne, %sign3A_613, %sign3A_620 : i32
      %rem3A_622 = arith.remsi %scan3A_602, %jit3A_605 : i32
      %ne3A_623 = arith.constant 0 : i32
      %ne3A_624 = arith.cmpi ne, %rem3A_622, %ne3A_623 : i32
      %and3A_625 = arith.andi %ne3A_621, %ne3A_624 : i1
      %sub3A_626 = arith.constant 1 : i32
      %sub3A_627 = arith.subi %div3A_606, %sub3A_626 : i32
      %select_n3A_628 = arith.select %and3A_625, %sub3A_627, %div3A_606 : i32
      %jit3A_629 = arith.constant 16 : i32
      %eq3A_630 = arith.constant 0 : i32
      %eq3A_631 = arith.cmpi eq, %jit3A_629, %eq3A_630 : i32
      %jit3A_632 = arith.constant 1 : i32
      %select_n3A_633 = arith.select %eq3A_631, %jit3A_632, %jit3A_629 : i32
      %rem3A_634 = arith.remsi %scan3A_602, %select_n3A_633 : i32
      %ne3A_635 = arith.constant 0 : i32
      %ne3A_636 = arith.cmpi ne, %rem3A_634, %ne3A_635 : i32
      %lt3A_637 = arith.constant 0 : i32
      %lt3A_638 = arith.cmpi slt, %rem3A_634, %lt3A_637 : i32
      %lt3A_639 = arith.constant 0 : i32
      %lt3A_640 = arith.cmpi slt, %select_n3A_633, %lt3A_639 : i32
      %ne3A_641 = arith.xori %lt3A_638, %lt3A_640 : i1
      %and3A_642 = arith.andi %ne3A_641, %ne3A_636 : i1
      %add3A_643 = arith.addi %rem3A_634, %select_n3A_633 : i32
      %select_n3A_644 = arith.select %and3A_642, %add3A_643, %rem3A_634 : i32
      %mul3A_645 = arith.constant 16 : i32
      %mul3A_646 = arith.muli %select_n3A_644, %mul3A_645 : i32
      %swap3A_647 = arith.index_cast %select_n3A_628 : i32 to index
      %swap3A_648 = arith.index_cast %mul3A_646 : i32 to index
      %swap3A_649 = tpu.vector_load %arg9[%swap3A_647, %swap3A_648] {strides = array<i32>} : memref<128x256xf32, #tpu.memory_space<vmem>>, vector<1x16xf32>,
      %swap3A_650 = vector.shape_cast %swap3A_649 : vector<1x16xf32> to vector<16xf32>
      %swap3A_651 = vector.shape_cast %broadcast_in_dim3A_604 : vector<16xf32> to vector<1x16xf32>
      tpu.vector_store %arg9[%swap3A_647, %swap3A_648], %swap3A_651 {strides = array<i32>} : memref<128x256xf32, #tpu.memory_space<vmem>>, vector<1x16xf32>,
      %scan3A_652 = arith.constant 0 : i32
      %scan3A_653 = arith.constant 7 : i32
      %scan3A_654 = arith.addi %scan3A_291, %scan3A_653 : i32
      %broadcast_in_dim3A_655 = arith.constant 0.000000e+00 : f32
      %broadcast_in_dim3A_656 = vector.broadcast %broadcast_in_dim3A_655 : f32 to vector<16xf32>
      %jit3A_657 = arith.constant 16 : i32
      %div3A_658 = arith.divsi %scan3A_654, %jit3A_657 : i32
      %sign3A_659 = arith.constant 0 : i32
      %sign3A_660 = arith.cmpi sgt, %scan3A_654, %sign3A_659 : i32
      %sign3A_661 = arith.extui %sign3A_660 : i1 to i32
      %sign3A_662 = arith.constant 0 : i32
      %sign3A_663 = arith.cmpi slt, %scan3A_654, %sign3A_662 : i32
      %sign3A_664 = arith.extui %sign3A_663 : i1 to i32
      %sign3A_665 = arith.subi %sign3A_661, %sign3A_664 : i32
      %sign3A_666 = arith.constant 0 : i32
      %sign3A_667 = arith.cmpi sgt, %jit3A_657, %sign3A_666 : i32
      %sign3A_668 = arith.extui %sign3A_667 : i1 to i32
      %sign3A_669 = arith.constant 0 : i32
      %sign3A_670 = arith.cmpi slt, %jit3A_657, %sign3A_669 : i32
      %sign3A_671 = arith.extui %sign3A_670 : i1 to i32
      %sign3A_672 = arith.subi %sign3A_668, %sign3A_671 : i32
      %ne3A_673 = arith.cmpi ne, %sign3A_665, %sign3A_672 : i32
      %rem3A_674 = arith.remsi %scan3A_654, %jit3A_657 : i32
      %ne3A_675 = arith.constant 0 : i32
      %ne3A_676 = arith.cmpi ne, %rem3A_674, %ne3A_675 : i32
      %and3A_677 = arith.andi %ne3A_673, %ne3A_676 : i1
      %sub3A_678 = arith.constant 1 : i32
      %sub3A_679 = arith.subi %div3A_658, %sub3A_678 : i32
      %select_n3A_680 = arith.select %and3A_677, %sub3A_679, %div3A_658 : i32
      %jit3A_681 = arith.constant 16 : i32
      %eq3A_682 = arith.constant 0 : i32
      %eq3A_683 = arith.cmpi eq, %jit3A_681, %eq3A_682 : i32
      %jit3A_684 = arith.constant 1 : i32
      %select_n3A_685 = arith.select %eq3A_683, %jit3A_684, %jit3A_681 : i32
      %rem3A_686 = arith.remsi %scan3A_654, %select_n3A_685 : i32
      %ne3A_687 = arith.constant 0 : i32
      %ne3A_688 = arith.cmpi ne, %rem3A_686, %ne3A_687 : i32
      %lt3A_689 = arith.constant 0 : i32
      %lt3A_690 = arith.cmpi slt, %rem3A_686, %lt3A_689 : i32
      %lt3A_691 = arith.constant 0 : i32
      %lt3A_692 = arith.cmpi slt, %select_n3A_685, %lt3A_691 : i32
      %ne3A_693 = arith.xori %lt3A_690, %lt3A_692 : i1
      %and3A_694 = arith.andi %ne3A_693, %ne3A_688 : i1
      %add3A_695 = arith.addi %rem3A_686, %select_n3A_685 : i32
      %select_n3A_696 = arith.select %and3A_694, %add3A_695, %rem3A_686 : i32
      %mul3A_697 = arith.constant 16 : i32
      %mul3A_698 = arith.muli %select_n3A_696, %mul3A_697 : i32
      %swap3A_699 = arith.index_cast %select_n3A_680 : i32 to index
      %swap3A_700 = arith.index_cast %mul3A_698 : i32 to index
      %swap3A_701 = tpu.vector_load %arg9[%swap3A_699, %swap3A_700] {strides = array<i32>} : memref<128x256xf32, #tpu.memory_space<vmem>>, vector<1x16xf32>,
      %swap3A_702 = vector.shape_cast %swap3A_701 : vector<1x16xf32> to vector<16xf32>
      %swap3A_703 = vector.shape_cast %broadcast_in_dim3A_656 : vector<16xf32> to vector<1x16xf32>
      tpu.vector_store %arg9[%swap3A_699, %swap3A_700], %swap3A_703 {strides = array<i32>} : memref<128x256xf32, #tpu.memory_space<vmem>>, vector<1x16xf32>,
      %scan3A_704 = arith.constant 0 : i32
      scf.yield %scan3A_704 : i32
    }
    %scan3A_149 = arith.constant 128 : i32
    %mul3A_150 = arith.constant 8 : i32
    %mul3A_151 = arith.muli %arg1, %mul3A_150 : i32
    "tpu.region"() ({
      %run_scoped3A = tpu.sem_alloc : memref<!tpu.dma_semaphore, #tpu.memory_space<semaphore_mem>>
      %dma_start3A_291 = arith.constant 0 : i32
      %dma_start3A_292 = arith.constant 0 : i32
      %dma_start3A_293 = tpu.memref_slice %arg9[%dma_start3A_291, %dma_start3A_292] : memref<128x256xf32, #tpu.memory_space<vmem>> -> memref<8x256xf32, #tpu.memory_space<vmem>>
      %dma_start3A_294 = arith.constant 0 : i32
      %dma_start3A_295 = tpu.memref_slice %arg6[%mul3A_151, %dma_start3A_294] : memref<128x256xf32, #tpu.memory_space<vmem_shared>> -> memref<8x256xf32, #tpu.memory_space<vmem_shared>>
      %dma_start3A_296 = arith.constant 0 : i32
      %dma_start3A_297 = tpu.memref_slice %arg6[%mul3A_151, %dma_start3A_296] : memref<128x256xf32, #tpu.memory_space<vmem_shared>> -> memref<8x256xf32, #tpu.memory_space<vmem_shared>>
      %dma_start3A_298 = arith.constant 0 : i32
      %dma_start3A_299 = arith.constant 0 : i32
      %dma_start3A_300 = tpu.memref_slice %arg9[%dma_start3A_298, %dma_start3A_299] : memref<128x256xf32, #tpu.memory_space<vmem>> -> memref<8x256xf32, #tpu.memory_space<vmem>>
      tpu.enqueue_dma source(%dma_start3A_300 : memref<8x256xf32, #tpu.memory_space<vmem>>) target(%dma_start3A_297 : memref<8x256xf32, #tpu.memory_space<vmem_shared>>) target_semaphore(%run_scoped3A : memref<!tpu.dma_semaphore, #tpu.memory_space<semaphore_mem>>)
      %dma_wait3A_301 = arith.constant 0 : i32
      %dma_wait3A_302 = arith.constant 0 : i32
      %dma_wait3A_303 = tpu.memref_slice %arg9[%dma_wait3A_301, %dma_wait3A_302] : memref<128x256xf32, #tpu.memory_space<vmem>> -> memref<8x256xf32, #tpu.memory_space<vmem>>
      %dma_wait3A_304 = arith.constant 0 : i32
      %dma_wait3A_305 = tpu.memref_slice %arg6[%mul3A_151, %dma_wait3A_304] : memref<128x256xf32, #tpu.memory_space<vmem_shared>> -> memref<8x256xf32, #tpu.memory_space<vmem_shared>>
      %dma_wait3A_306 = arith.constant 0 : i32
      %dma_wait3A_307 = tpu.memref_slice %arg6[%mul3A_151, %dma_wait3A_306] : memref<128x256xf32, #tpu.memory_space<vmem_shared>> -> memref<8x256xf32, #tpu.memory_space<vmem_shared>>
      %dma_wait3A_308 = arith.constant 0 : i32
      %dma_wait3A_309 = arith.constant 0 : i32
      %dma_wait3A_310 = tpu.memref_slice %arg9[%dma_wait3A_308, %dma_wait3A_309] : memref<128x256xf32, #tpu.memory_space<vmem>> -> memref<8x256xf32, #tpu.memory_space<vmem>>
      tpu.wait_dma2 semaphore(%run_scoped3A : memref<!tpu.dma_semaphore, #tpu.memory_space<semaphore_mem>>) src(%dma_wait3A_310 : memref<8x256xf32, #tpu.memory_space<vmem>>) dst(%dma_wait3A_307 : memref<8x256xf32, #tpu.memory_space<vmem_shared>>)
      tpu.yield
    }) : () -> ()
    %barrier3A = arith.constant 0 : index
    tpu.barrier barrier_id(%barrier3A)
    %gt3A_152 = arith.constant 0 : i32
    %gt3A_153 = arith.cmpi sgt, %select_n3A_108, %gt3A_152 : i32
    %convert_element_type3A_154 = arith.extui %gt3A_153 : i1 to i32
    %cond3A_155 = arith.constant 0 : i32
    %cond3A_156 = arith.cmpi ne, %convert_element_type3A_154, %cond3A_155 : i32
    scf.if %cond3A_156 {
      %add3A_291 = arith.addi %add3A_56, %mul3A_82 : i32
      %add3A_292 = arith.constant 0 : i32
      %add3A_293 = arith.addi %add3A_291, %add3A_292 : i32
      %multiple_of3A = tpu.assume_multiple %add3A_293, 128 : i32
      %dma_start3A_294 = arith.constant 0 : i32
      %dma_start3A_295 = tpu.memref_slice %arg4[%multiple_of3A, %dma_start3A_294] : memref<32768x256xf32, #tpu.memory_space<hbm>> -> memref<128x256xf32, #tpu.memory_space<hbm>>
      tpu.enqueue_dma source(%arg6 : memref<128x256xf32, #tpu.memory_space<vmem_shared>>) target(%dma_start3A_295 : memref<128x256xf32, #tpu.memory_space<hbm>>) target_semaphore(%arg13 : memref<!tpu.dma_semaphore, #tpu.memory_space<semaphore_mem>>)
    } else {
    }
    %gt3A_157 = arith.constant 1 : i32
    %gt3A_158 = arith.cmpi sgt, %select_n3A_108, %gt3A_157 : i32
    %convert_element_type3A_159 = arith.extui %gt3A_158 : i1 to i32
    %cond3A_160 = arith.constant 0 : i32
    %cond3A_161 = arith.cmpi ne, %convert_element_type3A_159, %cond3A_160 : i32
    scf.if %cond3A_161 {
      %add3A_291 = arith.addi %add3A_56, %mul3A_82 : i32
      %add3A_292 = arith.constant 128 : i32
      %add3A_293 = arith.addi %add3A_291, %add3A_292 : i32
      %multiple_of3A = tpu.assume_multiple %add3A_293, 128 : i32
      %dma_start3A_294 = arith.constant 0 : i32
      %dma_start3A_295 = tpu.memref_slice %arg4[%multiple_of3A, %dma_start3A_294] : memref<32768x256xf32, #tpu.memory_space<hbm>> -> memref<128x256xf32, #tpu.memory_space<hbm>>
      tpu.enqueue_dma source(%arg6 : memref<128x256xf32, #tpu.memory_space<vmem_shared>>) target(%dma_start3A_295 : memref<128x256xf32, #tpu.memory_space<hbm>>) target_semaphore(%arg13 : memref<!tpu.dma_semaphore, #tpu.memory_space<semaphore_mem>>)
    } else {
    }
    %gt3A_162 = arith.constant 2 : i32
    %gt3A_163 = arith.cmpi sgt, %select_n3A_108, %gt3A_162 : i32
    %convert_element_type3A_164 = arith.extui %gt3A_163 : i1 to i32
    %cond3A_165 = arith.constant 0 : i32
    %cond3A_166 = arith.cmpi ne, %convert_element_type3A_164, %cond3A_165 : i32
    scf.if %cond3A_166 {
      %add3A_291 = arith.addi %add3A_56, %mul3A_82 : i32
      %add3A_292 = arith.constant 256 : i32
      %add3A_293 = arith.addi %add3A_291, %add3A_292 : i32
      %multiple_of3A = tpu.assume_multiple %add3A_293, 128 : i32
      %dma_start3A_294 = arith.constant 0 : i32
      %dma_start3A_295 = tpu.memref_slice %arg4[%multiple_of3A, %dma_start3A_294] : memref<32768x256xf32, #tpu.memory_space<hbm>> -> memref<128x256xf32, #tpu.memory_space<hbm>>
      tpu.enqueue_dma source(%arg6 : memref<128x256xf32, #tpu.memory_space<vmem_shared>>) target(%dma_start3A_295 : memref<128x256xf32, #tpu.memory_space<hbm>>) target_semaphore(%arg13 : memref<!tpu.dma_semaphore, #tpu.memory_space<semaphore_mem>>)
    } else {
    }
    %gt3A_167 = arith.constant 3 : i32
    %gt3A_168 = arith.cmpi sgt, %select_n3A_108, %gt3A_167 : i32
    %convert_element_type3A_169 = arith.extui %gt3A_168 : i1 to i32
    %cond3A_170 = arith.constant 0 : i32
    %cond3A_171 = arith.cmpi ne, %convert_element_type3A_169, %cond3A_170 : i32
    scf.if %cond3A_171 {
      %add3A_291 = arith.addi %add3A_56, %mul3A_82 : i32
      %add3A_292 = arith.constant 384 : i32
      %add3A_293 = arith.addi %add3A_291, %add3A_292 : i32
      %multiple_of3A = tpu.assume_multiple %add3A_293, 128 : i32
      %dma_start3A_294 = arith.constant 0 : i32
      %dma_start3A_295 = tpu.memref_slice %arg4[%multiple_of3A, %dma_start3A_294] : memref<32768x256xf32, #tpu.memory_space<hbm>> -> memref<128x256xf32, #tpu.memory_space<hbm>>
      tpu.enqueue_dma source(%arg6 : memref<128x256xf32, #tpu.memory_space<vmem_shared>>) target(%dma_start3A_295 : memref<128x256xf32, #tpu.memory_space<hbm>>) target_semaphore(%arg13 : memref<!tpu.dma_semaphore, #tpu.memory_space<semaphore_mem>>)
    } else {
    }
    %gt3A_172 = arith.constant 4 : i32
    %gt3A_173 = arith.cmpi sgt, %select_n3A_108, %gt3A_172 : i32
    %convert_element_type3A_174 = arith.extui %gt3A_173 : i1 to i32
    %cond3A_175 = arith.constant 0 : i32
    %cond3A_176 = arith.cmpi ne, %convert_element_type3A_174, %cond3A_175 : i32
    scf.if %cond3A_176 {
      %add3A_291 = arith.addi %add3A_56, %mul3A_82 : i32
      %add3A_292 = arith.constant 512 : i32
      %add3A_293 = arith.addi %add3A_291, %add3A_292 : i32
      %multiple_of3A = tpu.assume_multiple %add3A_293, 128 : i32
      %dma_start3A_294 = arith.constant 0 : i32
      %dma_start3A_295 = tpu.memref_slice %arg4[%multiple_of3A, %dma_start3A_294] : memref<32768x256xf32, #tpu.memory_space<hbm>> -> memref<128x256xf32, #tpu.memory_space<hbm>>
      tpu.enqueue_dma source(%arg6 : memref<128x256xf32, #tpu.memory_space<vmem_shared>>) target(%dma_start3A_295 : memref<128x256xf32, #tpu.memory_space<hbm>>) target_semaphore(%arg13 : memref<!tpu.dma_semaphore, #tpu.memory_space<semaphore_mem>>)
    } else {
    }
    %gt3A_177 = arith.constant 5 : i32
    %gt3A_178 = arith.cmpi sgt, %select_n3A_108, %gt3A_177 : i32
    %convert_element_type3A_179 = arith.extui %gt3A_178 : i1 to i32
    %cond3A_180 = arith.constant 0 : i32
    %cond3A_181 = arith.cmpi ne, %convert_element_type3A_179, %cond3A_180 : i32
    scf.if %cond3A_181 {
      %add3A_291 = arith.addi %add3A_56, %mul3A_82 : i32
      %add3A_292 = arith.constant 640 : i32
      %add3A_293 = arith.addi %add3A_291, %add3A_292 : i32
      %multiple_of3A = tpu.assume_multiple %add3A_293, 128 : i32
      %dma_start3A_294 = arith.constant 0 : i32
      %dma_start3A_295 = tpu.memref_slice %arg4[%multiple_of3A, %dma_start3A_294] : memref<32768x256xf32, #tpu.memory_space<hbm>> -> memref<128x256xf32, #tpu.memory_space<hbm>>
      tpu.enqueue_dma source(%arg6 : memref<128x256xf32, #tpu.memory_space<vmem_shared>>) target(%dma_start3A_295 : memref<128x256xf32, #tpu.memory_space<hbm>>) target_semaphore(%arg13 : memref<!tpu.dma_semaphore, #tpu.memory_space<semaphore_mem>>)
    } else {
    }
    %gt3A_182 = arith.constant 6 : i32
    %gt3A_183 = arith.cmpi sgt, %select_n3A_108, %gt3A_182 : i32
    %convert_element_type3A_184 = arith.extui %gt3A_183 : i1 to i32
    %cond3A_185 = arith.constant 0 : i32
    %cond3A_186 = arith.cmpi ne, %convert_element_type3A_184, %cond3A_185 : i32
    scf.if %cond3A_186 {
      %add3A_291 = arith.addi %add3A_56, %mul3A_82 : i32
      %add3A_292 = arith.constant 768 : i32
      %add3A_293 = arith.addi %add3A_291, %add3A_292 : i32
      %multiple_of3A = tpu.assume_multiple %add3A_293, 128 : i32
      %dma_start3A_294 = arith.constant 0 : i32
      %dma_start3A_295 = tpu.memref_slice %arg4[%multiple_of3A, %dma_start3A_294] : memref<32768x256xf32, #tpu.memory_space<hbm>> -> memref<128x256xf32, #tpu.memory_space<hbm>>
      tpu.enqueue_dma source(%arg6 : memref<128x256xf32, #tpu.memory_space<vmem_shared>>) target(%dma_start3A_295 : memref<128x256xf32, #tpu.memory_space<hbm>>) target_semaphore(%arg13 : memref<!tpu.dma_semaphore, #tpu.memory_space<semaphore_mem>>)
    } else {
    }
    %gt3A_187 = arith.constant 7 : i32
    %gt3A_188 = arith.cmpi sgt, %select_n3A_108, %gt3A_187 : i32
    %convert_element_type3A_189 = arith.extui %gt3A_188 : i1 to i32
    %cond3A_190 = arith.constant 0 : i32
    %cond3A_191 = arith.cmpi ne, %convert_element_type3A_189, %cond3A_190 : i32
    scf.if %cond3A_191 {
      %add3A_291 = arith.addi %add3A_56, %mul3A_82 : i32
      %add3A_292 = arith.constant 896 : i32
      %add3A_293 = arith.addi %add3A_291, %add3A_292 : i32
      %multiple_of3A = tpu.assume_multiple %add3A_293, 128 : i32
      %dma_start3A_294 = arith.constant 0 : i32
      %dma_start3A_295 = tpu.memref_slice %arg4[%multiple_of3A, %dma_start3A_294] : memref<32768x256xf32, #tpu.memory_space<hbm>> -> memref<128x256xf32, #tpu.memory_space<hbm>>
      tpu.enqueue_dma source(%arg6 : memref<128x256xf32, #tpu.memory_space<vmem_shared>>) target(%dma_start3A_295 : memref<128x256xf32, #tpu.memory_space<hbm>>) target_semaphore(%arg13 : memref<!tpu.dma_semaphore, #tpu.memory_space<semaphore_mem>>)
    } else {
    }
    %gt3A_192 = arith.constant 0 : i32
    %gt3A_193 = arith.cmpi sgt, %select_n3A_136, %gt3A_192 : i32
    %convert_element_type3A_194 = arith.extui %gt3A_193 : i1 to i32
    %cond3A_195 = arith.constant 0 : i32
    %cond3A_196 = arith.cmpi ne, %convert_element_type3A_194, %cond3A_195 : i32
    scf.if %cond3A_196 {
      %dma_wait3A_291 = arith.constant 0 : i32
      %dma_wait3A_292 = arith.constant 0 : i32
      %dma_wait3A_293 = tpu.memref_slice %arg10[%dma_wait3A_291, %dma_wait3A_292] : memref<3x128xi32, #tpu.memory_space<vmem>> -> memref<1x128xi32, #tpu.memory_space<vmem>>
      %dma_wait3A_294 = tpu.memref_squeeze %dma_wait3A_293 : memref<1x128xi32, #tpu.memory_space<vmem>> -> memref<128xi32, #tpu.memory_space<vmem>>
      %dma_wait3A_295 = arith.constant 0 : i32
      %dma_wait3A_296 = arith.constant 0 : i32
      %dma_wait3A_297 = tpu.memref_slice %arg2[%dma_wait3A_295, %dma_wait3A_296] : memref<16384x256xf32, #tpu.memory_space<hbm>> -> memref<16384x256xf32, #tpu.memory_space<hbm>>
      tpu.wait_indirect_dma semaphore(%arg14 : memref<!tpu.dma_semaphore, #tpu.memory_space<semaphore_mem>>) src(%dma_wait3A_297 : memref<16384x256xf32, #tpu.memory_space<hbm>>) dst(%arg7 : memref<128x256xf32, #tpu.memory_space<vmem>>)
      %sub3A_298 = arith.constant 1 : i32
      %sub3A_299 = arith.subi %select_n3A_136, %sub3A_298 : i32
      %eq3A_300 = arith.constant 0 : i32
      %eq3A_301 = arith.cmpi eq, %sub3A_299, %eq3A_300 : i32
      %convert_element_type3A_302 = arith.extui %eq3A_301 : i1 to i32
      %cond3A_303 = arith.constant 0 : i32
      %cond3A_304 = arith.cmpi ne, %convert_element_type3A_302, %cond3A_303 : i32
      scf.if %cond3A_304 {
        %gt3A_312 = arith.constant 0 : i32
        %gt3A_313 = arith.cmpi sgt, %select_n3A_108, %gt3A_312 : i32
        %convert_element_type3A_314 = arith.extui %gt3A_313 : i1 to i32
        %cond3A_315 = arith.constant 0 : i32
        %cond3A_316 = arith.cmpi ne, %convert_element_type3A_314, %cond3A_315 : i32
        scf.if %cond3A_316 {
          %dma_wait3A_443 = arith.constant 0 : i32
          %dma_wait3A_444 = tpu.memref_slice %arg4[%add3A_56, %dma_wait3A_443] : memref<32768x256xf32, #tpu.memory_space<hbm>> -> memref<128x256xf32, #tpu.memory_space<hbm>>
          tpu.wait_dma2 semaphore(%arg13 : memref<!tpu.dma_semaphore, #tpu.memory_space<semaphore_mem>>) src(%arg6 : memref<128x256xf32, #tpu.memory_space<vmem_shared>>) dst(%dma_wait3A_444 : memref<128x256xf32, #tpu.memory_space<hbm>>)
        } else {
        }
        %gt3A_317 = arith.constant 1 : i32
        %gt3A_318 = arith.cmpi sgt, %select_n3A_108, %gt3A_317 : i32
        %convert_element_type3A_319 = arith.extui %gt3A_318 : i1 to i32
        %cond3A_320 = arith.constant 0 : i32
        %cond3A_321 = arith.cmpi ne, %convert_element_type3A_319, %cond3A_320 : i32
        scf.if %cond3A_321 {
          %dma_wait3A_443 = arith.constant 0 : i32
          %dma_wait3A_444 = tpu.memref_slice %arg4[%add3A_56, %dma_wait3A_443] : memref<32768x256xf32, #tpu.memory_space<hbm>> -> memref<128x256xf32, #tpu.memory_space<hbm>>
          tpu.wait_dma2 semaphore(%arg13 : memref<!tpu.dma_semaphore, #tpu.memory_space<semaphore_mem>>) src(%arg6 : memref<128x256xf32, #tpu.memory_space<vmem_shared>>) dst(%dma_wait3A_444 : memref<128x256xf32, #tpu.memory_space<hbm>>)
        } else {
        }
        %gt3A_322 = arith.constant 2 : i32
        %gt3A_323 = arith.cmpi sgt, %select_n3A_108, %gt3A_322 : i32
        %convert_element_type3A_324 = arith.extui %gt3A_323 : i1 to i32
        %cond3A_325 = arith.constant 0 : i32
        %cond3A_326 = arith.cmpi ne, %convert_element_type3A_324, %cond3A_325 : i32
        scf.if %cond3A_326 {
          %dma_wait3A_443 = arith.constant 0 : i32
          %dma_wait3A_444 = tpu.memref_slice %arg4[%add3A_56, %dma_wait3A_443] : memref<32768x256xf32, #tpu.memory_space<hbm>> -> memref<128x256xf32, #tpu.memory_space<hbm>>
          tpu.wait_dma2 semaphore(%arg13 : memref<!tpu.dma_semaphore, #tpu.memory_space<semaphore_mem>>) src(%arg6 : memref<128x256xf32, #tpu.memory_space<vmem_shared>>) dst(%dma_wait3A_444 : memref<128x256xf32, #tpu.memory_space<hbm>>)
        } else {
        }
        %gt3A_327 = arith.constant 3 : i32
        %gt3A_328 = arith.cmpi sgt, %select_n3A_108, %gt3A_327 : i32
        %convert_element_type3A_329 = arith.extui %gt3A_328 : i1 to i32
        %cond3A_330 = arith.constant 0 : i32
        %cond3A_331 = arith.cmpi ne, %convert_element_type3A_329, %cond3A_330 : i32
        scf.if %cond3A_331 {
          %dma_wait3A_443 = arith.constant 0 : i32
          %dma_wait3A_444 = tpu.memref_slice %arg4[%add3A_56, %dma_wait3A_443] : memref<32768x256xf32, #tpu.memory_space<hbm>> -> memref<128x256xf32, #tpu.memory_space<hbm>>
          tpu.wait_dma2 semaphore(%arg13 : memref<!tpu.dma_semaphore, #tpu.memory_space<semaphore_mem>>) src(%arg6 : memref<128x256xf32, #tpu.memory_space<vmem_shared>>) dst(%dma_wait3A_444 : memref<128x256xf32, #tpu.memory_space<hbm>>)
        } else {
        }
        %gt3A_332 = arith.constant 4 : i32
        %gt3A_333 = arith.cmpi sgt, %select_n3A_108, %gt3A_332 : i32
        %convert_element_type3A_334 = arith.extui %gt3A_333 : i1 to i32
        %cond3A_335 = arith.constant 0 : i32
        %cond3A_336 = arith.cmpi ne, %convert_element_type3A_334, %cond3A_335 : i32
        scf.if %cond3A_336 {
          %dma_wait3A_443 = arith.constant 0 : i32
          %dma_wait3A_444 = tpu.memref_slice %arg4[%add3A_56, %dma_wait3A_443] : memref<32768x256xf32, #tpu.memory_space<hbm>> -> memref<128x256xf32, #tpu.memory_space<hbm>>
          tpu.wait_dma2 semaphore(%arg13 : memref<!tpu.dma_semaphore, #tpu.memory_space<semaphore_mem>>) src(%arg6 : memref<128x256xf32, #tpu.memory_space<vmem_shared>>) dst(%dma_wait3A_444 : memref<128x256xf32, #tpu.memory_space<hbm>>)
        } else {
        }
        %gt3A_337 = arith.constant 5 : i32
        %gt3A_338 = arith.cmpi sgt, %select_n3A_108, %gt3A_337 : i32
        %convert_element_type3A_339 = arith.extui %gt3A_338 : i1 to i32
        %cond3A_340 = arith.constant 0 : i32
        %cond3A_341 = arith.cmpi ne, %convert_element_type3A_339, %cond3A_340 : i32
        scf.if %cond3A_341 {
          %dma_wait3A_443 = arith.constant 0 : i32
          %dma_wait3A_444 = tpu.memref_slice %arg4[%add3A_56, %dma_wait3A_443] : memref<32768x256xf32, #tpu.memory_space<hbm>> -> memref<128x256xf32, #tpu.memory_space<hbm>>
          tpu.wait_dma2 semaphore(%arg13 : memref<!tpu.dma_semaphore, #tpu.memory_space<semaphore_mem>>) src(%arg6 : memref<128x256xf32, #tpu.memory_space<vmem_shared>>) dst(%dma_wait3A_444 : memref<128x256xf32, #tpu.memory_space<hbm>>)
        } else {
        }
        %gt3A_342 = arith.constant 6 : i32
        %gt3A_343 = arith.cmpi sgt, %select_n3A_108, %gt3A_342 : i32
        %convert_element_type3A_344 = arith.extui %gt3A_343 : i1 to i32
        %cond3A_345 = arith.constant 0 : i32
        %cond3A_346 = arith.cmpi ne, %convert_element_type3A_344, %cond3A_345 : i32
        scf.if %cond3A_346 {
          %dma_wait3A_443 = arith.constant 0 : i32
          %dma_wait3A_444 = tpu.memref_slice %arg4[%add3A_56, %dma_wait3A_443] : memref<32768x256xf32, #tpu.memory_space<hbm>> -> memref<128x256xf32, #tpu.memory_space<hbm>>
          tpu.wait_dma2 semaphore(%arg13 : memref<!tpu.dma_semaphore, #tpu.memory_space<semaphore_mem>>) src(%arg6 : memref<128x256xf32, #tpu.memory_space<vmem_shared>>) dst(%dma_wait3A_444 : memref<128x256xf32, #tpu.memory_space<hbm>>)
        } else {
        }
        %gt3A_347 = arith.constant 7 : i32
        %gt3A_348 = arith.cmpi sgt, %select_n3A_108, %gt3A_347 : i32
        %convert_element_type3A_349 = arith.extui %gt3A_348 : i1 to i32
        %cond3A_350 = arith.constant 0 : i32
        %cond3A_351 = arith.cmpi ne, %convert_element_type3A_349, %cond3A_350 : i32
        scf.if %cond3A_351 {
          %dma_wait3A_443 = arith.constant 0 : i32
          %dma_wait3A_444 = tpu.memref_slice %arg4[%add3A_56, %dma_wait3A_443] : memref<32768x256xf32, #tpu.memory_space<hbm>> -> memref<128x256xf32, #tpu.memory_space<hbm>>
          tpu.wait_dma2 semaphore(%arg13 : memref<!tpu.dma_semaphore, #tpu.memory_space<semaphore_mem>>) src(%arg6 : memref<128x256xf32, #tpu.memory_space<vmem_shared>>) dst(%dma_wait3A_444 : memref<128x256xf32, #tpu.memory_space<hbm>>)
        } else {
        }
        %sub3A_352 = arith.constant 128 : i32
        %sub3A_353 = arith.subi %min3A, %sub3A_352 : i32
        %min3A_354 = arith.constant 0 : i32
        %min3A_355 = arith.minsi %min3A_354, %sub3A_353 : i32
        %add3A_356 = arith.addi %add3A_56, %min3A_355 : i32
        %add3A_357 = arith.constant 0 : i32
        %add3A_358 = arith.addi %add3A_356, %add3A_357 : i32
        %add3A_359 = vector.broadcast %add3A_358 : i32 to vector<16xi32>
        %add3A_360 = arith.addi %add3A_359, %iota3A : vector<16xi32>
        %swap3A = arith.constant 0 : i32
        %swap3A_361 = arith.index_cast %swap3A : i32 to index
        %swap3A_362 = arith.constant 0 : index
        %swap3A_363 = tpu.vector_load %arg11[%swap3A_361, %swap3A_362] {strides = array<i32>} : memref<3x128xi32, #tpu.memory_space<vmem>>, vector<1x16xi32>,
        %swap3A_364 = vector.shape_cast %swap3A_363 : vector<1x16xi32> to vector<16xi32>
        %swap3A_365 = vector.shape_cast %add3A_360 : vector<16xi32> to vector<1x16xi32>
        tpu.vector_store %arg11[%swap3A_361, %swap3A_362], %swap3A_365 {strides = array<i32>} : memref<3x128xi32, #tpu.memory_space<vmem>>, vector<1x16xi32>,
        %add3A_366 = arith.constant 16 : i32
        %add3A_367 = arith.addi %add3A_356, %add3A_366 : i32
        %add3A_368 = vector.broadcast %add3A_367 : i32 to vector<16xi32>
        %add3A_369 = arith.addi %add3A_368, %iota3A : vector<16xi32>
        %swap3A_370 = arith.constant 0 : i32
        %swap3A_371 = arith.index_cast %swap3A_370 : i32 to index
        %swap3A_372 = arith.constant 16 : index
        %swap3A_373 = tpu.vector_load %arg11[%swap3A_371, %swap3A_372] {strides = array<i32>} : memref<3x128xi32, #tpu.memory_space<vmem>>, vector<1x16xi32>,
        %swap3A_374 = vector.shape_cast %swap3A_373 : vector<1x16xi32> to vector<16xi32>
        %swap3A_375 = vector.shape_cast %add3A_369 : vector<16xi32> to vector<1x16xi32>
        tpu.vector_store %arg11[%swap3A_371, %swap3A_372], %swap3A_375 {strides = array<i32>} : memref<3x128xi32, #tpu.memory_space<vmem>>, vector<1x16xi32>,
        %add3A_376 = arith.constant 32 : i32
        %add3A_377 = arith.addi %add3A_356, %add3A_376 : i32
        %add3A_378 = vector.broadcast %add3A_377 : i32 to vector<16xi32>
        %add3A_379 = arith.addi %add3A_378, %iota3A : vector<16xi32>
        %swap3A_380 = arith.constant 0 : i32
        %swap3A_381 = arith.index_cast %swap3A_380 : i32 to index
        %swap3A_382 = arith.constant 32 : index
        %swap3A_383 = tpu.vector_load %arg11[%swap3A_381, %swap3A_382] {strides = array<i32>} : memref<3x128xi32, #tpu.memory_space<vmem>>, vector<1x16xi32>,
        %swap3A_384 = vector.shape_cast %swap3A_383 : vector<1x16xi32> to vector<16xi32>
        %swap3A_385 = vector.shape_cast %add3A_379 : vector<16xi32> to vector<1x16xi32>
        tpu.vector_store %arg11[%swap3A_381, %swap3A_382], %swap3A_385 {strides = array<i32>} : memref<3x128xi32, #tpu.memory_space<vmem>>, vector<1x16xi32>,
        %add3A_386 = arith.constant 48 : i32
        %add3A_387 = arith.addi %add3A_356, %add3A_386 : i32
        %add3A_388 = vector.broadcast %add3A_387 : i32 to vector<16xi32>
        %add3A_389 = arith.addi %add3A_388, %iota3A : vector<16xi32>
        %swap3A_390 = arith.constant 0 : i32
        %swap3A_391 = arith.index_cast %swap3A_390 : i32 to index
        %swap3A_392 = arith.constant 48 : index
        %swap3A_393 = tpu.vector_load %arg11[%swap3A_391, %swap3A_392] {strides = array<i32>} : memref<3x128xi32, #tpu.memory_space<vmem>>, vector<1x16xi32>,
        %swap3A_394 = vector.shape_cast %swap3A_393 : vector<1x16xi32> to vector<16xi32>
        %swap3A_395 = vector.shape_cast %add3A_389 : vector<16xi32> to vector<1x16xi32>
        tpu.vector_store %arg11[%swap3A_391, %swap3A_392], %swap3A_395 {strides = array<i32>} : memref<3x128xi32, #tpu.memory_space<vmem>>, vector<1x16xi32>,
        %add3A_396 = arith.constant 64 : i32
        %add3A_397 = arith.addi %add3A_356, %add3A_396 : i32
        %add3A_398 = vector.broadcast %add3A_397 : i32 to vector<16xi32>
        %add3A_399 = arith.addi %add3A_398, %iota3A : vector<16xi32>
        %swap3A_400 = arith.constant 0 : i32
        %swap3A_401 = arith.index_cast %swap3A_400 : i32 to index
        %swap3A_402 = arith.constant 64 : index
        %swap3A_403 = tpu.vector_load %arg11[%swap3A_401, %swap3A_402] {strides = array<i32>} : memref<3x128xi32, #tpu.memory_space<vmem>>, vector<1x16xi32>,
        %swap3A_404 = vector.shape_cast %swap3A_403 : vector<1x16xi32> to vector<16xi32>
        %swap3A_405 = vector.shape_cast %add3A_399 : vector<16xi32> to vector<1x16xi32>
        tpu.vector_store %arg11[%swap3A_401, %swap3A_402], %swap3A_405 {strides = array<i32>} : memref<3x128xi32, #tpu.memory_space<vmem>>, vector<1x16xi32>,
        %add3A_406 = arith.constant 80 : i32
        %add3A_407 = arith.addi %add3A_356, %add3A_406 : i32
        %add3A_408 = vector.broadcast %add3A_407 : i32 to vector<16xi32>
        %add3A_409 = arith.addi %add3A_408, %iota3A : vector<16xi32>
        %swap3A_410 = arith.constant 0 : i32
        %swap3A_411 = arith.index_cast %swap3A_410 : i32 to index
        %swap3A_412 = arith.constant 80 : index
        %swap3A_413 = tpu.vector_load %arg11[%swap3A_411, %swap3A_412] {strides = array<i32>} : memref<3x128xi32, #tpu.memory_space<vmem>>, vector<1x16xi32>,
        %swap3A_414 = vector.shape_cast %swap3A_413 : vector<1x16xi32> to vector<16xi32>
        %swap3A_415 = vector.shape_cast %add3A_409 : vector<16xi32> to vector<1x16xi32>
        tpu.vector_store %arg11[%swap3A_411, %swap3A_412], %swap3A_415 {strides = array<i32>} : memref<3x128xi32, #tpu.memory_space<vmem>>, vector<1x16xi32>,
        %add3A_416 = arith.constant 96 : i32
        %add3A_417 = arith.addi %add3A_356, %add3A_416 : i32
        %add3A_418 = vector.broadcast %add3A_417 : i32 to vector<16xi32>
        %add3A_419 = arith.addi %add3A_418, %iota3A : vector<16xi32>
        %swap3A_420 = arith.constant 0 : i32
        %swap3A_421 = arith.index_cast %swap3A_420 : i32 to index
        %swap3A_422 = arith.constant 96 : index
        %swap3A_423 = tpu.vector_load %arg11[%swap3A_421, %swap3A_422] {strides = array<i32>} : memref<3x128xi32, #tpu.memory_space<vmem>>, vector<1x16xi32>,
        %swap3A_424 = vector.shape_cast %swap3A_423 : vector<1x16xi32> to vector<16xi32>
        %swap3A_425 = vector.shape_cast %add3A_419 : vector<16xi32> to vector<1x16xi32>
        tpu.vector_store %arg11[%swap3A_421, %swap3A_422], %swap3A_425 {strides = array<i32>} : memref<3x128xi32, #tpu.memory_space<vmem>>, vector<1x16xi32>,
        %add3A_426 = arith.constant 112 : i32
        %add3A_427 = arith.addi %add3A_356, %add3A_426 : i32
        %add3A_428 = vector.broadcast %add3A_427 : i32 to vector<16xi32>
        %add3A_429 = arith.addi %add3A_428, %iota3A : vector<16xi32>
        %swap3A_430 = arith.constant 0 : i32
        %swap3A_431 = arith.index_cast %swap3A_430 : i32 to index
        %swap3A_432 = arith.constant 112 : index
        %swap3A_433 = tpu.vector_load %arg11[%swap3A_431, %swap3A_432] {strides = array<i32>} : memref<3x128xi32, #tpu.memory_space<vmem>>, vector<1x16xi32>,
        %swap3A_434 = vector.shape_cast %swap3A_433 : vector<1x16xi32> to vector<16xi32>
        %swap3A_435 = vector.shape_cast %add3A_429 : vector<16xi32> to vector<1x16xi32>
        tpu.vector_store %arg11[%swap3A_431, %swap3A_432], %swap3A_435 {strides = array<i32>} : memref<3x128xi32, #tpu.memory_space<vmem>>, vector<1x16xi32>,
        %dma_start3A_436 = arith.constant 0 : i32
        %dma_start3A_437 = arith.constant 0 : i32
        %dma_start3A_438 = tpu.memref_slice %arg11[%dma_start3A_436, %dma_start3A_437] : memref<3x128xi32, #tpu.memory_space<vmem>> -> memref<1x128xi32, #tpu.memory_space<vmem>>
        %dma_start3A_439 = tpu.memref_squeeze %dma_start3A_438 : memref<1x128xi32, #tpu.memory_space<vmem>> -> memref<128xi32, #tpu.memory_space<vmem>>
        %dma_start3A_440 = arith.constant 0 : i32
        %dma_start3A_441 = arith.constant 0 : i32
        %dma_start3A_442 = tpu.memref_slice %arg4[%dma_start3A_440, %dma_start3A_441] : memref<32768x256xf32, #tpu.memory_space<hbm>> -> memref<32768x256xf32, #tpu.memory_space<hbm>>
        tpu.enqueue_indirect_dma source(%arg7 : memref<128x256xf32, #tpu.memory_space<vmem>>) target(%dma_start3A_442 : memref<32768x256xf32, #tpu.memory_space<hbm>>) offsets(%dma_start3A_439 : memref<128xi32, #tpu.memory_space<vmem>>) semaphore(%arg17 : memref<!tpu.dma_semaphore, #tpu.memory_space<semaphore_mem>>)
      } else {
      }
      %sub3A_305 = arith.constant 1 : i32
      %sub3A_306 = arith.subi %select_n3A_136, %sub3A_305 : i32
      %ne3A_307 = arith.constant 0 : i32
      %ne3A_308 = arith.cmpi ne, %sub3A_306, %ne3A_307 : i32
      %convert_element_type3A_309 = arith.extui %ne3A_308 : i1 to i32
      %cond3A_310 = arith.constant 0 : i32
      %cond3A_311 = arith.cmpi ne, %convert_element_type3A_309, %cond3A_310 : i32
      scf.if %cond3A_311 {
        %add3A_312 = arith.constant 0 : i32
        %add3A_313 = arith.addi %add3A_56, %add3A_312 : i32
        %multiple_of3A = tpu.assume_multiple %add3A_313, 128 : i32
        %dma_start3A_314 = arith.constant 0 : i32
        %dma_start3A_315 = tpu.memref_slice %arg4[%multiple_of3A, %dma_start3A_314] : memref<32768x256xf32, #tpu.memory_space<hbm>> -> memref<128x256xf32, #tpu.memory_space<hbm>>
        %dma_start3A_316 = arith.constant 0 : i32
        %dma_start3A_317 = tpu.memref_slice %arg4[%multiple_of3A, %dma_start3A_316] : memref<32768x256xf32, #tpu.memory_space<hbm>> -> memref<128x256xf32, #tpu.memory_space<hbm>>
        tpu.enqueue_dma source(%arg7 : memref<128x256xf32, #tpu.memory_space<vmem>>) target(%dma_start3A_317 : memref<128x256xf32, #tpu.memory_space<hbm>>) target_semaphore(%arg17 : memref<!tpu.dma_semaphore, #tpu.memory_space<semaphore_mem>>)
      } else {
      }
    } else {
    }
    %gt3A_197 = arith.constant 2 : i32
    %gt3A_198 = arith.cmpi sgt, %select_n3A_136, %gt3A_197 : i32
    %convert_element_type3A_199 = arith.extui %gt3A_198 : i1 to i32
    %cond3A_200 = arith.constant 0 : i32
    %cond3A_201 = arith.cmpi ne, %convert_element_type3A_199, %cond3A_200 : i32
    scf.if %cond3A_201 {
      %mul3A_291 = arith.constant 1024 : i32
      %mul3A_292 = arith.muli %select_n3A_30, %mul3A_291 : i32
      %add3A_293 = arith.addi %squeeze3A, %mul3A_292 : i32
      %sub3A_294 = arith.constant 128 : i32
      %sub3A_295 = arith.subi %min3A, %sub3A_294 : i32
      %min3A_296 = arith.constant 256 : i32
      %min3A_297 = arith.minsi %min3A_296, %sub3A_295 : i32
      %add3A_298 = arith.addi %add3A_293, %min3A_297 : i32
      %add3A_299 = arith.constant 0 : i32
      %add3A_300 = arith.addi %add3A_298, %add3A_299 : i32
      %add3A_301 = vector.broadcast %add3A_300 : i32 to vector<16xi32>
      %add3A_302 = arith.addi %add3A_301, %iota3A : vector<16xi32>
      %swap3A = arith.constant 2 : i32
      %swap3A_303 = arith.index_cast %swap3A : i32 to index
      %swap3A_304 = arith.constant 0 : index
      %swap3A_305 = tpu.vector_load %arg10[%swap3A_303, %swap3A_304] {strides = array<i32>} : memref<3x128xi32, #tpu.memory_space<vmem>>, vector<1x16xi32>,
      %swap3A_306 = vector.shape_cast %swap3A_305 : vector<1x16xi32> to vector<16xi32>
      %swap3A_307 = vector.shape_cast %add3A_302 : vector<16xi32> to vector<1x16xi32>
      tpu.vector_store %arg10[%swap3A_303, %swap3A_304], %swap3A_307 {strides = array<i32>} : memref<3x128xi32, #tpu.memory_space<vmem>>, vector<1x16xi32>,
      %add3A_308 = arith.constant 16 : i32
      %add3A_309 = arith.addi %add3A_298, %add3A_308 : i32
      %add3A_310 = vector.broadcast %add3A_309 : i32 to vector<16xi32>
      %add3A_311 = arith.addi %add3A_310, %iota3A : vector<16xi32>
      %swap3A_312 = arith.constant 2 : i32
      %swap3A_313 = arith.index_cast %swap3A_312 : i32 to index
      %swap3A_314 = arith.constant 16 : index
      %swap3A_315 = tpu.vector_load %arg10[%swap3A_313, %swap3A_314] {strides = array<i32>} : memref<3x128xi32, #tpu.memory_space<vmem>>, vector<1x16xi32>,
      %swap3A_316 = vector.shape_cast %swap3A_315 : vector<1x16xi32> to vector<16xi32>
      %swap3A_317 = vector.shape_cast %add3A_311 : vector<16xi32> to vector<1x16xi32>
      tpu.vector_store %arg10[%swap3A_313, %swap3A_314], %swap3A_317 {strides = array<i32>} : memref<3x128xi32, #tpu.memory_space<vmem>>, vector<1x16xi32>,
      %add3A_318 = arith.constant 32 : i32
      %add3A_319 = arith.addi %add3A_298, %add3A_318 : i32
      %add3A_320 = vector.broadcast %add3A_319 : i32 to vector<16xi32>
      %add3A_321 = arith.addi %add3A_320, %iota3A : vector<16xi32>
      %swap3A_322 = arith.constant 2 : i32
      %swap3A_323 = arith.index_cast %swap3A_322 : i32 to index
      %swap3A_324 = arith.constant 32 : index
      %swap3A_325 = tpu.vector_load %arg10[%swap3A_323, %swap3A_324] {strides = array<i32>} : memref<3x128xi32, #tpu.memory_space<vmem>>, vector<1x16xi32>,
      %swap3A_326 = vector.shape_cast %swap3A_325 : vector<1x16xi32> to vector<16xi32>
      %swap3A_327 = vector.shape_cast %add3A_321 : vector<16xi32> to vector<1x16xi32>
      tpu.vector_store %arg10[%swap3A_323, %swap3A_324], %swap3A_327 {strides = array<i32>} : memref<3x128xi32, #tpu.memory_space<vmem>>, vector<1x16xi32>,
      %add3A_328 = arith.constant 48 : i32
      %add3A_329 = arith.addi %add3A_298, %add3A_328 : i32
      %add3A_330 = vector.broadcast %add3A_329 : i32 to vector<16xi32>
      %add3A_331 = arith.addi %add3A_330, %iota3A : vector<16xi32>
      %swap3A_332 = arith.constant 2 : i32
      %swap3A_333 = arith.index_cast %swap3A_332 : i32 to index
      %swap3A_334 = arith.constant 48 : index
      %swap3A_335 = tpu.vector_load %arg10[%swap3A_333, %swap3A_334] {strides = array<i32>} : memref<3x128xi32, #tpu.memory_space<vmem>>, vector<1x16xi32>,
      %swap3A_336 = vector.shape_cast %swap3A_335 : vector<1x16xi32> to vector<16xi32>
      %swap3A_337 = vector.shape_cast %add3A_331 : vector<16xi32> to vector<1x16xi32>
      tpu.vector_store %arg10[%swap3A_333, %swap3A_334], %swap3A_337 {strides = array<i32>} : memref<3x128xi32, #tpu.memory_space<vmem>>, vector<1x16xi32>,
      %add3A_338 = arith.constant 64 : i32
      %add3A_339 = arith.addi %add3A_298, %add3A_338 : i32
      %add3A_340 = vector.broadcast %add3A_339 : i32 to vector<16xi32>
      %add3A_341 = arith.addi %add3A_340, %iota3A : vector<16xi32>
      %swap3A_342 = arith.constant 2 : i32
      %swap3A_343 = arith.index_cast %swap3A_342 : i32 to index
      %swap3A_344 = arith.constant 64 : index
      %swap3A_345 = tpu.vector_load %arg10[%swap3A_343, %swap3A_344] {strides = array<i32>} : memref<3x128xi32, #tpu.memory_space<vmem>>, vector<1x16xi32>,
      %swap3A_346 = vector.shape_cast %swap3A_345 : vector<1x16xi32> to vector<16xi32>
      %swap3A_347 = vector.shape_cast %add3A_341 : vector<16xi32> to vector<1x16xi32>
      tpu.vector_store %arg10[%swap3A_343, %swap3A_344], %swap3A_347 {strides = array<i32>} : memref<3x128xi32, #tpu.memory_space<vmem>>, vector<1x16xi32>,
      %add3A_348 = arith.constant 80 : i32
      %add3A_349 = arith.addi %add3A_298, %add3A_348 : i32
      %add3A_350 = vector.broadcast %add3A_349 : i32 to vector<16xi32>
      %add3A_351 = arith.addi %add3A_350, %iota3A : vector<16xi32>
      %swap3A_352 = arith.constant 2 : i32
      %swap3A_353 = arith.index_cast %swap3A_352 : i32 to index
      %swap3A_354 = arith.constant 80 : index
      %swap3A_355 = tpu.vector_load %arg10[%swap3A_353, %swap3A_354] {strides = array<i32>} : memref<3x128xi32, #tpu.memory_space<vmem>>, vector<1x16xi32>,
      %swap3A_356 = vector.shape_cast %swap3A_355 : vector<1x16xi32> to vector<16xi32>
      %swap3A_357 = vector.shape_cast %add3A_351 : vector<16xi32> to vector<1x16xi32>
      tpu.vector_store %arg10[%swap3A_353, %swap3A_354], %swap3A_357 {strides = array<i32>} : memref<3x128xi32, #tpu.memory_space<vmem>>, vector<1x16xi32>,
      %add3A_358 = arith.constant 96 : i32
      %add3A_359 = arith.addi %add3A_298, %add3A_358 : i32
      %add3A_360 = vector.broadcast %add3A_359 : i32 to vector<16xi32>
      %add3A_361 = arith.addi %add3A_360, %iota3A : vector<16xi32>
      %swap3A_362 = arith.constant 2 : i32
      %swap3A_363 = arith.index_cast %swap3A_362 : i32 to index
      %swap3A_364 = arith.constant 96 : index
      %swap3A_365 = tpu.vector_load %arg10[%swap3A_363, %swap3A_364] {strides = array<i32>} : memref<3x128xi32, #tpu.memory_space<vmem>>, vector<1x16xi32>,
      %swap3A_366 = vector.shape_cast %swap3A_365 : vector<1x16xi32> to vector<16xi32>
      %swap3A_367 = vector.shape_cast %add3A_361 : vector<16xi32> to vector<1x16xi32>
      tpu.vector_store %arg10[%swap3A_363, %swap3A_364], %swap3A_367 {strides = array<i32>} : memref<3x128xi32, #tpu.memory_space<vmem>>, vector<1x16xi32>,
      %add3A_368 = arith.constant 112 : i32
      %add3A_369 = arith.addi %add3A_298, %add3A_368 : i32
      %add3A_370 = vector.broadcast %add3A_369 : i32 to vector<16xi32>
      %add3A_371 = arith.addi %add3A_370, %iota3A : vector<16xi32>
      %swap3A_372 = arith.constant 2 : i32
      %swap3A_373 = arith.index_cast %swap3A_372 : i32 to index
      %swap3A_374 = arith.constant 112 : index
      %swap3A_375 = tpu.vector_load %arg10[%swap3A_373, %swap3A_374] {strides = array<i32>} : memref<3x128xi32, #tpu.memory_space<vmem>>, vector<1x16xi32>,
      %swap3A_376 = vector.shape_cast %swap3A_375 : vector<1x16xi32> to vector<16xi32>
      %swap3A_377 = vector.shape_cast %add3A_371 : vector<16xi32> to vector<1x16xi32>
      tpu.vector_store %arg10[%swap3A_373, %swap3A_374], %swap3A_377 {strides = array<i32>} : memref<3x128xi32, #tpu.memory_space<vmem>>, vector<1x16xi32>,
      %dma_start3A_378 = arith.constant 2 : i32
      %dma_start3A_379 = arith.constant 0 : i32
      %dma_start3A_380 = tpu.memref_slice %arg10[%dma_start3A_378, %dma_start3A_379] : memref<3x128xi32, #tpu.memory_space<vmem>> -> memref<1x128xi32, #tpu.memory_space<vmem>>
      %dma_start3A_381 = tpu.memref_squeeze %dma_start3A_380 : memref<1x128xi32, #tpu.memory_space<vmem>> -> memref<128xi32, #tpu.memory_space<vmem>>
      %dma_start3A_382 = arith.constant 0 : i32
      %dma_start3A_383 = arith.constant 0 : i32
      %dma_start3A_384 = tpu.memref_slice %arg2[%dma_start3A_382, %dma_start3A_383] : memref<16384x256xf32, #tpu.memory_space<hbm>> -> memref<16384x256xf32, #tpu.memory_space<hbm>>
      tpu.enqueue_indirect_dma source(%dma_start3A_384 : memref<16384x256xf32, #tpu.memory_space<hbm>>) target(%arg9 : memref<128x256xf32, #tpu.memory_space<vmem>>) offsets(%dma_start3A_381 : memref<128xi32, #tpu.memory_space<vmem>>) semaphore(%arg16 : memref<!tpu.dma_semaphore, #tpu.memory_space<semaphore_mem>>)
    } else {
    }
    %gt3A_202 = arith.constant 1 : i32
    %gt3A_203 = arith.cmpi sgt, %select_n3A_136, %gt3A_202 : i32
    %convert_element_type3A_204 = arith.extui %gt3A_203 : i1 to i32
    %cond3A_205 = arith.constant 0 : i32
    %cond3A_206 = arith.cmpi ne, %convert_element_type3A_204, %cond3A_205 : i32
    scf.if %cond3A_206 {
      %dma_wait3A_291 = arith.constant 1 : i32
      %dma_wait3A_292 = arith.constant 0 : i32
      %dma_wait3A_293 = tpu.memref_slice %arg10[%dma_wait3A_291, %dma_wait3A_292] : memref<3x128xi32, #tpu.memory_space<vmem>> -> memref<1x128xi32, #tpu.memory_space<vmem>>
      %dma_wait3A_294 = tpu.memref_squeeze %dma_wait3A_293 : memref<1x128xi32, #tpu.memory_space<vmem>> -> memref<128xi32, #tpu.memory_space<vmem>>
      %dma_wait3A_295 = arith.constant 0 : i32
      %dma_wait3A_296 = arith.constant 0 : i32
      %dma_wait3A_297 = tpu.memref_slice %arg2[%dma_wait3A_295, %dma_wait3A_296] : memref<16384x256xf32, #tpu.memory_space<hbm>> -> memref<16384x256xf32, #tpu.memory_space<hbm>>
      tpu.wait_indirect_dma semaphore(%arg15 : memref<!tpu.dma_semaphore, #tpu.memory_space<semaphore_mem>>) src(%dma_wait3A_297 : memref<16384x256xf32, #tpu.memory_space<hbm>>) dst(%arg8 : memref<128x256xf32, #tpu.memory_space<vmem>>)
      %sub3A_298 = arith.constant 1 : i32
      %sub3A_299 = arith.subi %select_n3A_136, %sub3A_298 : i32
      %eq3A_300 = arith.constant 1 : i32
      %eq3A_301 = arith.cmpi eq, %sub3A_299, %eq3A_300 : i32
      %convert_element_type3A_302 = arith.extui %eq3A_301 : i1 to i32
      %cond3A_303 = arith.constant 0 : i32
      %cond3A_304 = arith.cmpi ne, %convert_element_type3A_302, %cond3A_303 : i32
      scf.if %cond3A_304 {
        %gt3A_312 = arith.constant 0 : i32
        %gt3A_313 = arith.cmpi sgt, %select_n3A_108, %gt3A_312 : i32
        %convert_element_type3A_314 = arith.extui %gt3A_313 : i1 to i32
        %cond3A_315 = arith.constant 0 : i32
        %cond3A_316 = arith.cmpi ne, %convert_element_type3A_314, %cond3A_315 : i32
        scf.if %cond3A_316 {
          %dma_wait3A_443 = arith.constant 0 : i32
          %dma_wait3A_444 = tpu.memref_slice %arg4[%add3A_56, %dma_wait3A_443] : memref<32768x256xf32, #tpu.memory_space<hbm>> -> memref<128x256xf32, #tpu.memory_space<hbm>>
          tpu.wait_dma2 semaphore(%arg13 : memref<!tpu.dma_semaphore, #tpu.memory_space<semaphore_mem>>) src(%arg6 : memref<128x256xf32, #tpu.memory_space<vmem_shared>>) dst(%dma_wait3A_444 : memref<128x256xf32, #tpu.memory_space<hbm>>)
        } else {
        }
        %gt3A_317 = arith.constant 1 : i32
        %gt3A_318 = arith.cmpi sgt, %select_n3A_108, %gt3A_317 : i32
        %convert_element_type3A_319 = arith.extui %gt3A_318 : i1 to i32
        %cond3A_320 = arith.constant 0 : i32
        %cond3A_321 = arith.cmpi ne, %convert_element_type3A_319, %cond3A_320 : i32
        scf.if %cond3A_321 {
          %dma_wait3A_443 = arith.constant 0 : i32
          %dma_wait3A_444 = tpu.memref_slice %arg4[%add3A_56, %dma_wait3A_443] : memref<32768x256xf32, #tpu.memory_space<hbm>> -> memref<128x256xf32, #tpu.memory_space<hbm>>
          tpu.wait_dma2 semaphore(%arg13 : memref<!tpu.dma_semaphore, #tpu.memory_space<semaphore_mem>>) src(%arg6 : memref<128x256xf32, #tpu.memory_space<vmem_shared>>) dst(%dma_wait3A_444 : memref<128x256xf32, #tpu.memory_space<hbm>>)
        } else {
        }
        %gt3A_322 = arith.constant 2 : i32
        %gt3A_323 = arith.cmpi sgt, %select_n3A_108, %gt3A_322 : i32
        %convert_element_type3A_324 = arith.extui %gt3A_323 : i1 to i32
        %cond3A_325 = arith.constant 0 : i32
        %cond3A_326 = arith.cmpi ne, %convert_element_type3A_324, %cond3A_325 : i32
        scf.if %cond3A_326 {
          %dma_wait3A_443 = arith.constant 0 : i32
          %dma_wait3A_444 = tpu.memref_slice %arg4[%add3A_56, %dma_wait3A_443] : memref<32768x256xf32, #tpu.memory_space<hbm>> -> memref<128x256xf32, #tpu.memory_space<hbm>>
          tpu.wait_dma2 semaphore(%arg13 : memref<!tpu.dma_semaphore, #tpu.memory_space<semaphore_mem>>) src(%arg6 : memref<128x256xf32, #tpu.memory_space<vmem_shared>>) dst(%dma_wait3A_444 : memref<128x256xf32, #tpu.memory_space<hbm>>)
        } else {
        }
        %gt3A_327 = arith.constant 3 : i32
        %gt3A_328 = arith.cmpi sgt, %select_n3A_108, %gt3A_327 : i32
        %convert_element_type3A_329 = arith.extui %gt3A_328 : i1 to i32
        %cond3A_330 = arith.constant 0 : i32
        %cond3A_331 = arith.cmpi ne, %convert_element_type3A_329, %cond3A_330 : i32
        scf.if %cond3A_331 {
          %dma_wait3A_443 = arith.constant 0 : i32
          %dma_wait3A_444 = tpu.memref_slice %arg4[%add3A_56, %dma_wait3A_443] : memref<32768x256xf32, #tpu.memory_space<hbm>> -> memref<128x256xf32, #tpu.memory_space<hbm>>
          tpu.wait_dma2 semaphore(%arg13 : memref<!tpu.dma_semaphore, #tpu.memory_space<semaphore_mem>>) src(%arg6 : memref<128x256xf32, #tpu.memory_space<vmem_shared>>) dst(%dma_wait3A_444 : memref<128x256xf32, #tpu.memory_space<hbm>>)
        } else {
        }
        %gt3A_332 = arith.constant 4 : i32
        %gt3A_333 = arith.cmpi sgt, %select_n3A_108, %gt3A_332 : i32
        %convert_element_type3A_334 = arith.extui %gt3A_333 : i1 to i32
        %cond3A_335 = arith.constant 0 : i32
        %cond3A_336 = arith.cmpi ne, %convert_element_type3A_334, %cond3A_335 : i32
        scf.if %cond3A_336 {
          %dma_wait3A_443 = arith.constant 0 : i32
          %dma_wait3A_444 = tpu.memref_slice %arg4[%add3A_56, %dma_wait3A_443] : memref<32768x256xf32, #tpu.memory_space<hbm>> -> memref<128x256xf32, #tpu.memory_space<hbm>>
          tpu.wait_dma2 semaphore(%arg13 : memref<!tpu.dma_semaphore, #tpu.memory_space<semaphore_mem>>) src(%arg6 : memref<128x256xf32, #tpu.memory_space<vmem_shared>>) dst(%dma_wait3A_444 : memref<128x256xf32, #tpu.memory_space<hbm>>)
        } else {
        }
        %gt3A_337 = arith.constant 5 : i32
        %gt3A_338 = arith.cmpi sgt, %select_n3A_108, %gt3A_337 : i32
        %convert_element_type3A_339 = arith.extui %gt3A_338 : i1 to i32
        %cond3A_340 = arith.constant 0 : i32
        %cond3A_341 = arith.cmpi ne, %convert_element_type3A_339, %cond3A_340 : i32
        scf.if %cond3A_341 {
          %dma_wait3A_443 = arith.constant 0 : i32
          %dma_wait3A_444 = tpu.memref_slice %arg4[%add3A_56, %dma_wait3A_443] : memref<32768x256xf32, #tpu.memory_space<hbm>> -> memref<128x256xf32, #tpu.memory_space<hbm>>
          tpu.wait_dma2 semaphore(%arg13 : memref<!tpu.dma_semaphore, #tpu.memory_space<semaphore_mem>>) src(%arg6 : memref<128x256xf32, #tpu.memory_space<vmem_shared>>) dst(%dma_wait3A_444 : memref<128x256xf32, #tpu.memory_space<hbm>>)
        } else {
        }
        %gt3A_342 = arith.constant 6 : i32
        %gt3A_343 = arith.cmpi sgt, %select_n3A_108, %gt3A_342 : i32
        %convert_element_type3A_344 = arith.extui %gt3A_343 : i1 to i32
        %cond3A_345 = arith.constant 0 : i32
        %cond3A_346 = arith.cmpi ne, %convert_element_type3A_344, %cond3A_345 : i32
        scf.if %cond3A_346 {
          %dma_wait3A_443 = arith.constant 0 : i32
          %dma_wait3A_444 = tpu.memref_slice %arg4[%add3A_56, %dma_wait3A_443] : memref<32768x256xf32, #tpu.memory_space<hbm>> -> memref<128x256xf32, #tpu.memory_space<hbm>>
          tpu.wait_dma2 semaphore(%arg13 : memref<!tpu.dma_semaphore, #tpu.memory_space<semaphore_mem>>) src(%arg6 : memref<128x256xf32, #tpu.memory_space<vmem_shared>>) dst(%dma_wait3A_444 : memref<128x256xf32, #tpu.memory_space<hbm>>)
        } else {
        }
        %gt3A_347 = arith.constant 7 : i32
        %gt3A_348 = arith.cmpi sgt, %select_n3A_108, %gt3A_347 : i32
        %convert_element_type3A_349 = arith.extui %gt3A_348 : i1 to i32
        %cond3A_350 = arith.constant 0 : i32
        %cond3A_351 = arith.cmpi ne, %convert_element_type3A_349, %cond3A_350 : i32
        scf.if %cond3A_351 {
          %dma_wait3A_443 = arith.constant 0 : i32
          %dma_wait3A_444 = tpu.memref_slice %arg4[%add3A_56, %dma_wait3A_443] : memref<32768x256xf32, #tpu.memory_space<hbm>> -> memref<128x256xf32, #tpu.memory_space<hbm>>
          tpu.wait_dma2 semaphore(%arg13 : memref<!tpu.dma_semaphore, #tpu.memory_space<semaphore_mem>>) src(%arg6 : memref<128x256xf32, #tpu.memory_space<vmem_shared>>) dst(%dma_wait3A_444 : memref<128x256xf32, #tpu.memory_space<hbm>>)
        } else {
        }
        %sub3A_352 = arith.constant 128 : i32
        %sub3A_353 = arith.subi %min3A, %sub3A_352 : i32
        %min3A_354 = arith.constant 128 : i32
        %min3A_355 = arith.minsi %min3A_354, %sub3A_353 : i32
        %add3A_356 = arith.addi %add3A_56, %min3A_355 : i32
        %add3A_357 = arith.constant 0 : i32
        %add3A_358 = arith.addi %add3A_356, %add3A_357 : i32
        %add3A_359 = vector.broadcast %add3A_358 : i32 to vector<16xi32>
        %add3A_360 = arith.addi %add3A_359, %iota3A : vector<16xi32>
        %swap3A = arith.constant 1 : i32
        %swap3A_361 = arith.index_cast %swap3A : i32 to index
        %swap3A_362 = arith.constant 0 : index
        %swap3A_363 = tpu.vector_load %arg11[%swap3A_361, %swap3A_362] {strides = array<i32>} : memref<3x128xi32, #tpu.memory_space<vmem>>, vector<1x16xi32>,
        %swap3A_364 = vector.shape_cast %swap3A_363 : vector<1x16xi32> to vector<16xi32>
        %swap3A_365 = vector.shape_cast %add3A_360 : vector<16xi32> to vector<1x16xi32>
        tpu.vector_store %arg11[%swap3A_361, %swap3A_362], %swap3A_365 {strides = array<i32>} : memref<3x128xi32, #tpu.memory_space<vmem>>, vector<1x16xi32>,
        %add3A_366 = arith.constant 16 : i32
        %add3A_367 = arith.addi %add3A_356, %add3A_366 : i32
        %add3A_368 = vector.broadcast %add3A_367 : i32 to vector<16xi32>
        %add3A_369 = arith.addi %add3A_368, %iota3A : vector<16xi32>
        %swap3A_370 = arith.constant 1 : i32
        %swap3A_371 = arith.index_cast %swap3A_370 : i32 to index
        %swap3A_372 = arith.constant 16 : index
        %swap3A_373 = tpu.vector_load %arg11[%swap3A_371, %swap3A_372] {strides = array<i32>} : memref<3x128xi32, #tpu.memory_space<vmem>>, vector<1x16xi32>,
        %swap3A_374 = vector.shape_cast %swap3A_373 : vector<1x16xi32> to vector<16xi32>
        %swap3A_375 = vector.shape_cast %add3A_369 : vector<16xi32> to vector<1x16xi32>
        tpu.vector_store %arg11[%swap3A_371, %swap3A_372], %swap3A_375 {strides = array<i32>} : memref<3x128xi32, #tpu.memory_space<vmem>>, vector<1x16xi32>,
        %add3A_376 = arith.constant 32 : i32
        %add3A_377 = arith.addi %add3A_356, %add3A_376 : i32
        %add3A_378 = vector.broadcast %add3A_377 : i32 to vector<16xi32>
        %add3A_379 = arith.addi %add3A_378, %iota3A : vector<16xi32>
        %swap3A_380 = arith.constant 1 : i32
        %swap3A_381 = arith.index_cast %swap3A_380 : i32 to index
        %swap3A_382 = arith.constant 32 : index
        %swap3A_383 = tpu.vector_load %arg11[%swap3A_381, %swap3A_382] {strides = array<i32>} : memref<3x128xi32, #tpu.memory_space<vmem>>, vector<1x16xi32>,
        %swap3A_384 = vector.shape_cast %swap3A_383 : vector<1x16xi32> to vector<16xi32>
        %swap3A_385 = vector.shape_cast %add3A_379 : vector<16xi32> to vector<1x16xi32>
        tpu.vector_store %arg11[%swap3A_381, %swap3A_382], %swap3A_385 {strides = array<i32>} : memref<3x128xi32, #tpu.memory_space<vmem>>, vector<1x16xi32>,
        %add3A_386 = arith.constant 48 : i32
        %add3A_387 = arith.addi %add3A_356, %add3A_386 : i32
        %add3A_388 = vector.broadcast %add3A_387 : i32 to vector<16xi32>
        %add3A_389 = arith.addi %add3A_388, %iota3A : vector<16xi32>
        %swap3A_390 = arith.constant 1 : i32
        %swap3A_391 = arith.index_cast %swap3A_390 : i32 to index
        %swap3A_392 = arith.constant 48 : index
        %swap3A_393 = tpu.vector_load %arg11[%swap3A_391, %swap3A_392] {strides = array<i32>} : memref<3x128xi32, #tpu.memory_space<vmem>>, vector<1x16xi32>,
        %swap3A_394 = vector.shape_cast %swap3A_393 : vector<1x16xi32> to vector<16xi32>
        %swap3A_395 = vector.shape_cast %add3A_389 : vector<16xi32> to vector<1x16xi32>
        tpu.vector_store %arg11[%swap3A_391, %swap3A_392], %swap3A_395 {strides = array<i32>} : memref<3x128xi32, #tpu.memory_space<vmem>>, vector<1x16xi32>,
        %add3A_396 = arith.constant 64 : i32
        %add3A_397 = arith.addi %add3A_356, %add3A_396 : i32
        %add3A_398 = vector.broadcast %add3A_397 : i32 to vector<16xi32>
        %add3A_399 = arith.addi %add3A_398, %iota3A : vector<16xi32>
        %swap3A_400 = arith.constant 1 : i32
        %swap3A_401 = arith.index_cast %swap3A_400 : i32 to index
        %swap3A_402 = arith.constant 64 : index
        %swap3A_403 = tpu.vector_load %arg11[%swap3A_401, %swap3A_402] {strides = array<i32>} : memref<3x128xi32, #tpu.memory_space<vmem>>, vector<1x16xi32>,
        %swap3A_404 = vector.shape_cast %swap3A_403 : vector<1x16xi32> to vector<16xi32>
        %swap3A_405 = vector.shape_cast %add3A_399 : vector<16xi32> to vector<1x16xi32>
        tpu.vector_store %arg11[%swap3A_401, %swap3A_402], %swap3A_405 {strides = array<i32>} : memref<3x128xi32, #tpu.memory_space<vmem>>, vector<1x16xi32>,
        %add3A_406 = arith.constant 80 : i32
        %add3A_407 = arith.addi %add3A_356, %add3A_406 : i32
        %add3A_408 = vector.broadcast %add3A_407 : i32 to vector<16xi32>
        %add3A_409 = arith.addi %add3A_408, %iota3A : vector<16xi32>
        %swap3A_410 = arith.constant 1 : i32
        %swap3A_411 = arith.index_cast %swap3A_410 : i32 to index
        %swap3A_412 = arith.constant 80 : index
        %swap3A_413 = tpu.vector_load %arg11[%swap3A_411, %swap3A_412] {strides = array<i32>} : memref<3x128xi32, #tpu.memory_space<vmem>>, vector<1x16xi32>,
        %swap3A_414 = vector.shape_cast %swap3A_413 : vector<1x16xi32> to vector<16xi32>
        %swap3A_415 = vector.shape_cast %add3A_409 : vector<16xi32> to vector<1x16xi32>
        tpu.vector_store %arg11[%swap3A_411, %swap3A_412], %swap3A_415 {strides = array<i32>} : memref<3x128xi32, #tpu.memory_space<vmem>>, vector<1x16xi32>,
        %add3A_416 = arith.constant 96 : i32
        %add3A_417 = arith.addi %add3A_356, %add3A_416 : i32
        %add3A_418 = vector.broadcast %add3A_417 : i32 to vector<16xi32>
        %add3A_419 = arith.addi %add3A_418, %iota3A : vector<16xi32>
        %swap3A_420 = arith.constant 1 : i32
        %swap3A_421 = arith.index_cast %swap3A_420 : i32 to index
        %swap3A_422 = arith.constant 96 : index
        %swap3A_423 = tpu.vector_load %arg11[%swap3A_421, %swap3A_422] {strides = array<i32>} : memref<3x128xi32, #tpu.memory_space<vmem>>, vector<1x16xi32>,
        %swap3A_424 = vector.shape_cast %swap3A_423 : vector<1x16xi32> to vector<16xi32>
        %swap3A_425 = vector.shape_cast %add3A_419 : vector<16xi32> to vector<1x16xi32>
        tpu.vector_store %arg11[%swap3A_421, %swap3A_422], %swap3A_425 {strides = array<i32>} : memref<3x128xi32, #tpu.memory_space<vmem>>, vector<1x16xi32>,
        %add3A_426 = arith.constant 112 : i32
        %add3A_427 = arith.addi %add3A_356, %add3A_426 : i32
        %add3A_428 = vector.broadcast %add3A_427 : i32 to vector<16xi32>
        %add3A_429 = arith.addi %add3A_428, %iota3A : vector<16xi32>
        %swap3A_430 = arith.constant 1 : i32
        %swap3A_431 = arith.index_cast %swap3A_430 : i32 to index
        %swap3A_432 = arith.constant 112 : index
        %swap3A_433 = tpu.vector_load %arg11[%swap3A_431, %swap3A_432] {strides = array<i32>} : memref<3x128xi32, #tpu.memory_space<vmem>>, vector<1x16xi32>,
        %swap3A_434 = vector.shape_cast %swap3A_433 : vector<1x16xi32> to vector<16xi32>
        %swap3A_435 = vector.shape_cast %add3A_429 : vector<16xi32> to vector<1x16xi32>
        tpu.vector_store %arg11[%swap3A_431, %swap3A_432], %swap3A_435 {strides = array<i32>} : memref<3x128xi32, #tpu.memory_space<vmem>>, vector<1x16xi32>,
        %dma_start3A_436 = arith.constant 1 : i32
        %dma_start3A_437 = arith.constant 0 : i32
        %dma_start3A_438 = tpu.memref_slice %arg11[%dma_start3A_436, %dma_start3A_437] : memref<3x128xi32, #tpu.memory_space<vmem>> -> memref<1x128xi32, #tpu.memory_space<vmem>>
        %dma_start3A_439 = tpu.memref_squeeze %dma_start3A_438 : memref<1x128xi32, #tpu.memory_space<vmem>> -> memref<128xi32, #tpu.memory_space<vmem>>
        %dma_start3A_440 = arith.constant 0 : i32
        %dma_start3A_441 = arith.constant 0 : i32
        %dma_start3A_442 = tpu.memref_slice %arg4[%dma_start3A_440, %dma_start3A_441] : memref<32768x256xf32, #tpu.memory_space<hbm>> -> memref<32768x256xf32, #tpu.memory_space<hbm>>
        tpu.enqueue_indirect_dma source(%arg8 : memref<128x256xf32, #tpu.memory_space<vmem>>) target(%dma_start3A_442 : memref<32768x256xf32, #tpu.memory_space<hbm>>) offsets(%dma_start3A_439 : memref<128xi32, #tpu.memory_space<vmem>>) semaphore(%arg18 : memref<!tpu.dma_semaphore, #tpu.memory_space<semaphore_mem>>)
      } else {
      }
      %sub3A_305 = arith.constant 1 : i32
      %sub3A_306 = arith.subi %select_n3A_136, %sub3A_305 : i32
      %ne3A_307 = arith.constant 1 : i32
      %ne3A_308 = arith.cmpi ne, %sub3A_306, %ne3A_307 : i32
      %convert_element_type3A_309 = arith.extui %ne3A_308 : i1 to i32
      %cond3A_310 = arith.constant 0 : i32
      %cond3A_311 = arith.cmpi ne, %convert_element_type3A_309, %cond3A_310 : i32
      scf.if %cond3A_311 {
        %add3A_312 = arith.constant 128 : i32
        %add3A_313 = arith.addi %add3A_56, %add3A_312 : i32
        %multiple_of3A = tpu.assume_multiple %add3A_313, 128 : i32
        %dma_start3A_314 = arith.constant 0 : i32
        %dma_start3A_315 = tpu.memref_slice %arg4[%multiple_of3A, %dma_start3A_314] : memref<32768x256xf32, #tpu.memory_space<hbm>> -> memref<128x256xf32, #tpu.memory_space<hbm>>
        %dma_start3A_316 = arith.constant 0 : i32
        %dma_start3A_317 = tpu.memref_slice %arg4[%multiple_of3A, %dma_start3A_316] : memref<32768x256xf32, #tpu.memory_space<hbm>> -> memref<128x256xf32, #tpu.memory_space<hbm>>
        tpu.enqueue_dma source(%arg8 : memref<128x256xf32, #tpu.memory_space<vmem>>) target(%dma_start3A_317 : memref<128x256xf32, #tpu.memory_space<hbm>>) target_semaphore(%arg18 : memref<!tpu.dma_semaphore, #tpu.memory_space<semaphore_mem>>)
      } else {
      }
    } else {
    }
    %gt3A_207 = arith.constant 3 : i32
    %gt3A_208 = arith.cmpi sgt, %select_n3A_136, %gt3A_207 : i32
    %convert_element_type3A_209 = arith.extui %gt3A_208 : i1 to i32
    %cond3A_210 = arith.constant 0 : i32
    %cond3A_211 = arith.cmpi ne, %convert_element_type3A_209, %cond3A_210 : i32
    scf.if %cond3A_211 {
      %dma_wait3A_291 = arith.constant 0 : i32
      %dma_wait3A_292 = tpu.memref_slice %arg4[%add3A_56, %dma_wait3A_291] : memref<32768x256xf32, #tpu.memory_space<hbm>> -> memref<128x256xf32, #tpu.memory_space<hbm>>
      %dma_wait3A_293 = arith.constant 0 : i32
      %dma_wait3A_294 = tpu.memref_slice %arg4[%add3A_56, %dma_wait3A_293] : memref<32768x256xf32, #tpu.memory_space<hbm>> -> memref<128x256xf32, #tpu.memory_space<hbm>>
      tpu.wait_dma2 semaphore(%arg17 : memref<!tpu.dma_semaphore, #tpu.memory_space<semaphore_mem>>) src(%arg7 : memref<128x256xf32, #tpu.memory_space<vmem>>) dst(%dma_wait3A_294 : memref<128x256xf32, #tpu.memory_space<hbm>>)
      %mul3A_295 = arith.constant 1024 : i32
      %mul3A_296 = arith.muli %select_n3A_30, %mul3A_295 : i32
      %add3A_297 = arith.addi %squeeze3A, %mul3A_296 : i32
      %sub3A_298 = arith.constant 128 : i32
      %sub3A_299 = arith.subi %min3A, %sub3A_298 : i32
      %min3A_300 = arith.constant 384 : i32
      %min3A_301 = arith.minsi %min3A_300, %sub3A_299 : i32
      %add3A_302 = arith.addi %add3A_297, %min3A_301 : i32
      %add3A_303 = arith.constant 0 : i32
      %add3A_304 = arith.addi %add3A_302, %add3A_303 : i32
      %add3A_305 = vector.broadcast %add3A_304 : i32 to vector<16xi32>
      %add3A_306 = arith.addi %add3A_305, %iota3A : vector<16xi32>
      %swap3A = arith.constant 0 : i32
      %swap3A_307 = arith.index_cast %swap3A : i32 to index
      %swap3A_308 = arith.constant 0 : index
      %swap3A_309 = tpu.vector_load %arg10[%swap3A_307, %swap3A_308] {strides = array<i32>} : memref<3x128xi32, #tpu.memory_space<vmem>>, vector<1x16xi32>,
      %swap3A_310 = vector.shape_cast %swap3A_309 : vector<1x16xi32> to vector<16xi32>
      %swap3A_311 = vector.shape_cast %add3A_306 : vector<16xi32> to vector<1x16xi32>
      tpu.vector_store %arg10[%swap3A_307, %swap3A_308], %swap3A_311 {strides = array<i32>} : memref<3x128xi32, #tpu.memory_space<vmem>>, vector<1x16xi32>,
      %add3A_312 = arith.constant 16 : i32
      %add3A_313 = arith.addi %add3A_302, %add3A_312 : i32
      %add3A_314 = vector.broadcast %add3A_313 : i32 to vector<16xi32>
      %add3A_315 = arith.addi %add3A_314, %iota3A : vector<16xi32>
      %swap3A_316 = arith.constant 0 : i32
      %swap3A_317 = arith.index_cast %swap3A_316 : i32 to index
      %swap3A_318 = arith.constant 16 : index
      %swap3A_319 = tpu.vector_load %arg10[%swap3A_317, %swap3A_318] {strides = array<i32>} : memref<3x128xi32, #tpu.memory_space<vmem>>, vector<1x16xi32>,
      %swap3A_320 = vector.shape_cast %swap3A_319 : vector<1x16xi32> to vector<16xi32>
      %swap3A_321 = vector.shape_cast %add3A_315 : vector<16xi32> to vector<1x16xi32>
      tpu.vector_store %arg10[%swap3A_317, %swap3A_318], %swap3A_321 {strides = array<i32>} : memref<3x128xi32, #tpu.memory_space<vmem>>, vector<1x16xi32>,
      %add3A_322 = arith.constant 32 : i32
      %add3A_323 = arith.addi %add3A_302, %add3A_322 : i32
      %add3A_324 = vector.broadcast %add3A_323 : i32 to vector<16xi32>
      %add3A_325 = arith.addi %add3A_324, %iota3A : vector<16xi32>
      %swap3A_326 = arith.constant 0 : i32
      %swap3A_327 = arith.index_cast %swap3A_326 : i32 to index
      %swap3A_328 = arith.constant 32 : index
      %swap3A_329 = tpu.vector_load %arg10[%swap3A_327, %swap3A_328] {strides = array<i32>} : memref<3x128xi32, #tpu.memory_space<vmem>>, vector<1x16xi32>,
      %swap3A_330 = vector.shape_cast %swap3A_329 : vector<1x16xi32> to vector<16xi32>
      %swap3A_331 = vector.shape_cast %add3A_325 : vector<16xi32> to vector<1x16xi32>
      tpu.vector_store %arg10[%swap3A_327, %swap3A_328], %swap3A_331 {strides = array<i32>} : memref<3x128xi32, #tpu.memory_space<vmem>>, vector<1x16xi32>,
      %add3A_332 = arith.constant 48 : i32
      %add3A_333 = arith.addi %add3A_302, %add3A_332 : i32
      %add3A_334 = vector.broadcast %add3A_333 : i32 to vector<16xi32>
      %add3A_335 = arith.addi %add3A_334, %iota3A : vector<16xi32>
      %swap3A_336 = arith.constant 0 : i32
      %swap3A_337 = arith.index_cast %swap3A_336 : i32 to index
      %swap3A_338 = arith.constant 48 : index
      %swap3A_339 = tpu.vector_load %arg10[%swap3A_337, %swap3A_338] {strides = array<i32>} : memref<3x128xi32, #tpu.memory_space<vmem>>, vector<1x16xi32>,
      %swap3A_340 = vector.shape_cast %swap3A_339 : vector<1x16xi32> to vector<16xi32>
      %swap3A_341 = vector.shape_cast %add3A_335 : vector<16xi32> to vector<1x16xi32>
      tpu.vector_store %arg10[%swap3A_337, %swap3A_338], %swap3A_341 {strides = array<i32>} : memref<3x128xi32, #tpu.memory_space<vmem>>, vector<1x16xi32>,
      %add3A_342 = arith.constant 64 : i32
      %add3A_343 = arith.addi %add3A_302, %add3A_342 : i32
      %add3A_344 = vector.broadcast %add3A_343 : i32 to vector<16xi32>
      %add3A_345 = arith.addi %add3A_344, %iota3A : vector<16xi32>
      %swap3A_346 = arith.constant 0 : i32
      %swap3A_347 = arith.index_cast %swap3A_346 : i32 to index
      %swap3A_348 = arith.constant 64 : index
      %swap3A_349 = tpu.vector_load %arg10[%swap3A_347, %swap3A_348] {strides = array<i32>} : memref<3x128xi32, #tpu.memory_space<vmem>>, vector<1x16xi32>,
      %swap3A_350 = vector.shape_cast %swap3A_349 : vector<1x16xi32> to vector<16xi32>
      %swap3A_351 = vector.shape_cast %add3A_345 : vector<16xi32> to vector<1x16xi32>
      tpu.vector_store %arg10[%swap3A_347, %swap3A_348], %swap3A_351 {strides = array<i32>} : memref<3x128xi32, #tpu.memory_space<vmem>>, vector<1x16xi32>,
      %add3A_352 = arith.constant 80 : i32
      %add3A_353 = arith.addi %add3A_302, %add3A_352 : i32
      %add3A_354 = vector.broadcast %add3A_353 : i32 to vector<16xi32>
      %add3A_355 = arith.addi %add3A_354, %iota3A : vector<16xi32>
      %swap3A_356 = arith.constant 0 : i32
      %swap3A_357 = arith.index_cast %swap3A_356 : i32 to index
      %swap3A_358 = arith.constant 80 : index
      %swap3A_359 = tpu.vector_load %arg10[%swap3A_357, %swap3A_358] {strides = array<i32>} : memref<3x128xi32, #tpu.memory_space<vmem>>, vector<1x16xi32>,
      %swap3A_360 = vector.shape_cast %swap3A_359 : vector<1x16xi32> to vector<16xi32>
      %swap3A_361 = vector.shape_cast %add3A_355 : vector<16xi32> to vector<1x16xi32>
      tpu.vector_store %arg10[%swap3A_357, %swap3A_358], %swap3A_361 {strides = array<i32>} : memref<3x128xi32, #tpu.memory_space<vmem>>, vector<1x16xi32>,
      %add3A_362 = arith.constant 96 : i32
      %add3A_363 = arith.addi %add3A_302, %add3A_362 : i32
      %add3A_364 = vector.broadcast %add3A_363 : i32 to vector<16xi32>
      %add3A_365 = arith.addi %add3A_364, %iota3A : vector<16xi32>
      %swap3A_366 = arith.constant 0 : i32
      %swap3A_367 = arith.index_cast %swap3A_366 : i32 to index
      %swap3A_368 = arith.constant 96 : index
      %swap3A_369 = tpu.vector_load %arg10[%swap3A_367, %swap3A_368] {strides = array<i32>} : memref<3x128xi32, #tpu.memory_space<vmem>>, vector<1x16xi32>,
      %swap3A_370 = vector.shape_cast %swap3A_369 : vector<1x16xi32> to vector<16xi32>
      %swap3A_371 = vector.shape_cast %add3A_365 : vector<16xi32> to vector<1x16xi32>
      tpu.vector_store %arg10[%swap3A_367, %swap3A_368], %swap3A_371 {strides = array<i32>} : memref<3x128xi32, #tpu.memory_space<vmem>>, vector<1x16xi32>,
      %add3A_372 = arith.constant 112 : i32
      %add3A_373 = arith.addi %add3A_302, %add3A_372 : i32
      %add3A_374 = vector.broadcast %add3A_373 : i32 to vector<16xi32>
      %add3A_375 = arith.addi %add3A_374, %iota3A : vector<16xi32>
      %swap3A_376 = arith.constant 0 : i32
      %swap3A_377 = arith.index_cast %swap3A_376 : i32 to index
      %swap3A_378 = arith.constant 112 : index
      %swap3A_379 = tpu.vector_load %arg10[%swap3A_377, %swap3A_378] {strides = array<i32>} : memref<3x128xi32, #tpu.memory_space<vmem>>, vector<1x16xi32>,
      %swap3A_380 = vector.shape_cast %swap3A_379 : vector<1x16xi32> to vector<16xi32>
      %swap3A_381 = vector.shape_cast %add3A_375 : vector<16xi32> to vector<1x16xi32>
      tpu.vector_store %arg10[%swap3A_377, %swap3A_378], %swap3A_381 {strides = array<i32>} : memref<3x128xi32, #tpu.memory_space<vmem>>, vector<1x16xi32>,
      %dma_start3A_382 = arith.constant 0 : i32
      %dma_start3A_383 = arith.constant 0 : i32
      %dma_start3A_384 = tpu.memref_slice %arg10[%dma_start3A_382, %dma_start3A_383] : memref<3x128xi32, #tpu.memory_space<vmem>> -> memref<1x128xi32, #tpu.memory_space<vmem>>
      %dma_start3A_385 = tpu.memref_squeeze %dma_start3A_384 : memref<1x128xi32, #tpu.memory_space<vmem>> -> memref<128xi32, #tpu.memory_space<vmem>>
      %dma_start3A_386 = arith.constant 0 : i32
      %dma_start3A_387 = arith.constant 0 : i32
      %dma_start3A_388 = tpu.memref_slice %arg2[%dma_start3A_386, %dma_start3A_387] : memref<16384x256xf32, #tpu.memory_space<hbm>> -> memref<16384x256xf32, #tpu.memory_space<hbm>>
      tpu.enqueue_indirect_dma source(%dma_start3A_388 : memref<16384x256xf32, #tpu.memory_space<hbm>>) target(%arg7 : memref<128x256xf32, #tpu.memory_space<vmem>>) offsets(%dma_start3A_385 : memref<128xi32, #tpu.memory_space<vmem>>) semaphore(%arg14 : memref<!tpu.dma_semaphore, #tpu.memory_space<semaphore_mem>>)
    } else {
    }
    %gt3A_212 = arith.constant 2 : i32
    %gt3A_213 = arith.cmpi sgt, %select_n3A_136, %gt3A_212 : i32
    %convert_element_type3A_214 = arith.extui %gt3A_213 : i1 to i32
    %cond3A_215 = arith.constant 0 : i32
    %cond3A_216 = arith.cmpi ne, %convert_element_type3A_214, %cond3A_215 : i32
    scf.if %cond3A_216 {
      %dma_wait3A_291 = arith.constant 2 : i32
      %dma_wait3A_292 = arith.constant 0 : i32
      %dma_wait3A_293 = tpu.memref_slice %arg10[%dma_wait3A_291, %dma_wait3A_292] : memref<3x128xi32, #tpu.memory_space<vmem>> -> memref<1x128xi32, #tpu.memory_space<vmem>>
      %dma_wait3A_294 = tpu.memref_squeeze %dma_wait3A_293 : memref<1x128xi32, #tpu.memory_space<vmem>> -> memref<128xi32, #tpu.memory_space<vmem>>
      %dma_wait3A_295 = arith.constant 0 : i32
      %dma_wait3A_296 = arith.constant 0 : i32
      %dma_wait3A_297 = tpu.memref_slice %arg2[%dma_wait3A_295, %dma_wait3A_296] : memref<16384x256xf32, #tpu.memory_space<hbm>> -> memref<16384x256xf32, #tpu.memory_space<hbm>>
      tpu.wait_indirect_dma semaphore(%arg16 : memref<!tpu.dma_semaphore, #tpu.memory_space<semaphore_mem>>) src(%dma_wait3A_297 : memref<16384x256xf32, #tpu.memory_space<hbm>>) dst(%arg9 : memref<128x256xf32, #tpu.memory_space<vmem>>)
      %sub3A_298 = arith.constant 1 : i32
      %sub3A_299 = arith.subi %select_n3A_136, %sub3A_298 : i32
      %eq3A_300 = arith.constant 2 : i32
      %eq3A_301 = arith.cmpi eq, %sub3A_299, %eq3A_300 : i32
      %convert_element_type3A_302 = arith.extui %eq3A_301 : i1 to i32
      %cond3A_303 = arith.constant 0 : i32
      %cond3A_304 = arith.cmpi ne, %convert_element_type3A_302, %cond3A_303 : i32
      scf.if %cond3A_304 {
        %gt3A_312 = arith.constant 0 : i32
        %gt3A_313 = arith.cmpi sgt, %select_n3A_108, %gt3A_312 : i32
        %convert_element_type3A_314 = arith.extui %gt3A_313 : i1 to i32
        %cond3A_315 = arith.constant 0 : i32
        %cond3A_316 = arith.cmpi ne, %convert_element_type3A_314, %cond3A_315 : i32
        scf.if %cond3A_316 {
          %dma_wait3A_443 = arith.constant 0 : i32
          %dma_wait3A_444 = tpu.memref_slice %arg4[%add3A_56, %dma_wait3A_443] : memref<32768x256xf32, #tpu.memory_space<hbm>> -> memref<128x256xf32, #tpu.memory_space<hbm>>
          tpu.wait_dma2 semaphore(%arg13 : memref<!tpu.dma_semaphore, #tpu.memory_space<semaphore_mem>>) src(%arg6 : memref<128x256xf32, #tpu.memory_space<vmem_shared>>) dst(%dma_wait3A_444 : memref<128x256xf32, #tpu.memory_space<hbm>>)
        } else {
        }
        %gt3A_317 = arith.constant 1 : i32
        %gt3A_318 = arith.cmpi sgt, %select_n3A_108, %gt3A_317 : i32
        %convert_element_type3A_319 = arith.extui %gt3A_318 : i1 to i32
        %cond3A_320 = arith.constant 0 : i32
        %cond3A_321 = arith.cmpi ne, %convert_element_type3A_319, %cond3A_320 : i32
        scf.if %cond3A_321 {
          %dma_wait3A_443 = arith.constant 0 : i32
          %dma_wait3A_444 = tpu.memref_slice %arg4[%add3A_56, %dma_wait3A_443] : memref<32768x256xf32, #tpu.memory_space<hbm>> -> memref<128x256xf32, #tpu.memory_space<hbm>>
          tpu.wait_dma2 semaphore(%arg13 : memref<!tpu.dma_semaphore, #tpu.memory_space<semaphore_mem>>) src(%arg6 : memref<128x256xf32, #tpu.memory_space<vmem_shared>>) dst(%dma_wait3A_444 : memref<128x256xf32, #tpu.memory_space<hbm>>)
        } else {
        }
        %gt3A_322 = arith.constant 2 : i32
        %gt3A_323 = arith.cmpi sgt, %select_n3A_108, %gt3A_322 : i32
        %convert_element_type3A_324 = arith.extui %gt3A_323 : i1 to i32
        %cond3A_325 = arith.constant 0 : i32
        %cond3A_326 = arith.cmpi ne, %convert_element_type3A_324, %cond3A_325 : i32
        scf.if %cond3A_326 {
          %dma_wait3A_443 = arith.constant 0 : i32
          %dma_wait3A_444 = tpu.memref_slice %arg4[%add3A_56, %dma_wait3A_443] : memref<32768x256xf32, #tpu.memory_space<hbm>> -> memref<128x256xf32, #tpu.memory_space<hbm>>
          tpu.wait_dma2 semaphore(%arg13 : memref<!tpu.dma_semaphore, #tpu.memory_space<semaphore_mem>>) src(%arg6 : memref<128x256xf32, #tpu.memory_space<vmem_shared>>) dst(%dma_wait3A_444 : memref<128x256xf32, #tpu.memory_space<hbm>>)
        } else {
        }
        %gt3A_327 = arith.constant 3 : i32
        %gt3A_328 = arith.cmpi sgt, %select_n3A_108, %gt3A_327 : i32
        %convert_element_type3A_329 = arith.extui %gt3A_328 : i1 to i32
        %cond3A_330 = arith.constant 0 : i32
        %cond3A_331 = arith.cmpi ne, %convert_element_type3A_329, %cond3A_330 : i32
        scf.if %cond3A_331 {
          %dma_wait3A_443 = arith.constant 0 : i32
          %dma_wait3A_444 = tpu.memref_slice %arg4[%add3A_56, %dma_wait3A_443] : memref<32768x256xf32, #tpu.memory_space<hbm>> -> memref<128x256xf32, #tpu.memory_space<hbm>>
          tpu.wait_dma2 semaphore(%arg13 : memref<!tpu.dma_semaphore, #tpu.memory_space<semaphore_mem>>) src(%arg6 : memref<128x256xf32, #tpu.memory_space<vmem_shared>>) dst(%dma_wait3A_444 : memref<128x256xf32, #tpu.memory_space<hbm>>)
        } else {
        }
        %gt3A_332 = arith.constant 4 : i32
        %gt3A_333 = arith.cmpi sgt, %select_n3A_108, %gt3A_332 : i32
        %convert_element_type3A_334 = arith.extui %gt3A_333 : i1 to i32
        %cond3A_335 = arith.constant 0 : i32
        %cond3A_336 = arith.cmpi ne, %convert_element_type3A_334, %cond3A_335 : i32
        scf.if %cond3A_336 {
          %dma_wait3A_443 = arith.constant 0 : i32
          %dma_wait3A_444 = tpu.memref_slice %arg4[%add3A_56, %dma_wait3A_443] : memref<32768x256xf32, #tpu.memory_space<hbm>> -> memref<128x256xf32, #tpu.memory_space<hbm>>
          tpu.wait_dma2 semaphore(%arg13 : memref<!tpu.dma_semaphore, #tpu.memory_space<semaphore_mem>>) src(%arg6 : memref<128x256xf32, #tpu.memory_space<vmem_shared>>) dst(%dma_wait3A_444 : memref<128x256xf32, #tpu.memory_space<hbm>>)
        } else {
        }
        %gt3A_337 = arith.constant 5 : i32
        %gt3A_338 = arith.cmpi sgt, %select_n3A_108, %gt3A_337 : i32
        %convert_element_type3A_339 = arith.extui %gt3A_338 : i1 to i32
        %cond3A_340 = arith.constant 0 : i32
        %cond3A_341 = arith.cmpi ne, %convert_element_type3A_339, %cond3A_340 : i32
        scf.if %cond3A_341 {
          %dma_wait3A_443 = arith.constant 0 : i32
          %dma_wait3A_444 = tpu.memref_slice %arg4[%add3A_56, %dma_wait3A_443] : memref<32768x256xf32, #tpu.memory_space<hbm>> -> memref<128x256xf32, #tpu.memory_space<hbm>>
          tpu.wait_dma2 semaphore(%arg13 : memref<!tpu.dma_semaphore, #tpu.memory_space<semaphore_mem>>) src(%arg6 : memref<128x256xf32, #tpu.memory_space<vmem_shared>>) dst(%dma_wait3A_444 : memref<128x256xf32, #tpu.memory_space<hbm>>)
        } else {
        }
        %gt3A_342 = arith.constant 6 : i32
        %gt3A_343 = arith.cmpi sgt, %select_n3A_108, %gt3A_342 : i32
        %convert_element_type3A_344 = arith.extui %gt3A_343 : i1 to i32
        %cond3A_345 = arith.constant 0 : i32
        %cond3A_346 = arith.cmpi ne, %convert_element_type3A_344, %cond3A_345 : i32
        scf.if %cond3A_346 {
          %dma_wait3A_443 = arith.constant 0 : i32
          %dma_wait3A_444 = tpu.memref_slice %arg4[%add3A_56, %dma_wait3A_443] : memref<32768x256xf32, #tpu.memory_space<hbm>> -> memref<128x256xf32, #tpu.memory_space<hbm>>
          tpu.wait_dma2 semaphore(%arg13 : memref<!tpu.dma_semaphore, #tpu.memory_space<semaphore_mem>>) src(%arg6 : memref<128x256xf32, #tpu.memory_space<vmem_shared>>) dst(%dma_wait3A_444 : memref<128x256xf32, #tpu.memory_space<hbm>>)
        } else {
        }
        %gt3A_347 = arith.constant 7 : i32
        %gt3A_348 = arith.cmpi sgt, %select_n3A_108, %gt3A_347 : i32
        %convert_element_type3A_349 = arith.extui %gt3A_348 : i1 to i32
        %cond3A_350 = arith.constant 0 : i32
        %cond3A_351 = arith.cmpi ne, %convert_element_type3A_349, %cond3A_350 : i32
        scf.if %cond3A_351 {
          %dma_wait3A_443 = arith.constant 0 : i32
          %dma_wait3A_444 = tpu.memref_slice %arg4[%add3A_56, %dma_wait3A_443] : memref<32768x256xf32, #tpu.memory_space<hbm>> -> memref<128x256xf32, #tpu.memory_space<hbm>>
          tpu.wait_dma2 semaphore(%arg13 : memref<!tpu.dma_semaphore, #tpu.memory_space<semaphore_mem>>) src(%arg6 : memref<128x256xf32, #tpu.memory_space<vmem_shared>>) dst(%dma_wait3A_444 : memref<128x256xf32, #tpu.memory_space<hbm>>)
        } else {
        }
        %sub3A_352 = arith.constant 128 : i32
        %sub3A_353 = arith.subi %min3A, %sub3A_352 : i32
        %min3A_354 = arith.constant 256 : i32
        %min3A_355 = arith.minsi %min3A_354, %sub3A_353 : i32
        %add3A_356 = arith.addi %add3A_56, %min3A_355 : i32
        %add3A_357 = arith.constant 0 : i32
        %add3A_358 = arith.addi %add3A_356, %add3A_357 : i32
        %add3A_359 = vector.broadcast %add3A_358 : i32 to vector<16xi32>
        %add3A_360 = arith.addi %add3A_359, %iota3A : vector<16xi32>
        %swap3A = arith.constant 2 : i32
        %swap3A_361 = arith.index_cast %swap3A : i32 to index
        %swap3A_362 = arith.constant 0 : index
        %swap3A_363 = tpu.vector_load %arg11[%swap3A_361, %swap3A_362] {strides = array<i32>} : memref<3x128xi32, #tpu.memory_space<vmem>>, vector<1x16xi32>,
        %swap3A_364 = vector.shape_cast %swap3A_363 : vector<1x16xi32> to vector<16xi32>
        %swap3A_365 = vector.shape_cast %add3A_360 : vector<16xi32> to vector<1x16xi32>
        tpu.vector_store %arg11[%swap3A_361, %swap3A_362], %swap3A_365 {strides = array<i32>} : memref<3x128xi32, #tpu.memory_space<vmem>>, vector<1x16xi32>,
        %add3A_366 = arith.constant 16 : i32
        %add3A_367 = arith.addi %add3A_356, %add3A_366 : i32
        %add3A_368 = vector.broadcast %add3A_367 : i32 to vector<16xi32>
        %add3A_369 = arith.addi %add3A_368, %iota3A : vector<16xi32>
        %swap3A_370 = arith.constant 2 : i32
        %swap3A_371 = arith.index_cast %swap3A_370 : i32 to index
        %swap3A_372 = arith.constant 16 : index
        %swap3A_373 = tpu.vector_load %arg11[%swap3A_371, %swap3A_372] {strides = array<i32>} : memref<3x128xi32, #tpu.memory_space<vmem>>, vector<1x16xi32>,
        %swap3A_374 = vector.shape_cast %swap3A_373 : vector<1x16xi32> to vector<16xi32>
        %swap3A_375 = vector.shape_cast %add3A_369 : vector<16xi32> to vector<1x16xi32>
        tpu.vector_store %arg11[%swap3A_371, %swap3A_372], %swap3A_375 {strides = array<i32>} : memref<3x128xi32, #tpu.memory_space<vmem>>, vector<1x16xi32>,
        %add3A_376 = arith.constant 32 : i32
        %add3A_377 = arith.addi %add3A_356, %add3A_376 : i32
        %add3A_378 = vector.broadcast %add3A_377 : i32 to vector<16xi32>
        %add3A_379 = arith.addi %add3A_378, %iota3A : vector<16xi32>
        %swap3A_380 = arith.constant 2 : i32
        %swap3A_381 = arith.index_cast %swap3A_380 : i32 to index
        %swap3A_382 = arith.constant 32 : index
        %swap3A_383 = tpu.vector_load %arg11[%swap3A_381, %swap3A_382] {strides = array<i32>} : memref<3x128xi32, #tpu.memory_space<vmem>>, vector<1x16xi32>,
        %swap3A_384 = vector.shape_cast %swap3A_383 : vector<1x16xi32> to vector<16xi32>
        %swap3A_385 = vector.shape_cast %add3A_379 : vector<16xi32> to vector<1x16xi32>
        tpu.vector_store %arg11[%swap3A_381, %swap3A_382], %swap3A_385 {strides = array<i32>} : memref<3x128xi32, #tpu.memory_space<vmem>>, vector<1x16xi32>,
        %add3A_386 = arith.constant 48 : i32
        %add3A_387 = arith.addi %add3A_356, %add3A_386 : i32
        %add3A_388 = vector.broadcast %add3A_387 : i32 to vector<16xi32>
        %add3A_389 = arith.addi %add3A_388, %iota3A : vector<16xi32>
        %swap3A_390 = arith.constant 2 : i32
        %swap3A_391 = arith.index_cast %swap3A_390 : i32 to index
        %swap3A_392 = arith.constant 48 : index
        %swap3A_393 = tpu.vector_load %arg11[%swap3A_391, %swap3A_392] {strides = array<i32>} : memref<3x128xi32, #tpu.memory_space<vmem>>, vector<1x16xi32>,
        %swap3A_394 = vector.shape_cast %swap3A_393 : vector<1x16xi32> to vector<16xi32>
        %swap3A_395 = vector.shape_cast %add3A_389 : vector<16xi32> to vector<1x16xi32>
        tpu.vector_store %arg11[%swap3A_391, %swap3A_392], %swap3A_395 {strides = array<i32>} : memref<3x128xi32, #tpu.memory_space<vmem>>, vector<1x16xi32>,
        %add3A_396 = arith.constant 64 : i32
        %add3A_397 = arith.addi %add3A_356, %add3A_396 : i32
        %add3A_398 = vector.broadcast %add3A_397 : i32 to vector<16xi32>
        %add3A_399 = arith.addi %add3A_398, %iota3A : vector<16xi32>
        %swap3A_400 = arith.constant 2 : i32
        %swap3A_401 = arith.index_cast %swap3A_400 : i32 to index
        %swap3A_402 = arith.constant 64 : index
        %swap3A_403 = tpu.vector_load %arg11[%swap3A_401, %swap3A_402] {strides = array<i32>} : memref<3x128xi32, #tpu.memory_space<vmem>>, vector<1x16xi32>,
        %swap3A_404 = vector.shape_cast %swap3A_403 : vector<1x16xi32> to vector<16xi32>
        %swap3A_405 = vector.shape_cast %add3A_399 : vector<16xi32> to vector<1x16xi32>
        tpu.vector_store %arg11[%swap3A_401, %swap3A_402], %swap3A_405 {strides = array<i32>} : memref<3x128xi32, #tpu.memory_space<vmem>>, vector<1x16xi32>,
        %add3A_406 = arith.constant 80 : i32
        %add3A_407 = arith.addi %add3A_356, %add3A_406 : i32
        %add3A_408 = vector.broadcast %add3A_407 : i32 to vector<16xi32>
        %add3A_409 = arith.addi %add3A_408, %iota3A : vector<16xi32>
        %swap3A_410 = arith.constant 2 : i32
        %swap3A_411 = arith.index_cast %swap3A_410 : i32 to index
        %swap3A_412 = arith.constant 80 : index
        %swap3A_413 = tpu.vector_load %arg11[%swap3A_411, %swap3A_412] {strides = array<i32>} : memref<3x128xi32, #tpu.memory_space<vmem>>, vector<1x16xi32>,
        %swap3A_414 = vector.shape_cast %swap3A_413 : vector<1x16xi32> to vector<16xi32>
        %swap3A_415 = vector.shape_cast %add3A_409 : vector<16xi32> to vector<1x16xi32>
        tpu.vector_store %arg11[%swap3A_411, %swap3A_412], %swap3A_415 {strides = array<i32>} : memref<3x128xi32, #tpu.memory_space<vmem>>, vector<1x16xi32>,
        %add3A_416 = arith.constant 96 : i32
        %add3A_417 = arith.addi %add3A_356, %add3A_416 : i32
        %add3A_418 = vector.broadcast %add3A_417 : i32 to vector<16xi32>
        %add3A_419 = arith.addi %add3A_418, %iota3A : vector<16xi32>
        %swap3A_420 = arith.constant 2 : i32
        %swap3A_421 = arith.index_cast %swap3A_420 : i32 to index
        %swap3A_422 = arith.constant 96 : index
        %swap3A_423 = tpu.vector_load %arg11[%swap3A_421, %swap3A_422] {strides = array<i32>} : memref<3x128xi32, #tpu.memory_space<vmem>>, vector<1x16xi32>,
        %swap3A_424 = vector.shape_cast %swap3A_423 : vector<1x16xi32> to vector<16xi32>
        %swap3A_425 = vector.shape_cast %add3A_419 : vector<16xi32> to vector<1x16xi32>
        tpu.vector_store %arg11[%swap3A_421, %swap3A_422], %swap3A_425 {strides = array<i32>} : memref<3x128xi32, #tpu.memory_space<vmem>>, vector<1x16xi32>,
        %add3A_426 = arith.constant 112 : i32
        %add3A_427 = arith.addi %add3A_356, %add3A_426 : i32
        %add3A_428 = vector.broadcast %add3A_427 : i32 to vector<16xi32>
        %add3A_429 = arith.addi %add3A_428, %iota3A : vector<16xi32>
        %swap3A_430 = arith.constant 2 : i32
        %swap3A_431 = arith.index_cast %swap3A_430 : i32 to index
        %swap3A_432 = arith.constant 112 : index
        %swap3A_433 = tpu.vector_load %arg11[%swap3A_431, %swap3A_432] {strides = array<i32>} : memref<3x128xi32, #tpu.memory_space<vmem>>, vector<1x16xi32>,
        %swap3A_434 = vector.shape_cast %swap3A_433 : vector<1x16xi32> to vector<16xi32>
        %swap3A_435 = vector.shape_cast %add3A_429 : vector<16xi32> to vector<1x16xi32>
        tpu.vector_store %arg11[%swap3A_431, %swap3A_432], %swap3A_435 {strides = array<i32>} : memref<3x128xi32, #tpu.memory_space<vmem>>, vector<1x16xi32>,
        %dma_start3A_436 = arith.constant 2 : i32
        %dma_start3A_437 = arith.constant 0 : i32
        %dma_start3A_438 = tpu.memref_slice %arg11[%dma_start3A_436, %dma_start3A_437] : memref<3x128xi32, #tpu.memory_space<vmem>> -> memref<1x128xi32, #tpu.memory_space<vmem>>
        %dma_start3A_439 = tpu.memref_squeeze %dma_start3A_438 : memref<1x128xi32, #tpu.memory_space<vmem>> -> memref<128xi32, #tpu.memory_space<vmem>>
        %dma_start3A_440 = arith.constant 0 : i32
        %dma_start3A_441 = arith.constant 0 : i32
        %dma_start3A_442 = tpu.memref_slice %arg4[%dma_start3A_440, %dma_start3A_441] : memref<32768x256xf32, #tpu.memory_space<hbm>> -> memref<32768x256xf32, #tpu.memory_space<hbm>>
        tpu.enqueue_indirect_dma source(%arg9 : memref<128x256xf32, #tpu.memory_space<vmem>>) target(%dma_start3A_442 : memref<32768x256xf32, #tpu.memory_space<hbm>>) offsets(%dma_start3A_439 : memref<128xi32, #tpu.memory_space<vmem>>) semaphore(%arg19 : memref<!tpu.dma_semaphore, #tpu.memory_space<semaphore_mem>>)
      } else {
      }
      %sub3A_305 = arith.constant 1 : i32
      %sub3A_306 = arith.subi %select_n3A_136, %sub3A_305 : i32
      %ne3A_307 = arith.constant 2 : i32
      %ne3A_308 = arith.cmpi ne, %sub3A_306, %ne3A_307 : i32
      %convert_element_type3A_309 = arith.extui %ne3A_308 : i1 to i32
      %cond3A_310 = arith.constant 0 : i32
      %cond3A_311 = arith.cmpi ne, %convert_element_type3A_309, %cond3A_310 : i32
      scf.if %cond3A_311 {
        %add3A_312 = arith.constant 256 : i32
        %add3A_313 = arith.addi %add3A_56, %add3A_312 : i32
        %multiple_of3A = tpu.assume_multiple %add3A_313, 128 : i32
        %dma_start3A_314 = arith.constant 0 : i32
        %dma_start3A_315 = tpu.memref_slice %arg4[%multiple_of3A, %dma_start3A_314] : memref<32768x256xf32, #tpu.memory_space<hbm>> -> memref<128x256xf32, #tpu.memory_space<hbm>>
        %dma_start3A_316 = arith.constant 0 : i32
        %dma_start3A_317 = tpu.memref_slice %arg4[%multiple_of3A, %dma_start3A_316] : memref<32768x256xf32, #tpu.memory_space<hbm>> -> memref<128x256xf32, #tpu.memory_space<hbm>>
        tpu.enqueue_dma source(%arg9 : memref<128x256xf32, #tpu.memory_space<vmem>>) target(%dma_start3A_317 : memref<128x256xf32, #tpu.memory_space<hbm>>) target_semaphore(%arg19 : memref<!tpu.dma_semaphore, #tpu.memory_space<semaphore_mem>>)
      } else {
      }
    } else {
    }
    %gt3A_217 = arith.constant 4 : i32
    %gt3A_218 = arith.cmpi sgt, %select_n3A_136, %gt3A_217 : i32
    %convert_element_type3A_219 = arith.extui %gt3A_218 : i1 to i32
    %cond3A_220 = arith.constant 0 : i32
    %cond3A_221 = arith.cmpi ne, %convert_element_type3A_219, %cond3A_220 : i32
    scf.if %cond3A_221 {
      %dma_wait3A_291 = arith.constant 0 : i32
      %dma_wait3A_292 = tpu.memref_slice %arg4[%add3A_56, %dma_wait3A_291] : memref<32768x256xf32, #tpu.memory_space<hbm>> -> memref<128x256xf32, #tpu.memory_space<hbm>>
      %dma_wait3A_293 = arith.constant 0 : i32
      %dma_wait3A_294 = tpu.memref_slice %arg4[%add3A_56, %dma_wait3A_293] : memref<32768x256xf32, #tpu.memory_space<hbm>> -> memref<128x256xf32, #tpu.memory_space<hbm>>
      tpu.wait_dma2 semaphore(%arg18 : memref<!tpu.dma_semaphore, #tpu.memory_space<semaphore_mem>>) src(%arg8 : memref<128x256xf32, #tpu.memory_space<vmem>>) dst(%dma_wait3A_294 : memref<128x256xf32, #tpu.memory_space<hbm>>)
      %mul3A_295 = arith.constant 1024 : i32
      %mul3A_296 = arith.muli %select_n3A_30, %mul3A_295 : i32
      %add3A_297 = arith.addi %squeeze3A, %mul3A_296 : i32
      %sub3A_298 = arith.constant 128 : i32
      %sub3A_299 = arith.subi %min3A, %sub3A_298 : i32
      %min3A_300 = arith.constant 512 : i32
      %min3A_301 = arith.minsi %min3A_300, %sub3A_299 : i32
      %add3A_302 = arith.addi %add3A_297, %min3A_301 : i32
      %add3A_303 = arith.constant 0 : i32
      %add3A_304 = arith.addi %add3A_302, %add3A_303 : i32
      %add3A_305 = vector.broadcast %add3A_304 : i32 to vector<16xi32>
      %add3A_306 = arith.addi %add3A_305, %iota3A : vector<16xi32>
      %swap3A = arith.constant 1 : i32
      %swap3A_307 = arith.index_cast %swap3A : i32 to index
      %swap3A_308 = arith.constant 0 : index
      %swap3A_309 = tpu.vector_load %arg10[%swap3A_307, %swap3A_308] {strides = array<i32>} : memref<3x128xi32, #tpu.memory_space<vmem>>, vector<1x16xi32>,
      %swap3A_310 = vector.shape_cast %swap3A_309 : vector<1x16xi32> to vector<16xi32>
      %swap3A_311 = vector.shape_cast %add3A_306 : vector<16xi32> to vector<1x16xi32>
      tpu.vector_store %arg10[%swap3A_307, %swap3A_308], %swap3A_311 {strides = array<i32>} : memref<3x128xi32, #tpu.memory_space<vmem>>, vector<1x16xi32>,
      %add3A_312 = arith.constant 16 : i32
      %add3A_313 = arith.addi %add3A_302, %add3A_312 : i32
      %add3A_314 = vector.broadcast %add3A_313 : i32 to vector<16xi32>
      %add3A_315 = arith.addi %add3A_314, %iota3A : vector<16xi32>
      %swap3A_316 = arith.constant 1 : i32
      %swap3A_317 = arith.index_cast %swap3A_316 : i32 to index
      %swap3A_318 = arith.constant 16 : index
      %swap3A_319 = tpu.vector_load %arg10[%swap3A_317, %swap3A_318] {strides = array<i32>} : memref<3x128xi32, #tpu.memory_space<vmem>>, vector<1x16xi32>,
      %swap3A_320 = vector.shape_cast %swap3A_319 : vector<1x16xi32> to vector<16xi32>
      %swap3A_321 = vector.shape_cast %add3A_315 : vector<16xi32> to vector<1x16xi32>
      tpu.vector_store %arg10[%swap3A_317, %swap3A_318], %swap3A_321 {strides = array<i32>} : memref<3x128xi32, #tpu.memory_space<vmem>>, vector<1x16xi32>,
      %add3A_322 = arith.constant 32 : i32
      %add3A_323 = arith.addi %add3A_302, %add3A_322 : i32
      %add3A_324 = vector.broadcast %add3A_323 : i32 to vector<16xi32>
      %add3A_325 = arith.addi %add3A_324, %iota3A : vector<16xi32>
      %swap3A_326 = arith.constant 1 : i32
      %swap3A_327 = arith.index_cast %swap3A_326 : i32 to index
      %swap3A_328 = arith.constant 32 : index
      %swap3A_329 = tpu.vector_load %arg10[%swap3A_327, %swap3A_328] {strides = array<i32>} : memref<3x128xi32, #tpu.memory_space<vmem>>, vector<1x16xi32>,
      %swap3A_330 = vector.shape_cast %swap3A_329 : vector<1x16xi32> to vector<16xi32>
      %swap3A_331 = vector.shape_cast %add3A_325 : vector<16xi32> to vector<1x16xi32>
      tpu.vector_store %arg10[%swap3A_327, %swap3A_328], %swap3A_331 {strides = array<i32>} : memref<3x128xi32, #tpu.memory_space<vmem>>, vector<1x16xi32>,
      %add3A_332 = arith.constant 48 : i32
      %add3A_333 = arith.addi %add3A_302, %add3A_332 : i32
      %add3A_334 = vector.broadcast %add3A_333 : i32 to vector<16xi32>
      %add3A_335 = arith.addi %add3A_334, %iota3A : vector<16xi32>
      %swap3A_336 = arith.constant 1 : i32
      %swap3A_337 = arith.index_cast %swap3A_336 : i32 to index
      %swap3A_338 = arith.constant 48 : index
      %swap3A_339 = tpu.vector_load %arg10[%swap3A_337, %swap3A_338] {strides = array<i32>} : memref<3x128xi32, #tpu.memory_space<vmem>>, vector<1x16xi32>,
      %swap3A_340 = vector.shape_cast %swap3A_339 : vector<1x16xi32> to vector<16xi32>
      %swap3A_341 = vector.shape_cast %add3A_335 : vector<16xi32> to vector<1x16xi32>
      tpu.vector_store %arg10[%swap3A_337, %swap3A_338], %swap3A_341 {strides = array<i32>} : memref<3x128xi32, #tpu.memory_space<vmem>>, vector<1x16xi32>,
      %add3A_342 = arith.constant 64 : i32
      %add3A_343 = arith.addi %add3A_302, %add3A_342 : i32
      %add3A_344 = vector.broadcast %add3A_343 : i32 to vector<16xi32>
      %add3A_345 = arith.addi %add3A_344, %iota3A : vector<16xi32>
      %swap3A_346 = arith.constant 1 : i32
      %swap3A_347 = arith.index_cast %swap3A_346 : i32 to index
      %swap3A_348 = arith.constant 64 : index
      %swap3A_349 = tpu.vector_load %arg10[%swap3A_347, %swap3A_348] {strides = array<i32>} : memref<3x128xi32, #tpu.memory_space<vmem>>, vector<1x16xi32>,
      %swap3A_350 = vector.shape_cast %swap3A_349 : vector<1x16xi32> to vector<16xi32>
      %swap3A_351 = vector.shape_cast %add3A_345 : vector<16xi32> to vector<1x16xi32>
      tpu.vector_store %arg10[%swap3A_347, %swap3A_348], %swap3A_351 {strides = array<i32>} : memref<3x128xi32, #tpu.memory_space<vmem>>, vector<1x16xi32>,
      %add3A_352 = arith.constant 80 : i32
      %add3A_353 = arith.addi %add3A_302, %add3A_352 : i32
      %add3A_354 = vector.broadcast %add3A_353 : i32 to vector<16xi32>
      %add3A_355 = arith.addi %add3A_354, %iota3A : vector<16xi32>
      %swap3A_356 = arith.constant 1 : i32
      %swap3A_357 = arith.index_cast %swap3A_356 : i32 to index
      %swap3A_358 = arith.constant 80 : index
      %swap3A_359 = tpu.vector_load %arg10[%swap3A_357, %swap3A_358] {strides = array<i32>} : memref<3x128xi32, #tpu.memory_space<vmem>>, vector<1x16xi32>,
      %swap3A_360 = vector.shape_cast %swap3A_359 : vector<1x16xi32> to vector<16xi32>
      %swap3A_361 = vector.shape_cast %add3A_355 : vector<16xi32> to vector<1x16xi32>
      tpu.vector_store %arg10[%swap3A_357, %swap3A_358], %swap3A_361 {strides = array<i32>} : memref<3x128xi32, #tpu.memory_space<vmem>>, vector<1x16xi32>,
      %add3A_362 = arith.constant 96 : i32
      %add3A_363 = arith.addi %add3A_302, %add3A_362 : i32
      %add3A_364 = vector.broadcast %add3A_363 : i32 to vector<16xi32>
      %add3A_365 = arith.addi %add3A_364, %iota3A : vector<16xi32>
      %swap3A_366 = arith.constant 1 : i32
      %swap3A_367 = arith.index_cast %swap3A_366 : i32 to index
      %swap3A_368 = arith.constant 96 : index
      %swap3A_369 = tpu.vector_load %arg10[%swap3A_367, %swap3A_368] {strides = array<i32>} : memref<3x128xi32, #tpu.memory_space<vmem>>, vector<1x16xi32>,
      %swap3A_370 = vector.shape_cast %swap3A_369 : vector<1x16xi32> to vector<16xi32>
      %swap3A_371 = vector.shape_cast %add3A_365 : vector<16xi32> to vector<1x16xi32>
      tpu.vector_store %arg10[%swap3A_367, %swap3A_368], %swap3A_371 {strides = array<i32>} : memref<3x128xi32, #tpu.memory_space<vmem>>, vector<1x16xi32>,
      %add3A_372 = arith.constant 112 : i32
      %add3A_373 = arith.addi %add3A_302, %add3A_372 : i32
      %add3A_374 = vector.broadcast %add3A_373 : i32 to vector<16xi32>
      %add3A_375 = arith.addi %add3A_374, %iota3A : vector<16xi32>
      %swap3A_376 = arith.constant 1 : i32
      %swap3A_377 = arith.index_cast %swap3A_376 : i32 to index
      %swap3A_378 = arith.constant 112 : index
      %swap3A_379 = tpu.vector_load %arg10[%swap3A_377, %swap3A_378] {strides = array<i32>} : memref<3x128xi32, #tpu.memory_space<vmem>>, vector<1x16xi32>,
      %swap3A_380 = vector.shape_cast %swap3A_379 : vector<1x16xi32> to vector<16xi32>
      %swap3A_381 = vector.shape_cast %add3A_375 : vector<16xi32> to vector<1x16xi32>
      tpu.vector_store %arg10[%swap3A_377, %swap3A_378], %swap3A_381 {strides = array<i32>} : memref<3x128xi32, #tpu.memory_space<vmem>>, vector<1x16xi32>,
      %dma_start3A_382 = arith.constant 1 : i32
      %dma_start3A_383 = arith.constant 0 : i32
      %dma_start3A_384 = tpu.memref_slice %arg10[%dma_start3A_382, %dma_start3A_383] : memref<3x128xi32, #tpu.memory_space<vmem>> -> memref<1x128xi32, #tpu.memory_space<vmem>>
      %dma_start3A_385 = tpu.memref_squeeze %dma_start3A_384 : memref<1x128xi32, #tpu.memory_space<vmem>> -> memref<128xi32, #tpu.memory_space<vmem>>
      %dma_start3A_386 = arith.constant 0 : i32
      %dma_start3A_387 = arith.constant 0 : i32
      %dma_start3A_388 = tpu.memref_slice %arg2[%dma_start3A_386, %dma_start3A_387] : memref<16384x256xf32, #tpu.memory_space<hbm>> -> memref<16384x256xf32, #tpu.memory_space<hbm>>
      tpu.enqueue_indirect_dma source(%dma_start3A_388 : memref<16384x256xf32, #tpu.memory_space<hbm>>) target(%arg8 : memref<128x256xf32, #tpu.memory_space<vmem>>) offsets(%dma_start3A_385 : memref<128xi32, #tpu.memory_space<vmem>>) semaphore(%arg15 : memref<!tpu.dma_semaphore, #tpu.memory_space<semaphore_mem>>)
    } else {
    }
    %gt3A_222 = arith.constant 3 : i32
    %gt3A_223 = arith.cmpi sgt, %select_n3A_136, %gt3A_222 : i32
    %convert_element_type3A_224 = arith.extui %gt3A_223 : i1 to i32
    %cond3A_225 = arith.constant 0 : i32
    %cond3A_226 = arith.cmpi ne, %convert_element_type3A_224, %cond3A_225 : i32
    scf.if %cond3A_226 {
      %dma_wait3A_291 = arith.constant 0 : i32
      %dma_wait3A_292 = arith.constant 0 : i32
      %dma_wait3A_293 = tpu.memref_slice %arg10[%dma_wait3A_291, %dma_wait3A_292] : memref<3x128xi32, #tpu.memory_space<vmem>> -> memref<1x128xi32, #tpu.memory_space<vmem>>
      %dma_wait3A_294 = tpu.memref_squeeze %dma_wait3A_293 : memref<1x128xi32, #tpu.memory_space<vmem>> -> memref<128xi32, #tpu.memory_space<vmem>>
      %dma_wait3A_295 = arith.constant 0 : i32
      %dma_wait3A_296 = arith.constant 0 : i32
      %dma_wait3A_297 = tpu.memref_slice %arg2[%dma_wait3A_295, %dma_wait3A_296] : memref<16384x256xf32, #tpu.memory_space<hbm>> -> memref<16384x256xf32, #tpu.memory_space<hbm>>
      tpu.wait_indirect_dma semaphore(%arg14 : memref<!tpu.dma_semaphore, #tpu.memory_space<semaphore_mem>>) src(%dma_wait3A_297 : memref<16384x256xf32, #tpu.memory_space<hbm>>) dst(%arg7 : memref<128x256xf32, #tpu.memory_space<vmem>>)
      %sub3A_298 = arith.constant 1 : i32
      %sub3A_299 = arith.subi %select_n3A_136, %sub3A_298 : i32
      %eq3A_300 = arith.constant 3 : i32
      %eq3A_301 = arith.cmpi eq, %sub3A_299, %eq3A_300 : i32
      %convert_element_type3A_302 = arith.extui %eq3A_301 : i1 to i32
      %cond3A_303 = arith.constant 0 : i32
      %cond3A_304 = arith.cmpi ne, %convert_element_type3A_302, %cond3A_303 : i32
      scf.if %cond3A_304 {
        %gt3A_312 = arith.constant 0 : i32
        %gt3A_313 = arith.cmpi sgt, %select_n3A_108, %gt3A_312 : i32
        %convert_element_type3A_314 = arith.extui %gt3A_313 : i1 to i32
        %cond3A_315 = arith.constant 0 : i32
        %cond3A_316 = arith.cmpi ne, %convert_element_type3A_314, %cond3A_315 : i32
        scf.if %cond3A_316 {
          %dma_wait3A_443 = arith.constant 0 : i32
          %dma_wait3A_444 = tpu.memref_slice %arg4[%add3A_56, %dma_wait3A_443] : memref<32768x256xf32, #tpu.memory_space<hbm>> -> memref<128x256xf32, #tpu.memory_space<hbm>>
          tpu.wait_dma2 semaphore(%arg13 : memref<!tpu.dma_semaphore, #tpu.memory_space<semaphore_mem>>) src(%arg6 : memref<128x256xf32, #tpu.memory_space<vmem_shared>>) dst(%dma_wait3A_444 : memref<128x256xf32, #tpu.memory_space<hbm>>)
        } else {
        }
        %gt3A_317 = arith.constant 1 : i32
        %gt3A_318 = arith.cmpi sgt, %select_n3A_108, %gt3A_317 : i32
        %convert_element_type3A_319 = arith.extui %gt3A_318 : i1 to i32
        %cond3A_320 = arith.constant 0 : i32
        %cond3A_321 = arith.cmpi ne, %convert_element_type3A_319, %cond3A_320 : i32
        scf.if %cond3A_321 {
          %dma_wait3A_443 = arith.constant 0 : i32
          %dma_wait3A_444 = tpu.memref_slice %arg4[%add3A_56, %dma_wait3A_443] : memref<32768x256xf32, #tpu.memory_space<hbm>> -> memref<128x256xf32, #tpu.memory_space<hbm>>
          tpu.wait_dma2 semaphore(%arg13 : memref<!tpu.dma_semaphore, #tpu.memory_space<semaphore_mem>>) src(%arg6 : memref<128x256xf32, #tpu.memory_space<vmem_shared>>) dst(%dma_wait3A_444 : memref<128x256xf32, #tpu.memory_space<hbm>>)
        } else {
        }
        %gt3A_322 = arith.constant 2 : i32
        %gt3A_323 = arith.cmpi sgt, %select_n3A_108, %gt3A_322 : i32
        %convert_element_type3A_324 = arith.extui %gt3A_323 : i1 to i32
        %cond3A_325 = arith.constant 0 : i32
        %cond3A_326 = arith.cmpi ne, %convert_element_type3A_324, %cond3A_325 : i32
        scf.if %cond3A_326 {
          %dma_wait3A_443 = arith.constant 0 : i32
          %dma_wait3A_444 = tpu.memref_slice %arg4[%add3A_56, %dma_wait3A_443] : memref<32768x256xf32, #tpu.memory_space<hbm>> -> memref<128x256xf32, #tpu.memory_space<hbm>>
          tpu.wait_dma2 semaphore(%arg13 : memref<!tpu.dma_semaphore, #tpu.memory_space<semaphore_mem>>) src(%arg6 : memref<128x256xf32, #tpu.memory_space<vmem_shared>>) dst(%dma_wait3A_444 : memref<128x256xf32, #tpu.memory_space<hbm>>)
        } else {
        }
        %gt3A_327 = arith.constant 3 : i32
        %gt3A_328 = arith.cmpi sgt, %select_n3A_108, %gt3A_327 : i32
        %convert_element_type3A_329 = arith.extui %gt3A_328 : i1 to i32
        %cond3A_330 = arith.constant 0 : i32
        %cond3A_331 = arith.cmpi ne, %convert_element_type3A_329, %cond3A_330 : i32
        scf.if %cond3A_331 {
          %dma_wait3A_443 = arith.constant 0 : i32
          %dma_wait3A_444 = tpu.memref_slice %arg4[%add3A_56, %dma_wait3A_443] : memref<32768x256xf32, #tpu.memory_space<hbm>> -> memref<128x256xf32, #tpu.memory_space<hbm>>
          tpu.wait_dma2 semaphore(%arg13 : memref<!tpu.dma_semaphore, #tpu.memory_space<semaphore_mem>>) src(%arg6 : memref<128x256xf32, #tpu.memory_space<vmem_shared>>) dst(%dma_wait3A_444 : memref<128x256xf32, #tpu.memory_space<hbm>>)
        } else {
        }
        %gt3A_332 = arith.constant 4 : i32
        %gt3A_333 = arith.cmpi sgt, %select_n3A_108, %gt3A_332 : i32
        %convert_element_type3A_334 = arith.extui %gt3A_333 : i1 to i32
        %cond3A_335 = arith.constant 0 : i32
        %cond3A_336 = arith.cmpi ne, %convert_element_type3A_334, %cond3A_335 : i32
        scf.if %cond3A_336 {
          %dma_wait3A_443 = arith.constant 0 : i32
          %dma_wait3A_444 = tpu.memref_slice %arg4[%add3A_56, %dma_wait3A_443] : memref<32768x256xf32, #tpu.memory_space<hbm>> -> memref<128x256xf32, #tpu.memory_space<hbm>>
          tpu.wait_dma2 semaphore(%arg13 : memref<!tpu.dma_semaphore, #tpu.memory_space<semaphore_mem>>) src(%arg6 : memref<128x256xf32, #tpu.memory_space<vmem_shared>>) dst(%dma_wait3A_444 : memref<128x256xf32, #tpu.memory_space<hbm>>)
        } else {
        }
        %gt3A_337 = arith.constant 5 : i32
        %gt3A_338 = arith.cmpi sgt, %select_n3A_108, %gt3A_337 : i32
        %convert_element_type3A_339 = arith.extui %gt3A_338 : i1 to i32
        %cond3A_340 = arith.constant 0 : i32
        %cond3A_341 = arith.cmpi ne, %convert_element_type3A_339, %cond3A_340 : i32
        scf.if %cond3A_341 {
          %dma_wait3A_443 = arith.constant 0 : i32
          %dma_wait3A_444 = tpu.memref_slice %arg4[%add3A_56, %dma_wait3A_443] : memref<32768x256xf32, #tpu.memory_space<hbm>> -> memref<128x256xf32, #tpu.memory_space<hbm>>
          tpu.wait_dma2 semaphore(%arg13 : memref<!tpu.dma_semaphore, #tpu.memory_space<semaphore_mem>>) src(%arg6 : memref<128x256xf32, #tpu.memory_space<vmem_shared>>) dst(%dma_wait3A_444 : memref<128x256xf32, #tpu.memory_space<hbm>>)
        } else {
        }
        %gt3A_342 = arith.constant 6 : i32
        %gt3A_343 = arith.cmpi sgt, %select_n3A_108, %gt3A_342 : i32
        %convert_element_type3A_344 = arith.extui %gt3A_343 : i1 to i32
        %cond3A_345 = arith.constant 0 : i32
        %cond3A_346 = arith.cmpi ne, %convert_element_type3A_344, %cond3A_345 : i32
        scf.if %cond3A_346 {
          %dma_wait3A_443 = arith.constant 0 : i32
          %dma_wait3A_444 = tpu.memref_slice %arg4[%add3A_56, %dma_wait3A_443] : memref<32768x256xf32, #tpu.memory_space<hbm>> -> memref<128x256xf32, #tpu.memory_space<hbm>>
          tpu.wait_dma2 semaphore(%arg13 : memref<!tpu.dma_semaphore, #tpu.memory_space<semaphore_mem>>) src(%arg6 : memref<128x256xf32, #tpu.memory_space<vmem_shared>>) dst(%dma_wait3A_444 : memref<128x256xf32, #tpu.memory_space<hbm>>)
        } else {
        }
        %gt3A_347 = arith.constant 7 : i32
        %gt3A_348 = arith.cmpi sgt, %select_n3A_108, %gt3A_347 : i32
        %convert_element_type3A_349 = arith.extui %gt3A_348 : i1 to i32
        %cond3A_350 = arith.constant 0 : i32
        %cond3A_351 = arith.cmpi ne, %convert_element_type3A_349, %cond3A_350 : i32
        scf.if %cond3A_351 {
          %dma_wait3A_443 = arith.constant 0 : i32
          %dma_wait3A_444 = tpu.memref_slice %arg4[%add3A_56, %dma_wait3A_443] : memref<32768x256xf32, #tpu.memory_space<hbm>> -> memref<128x256xf32, #tpu.memory_space<hbm>>
          tpu.wait_dma2 semaphore(%arg13 : memref<!tpu.dma_semaphore, #tpu.memory_space<semaphore_mem>>) src(%arg6 : memref<128x256xf32, #tpu.memory_space<vmem_shared>>) dst(%dma_wait3A_444 : memref<128x256xf32, #tpu.memory_space<hbm>>)
        } else {
        }
        %sub3A_352 = arith.constant 128 : i32
        %sub3A_353 = arith.subi %min3A, %sub3A_352 : i32
        %min3A_354 = arith.constant 384 : i32
        %min3A_355 = arith.minsi %min3A_354, %sub3A_353 : i32
        %add3A_356 = arith.addi %add3A_56, %min3A_355 : i32
        %add3A_357 = arith.constant 0 : i32
        %add3A_358 = arith.addi %add3A_356, %add3A_357 : i32
        %add3A_359 = vector.broadcast %add3A_358 : i32 to vector<16xi32>
        %add3A_360 = arith.addi %add3A_359, %iota3A : vector<16xi32>
        %swap3A = arith.constant 0 : i32
        %swap3A_361 = arith.index_cast %swap3A : i32 to index
        %swap3A_362 = arith.constant 0 : index
        %swap3A_363 = tpu.vector_load %arg11[%swap3A_361, %swap3A_362] {strides = array<i32>} : memref<3x128xi32, #tpu.memory_space<vmem>>, vector<1x16xi32>,
        %swap3A_364 = vector.shape_cast %swap3A_363 : vector<1x16xi32> to vector<16xi32>
        %swap3A_365 = vector.shape_cast %add3A_360 : vector<16xi32> to vector<1x16xi32>
        tpu.vector_store %arg11[%swap3A_361, %swap3A_362], %swap3A_365 {strides = array<i32>} : memref<3x128xi32, #tpu.memory_space<vmem>>, vector<1x16xi32>,
        %add3A_366 = arith.constant 16 : i32
        %add3A_367 = arith.addi %add3A_356, %add3A_366 : i32
        %add3A_368 = vector.broadcast %add3A_367 : i32 to vector<16xi32>
        %add3A_369 = arith.addi %add3A_368, %iota3A : vector<16xi32>
        %swap3A_370 = arith.constant 0 : i32
        %swap3A_371 = arith.index_cast %swap3A_370 : i32 to index
        %swap3A_372 = arith.constant 16 : index
        %swap3A_373 = tpu.vector_load %arg11[%swap3A_371, %swap3A_372] {strides = array<i32>} : memref<3x128xi32, #tpu.memory_space<vmem>>, vector<1x16xi32>,
        %swap3A_374 = vector.shape_cast %swap3A_373 : vector<1x16xi32> to vector<16xi32>
        %swap3A_375 = vector.shape_cast %add3A_369 : vector<16xi32> to vector<1x16xi32>
        tpu.vector_store %arg11[%swap3A_371, %swap3A_372], %swap3A_375 {strides = array<i32>} : memref<3x128xi32, #tpu.memory_space<vmem>>, vector<1x16xi32>,
        %add3A_376 = arith.constant 32 : i32
        %add3A_377 = arith.addi %add3A_356, %add3A_376 : i32
        %add3A_378 = vector.broadcast %add3A_377 : i32 to vector<16xi32>
        %add3A_379 = arith.addi %add3A_378, %iota3A : vector<16xi32>
        %swap3A_380 = arith.constant 0 : i32
        %swap3A_381 = arith.index_cast %swap3A_380 : i32 to index
        %swap3A_382 = arith.constant 32 : index
        %swap3A_383 = tpu.vector_load %arg11[%swap3A_381, %swap3A_382] {strides = array<i32>} : memref<3x128xi32, #tpu.memory_space<vmem>>, vector<1x16xi32>,
        %swap3A_384 = vector.shape_cast %swap3A_383 : vector<1x16xi32> to vector<16xi32>
        %swap3A_385 = vector.shape_cast %add3A_379 : vector<16xi32> to vector<1x16xi32>
        tpu.vector_store %arg11[%swap3A_381, %swap3A_382], %swap3A_385 {strides = array<i32>} : memref<3x128xi32, #tpu.memory_space<vmem>>, vector<1x16xi32>,
        %add3A_386 = arith.constant 48 : i32
        %add3A_387 = arith.addi %add3A_356, %add3A_386 : i32
        %add3A_388 = vector.broadcast %add3A_387 : i32 to vector<16xi32>
        %add3A_389 = arith.addi %add3A_388, %iota3A : vector<16xi32>
        %swap3A_390 = arith.constant 0 : i32
        %swap3A_391 = arith.index_cast %swap3A_390 : i32 to index
        %swap3A_392 = arith.constant 48 : index
        %swap3A_393 = tpu.vector_load %arg11[%swap3A_391, %swap3A_392] {strides = array<i32>} : memref<3x128xi32, #tpu.memory_space<vmem>>, vector<1x16xi32>,
        %swap3A_394 = vector.shape_cast %swap3A_393 : vector<1x16xi32> to vector<16xi32>
        %swap3A_395 = vector.shape_cast %add3A_389 : vector<16xi32> to vector<1x16xi32>
        tpu.vector_store %arg11[%swap3A_391, %swap3A_392], %swap3A_395 {strides = array<i32>} : memref<3x128xi32, #tpu.memory_space<vmem>>, vector<1x16xi32>,
        %add3A_396 = arith.constant 64 : i32
        %add3A_397 = arith.addi %add3A_356, %add3A_396 : i32
        %add3A_398 = vector.broadcast %add3A_397 : i32 to vector<16xi32>
        %add3A_399 = arith.addi %add3A_398, %iota3A : vector<16xi32>
        %swap3A_400 = arith.constant 0 : i32
        %swap3A_401 = arith.index_cast %swap3A_400 : i32 to index
        %swap3A_402 = arith.constant 64 : index
        %swap3A_403 = tpu.vector_load %arg11[%swap3A_401, %swap3A_402] {strides = array<i32>} : memref<3x128xi32, #tpu.memory_space<vmem>>, vector<1x16xi32>,
        %swap3A_404 = vector.shape_cast %swap3A_403 : vector<1x16xi32> to vector<16xi32>
        %swap3A_405 = vector.shape_cast %add3A_399 : vector<16xi32> to vector<1x16xi32>
        tpu.vector_store %arg11[%swap3A_401, %swap3A_402], %swap3A_405 {strides = array<i32>} : memref<3x128xi32, #tpu.memory_space<vmem>>, vector<1x16xi32>,
        %add3A_406 = arith.constant 80 : i32
        %add3A_407 = arith.addi %add3A_356, %add3A_406 : i32
        %add3A_408 = vector.broadcast %add3A_407 : i32 to vector<16xi32>
        %add3A_409 = arith.addi %add3A_408, %iota3A : vector<16xi32>
        %swap3A_410 = arith.constant 0 : i32
        %swap3A_411 = arith.index_cast %swap3A_410 : i32 to index
        %swap3A_412 = arith.constant 80 : index
        %swap3A_413 = tpu.vector_load %arg11[%swap3A_411, %swap3A_412] {strides = array<i32>} : memref<3x128xi32, #tpu.memory_space<vmem>>, vector<1x16xi32>,
        %swap3A_414 = vector.shape_cast %swap3A_413 : vector<1x16xi32> to vector<16xi32>
        %swap3A_415 = vector.shape_cast %add3A_409 : vector<16xi32> to vector<1x16xi32>
        tpu.vector_store %arg11[%swap3A_411, %swap3A_412], %swap3A_415 {strides = array<i32>} : memref<3x128xi32, #tpu.memory_space<vmem>>, vector<1x16xi32>,
        %add3A_416 = arith.constant 96 : i32
        %add3A_417 = arith.addi %add3A_356, %add3A_416 : i32
        %add3A_418 = vector.broadcast %add3A_417 : i32 to vector<16xi32>
        %add3A_419 = arith.addi %add3A_418, %iota3A : vector<16xi32>
        %swap3A_420 = arith.constant 0 : i32
        %swap3A_421 = arith.index_cast %swap3A_420 : i32 to index
        %swap3A_422 = arith.constant 96 : index
        %swap3A_423 = tpu.vector_load %arg11[%swap3A_421, %swap3A_422] {strides = array<i32>} : memref<3x128xi32, #tpu.memory_space<vmem>>, vector<1x16xi32>,
        %swap3A_424 = vector.shape_cast %swap3A_423 : vector<1x16xi32> to vector<16xi32>
        %swap3A_425 = vector.shape_cast %add3A_419 : vector<16xi32> to vector<1x16xi32>
        tpu.vector_store %arg11[%swap3A_421, %swap3A_422], %swap3A_425 {strides = array<i32>} : memref<3x128xi32, #tpu.memory_space<vmem>>, vector<1x16xi32>,
        %add3A_426 = arith.constant 112 : i32
        %add3A_427 = arith.addi %add3A_356, %add3A_426 : i32
        %add3A_428 = vector.broadcast %add3A_427 : i32 to vector<16xi32>
        %add3A_429 = arith.addi %add3A_428, %iota3A : vector<16xi32>
        %swap3A_430 = arith.constant 0 : i32
        %swap3A_431 = arith.index_cast %swap3A_430 : i32 to index
        %swap3A_432 = arith.constant 112 : index
        %swap3A_433 = tpu.vector_load %arg11[%swap3A_431, %swap3A_432] {strides = array<i32>} : memref<3x128xi32, #tpu.memory_space<vmem>>, vector<1x16xi32>,
        %swap3A_434 = vector.shape_cast %swap3A_433 : vector<1x16xi32> to vector<16xi32>
        %swap3A_435 = vector.shape_cast %add3A_429 : vector<16xi32> to vector<1x16xi32>
        tpu.vector_store %arg11[%swap3A_431, %swap3A_432], %swap3A_435 {strides = array<i32>} : memref<3x128xi32, #tpu.memory_space<vmem>>, vector<1x16xi32>,
        %dma_start3A_436 = arith.constant 0 : i32
        %dma_start3A_437 = arith.constant 0 : i32
        %dma_start3A_438 = tpu.memref_slice %arg11[%dma_start3A_436, %dma_start3A_437] : memref<3x128xi32, #tpu.memory_space<vmem>> -> memref<1x128xi32, #tpu.memory_space<vmem>>
        %dma_start3A_439 = tpu.memref_squeeze %dma_start3A_438 : memref<1x128xi32, #tpu.memory_space<vmem>> -> memref<128xi32, #tpu.memory_space<vmem>>
        %dma_start3A_440 = arith.constant 0 : i32
        %dma_start3A_441 = arith.constant 0 : i32
        %dma_start3A_442 = tpu.memref_slice %arg4[%dma_start3A_440, %dma_start3A_441] : memref<32768x256xf32, #tpu.memory_space<hbm>> -> memref<32768x256xf32, #tpu.memory_space<hbm>>
        tpu.enqueue_indirect_dma source(%arg7 : memref<128x256xf32, #tpu.memory_space<vmem>>) target(%dma_start3A_442 : memref<32768x256xf32, #tpu.memory_space<hbm>>) offsets(%dma_start3A_439 : memref<128xi32, #tpu.memory_space<vmem>>) semaphore(%arg17 : memref<!tpu.dma_semaphore, #tpu.memory_space<semaphore_mem>>)
      } else {
      }
      %sub3A_305 = arith.constant 1 : i32
      %sub3A_306 = arith.subi %select_n3A_136, %sub3A_305 : i32
      %ne3A_307 = arith.constant 3 : i32
      %ne3A_308 = arith.cmpi ne, %sub3A_306, %ne3A_307 : i32
      %convert_element_type3A_309 = arith.extui %ne3A_308 : i1 to i32
      %cond3A_310 = arith.constant 0 : i32
      %cond3A_311 = arith.cmpi ne, %convert_element_type3A_309, %cond3A_310 : i32
      scf.if %cond3A_311 {
        %add3A_312 = arith.constant 384 : i32
        %add3A_313 = arith.addi %add3A_56, %add3A_312 : i32
        %multiple_of3A = tpu.assume_multiple %add3A_313, 128 : i32
        %dma_start3A_314 = arith.constant 0 : i32
        %dma_start3A_315 = tpu.memref_slice %arg4[%multiple_of3A, %dma_start3A_314] : memref<32768x256xf32, #tpu.memory_space<hbm>> -> memref<128x256xf32, #tpu.memory_space<hbm>>
        %dma_start3A_316 = arith.constant 0 : i32
        %dma_start3A_317 = tpu.memref_slice %arg4[%multiple_of3A, %dma_start3A_316] : memref<32768x256xf32, #tpu.memory_space<hbm>> -> memref<128x256xf32, #tpu.memory_space<hbm>>
        tpu.enqueue_dma source(%arg7 : memref<128x256xf32, #tpu.memory_space<vmem>>) target(%dma_start3A_317 : memref<128x256xf32, #tpu.memory_space<hbm>>) target_semaphore(%arg17 : memref<!tpu.dma_semaphore, #tpu.memory_space<semaphore_mem>>)
      } else {
      }
    } else {
    }
    %gt3A_227 = arith.constant 5 : i32
    %gt3A_228 = arith.cmpi sgt, %select_n3A_136, %gt3A_227 : i32
    %convert_element_type3A_229 = arith.extui %gt3A_228 : i1 to i32
    %cond3A_230 = arith.constant 0 : i32
    %cond3A_231 = arith.cmpi ne, %convert_element_type3A_229, %cond3A_230 : i32
    scf.if %cond3A_231 {
      %dma_wait3A_291 = arith.constant 0 : i32
      %dma_wait3A_292 = tpu.memref_slice %arg4[%add3A_56, %dma_wait3A_291] : memref<32768x256xf32, #tpu.memory_space<hbm>> -> memref<128x256xf32, #tpu.memory_space<hbm>>
      %dma_wait3A_293 = arith.constant 0 : i32
      %dma_wait3A_294 = tpu.memref_slice %arg4[%add3A_56, %dma_wait3A_293] : memref<32768x256xf32, #tpu.memory_space<hbm>> -> memref<128x256xf32, #tpu.memory_space<hbm>>
      tpu.wait_dma2 semaphore(%arg19 : memref<!tpu.dma_semaphore, #tpu.memory_space<semaphore_mem>>) src(%arg9 : memref<128x256xf32, #tpu.memory_space<vmem>>) dst(%dma_wait3A_294 : memref<128x256xf32, #tpu.memory_space<hbm>>)
      %mul3A_295 = arith.constant 1024 : i32
      %mul3A_296 = arith.muli %select_n3A_30, %mul3A_295 : i32
      %add3A_297 = arith.addi %squeeze3A, %mul3A_296 : i32
      %sub3A_298 = arith.constant 128 : i32
      %sub3A_299 = arith.subi %min3A, %sub3A_298 : i32
      %min3A_300 = arith.constant 640 : i32
      %min3A_301 = arith.minsi %min3A_300, %sub3A_299 : i32
      %add3A_302 = arith.addi %add3A_297, %min3A_301 : i32
      %add3A_303 = arith.constant 0 : i32
      %add3A_304 = arith.addi %add3A_302, %add3A_303 : i32
      %add3A_305 = vector.broadcast %add3A_304 : i32 to vector<16xi32>
      %add3A_306 = arith.addi %add3A_305, %iota3A : vector<16xi32>
      %swap3A = arith.constant 2 : i32
      %swap3A_307 = arith.index_cast %swap3A : i32 to index
      %swap3A_308 = arith.constant 0 : index
      %swap3A_309 = tpu.vector_load %arg10[%swap3A_307, %swap3A_308] {strides = array<i32>} : memref<3x128xi32, #tpu.memory_space<vmem>>, vector<1x16xi32>,
      %swap3A_310 = vector.shape_cast %swap3A_309 : vector<1x16xi32> to vector<16xi32>
      %swap3A_311 = vector.shape_cast %add3A_306 : vector<16xi32> to vector<1x16xi32>
      tpu.vector_store %arg10[%swap3A_307, %swap3A_308], %swap3A_311 {strides = array<i32>} : memref<3x128xi32, #tpu.memory_space<vmem>>, vector<1x16xi32>,
      %add3A_312 = arith.constant 16 : i32
      %add3A_313 = arith.addi %add3A_302, %add3A_312 : i32
      %add3A_314 = vector.broadcast %add3A_313 : i32 to vector<16xi32>
      %add3A_315 = arith.addi %add3A_314, %iota3A : vector<16xi32>
      %swap3A_316 = arith.constant 2 : i32
      %swap3A_317 = arith.index_cast %swap3A_316 : i32 to index
      %swap3A_318 = arith.constant 16 : index
      %swap3A_319 = tpu.vector_load %arg10[%swap3A_317, %swap3A_318] {strides = array<i32>} : memref<3x128xi32, #tpu.memory_space<vmem>>, vector<1x16xi32>,
      %swap3A_320 = vector.shape_cast %swap3A_319 : vector<1x16xi32> to vector<16xi32>
      %swap3A_321 = vector.shape_cast %add3A_315 : vector<16xi32> to vector<1x16xi32>
      tpu.vector_store %arg10[%swap3A_317, %swap3A_318], %swap3A_321 {strides = array<i32>} : memref<3x128xi32, #tpu.memory_space<vmem>>, vector<1x16xi32>,
      %add3A_322 = arith.constant 32 : i32
      %add3A_323 = arith.addi %add3A_302, %add3A_322 : i32
      %add3A_324 = vector.broadcast %add3A_323 : i32 to vector<16xi32>
      %add3A_325 = arith.addi %add3A_324, %iota3A : vector<16xi32>
      %swap3A_326 = arith.constant 2 : i32
      %swap3A_327 = arith.index_cast %swap3A_326 : i32 to index
      %swap3A_328 = arith.constant 32 : index
      %swap3A_329 = tpu.vector_load %arg10[%swap3A_327, %swap3A_328] {strides = array<i32>} : memref<3x128xi32, #tpu.memory_space<vmem>>, vector<1x16xi32>,
      %swap3A_330 = vector.shape_cast %swap3A_329 : vector<1x16xi32> to vector<16xi32>
      %swap3A_331 = vector.shape_cast %add3A_325 : vector<16xi32> to vector<1x16xi32>
      tpu.vector_store %arg10[%swap3A_327, %swap3A_328], %swap3A_331 {strides = array<i32>} : memref<3x128xi32, #tpu.memory_space<vmem>>, vector<1x16xi32>,
      %add3A_332 = arith.constant 48 : i32
      %add3A_333 = arith.addi %add3A_302, %add3A_332 : i32
      %add3A_334 = vector.broadcast %add3A_333 : i32 to vector<16xi32>
      %add3A_335 = arith.addi %add3A_334, %iota3A : vector<16xi32>
      %swap3A_336 = arith.constant 2 : i32
      %swap3A_337 = arith.index_cast %swap3A_336 : i32 to index
      %swap3A_338 = arith.constant 48 : index
      %swap3A_339 = tpu.vector_load %arg10[%swap3A_337, %swap3A_338] {strides = array<i32>} : memref<3x128xi32, #tpu.memory_space<vmem>>, vector<1x16xi32>,
      %swap3A_340 = vector.shape_cast %swap3A_339 : vector<1x16xi32> to vector<16xi32>
      %swap3A_341 = vector.shape_cast %add3A_335 : vector<16xi32> to vector<1x16xi32>
      tpu.vector_store %arg10[%swap3A_337, %swap3A_338], %swap3A_341 {strides = array<i32>} : memref<3x128xi32, #tpu.memory_space<vmem>>, vector<1x16xi32>,
      %add3A_342 = arith.constant 64 : i32
      %add3A_343 = arith.addi %add3A_302, %add3A_342 : i32
      %add3A_344 = vector.broadcast %add3A_343 : i32 to vector<16xi32>
      %add3A_345 = arith.addi %add3A_344, %iota3A : vector<16xi32>
      %swap3A_346 = arith.constant 2 : i32
      %swap3A_347 = arith.index_cast %swap3A_346 : i32 to index
      %swap3A_348 = arith.constant 64 : index
      %swap3A_349 = tpu.vector_load %arg10[%swap3A_347, %swap3A_348] {strides = array<i32>} : memref<3x128xi32, #tpu.memory_space<vmem>>, vector<1x16xi32>,
      %swap3A_350 = vector.shape_cast %swap3A_349 : vector<1x16xi32> to vector<16xi32>
      %swap3A_351 = vector.shape_cast %add3A_345 : vector<16xi32> to vector<1x16xi32>
      tpu.vector_store %arg10[%swap3A_347, %swap3A_348], %swap3A_351 {strides = array<i32>} : memref<3x128xi32, #tpu.memory_space<vmem>>, vector<1x16xi32>,
      %add3A_352 = arith.constant 80 : i32
      %add3A_353 = arith.addi %add3A_302, %add3A_352 : i32
      %add3A_354 = vector.broadcast %add3A_353 : i32 to vector<16xi32>
      %add3A_355 = arith.addi %add3A_354, %iota3A : vector<16xi32>
      %swap3A_356 = arith.constant 2 : i32
      %swap3A_357 = arith.index_cast %swap3A_356 : i32 to index
      %swap3A_358 = arith.constant 80 : index
      %swap3A_359 = tpu.vector_load %arg10[%swap3A_357, %swap3A_358] {strides = array<i32>} : memref<3x128xi32, #tpu.memory_space<vmem>>, vector<1x16xi32>,
      %swap3A_360 = vector.shape_cast %swap3A_359 : vector<1x16xi32> to vector<16xi32>
      %swap3A_361 = vector.shape_cast %add3A_355 : vector<16xi32> to vector<1x16xi32>
      tpu.vector_store %arg10[%swap3A_357, %swap3A_358], %swap3A_361 {strides = array<i32>} : memref<3x128xi32, #tpu.memory_space<vmem>>, vector<1x16xi32>,
      %add3A_362 = arith.constant 96 : i32
      %add3A_363 = arith.addi %add3A_302, %add3A_362 : i32
      %add3A_364 = vector.broadcast %add3A_363 : i32 to vector<16xi32>
      %add3A_365 = arith.addi %add3A_364, %iota3A : vector<16xi32>
      %swap3A_366 = arith.constant 2 : i32
      %swap3A_367 = arith.index_cast %swap3A_366 : i32 to index
      %swap3A_368 = arith.constant 96 : index
      %swap3A_369 = tpu.vector_load %arg10[%swap3A_367, %swap3A_368] {strides = array<i32>} : memref<3x128xi32, #tpu.memory_space<vmem>>, vector<1x16xi32>,
      %swap3A_370 = vector.shape_cast %swap3A_369 : vector<1x16xi32> to vector<16xi32>
      %swap3A_371 = vector.shape_cast %add3A_365 : vector<16xi32> to vector<1x16xi32>
      tpu.vector_store %arg10[%swap3A_367, %swap3A_368], %swap3A_371 {strides = array<i32>} : memref<3x128xi32, #tpu.memory_space<vmem>>, vector<1x16xi32>,
      %add3A_372 = arith.constant 112 : i32
      %add3A_373 = arith.addi %add3A_302, %add3A_372 : i32
      %add3A_374 = vector.broadcast %add3A_373 : i32 to vector<16xi32>
      %add3A_375 = arith.addi %add3A_374, %iota3A : vector<16xi32>
      %swap3A_376 = arith.constant 2 : i32
      %swap3A_377 = arith.index_cast %swap3A_376 : i32 to index
      %swap3A_378 = arith.constant 112 : index
      %swap3A_379 = tpu.vector_load %arg10[%swap3A_377, %swap3A_378] {strides = array<i32>} : memref<3x128xi32, #tpu.memory_space<vmem>>, vector<1x16xi32>,
      %swap3A_380 = vector.shape_cast %swap3A_379 : vector<1x16xi32> to vector<16xi32>
      %swap3A_381 = vector.shape_cast %add3A_375 : vector<16xi32> to vector<1x16xi32>
      tpu.vector_store %arg10[%swap3A_377, %swap3A_378], %swap3A_381 {strides = array<i32>} : memref<3x128xi32, #tpu.memory_space<vmem>>, vector<1x16xi32>,
      %dma_start3A_382 = arith.constant 2 : i32
      %dma_start3A_383 = arith.constant 0 : i32
      %dma_start3A_384 = tpu.memref_slice %arg10[%dma_start3A_382, %dma_start3A_383] : memref<3x128xi32, #tpu.memory_space<vmem>> -> memref<1x128xi32, #tpu.memory_space<vmem>>
      %dma_start3A_385 = tpu.memref_squeeze %dma_start3A_384 : memref<1x128xi32, #tpu.memory_space<vmem>> -> memref<128xi32, #tpu.memory_space<vmem>>
      %dma_start3A_386 = arith.constant 0 : i32
      %dma_start3A_387 = arith.constant 0 : i32
      %dma_start3A_388 = tpu.memref_slice %arg2[%dma_start3A_386, %dma_start3A_387] : memref<16384x256xf32, #tpu.memory_space<hbm>> -> memref<16384x256xf32, #tpu.memory_space<hbm>>
      tpu.enqueue_indirect_dma source(%dma_start3A_388 : memref<16384x256xf32, #tpu.memory_space<hbm>>) target(%arg9 : memref<128x256xf32, #tpu.memory_space<vmem>>) offsets(%dma_start3A_385 : memref<128xi32, #tpu.memory_space<vmem>>) semaphore(%arg16 : memref<!tpu.dma_semaphore, #tpu.memory_space<semaphore_mem>>)
    } else {
    }
    %gt3A_232 = arith.constant 4 : i32
    %gt3A_233 = arith.cmpi sgt, %select_n3A_136, %gt3A_232 : i32
    %convert_element_type3A_234 = arith.extui %gt3A_233 : i1 to i32
    %cond3A_235 = arith.constant 0 : i32
    %cond3A_236 = arith.cmpi ne, %convert_element_type3A_234, %cond3A_235 : i32
    scf.if %cond3A_236 {
      %dma_wait3A_291 = arith.constant 1 : i32
      %dma_wait3A_292 = arith.constant 0 : i32
      %dma_wait3A_293 = tpu.memref_slice %arg10[%dma_wait3A_291, %dma_wait3A_292] : memref<3x128xi32, #tpu.memory_space<vmem>> -> memref<1x128xi32, #tpu.memory_space<vmem>>
      %dma_wait3A_294 = tpu.memref_squeeze %dma_wait3A_293 : memref<1x128xi32, #tpu.memory_space<vmem>> -> memref<128xi32, #tpu.memory_space<vmem>>
      %dma_wait3A_295 = arith.constant 0 : i32
      %dma_wait3A_296 = arith.constant 0 : i32
      %dma_wait3A_297 = tpu.memref_slice %arg2[%dma_wait3A_295, %dma_wait3A_296] : memref<16384x256xf32, #tpu.memory_space<hbm>> -> memref<16384x256xf32, #tpu.memory_space<hbm>>
      tpu.wait_indirect_dma semaphore(%arg15 : memref<!tpu.dma_semaphore, #tpu.memory_space<semaphore_mem>>) src(%dma_wait3A_297 : memref<16384x256xf32, #tpu.memory_space<hbm>>) dst(%arg8 : memref<128x256xf32, #tpu.memory_space<vmem>>)
      %sub3A_298 = arith.constant 1 : i32
      %sub3A_299 = arith.subi %select_n3A_136, %sub3A_298 : i32
      %eq3A_300 = arith.constant 4 : i32
      %eq3A_301 = arith.cmpi eq, %sub3A_299, %eq3A_300 : i32
      %convert_element_type3A_302 = arith.extui %eq3A_301 : i1 to i32
      %cond3A_303 = arith.constant 0 : i32
      %cond3A_304 = arith.cmpi ne, %convert_element_type3A_302, %cond3A_303 : i32
      scf.if %cond3A_304 {
        %gt3A_312 = arith.constant 0 : i32
        %gt3A_313 = arith.cmpi sgt, %select_n3A_108, %gt3A_312 : i32
        %convert_element_type3A_314 = arith.extui %gt3A_313 : i1 to i32
        %cond3A_315 = arith.constant 0 : i32
        %cond3A_316 = arith.cmpi ne, %convert_element_type3A_314, %cond3A_315 : i32
        scf.if %cond3A_316 {
          %dma_wait3A_443 = arith.constant 0 : i32
          %dma_wait3A_444 = tpu.memref_slice %arg4[%add3A_56, %dma_wait3A_443] : memref<32768x256xf32, #tpu.memory_space<hbm>> -> memref<128x256xf32, #tpu.memory_space<hbm>>
          tpu.wait_dma2 semaphore(%arg13 : memref<!tpu.dma_semaphore, #tpu.memory_space<semaphore_mem>>) src(%arg6 : memref<128x256xf32, #tpu.memory_space<vmem_shared>>) dst(%dma_wait3A_444 : memref<128x256xf32, #tpu.memory_space<hbm>>)
        } else {
        }
        %gt3A_317 = arith.constant 1 : i32
        %gt3A_318 = arith.cmpi sgt, %select_n3A_108, %gt3A_317 : i32
        %convert_element_type3A_319 = arith.extui %gt3A_318 : i1 to i32
        %cond3A_320 = arith.constant 0 : i32
        %cond3A_321 = arith.cmpi ne, %convert_element_type3A_319, %cond3A_320 : i32
        scf.if %cond3A_321 {
          %dma_wait3A_443 = arith.constant 0 : i32
          %dma_wait3A_444 = tpu.memref_slice %arg4[%add3A_56, %dma_wait3A_443] : memref<32768x256xf32, #tpu.memory_space<hbm>> -> memref<128x256xf32, #tpu.memory_space<hbm>>
          tpu.wait_dma2 semaphore(%arg13 : memref<!tpu.dma_semaphore, #tpu.memory_space<semaphore_mem>>) src(%arg6 : memref<128x256xf32, #tpu.memory_space<vmem_shared>>) dst(%dma_wait3A_444 : memref<128x256xf32, #tpu.memory_space<hbm>>)
        } else {
        }
        %gt3A_322 = arith.constant 2 : i32
        %gt3A_323 = arith.cmpi sgt, %select_n3A_108, %gt3A_322 : i32
        %convert_element_type3A_324 = arith.extui %gt3A_323 : i1 to i32
        %cond3A_325 = arith.constant 0 : i32
        %cond3A_326 = arith.cmpi ne, %convert_element_type3A_324, %cond3A_325 : i32
        scf.if %cond3A_326 {
          %dma_wait3A_443 = arith.constant 0 : i32
          %dma_wait3A_444 = tpu.memref_slice %arg4[%add3A_56, %dma_wait3A_443] : memref<32768x256xf32, #tpu.memory_space<hbm>> -> memref<128x256xf32, #tpu.memory_space<hbm>>
          tpu.wait_dma2 semaphore(%arg13 : memref<!tpu.dma_semaphore, #tpu.memory_space<semaphore_mem>>) src(%arg6 : memref<128x256xf32, #tpu.memory_space<vmem_shared>>) dst(%dma_wait3A_444 : memref<128x256xf32, #tpu.memory_space<hbm>>)
        } else {
        }
        %gt3A_327 = arith.constant 3 : i32
        %gt3A_328 = arith.cmpi sgt, %select_n3A_108, %gt3A_327 : i32
        %convert_element_type3A_329 = arith.extui %gt3A_328 : i1 to i32
        %cond3A_330 = arith.constant 0 : i32
        %cond3A_331 = arith.cmpi ne, %convert_element_type3A_329, %cond3A_330 : i32
        scf.if %cond3A_331 {
          %dma_wait3A_443 = arith.constant 0 : i32
          %dma_wait3A_444 = tpu.memref_slice %arg4[%add3A_56, %dma_wait3A_443] : memref<32768x256xf32, #tpu.memory_space<hbm>> -> memref<128x256xf32, #tpu.memory_space<hbm>>
          tpu.wait_dma2 semaphore(%arg13 : memref<!tpu.dma_semaphore, #tpu.memory_space<semaphore_mem>>) src(%arg6 : memref<128x256xf32, #tpu.memory_space<vmem_shared>>) dst(%dma_wait3A_444 : memref<128x256xf32, #tpu.memory_space<hbm>>)
        } else {
        }
        %gt3A_332 = arith.constant 4 : i32
        %gt3A_333 = arith.cmpi sgt, %select_n3A_108, %gt3A_332 : i32
        %convert_element_type3A_334 = arith.extui %gt3A_333 : i1 to i32
        %cond3A_335 = arith.constant 0 : i32
        %cond3A_336 = arith.cmpi ne, %convert_element_type3A_334, %cond3A_335 : i32
        scf.if %cond3A_336 {
          %dma_wait3A_443 = arith.constant 0 : i32
          %dma_wait3A_444 = tpu.memref_slice %arg4[%add3A_56, %dma_wait3A_443] : memref<32768x256xf32, #tpu.memory_space<hbm>> -> memref<128x256xf32, #tpu.memory_space<hbm>>
          tpu.wait_dma2 semaphore(%arg13 : memref<!tpu.dma_semaphore, #tpu.memory_space<semaphore_mem>>) src(%arg6 : memref<128x256xf32, #tpu.memory_space<vmem_shared>>) dst(%dma_wait3A_444 : memref<128x256xf32, #tpu.memory_space<hbm>>)
        } else {
        }
        %gt3A_337 = arith.constant 5 : i32
        %gt3A_338 = arith.cmpi sgt, %select_n3A_108, %gt3A_337 : i32
        %convert_element_type3A_339 = arith.extui %gt3A_338 : i1 to i32
        %cond3A_340 = arith.constant 0 : i32
        %cond3A_341 = arith.cmpi ne, %convert_element_type3A_339, %cond3A_340 : i32
        scf.if %cond3A_341 {
          %dma_wait3A_443 = arith.constant 0 : i32
          %dma_wait3A_444 = tpu.memref_slice %arg4[%add3A_56, %dma_wait3A_443] : memref<32768x256xf32, #tpu.memory_space<hbm>> -> memref<128x256xf32, #tpu.memory_space<hbm>>
          tpu.wait_dma2 semaphore(%arg13 : memref<!tpu.dma_semaphore, #tpu.memory_space<semaphore_mem>>) src(%arg6 : memref<128x256xf32, #tpu.memory_space<vmem_shared>>) dst(%dma_wait3A_444 : memref<128x256xf32, #tpu.memory_space<hbm>>)
        } else {
        }
        %gt3A_342 = arith.constant 6 : i32
        %gt3A_343 = arith.cmpi sgt, %select_n3A_108, %gt3A_342 : i32
        %convert_element_type3A_344 = arith.extui %gt3A_343 : i1 to i32
        %cond3A_345 = arith.constant 0 : i32
        %cond3A_346 = arith.cmpi ne, %convert_element_type3A_344, %cond3A_345 : i32
        scf.if %cond3A_346 {
          %dma_wait3A_443 = arith.constant 0 : i32
          %dma_wait3A_444 = tpu.memref_slice %arg4[%add3A_56, %dma_wait3A_443] : memref<32768x256xf32, #tpu.memory_space<hbm>> -> memref<128x256xf32, #tpu.memory_space<hbm>>
          tpu.wait_dma2 semaphore(%arg13 : memref<!tpu.dma_semaphore, #tpu.memory_space<semaphore_mem>>) src(%arg6 : memref<128x256xf32, #tpu.memory_space<vmem_shared>>) dst(%dma_wait3A_444 : memref<128x256xf32, #tpu.memory_space<hbm>>)
        } else {
        }
        %gt3A_347 = arith.constant 7 : i32
        %gt3A_348 = arith.cmpi sgt, %select_n3A_108, %gt3A_347 : i32
        %convert_element_type3A_349 = arith.extui %gt3A_348 : i1 to i32
        %cond3A_350 = arith.constant 0 : i32
        %cond3A_351 = arith.cmpi ne, %convert_element_type3A_349, %cond3A_350 : i32
        scf.if %cond3A_351 {
          %dma_wait3A_443 = arith.constant 0 : i32
          %dma_wait3A_444 = tpu.memref_slice %arg4[%add3A_56, %dma_wait3A_443] : memref<32768x256xf32, #tpu.memory_space<hbm>> -> memref<128x256xf32, #tpu.memory_space<hbm>>
          tpu.wait_dma2 semaphore(%arg13 : memref<!tpu.dma_semaphore, #tpu.memory_space<semaphore_mem>>) src(%arg6 : memref<128x256xf32, #tpu.memory_space<vmem_shared>>) dst(%dma_wait3A_444 : memref<128x256xf32, #tpu.memory_space<hbm>>)
        } else {
        }
        %sub3A_352 = arith.constant 128 : i32
        %sub3A_353 = arith.subi %min3A, %sub3A_352 : i32
        %min3A_354 = arith.constant 512 : i32
        %min3A_355 = arith.minsi %min3A_354, %sub3A_353 : i32
        %add3A_356 = arith.addi %add3A_56, %min3A_355 : i32
        %add3A_357 = arith.constant 0 : i32
        %add3A_358 = arith.addi %add3A_356, %add3A_357 : i32
        %add3A_359 = vector.broadcast %add3A_358 : i32 to vector<16xi32>
        %add3A_360 = arith.addi %add3A_359, %iota3A : vector<16xi32>
        %swap3A = arith.constant 1 : i32
        %swap3A_361 = arith.index_cast %swap3A : i32 to index
        %swap3A_362 = arith.constant 0 : index
        %swap3A_363 = tpu.vector_load %arg11[%swap3A_361, %swap3A_362] {strides = array<i32>} : memref<3x128xi32, #tpu.memory_space<vmem>>, vector<1x16xi32>,
        %swap3A_364 = vector.shape_cast %swap3A_363 : vector<1x16xi32> to vector<16xi32>
        %swap3A_365 = vector.shape_cast %add3A_360 : vector<16xi32> to vector<1x16xi32>
        tpu.vector_store %arg11[%swap3A_361, %swap3A_362], %swap3A_365 {strides = array<i32>} : memref<3x128xi32, #tpu.memory_space<vmem>>, vector<1x16xi32>,
        %add3A_366 = arith.constant 16 : i32
        %add3A_367 = arith.addi %add3A_356, %add3A_366 : i32
        %add3A_368 = vector.broadcast %add3A_367 : i32 to vector<16xi32>
        %add3A_369 = arith.addi %add3A_368, %iota3A : vector<16xi32>
        %swap3A_370 = arith.constant 1 : i32
        %swap3A_371 = arith.index_cast %swap3A_370 : i32 to index
        %swap3A_372 = arith.constant 16 : index
        %swap3A_373 = tpu.vector_load %arg11[%swap3A_371, %swap3A_372] {strides = array<i32>} : memref<3x128xi32, #tpu.memory_space<vmem>>, vector<1x16xi32>,
        %swap3A_374 = vector.shape_cast %swap3A_373 : vector<1x16xi32> to vector<16xi32>
        %swap3A_375 = vector.shape_cast %add3A_369 : vector<16xi32> to vector<1x16xi32>
        tpu.vector_store %arg11[%swap3A_371, %swap3A_372], %swap3A_375 {strides = array<i32>} : memref<3x128xi32, #tpu.memory_space<vmem>>, vector<1x16xi32>,
        %add3A_376 = arith.constant 32 : i32
        %add3A_377 = arith.addi %add3A_356, %add3A_376 : i32
        %add3A_378 = vector.broadcast %add3A_377 : i32 to vector<16xi32>
        %add3A_379 = arith.addi %add3A_378, %iota3A : vector<16xi32>
        %swap3A_380 = arith.constant 1 : i32
        %swap3A_381 = arith.index_cast %swap3A_380 : i32 to index
        %swap3A_382 = arith.constant 32 : index
        %swap3A_383 = tpu.vector_load %arg11[%swap3A_381, %swap3A_382] {strides = array<i32>} : memref<3x128xi32, #tpu.memory_space<vmem>>, vector<1x16xi32>,
        %swap3A_384 = vector.shape_cast %swap3A_383 : vector<1x16xi32> to vector<16xi32>
        %swap3A_385 = vector.shape_cast %add3A_379 : vector<16xi32> to vector<1x16xi32>
        tpu.vector_store %arg11[%swap3A_381, %swap3A_382], %swap3A_385 {strides = array<i32>} : memref<3x128xi32, #tpu.memory_space<vmem>>, vector<1x16xi32>,
        %add3A_386 = arith.constant 48 : i32
        %add3A_387 = arith.addi %add3A_356, %add3A_386 : i32
        %add3A_388 = vector.broadcast %add3A_387 : i32 to vector<16xi32>
        %add3A_389 = arith.addi %add3A_388, %iota3A : vector<16xi32>
        %swap3A_390 = arith.constant 1 : i32
        %swap3A_391 = arith.index_cast %swap3A_390 : i32 to index
        %swap3A_392 = arith.constant 48 : index
        %swap3A_393 = tpu.vector_load %arg11[%swap3A_391, %swap3A_392] {strides = array<i32>} : memref<3x128xi32, #tpu.memory_space<vmem>>, vector<1x16xi32>,
        %swap3A_394 = vector.shape_cast %swap3A_393 : vector<1x16xi32> to vector<16xi32>
        %swap3A_395 = vector.shape_cast %add3A_389 : vector<16xi32> to vector<1x16xi32>
        tpu.vector_store %arg11[%swap3A_391, %swap3A_392], %swap3A_395 {strides = array<i32>} : memref<3x128xi32, #tpu.memory_space<vmem>>, vector<1x16xi32>,
        %add3A_396 = arith.constant 64 : i32
        %add3A_397 = arith.addi %add3A_356, %add3A_396 : i32
        %add3A_398 = vector.broadcast %add3A_397 : i32 to vector<16xi32>
        %add3A_399 = arith.addi %add3A_398, %iota3A : vector<16xi32>
        %swap3A_400 = arith.constant 1 : i32
        %swap3A_401 = arith.index_cast %swap3A_400 : i32 to index
        %swap3A_402 = arith.constant 64 : index
        %swap3A_403 = tpu.vector_load %arg11[%swap3A_401, %swap3A_402] {strides = array<i32>} : memref<3x128xi32, #tpu.memory_space<vmem>>, vector<1x16xi32>,
        %swap3A_404 = vector.shape_cast %swap3A_403 : vector<1x16xi32> to vector<16xi32>
        %swap3A_405 = vector.shape_cast %add3A_399 : vector<16xi32> to vector<1x16xi32>
        tpu.vector_store %arg11[%swap3A_401, %swap3A_402], %swap3A_405 {strides = array<i32>} : memref<3x128xi32, #tpu.memory_space<vmem>>, vector<1x16xi32>,
        %add3A_406 = arith.constant 80 : i32
        %add3A_407 = arith.addi %add3A_356, %add3A_406 : i32
        %add3A_408 = vector.broadcast %add3A_407 : i32 to vector<16xi32>
        %add3A_409 = arith.addi %add3A_408, %iota3A : vector<16xi32>
        %swap3A_410 = arith.constant 1 : i32
        %swap3A_411 = arith.index_cast %swap3A_410 : i32 to index
        %swap3A_412 = arith.constant 80 : index
        %swap3A_413 = tpu.vector_load %arg11[%swap3A_411, %swap3A_412] {strides = array<i32>} : memref<3x128xi32, #tpu.memory_space<vmem>>, vector<1x16xi32>,
        %swap3A_414 = vector.shape_cast %swap3A_413 : vector<1x16xi32> to vector<16xi32>
        %swap3A_415 = vector.shape_cast %add3A_409 : vector<16xi32> to vector<1x16xi32>
        tpu.vector_store %arg11[%swap3A_411, %swap3A_412], %swap3A_415 {strides = array<i32>} : memref<3x128xi32, #tpu.memory_space<vmem>>, vector<1x16xi32>,
        %add3A_416 = arith.constant 96 : i32
        %add3A_417 = arith.addi %add3A_356, %add3A_416 : i32
        %add3A_418 = vector.broadcast %add3A_417 : i32 to vector<16xi32>
        %add3A_419 = arith.addi %add3A_418, %iota3A : vector<16xi32>
        %swap3A_420 = arith.constant 1 : i32
        %swap3A_421 = arith.index_cast %swap3A_420 : i32 to index
        %swap3A_422 = arith.constant 96 : index
        %swap3A_423 = tpu.vector_load %arg11[%swap3A_421, %swap3A_422] {strides = array<i32>} : memref<3x128xi32, #tpu.memory_space<vmem>>, vector<1x16xi32>,
        %swap3A_424 = vector.shape_cast %swap3A_423 : vector<1x16xi32> to vector<16xi32>
        %swap3A_425 = vector.shape_cast %add3A_419 : vector<16xi32> to vector<1x16xi32>
        tpu.vector_store %arg11[%swap3A_421, %swap3A_422], %swap3A_425 {strides = array<i32>} : memref<3x128xi32, #tpu.memory_space<vmem>>, vector<1x16xi32>,
        %add3A_426 = arith.constant 112 : i32
        %add3A_427 = arith.addi %add3A_356, %add3A_426 : i32
        %add3A_428 = vector.broadcast %add3A_427 : i32 to vector<16xi32>
        %add3A_429 = arith.addi %add3A_428, %iota3A : vector<16xi32>
        %swap3A_430 = arith.constant 1 : i32
        %swap3A_431 = arith.index_cast %swap3A_430 : i32 to index
        %swap3A_432 = arith.constant 112 : index
        %swap3A_433 = tpu.vector_load %arg11[%swap3A_431, %swap3A_432] {strides = array<i32>} : memref<3x128xi32, #tpu.memory_space<vmem>>, vector<1x16xi32>,
        %swap3A_434 = vector.shape_cast %swap3A_433 : vector<1x16xi32> to vector<16xi32>
        %swap3A_435 = vector.shape_cast %add3A_429 : vector<16xi32> to vector<1x16xi32>
        tpu.vector_store %arg11[%swap3A_431, %swap3A_432], %swap3A_435 {strides = array<i32>} : memref<3x128xi32, #tpu.memory_space<vmem>>, vector<1x16xi32>,
        %dma_start3A_436 = arith.constant 1 : i32
        %dma_start3A_437 = arith.constant 0 : i32
        %dma_start3A_438 = tpu.memref_slice %arg11[%dma_start3A_436, %dma_start3A_437] : memref<3x128xi32, #tpu.memory_space<vmem>> -> memref<1x128xi32, #tpu.memory_space<vmem>>
        %dma_start3A_439 = tpu.memref_squeeze %dma_start3A_438 : memref<1x128xi32, #tpu.memory_space<vmem>> -> memref<128xi32, #tpu.memory_space<vmem>>
        %dma_start3A_440 = arith.constant 0 : i32
        %dma_start3A_441 = arith.constant 0 : i32
        %dma_start3A_442 = tpu.memref_slice %arg4[%dma_start3A_440, %dma_start3A_441] : memref<32768x256xf32, #tpu.memory_space<hbm>> -> memref<32768x256xf32, #tpu.memory_space<hbm>>
        tpu.enqueue_indirect_dma source(%arg8 : memref<128x256xf32, #tpu.memory_space<vmem>>) target(%dma_start3A_442 : memref<32768x256xf32, #tpu.memory_space<hbm>>) offsets(%dma_start3A_439 : memref<128xi32, #tpu.memory_space<vmem>>) semaphore(%arg18 : memref<!tpu.dma_semaphore, #tpu.memory_space<semaphore_mem>>)
      } else {
      }
      %sub3A_305 = arith.constant 1 : i32
      %sub3A_306 = arith.subi %select_n3A_136, %sub3A_305 : i32
      %ne3A_307 = arith.constant 4 : i32
      %ne3A_308 = arith.cmpi ne, %sub3A_306, %ne3A_307 : i32
      %convert_element_type3A_309 = arith.extui %ne3A_308 : i1 to i32
      %cond3A_310 = arith.constant 0 : i32
      %cond3A_311 = arith.cmpi ne, %convert_element_type3A_309, %cond3A_310 : i32
      scf.if %cond3A_311 {
        %add3A_312 = arith.constant 512 : i32
        %add3A_313 = arith.addi %add3A_56, %add3A_312 : i32
        %multiple_of3A = tpu.assume_multiple %add3A_313, 128 : i32
        %dma_start3A_314 = arith.constant 0 : i32
        %dma_start3A_315 = tpu.memref_slice %arg4[%multiple_of3A, %dma_start3A_314] : memref<32768x256xf32, #tpu.memory_space<hbm>> -> memref<128x256xf32, #tpu.memory_space<hbm>>
        %dma_start3A_316 = arith.constant 0 : i32
        %dma_start3A_317 = tpu.memref_slice %arg4[%multiple_of3A, %dma_start3A_316] : memref<32768x256xf32, #tpu.memory_space<hbm>> -> memref<128x256xf32, #tpu.memory_space<hbm>>
        tpu.enqueue_dma source(%arg8 : memref<128x256xf32, #tpu.memory_space<vmem>>) target(%dma_start3A_317 : memref<128x256xf32, #tpu.memory_space<hbm>>) target_semaphore(%arg18 : memref<!tpu.dma_semaphore, #tpu.memory_space<semaphore_mem>>)
      } else {
      }
    } else {
    }
    %gt3A_237 = arith.constant 6 : i32
    %gt3A_238 = arith.cmpi sgt, %select_n3A_136, %gt3A_237 : i32
    %convert_element_type3A_239 = arith.extui %gt3A_238 : i1 to i32
    %cond3A_240 = arith.constant 0 : i32
    %cond3A_241 = arith.cmpi ne, %convert_element_type3A_239, %cond3A_240 : i32
    scf.if %cond3A_241 {
      %dma_wait3A_291 = arith.constant 0 : i32
      %dma_wait3A_292 = tpu.memref_slice %arg4[%add3A_56, %dma_wait3A_291] : memref<32768x256xf32, #tpu.memory_space<hbm>> -> memref<128x256xf32, #tpu.memory_space<hbm>>
      %dma_wait3A_293 = arith.constant 0 : i32
      %dma_wait3A_294 = tpu.memref_slice %arg4[%add3A_56, %dma_wait3A_293] : memref<32768x256xf32, #tpu.memory_space<hbm>> -> memref<128x256xf32, #tpu.memory_space<hbm>>
      tpu.wait_dma2 semaphore(%arg17 : memref<!tpu.dma_semaphore, #tpu.memory_space<semaphore_mem>>) src(%arg7 : memref<128x256xf32, #tpu.memory_space<vmem>>) dst(%dma_wait3A_294 : memref<128x256xf32, #tpu.memory_space<hbm>>)
      %mul3A_295 = arith.constant 1024 : i32
      %mul3A_296 = arith.muli %select_n3A_30, %mul3A_295 : i32
      %add3A_297 = arith.addi %squeeze3A, %mul3A_296 : i32
      %sub3A_298 = arith.constant 128 : i32
      %sub3A_299 = arith.subi %min3A, %sub3A_298 : i32
      %min3A_300 = arith.constant 768 : i32
      %min3A_301 = arith.minsi %min3A_300, %sub3A_299 : i32
      %add3A_302 = arith.addi %add3A_297, %min3A_301 : i32
      %add3A_303 = arith.constant 0 : i32
      %add3A_304 = arith.addi %add3A_302, %add3A_303 : i32
      %add3A_305 = vector.broadcast %add3A_304 : i32 to vector<16xi32>
      %add3A_306 = arith.addi %add3A_305, %iota3A : vector<16xi32>
      %swap3A = arith.constant 0 : i32
      %swap3A_307 = arith.index_cast %swap3A : i32 to index
      %swap3A_308 = arith.constant 0 : index
      %swap3A_309 = tpu.vector_load %arg10[%swap3A_307, %swap3A_308] {strides = array<i32>} : memref<3x128xi32, #tpu.memory_space<vmem>>, vector<1x16xi32>,
      %swap3A_310 = vector.shape_cast %swap3A_309 : vector<1x16xi32> to vector<16xi32>
      %swap3A_311 = vector.shape_cast %add3A_306 : vector<16xi32> to vector<1x16xi32>
      tpu.vector_store %arg10[%swap3A_307, %swap3A_308], %swap3A_311 {strides = array<i32>} : memref<3x128xi32, #tpu.memory_space<vmem>>, vector<1x16xi32>,
      %add3A_312 = arith.constant 16 : i32
      %add3A_313 = arith.addi %add3A_302, %add3A_312 : i32
      %add3A_314 = vector.broadcast %add3A_313 : i32 to vector<16xi32>
      %add3A_315 = arith.addi %add3A_314, %iota3A : vector<16xi32>
      %swap3A_316 = arith.constant 0 : i32
      %swap3A_317 = arith.index_cast %swap3A_316 : i32 to index
      %swap3A_318 = arith.constant 16 : index
      %swap3A_319 = tpu.vector_load %arg10[%swap3A_317, %swap3A_318] {strides = array<i32>} : memref<3x128xi32, #tpu.memory_space<vmem>>, vector<1x16xi32>,
      %swap3A_320 = vector.shape_cast %swap3A_319 : vector<1x16xi32> to vector<16xi32>
      %swap3A_321 = vector.shape_cast %add3A_315 : vector<16xi32> to vector<1x16xi32>
      tpu.vector_store %arg10[%swap3A_317, %swap3A_318], %swap3A_321 {strides = array<i32>} : memref<3x128xi32, #tpu.memory_space<vmem>>, vector<1x16xi32>,
      %add3A_322 = arith.constant 32 : i32
      %add3A_323 = arith.addi %add3A_302, %add3A_322 : i32
      %add3A_324 = vector.broadcast %add3A_323 : i32 to vector<16xi32>
      %add3A_325 = arith.addi %add3A_324, %iota3A : vector<16xi32>
      %swap3A_326 = arith.constant 0 : i32
      %swap3A_327 = arith.index_cast %swap3A_326 : i32 to index
      %swap3A_328 = arith.constant 32 : index
      %swap3A_329 = tpu.vector_load %arg10[%swap3A_327, %swap3A_328] {strides = array<i32>} : memref<3x128xi32, #tpu.memory_space<vmem>>, vector<1x16xi32>,
      %swap3A_330 = vector.shape_cast %swap3A_329 : vector<1x16xi32> to vector<16xi32>
      %swap3A_331 = vector.shape_cast %add3A_325 : vector<16xi32> to vector<1x16xi32>
      tpu.vector_store %arg10[%swap3A_327, %swap3A_328], %swap3A_331 {strides = array<i32>} : memref<3x128xi32, #tpu.memory_space<vmem>>, vector<1x16xi32>,
      %add3A_332 = arith.constant 48 : i32
      %add3A_333 = arith.addi %add3A_302, %add3A_332 : i32
      %add3A_334 = vector.broadcast %add3A_333 : i32 to vector<16xi32>
      %add3A_335 = arith.addi %add3A_334, %iota3A : vector<16xi32>
      %swap3A_336 = arith.constant 0 : i32
      %swap3A_337 = arith.index_cast %swap3A_336 : i32 to index
      %swap3A_338 = arith.constant 48 : index
      %swap3A_339 = tpu.vector_load %arg10[%swap3A_337, %swap3A_338] {strides = array<i32>} : memref<3x128xi32, #tpu.memory_space<vmem>>, vector<1x16xi32>,
      %swap3A_340 = vector.shape_cast %swap3A_339 : vector<1x16xi32> to vector<16xi32>
      %swap3A_341 = vector.shape_cast %add3A_335 : vector<16xi32> to vector<1x16xi32>
      tpu.vector_store %arg10[%swap3A_337, %swap3A_338], %swap3A_341 {strides = array<i32>} : memref<3x128xi32, #tpu.memory_space<vmem>>, vector<1x16xi32>,
      %add3A_342 = arith.constant 64 : i32
      %add3A_343 = arith.addi %add3A_302, %add3A_342 : i32
      %add3A_344 = vector.broadcast %add3A_343 : i32 to vector<16xi32>
      %add3A_345 = arith.addi %add3A_344, %iota3A : vector<16xi32>
      %swap3A_346 = arith.constant 0 : i32
      %swap3A_347 = arith.index_cast %swap3A_346 : i32 to index
      %swap3A_348 = arith.constant 64 : index
      %swap3A_349 = tpu.vector_load %arg10[%swap3A_347, %swap3A_348] {strides = array<i32>} : memref<3x128xi32, #tpu.memory_space<vmem>>, vector<1x16xi32>,
      %swap3A_350 = vector.shape_cast %swap3A_349 : vector<1x16xi32> to vector<16xi32>
      %swap3A_351 = vector.shape_cast %add3A_345 : vector<16xi32> to vector<1x16xi32>
      tpu.vector_store %arg10[%swap3A_347, %swap3A_348], %swap3A_351 {strides = array<i32>} : memref<3x128xi32, #tpu.memory_space<vmem>>, vector<1x16xi32>,
      %add3A_352 = arith.constant 80 : i32
      %add3A_353 = arith.addi %add3A_302, %add3A_352 : i32
      %add3A_354 = vector.broadcast %add3A_353 : i32 to vector<16xi32>
      %add3A_355 = arith.addi %add3A_354, %iota3A : vector<16xi32>
      %swap3A_356 = arith.constant 0 : i32
      %swap3A_357 = arith.index_cast %swap3A_356 : i32 to index
      %swap3A_358 = arith.constant 80 : index
      %swap3A_359 = tpu.vector_load %arg10[%swap3A_357, %swap3A_358] {strides = array<i32>} : memref<3x128xi32, #tpu.memory_space<vmem>>, vector<1x16xi32>,
      %swap3A_360 = vector.shape_cast %swap3A_359 : vector<1x16xi32> to vector<16xi32>
      %swap3A_361 = vector.shape_cast %add3A_355 : vector<16xi32> to vector<1x16xi32>
      tpu.vector_store %arg10[%swap3A_357, %swap3A_358], %swap3A_361 {strides = array<i32>} : memref<3x128xi32, #tpu.memory_space<vmem>>, vector<1x16xi32>,
      %add3A_362 = arith.constant 96 : i32
      %add3A_363 = arith.addi %add3A_302, %add3A_362 : i32
      %add3A_364 = vector.broadcast %add3A_363 : i32 to vector<16xi32>
      %add3A_365 = arith.addi %add3A_364, %iota3A : vector<16xi32>
      %swap3A_366 = arith.constant 0 : i32
      %swap3A_367 = arith.index_cast %swap3A_366 : i32 to index
      %swap3A_368 = arith.constant 96 : index
      %swap3A_369 = tpu.vector_load %arg10[%swap3A_367, %swap3A_368] {strides = array<i32>} : memref<3x128xi32, #tpu.memory_space<vmem>>, vector<1x16xi32>,
      %swap3A_370 = vector.shape_cast %swap3A_369 : vector<1x16xi32> to vector<16xi32>
      %swap3A_371 = vector.shape_cast %add3A_365 : vector<16xi32> to vector<1x16xi32>
      tpu.vector_store %arg10[%swap3A_367, %swap3A_368], %swap3A_371 {strides = array<i32>} : memref<3x128xi32, #tpu.memory_space<vmem>>, vector<1x16xi32>,
      %add3A_372 = arith.constant 112 : i32
      %add3A_373 = arith.addi %add3A_302, %add3A_372 : i32
      %add3A_374 = vector.broadcast %add3A_373 : i32 to vector<16xi32>
      %add3A_375 = arith.addi %add3A_374, %iota3A : vector<16xi32>
      %swap3A_376 = arith.constant 0 : i32
      %swap3A_377 = arith.index_cast %swap3A_376 : i32 to index
      %swap3A_378 = arith.constant 112 : index
      %swap3A_379 = tpu.vector_load %arg10[%swap3A_377, %swap3A_378] {strides = array<i32>} : memref<3x128xi32, #tpu.memory_space<vmem>>, vector<1x16xi32>,
      %swap3A_380 = vector.shape_cast %swap3A_379 : vector<1x16xi32> to vector<16xi32>
      %swap3A_381 = vector.shape_cast %add3A_375 : vector<16xi32> to vector<1x16xi32>
      tpu.vector_store %arg10[%swap3A_377, %swap3A_378], %swap3A_381 {strides = array<i32>} : memref<3x128xi32, #tpu.memory_space<vmem>>, vector<1x16xi32>,
      %dma_start3A_382 = arith.constant 0 : i32
      %dma_start3A_383 = arith.constant 0 : i32
      %dma_start3A_384 = tpu.memref_slice %arg10[%dma_start3A_382, %dma_start3A_383] : memref<3x128xi32, #tpu.memory_space<vmem>> -> memref<1x128xi32, #tpu.memory_space<vmem>>
      %dma_start3A_385 = tpu.memref_squeeze %dma_start3A_384 : memref<1x128xi32, #tpu.memory_space<vmem>> -> memref<128xi32, #tpu.memory_space<vmem>>
      %dma_start3A_386 = arith.constant 0 : i32
      %dma_start3A_387 = arith.constant 0 : i32
      %dma_start3A_388 = tpu.memref_slice %arg2[%dma_start3A_386, %dma_start3A_387] : memref<16384x256xf32, #tpu.memory_space<hbm>> -> memref<16384x256xf32, #tpu.memory_space<hbm>>
      tpu.enqueue_indirect_dma source(%dma_start3A_388 : memref<16384x256xf32, #tpu.memory_space<hbm>>) target(%arg7 : memref<128x256xf32, #tpu.memory_space<vmem>>) offsets(%dma_start3A_385 : memref<128xi32, #tpu.memory_space<vmem>>) semaphore(%arg14 : memref<!tpu.dma_semaphore, #tpu.memory_space<semaphore_mem>>)
    } else {
    }
    %gt3A_242 = arith.constant 5 : i32
    %gt3A_243 = arith.cmpi sgt, %select_n3A_136, %gt3A_242 : i32
    %convert_element_type3A_244 = arith.extui %gt3A_243 : i1 to i32
    %cond3A_245 = arith.constant 0 : i32
    %cond3A_246 = arith.cmpi ne, %convert_element_type3A_244, %cond3A_245 : i32
    scf.if %cond3A_246 {
      %dma_wait3A_291 = arith.constant 2 : i32
      %dma_wait3A_292 = arith.constant 0 : i32
      %dma_wait3A_293 = tpu.memref_slice %arg10[%dma_wait3A_291, %dma_wait3A_292] : memref<3x128xi32, #tpu.memory_space<vmem>> -> memref<1x128xi32, #tpu.memory_space<vmem>>
      %dma_wait3A_294 = tpu.memref_squeeze %dma_wait3A_293 : memref<1x128xi32, #tpu.memory_space<vmem>> -> memref<128xi32, #tpu.memory_space<vmem>>
      %dma_wait3A_295 = arith.constant 0 : i32
      %dma_wait3A_296 = arith.constant 0 : i32
      %dma_wait3A_297 = tpu.memref_slice %arg2[%dma_wait3A_295, %dma_wait3A_296] : memref<16384x256xf32, #tpu.memory_space<hbm>> -> memref<16384x256xf32, #tpu.memory_space<hbm>>
      tpu.wait_indirect_dma semaphore(%arg16 : memref<!tpu.dma_semaphore, #tpu.memory_space<semaphore_mem>>) src(%dma_wait3A_297 : memref<16384x256xf32, #tpu.memory_space<hbm>>) dst(%arg9 : memref<128x256xf32, #tpu.memory_space<vmem>>)
      %sub3A_298 = arith.constant 1 : i32
      %sub3A_299 = arith.subi %select_n3A_136, %sub3A_298 : i32
      %eq3A_300 = arith.constant 5 : i32
      %eq3A_301 = arith.cmpi eq, %sub3A_299, %eq3A_300 : i32
      %convert_element_type3A_302 = arith.extui %eq3A_301 : i1 to i32
      %cond3A_303 = arith.constant 0 : i32
      %cond3A_304 = arith.cmpi ne, %convert_element_type3A_302, %cond3A_303 : i32
      scf.if %cond3A_304 {
        %gt3A_312 = arith.constant 0 : i32
        %gt3A_313 = arith.cmpi sgt, %select_n3A_108, %gt3A_312 : i32
        %convert_element_type3A_314 = arith.extui %gt3A_313 : i1 to i32
        %cond3A_315 = arith.constant 0 : i32
        %cond3A_316 = arith.cmpi ne, %convert_element_type3A_314, %cond3A_315 : i32
        scf.if %cond3A_316 {
          %dma_wait3A_443 = arith.constant 0 : i32
          %dma_wait3A_444 = tpu.memref_slice %arg4[%add3A_56, %dma_wait3A_443] : memref<32768x256xf32, #tpu.memory_space<hbm>> -> memref<128x256xf32, #tpu.memory_space<hbm>>
          tpu.wait_dma2 semaphore(%arg13 : memref<!tpu.dma_semaphore, #tpu.memory_space<semaphore_mem>>) src(%arg6 : memref<128x256xf32, #tpu.memory_space<vmem_shared>>) dst(%dma_wait3A_444 : memref<128x256xf32, #tpu.memory_space<hbm>>)
        } else {
        }
        %gt3A_317 = arith.constant 1 : i32
        %gt3A_318 = arith.cmpi sgt, %select_n3A_108, %gt3A_317 : i32
        %convert_element_type3A_319 = arith.extui %gt3A_318 : i1 to i32
        %cond3A_320 = arith.constant 0 : i32
        %cond3A_321 = arith.cmpi ne, %convert_element_type3A_319, %cond3A_320 : i32
        scf.if %cond3A_321 {
          %dma_wait3A_443 = arith.constant 0 : i32
          %dma_wait3A_444 = tpu.memref_slice %arg4[%add3A_56, %dma_wait3A_443] : memref<32768x256xf32, #tpu.memory_space<hbm>> -> memref<128x256xf32, #tpu.memory_space<hbm>>
          tpu.wait_dma2 semaphore(%arg13 : memref<!tpu.dma_semaphore, #tpu.memory_space<semaphore_mem>>) src(%arg6 : memref<128x256xf32, #tpu.memory_space<vmem_shared>>) dst(%dma_wait3A_444 : memref<128x256xf32, #tpu.memory_space<hbm>>)
        } else {
        }
        %gt3A_322 = arith.constant 2 : i32
        %gt3A_323 = arith.cmpi sgt, %select_n3A_108, %gt3A_322 : i32
        %convert_element_type3A_324 = arith.extui %gt3A_323 : i1 to i32
        %cond3A_325 = arith.constant 0 : i32
        %cond3A_326 = arith.cmpi ne, %convert_element_type3A_324, %cond3A_325 : i32
        scf.if %cond3A_326 {
          %dma_wait3A_443 = arith.constant 0 : i32
          %dma_wait3A_444 = tpu.memref_slice %arg4[%add3A_56, %dma_wait3A_443] : memref<32768x256xf32, #tpu.memory_space<hbm>> -> memref<128x256xf32, #tpu.memory_space<hbm>>
          tpu.wait_dma2 semaphore(%arg13 : memref<!tpu.dma_semaphore, #tpu.memory_space<semaphore_mem>>) src(%arg6 : memref<128x256xf32, #tpu.memory_space<vmem_shared>>) dst(%dma_wait3A_444 : memref<128x256xf32, #tpu.memory_space<hbm>>)
        } else {
        }
        %gt3A_327 = arith.constant 3 : i32
        %gt3A_328 = arith.cmpi sgt, %select_n3A_108, %gt3A_327 : i32
        %convert_element_type3A_329 = arith.extui %gt3A_328 : i1 to i32
        %cond3A_330 = arith.constant 0 : i32
        %cond3A_331 = arith.cmpi ne, %convert_element_type3A_329, %cond3A_330 : i32
        scf.if %cond3A_331 {
          %dma_wait3A_443 = arith.constant 0 : i32
          %dma_wait3A_444 = tpu.memref_slice %arg4[%add3A_56, %dma_wait3A_443] : memref<32768x256xf32, #tpu.memory_space<hbm>> -> memref<128x256xf32, #tpu.memory_space<hbm>>
          tpu.wait_dma2 semaphore(%arg13 : memref<!tpu.dma_semaphore, #tpu.memory_space<semaphore_mem>>) src(%arg6 : memref<128x256xf32, #tpu.memory_space<vmem_shared>>) dst(%dma_wait3A_444 : memref<128x256xf32, #tpu.memory_space<hbm>>)
        } else {
        }
        %gt3A_332 = arith.constant 4 : i32
        %gt3A_333 = arith.cmpi sgt, %select_n3A_108, %gt3A_332 : i32
        %convert_element_type3A_334 = arith.extui %gt3A_333 : i1 to i32
        %cond3A_335 = arith.constant 0 : i32
        %cond3A_336 = arith.cmpi ne, %convert_element_type3A_334, %cond3A_335 : i32
        scf.if %cond3A_336 {
          %dma_wait3A_443 = arith.constant 0 : i32
          %dma_wait3A_444 = tpu.memref_slice %arg4[%add3A_56, %dma_wait3A_443] : memref<32768x256xf32, #tpu.memory_space<hbm>> -> memref<128x256xf32, #tpu.memory_space<hbm>>
          tpu.wait_dma2 semaphore(%arg13 : memref<!tpu.dma_semaphore, #tpu.memory_space<semaphore_mem>>) src(%arg6 : memref<128x256xf32, #tpu.memory_space<vmem_shared>>) dst(%dma_wait3A_444 : memref<128x256xf32, #tpu.memory_space<hbm>>)
        } else {
        }
        %gt3A_337 = arith.constant 5 : i32
        %gt3A_338 = arith.cmpi sgt, %select_n3A_108, %gt3A_337 : i32
        %convert_element_type3A_339 = arith.extui %gt3A_338 : i1 to i32
        %cond3A_340 = arith.constant 0 : i32
        %cond3A_341 = arith.cmpi ne, %convert_element_type3A_339, %cond3A_340 : i32
        scf.if %cond3A_341 {
          %dma_wait3A_443 = arith.constant 0 : i32
          %dma_wait3A_444 = tpu.memref_slice %arg4[%add3A_56, %dma_wait3A_443] : memref<32768x256xf32, #tpu.memory_space<hbm>> -> memref<128x256xf32, #tpu.memory_space<hbm>>
          tpu.wait_dma2 semaphore(%arg13 : memref<!tpu.dma_semaphore, #tpu.memory_space<semaphore_mem>>) src(%arg6 : memref<128x256xf32, #tpu.memory_space<vmem_shared>>) dst(%dma_wait3A_444 : memref<128x256xf32, #tpu.memory_space<hbm>>)
        } else {
        }
        %gt3A_342 = arith.constant 6 : i32
        %gt3A_343 = arith.cmpi sgt, %select_n3A_108, %gt3A_342 : i32
        %convert_element_type3A_344 = arith.extui %gt3A_343 : i1 to i32
        %cond3A_345 = arith.constant 0 : i32
        %cond3A_346 = arith.cmpi ne, %convert_element_type3A_344, %cond3A_345 : i32
        scf.if %cond3A_346 {
          %dma_wait3A_443 = arith.constant 0 : i32
          %dma_wait3A_444 = tpu.memref_slice %arg4[%add3A_56, %dma_wait3A_443] : memref<32768x256xf32, #tpu.memory_space<hbm>> -> memref<128x256xf32, #tpu.memory_space<hbm>>
          tpu.wait_dma2 semaphore(%arg13 : memref<!tpu.dma_semaphore, #tpu.memory_space<semaphore_mem>>) src(%arg6 : memref<128x256xf32, #tpu.memory_space<vmem_shared>>) dst(%dma_wait3A_444 : memref<128x256xf32, #tpu.memory_space<hbm>>)
        } else {
        }
        %gt3A_347 = arith.constant 7 : i32
        %gt3A_348 = arith.cmpi sgt, %select_n3A_108, %gt3A_347 : i32
        %convert_element_type3A_349 = arith.extui %gt3A_348 : i1 to i32
        %cond3A_350 = arith.constant 0 : i32
        %cond3A_351 = arith.cmpi ne, %convert_element_type3A_349, %cond3A_350 : i32
        scf.if %cond3A_351 {
          %dma_wait3A_443 = arith.constant 0 : i32
          %dma_wait3A_444 = tpu.memref_slice %arg4[%add3A_56, %dma_wait3A_443] : memref<32768x256xf32, #tpu.memory_space<hbm>> -> memref<128x256xf32, #tpu.memory_space<hbm>>
          tpu.wait_dma2 semaphore(%arg13 : memref<!tpu.dma_semaphore, #tpu.memory_space<semaphore_mem>>) src(%arg6 : memref<128x256xf32, #tpu.memory_space<vmem_shared>>) dst(%dma_wait3A_444 : memref<128x256xf32, #tpu.memory_space<hbm>>)
        } else {
        }
        %sub3A_352 = arith.constant 128 : i32
        %sub3A_353 = arith.subi %min3A, %sub3A_352 : i32
        %min3A_354 = arith.constant 640 : i32
        %min3A_355 = arith.minsi %min3A_354, %sub3A_353 : i32
        %add3A_356 = arith.addi %add3A_56, %min3A_355 : i32
        %add3A_357 = arith.constant 0 : i32
        %add3A_358 = arith.addi %add3A_356, %add3A_357 : i32
        %add3A_359 = vector.broadcast %add3A_358 : i32 to vector<16xi32>
        %add3A_360 = arith.addi %add3A_359, %iota3A : vector<16xi32>
        %swap3A = arith.constant 2 : i32
        %swap3A_361 = arith.index_cast %swap3A : i32 to index
        %swap3A_362 = arith.constant 0 : index
        %swap3A_363 = tpu.vector_load %arg11[%swap3A_361, %swap3A_362] {strides = array<i32>} : memref<3x128xi32, #tpu.memory_space<vmem>>, vector<1x16xi32>,
        %swap3A_364 = vector.shape_cast %swap3A_363 : vector<1x16xi32> to vector<16xi32>
        %swap3A_365 = vector.shape_cast %add3A_360 : vector<16xi32> to vector<1x16xi32>
        tpu.vector_store %arg11[%swap3A_361, %swap3A_362], %swap3A_365 {strides = array<i32>} : memref<3x128xi32, #tpu.memory_space<vmem>>, vector<1x16xi32>,
        %add3A_366 = arith.constant 16 : i32
        %add3A_367 = arith.addi %add3A_356, %add3A_366 : i32
        %add3A_368 = vector.broadcast %add3A_367 : i32 to vector<16xi32>
        %add3A_369 = arith.addi %add3A_368, %iota3A : vector<16xi32>
        %swap3A_370 = arith.constant 2 : i32
        %swap3A_371 = arith.index_cast %swap3A_370 : i32 to index
        %swap3A_372 = arith.constant 16 : index
        %swap3A_373 = tpu.vector_load %arg11[%swap3A_371, %swap3A_372] {strides = array<i32>} : memref<3x128xi32, #tpu.memory_space<vmem>>, vector<1x16xi32>,
        %swap3A_374 = vector.shape_cast %swap3A_373 : vector<1x16xi32> to vector<16xi32>
        %swap3A_375 = vector.shape_cast %add3A_369 : vector<16xi32> to vector<1x16xi32>
        tpu.vector_store %arg11[%swap3A_371, %swap3A_372], %swap3A_375 {strides = array<i32>} : memref<3x128xi32, #tpu.memory_space<vmem>>, vector<1x16xi32>,
        %add3A_376 = arith.constant 32 : i32
        %add3A_377 = arith.addi %add3A_356, %add3A_376 : i32
        %add3A_378 = vector.broadcast %add3A_377 : i32 to vector<16xi32>
        %add3A_379 = arith.addi %add3A_378, %iota3A : vector<16xi32>
        %swap3A_380 = arith.constant 2 : i32
        %swap3A_381 = arith.index_cast %swap3A_380 : i32 to index
        %swap3A_382 = arith.constant 32 : index
        %swap3A_383 = tpu.vector_load %arg11[%swap3A_381, %swap3A_382] {strides = array<i32>} : memref<3x128xi32, #tpu.memory_space<vmem>>, vector<1x16xi32>,
        %swap3A_384 = vector.shape_cast %swap3A_383 : vector<1x16xi32> to vector<16xi32>
        %swap3A_385 = vector.shape_cast %add3A_379 : vector<16xi32> to vector<1x16xi32>
        tpu.vector_store %arg11[%swap3A_381, %swap3A_382], %swap3A_385 {strides = array<i32>} : memref<3x128xi32, #tpu.memory_space<vmem>>, vector<1x16xi32>,
        %add3A_386 = arith.constant 48 : i32
        %add3A_387 = arith.addi %add3A_356, %add3A_386 : i32
        %add3A_388 = vector.broadcast %add3A_387 : i32 to vector<16xi32>
        %add3A_389 = arith.addi %add3A_388, %iota3A : vector<16xi32>
        %swap3A_390 = arith.constant 2 : i32
        %swap3A_391 = arith.index_cast %swap3A_390 : i32 to index
        %swap3A_392 = arith.constant 48 : index
        %swap3A_393 = tpu.vector_load %arg11[%swap3A_391, %swap3A_392] {strides = array<i32>} : memref<3x128xi32, #tpu.memory_space<vmem>>, vector<1x16xi32>,
        %swap3A_394 = vector.shape_cast %swap3A_393 : vector<1x16xi32> to vector<16xi32>
        %swap3A_395 = vector.shape_cast %add3A_389 : vector<16xi32> to vector<1x16xi32>
        tpu.vector_store %arg11[%swap3A_391, %swap3A_392], %swap3A_395 {strides = array<i32>} : memref<3x128xi32, #tpu.memory_space<vmem>>, vector<1x16xi32>,
        %add3A_396 = arith.constant 64 : i32
        %add3A_397 = arith.addi %add3A_356, %add3A_396 : i32
        %add3A_398 = vector.broadcast %add3A_397 : i32 to vector<16xi32>
        %add3A_399 = arith.addi %add3A_398, %iota3A : vector<16xi32>
        %swap3A_400 = arith.constant 2 : i32
        %swap3A_401 = arith.index_cast %swap3A_400 : i32 to index
        %swap3A_402 = arith.constant 64 : index
        %swap3A_403 = tpu.vector_load %arg11[%swap3A_401, %swap3A_402] {strides = array<i32>} : memref<3x128xi32, #tpu.memory_space<vmem>>, vector<1x16xi32>,
        %swap3A_404 = vector.shape_cast %swap3A_403 : vector<1x16xi32> to vector<16xi32>
        %swap3A_405 = vector.shape_cast %add3A_399 : vector<16xi32> to vector<1x16xi32>
        tpu.vector_store %arg11[%swap3A_401, %swap3A_402], %swap3A_405 {strides = array<i32>} : memref<3x128xi32, #tpu.memory_space<vmem>>, vector<1x16xi32>,
        %add3A_406 = arith.constant 80 : i32
        %add3A_407 = arith.addi %add3A_356, %add3A_406 : i32
        %add3A_408 = vector.broadcast %add3A_407 : i32 to vector<16xi32>
        %add3A_409 = arith.addi %add3A_408, %iota3A : vector<16xi32>
        %swap3A_410 = arith.constant 2 : i32
        %swap3A_411 = arith.index_cast %swap3A_410 : i32 to index
        %swap3A_412 = arith.constant 80 : index
        %swap3A_413 = tpu.vector_load %arg11[%swap3A_411, %swap3A_412] {strides = array<i32>} : memref<3x128xi32, #tpu.memory_space<vmem>>, vector<1x16xi32>,
        %swap3A_414 = vector.shape_cast %swap3A_413 : vector<1x16xi32> to vector<16xi32>
        %swap3A_415 = vector.shape_cast %add3A_409 : vector<16xi32> to vector<1x16xi32>
        tpu.vector_store %arg11[%swap3A_411, %swap3A_412], %swap3A_415 {strides = array<i32>} : memref<3x128xi32, #tpu.memory_space<vmem>>, vector<1x16xi32>,
        %add3A_416 = arith.constant 96 : i32
        %add3A_417 = arith.addi %add3A_356, %add3A_416 : i32
        %add3A_418 = vector.broadcast %add3A_417 : i32 to vector<16xi32>
        %add3A_419 = arith.addi %add3A_418, %iota3A : vector<16xi32>
        %swap3A_420 = arith.constant 2 : i32
        %swap3A_421 = arith.index_cast %swap3A_420 : i32 to index
        %swap3A_422 = arith.constant 96 : index
        %swap3A_423 = tpu.vector_load %arg11[%swap3A_421, %swap3A_422] {strides = array<i32>} : memref<3x128xi32, #tpu.memory_space<vmem>>, vector<1x16xi32>,
        %swap3A_424 = vector.shape_cast %swap3A_423 : vector<1x16xi32> to vector<16xi32>
        %swap3A_425 = vector.shape_cast %add3A_419 : vector<16xi32> to vector<1x16xi32>
        tpu.vector_store %arg11[%swap3A_421, %swap3A_422], %swap3A_425 {strides = array<i32>} : memref<3x128xi32, #tpu.memory_space<vmem>>, vector<1x16xi32>,
        %add3A_426 = arith.constant 112 : i32
        %add3A_427 = arith.addi %add3A_356, %add3A_426 : i32
        %add3A_428 = vector.broadcast %add3A_427 : i32 to vector<16xi32>
        %add3A_429 = arith.addi %add3A_428, %iota3A : vector<16xi32>
        %swap3A_430 = arith.constant 2 : i32
        %swap3A_431 = arith.index_cast %swap3A_430 : i32 to index
        %swap3A_432 = arith.constant 112 : index
        %swap3A_433 = tpu.vector_load %arg11[%swap3A_431, %swap3A_432] {strides = array<i32>} : memref<3x128xi32, #tpu.memory_space<vmem>>, vector<1x16xi32>,
        %swap3A_434 = vector.shape_cast %swap3A_433 : vector<1x16xi32> to vector<16xi32>
        %swap3A_435 = vector.shape_cast %add3A_429 : vector<16xi32> to vector<1x16xi32>
        tpu.vector_store %arg11[%swap3A_431, %swap3A_432], %swap3A_435 {strides = array<i32>} : memref<3x128xi32, #tpu.memory_space<vmem>>, vector<1x16xi32>,
        %dma_start3A_436 = arith.constant 2 : i32
        %dma_start3A_437 = arith.constant 0 : i32
        %dma_start3A_438 = tpu.memref_slice %arg11[%dma_start3A_436, %dma_start3A_437] : memref<3x128xi32, #tpu.memory_space<vmem>> -> memref<1x128xi32, #tpu.memory_space<vmem>>
        %dma_start3A_439 = tpu.memref_squeeze %dma_start3A_438 : memref<1x128xi32, #tpu.memory_space<vmem>> -> memref<128xi32, #tpu.memory_space<vmem>>
        %dma_start3A_440 = arith.constant 0 : i32
        %dma_start3A_441 = arith.constant 0 : i32
        %dma_start3A_442 = tpu.memref_slice %arg4[%dma_start3A_440, %dma_start3A_441] : memref<32768x256xf32, #tpu.memory_space<hbm>> -> memref<32768x256xf32, #tpu.memory_space<hbm>>
        tpu.enqueue_indirect_dma source(%arg9 : memref<128x256xf32, #tpu.memory_space<vmem>>) target(%dma_start3A_442 : memref<32768x256xf32, #tpu.memory_space<hbm>>) offsets(%dma_start3A_439 : memref<128xi32, #tpu.memory_space<vmem>>) semaphore(%arg19 : memref<!tpu.dma_semaphore, #tpu.memory_space<semaphore_mem>>)
      } else {
      }
      %sub3A_305 = arith.constant 1 : i32
      %sub3A_306 = arith.subi %select_n3A_136, %sub3A_305 : i32
      %ne3A_307 = arith.constant 5 : i32
      %ne3A_308 = arith.cmpi ne, %sub3A_306, %ne3A_307 : i32
      %convert_element_type3A_309 = arith.extui %ne3A_308 : i1 to i32
      %cond3A_310 = arith.constant 0 : i32
      %cond3A_311 = arith.cmpi ne, %convert_element_type3A_309, %cond3A_310 : i32
      scf.if %cond3A_311 {
        %add3A_312 = arith.constant 640 : i32
        %add3A_313 = arith.addi %add3A_56, %add3A_312 : i32
        %multiple_of3A = tpu.assume_multiple %add3A_313, 128 : i32
        %dma_start3A_314 = arith.constant 0 : i32
        %dma_start3A_315 = tpu.memref_slice %arg4[%multiple_of3A, %dma_start3A_314] : memref<32768x256xf32, #tpu.memory_space<hbm>> -> memref<128x256xf32, #tpu.memory_space<hbm>>
        %dma_start3A_316 = arith.constant 0 : i32
        %dma_start3A_317 = tpu.memref_slice %arg4[%multiple_of3A, %dma_start3A_316] : memref<32768x256xf32, #tpu.memory_space<hbm>> -> memref<128x256xf32, #tpu.memory_space<hbm>>
        tpu.enqueue_dma source(%arg9 : memref<128x256xf32, #tpu.memory_space<vmem>>) target(%dma_start3A_317 : memref<128x256xf32, #tpu.memory_space<hbm>>) target_semaphore(%arg19 : memref<!tpu.dma_semaphore, #tpu.memory_space<semaphore_mem>>)
      } else {
      }
    } else {
    }
    %gt3A_247 = arith.constant 7 : i32
    %gt3A_248 = arith.cmpi sgt, %select_n3A_136, %gt3A_247 : i32
    %convert_element_type3A_249 = arith.extui %gt3A_248 : i1 to i32
    %cond3A_250 = arith.constant 0 : i32
    %cond3A_251 = arith.cmpi ne, %convert_element_type3A_249, %cond3A_250 : i32
    scf.if %cond3A_251 {
      %dma_wait3A_291 = arith.constant 0 : i32
      %dma_wait3A_292 = tpu.memref_slice %arg4[%add3A_56, %dma_wait3A_291] : memref<32768x256xf32, #tpu.memory_space<hbm>> -> memref<128x256xf32, #tpu.memory_space<hbm>>
      %dma_wait3A_293 = arith.constant 0 : i32
      %dma_wait3A_294 = tpu.memref_slice %arg4[%add3A_56, %dma_wait3A_293] : memref<32768x256xf32, #tpu.memory_space<hbm>> -> memref<128x256xf32, #tpu.memory_space<hbm>>
      tpu.wait_dma2 semaphore(%arg18 : memref<!tpu.dma_semaphore, #tpu.memory_space<semaphore_mem>>) src(%arg8 : memref<128x256xf32, #tpu.memory_space<vmem>>) dst(%dma_wait3A_294 : memref<128x256xf32, #tpu.memory_space<hbm>>)
      %mul3A_295 = arith.constant 1024 : i32
      %mul3A_296 = arith.muli %select_n3A_30, %mul3A_295 : i32
      %add3A_297 = arith.addi %squeeze3A, %mul3A_296 : i32
      %sub3A_298 = arith.constant 128 : i32
      %sub3A_299 = arith.subi %min3A, %sub3A_298 : i32
      %min3A_300 = arith.constant 896 : i32
      %min3A_301 = arith.minsi %min3A_300, %sub3A_299 : i32
      %add3A_302 = arith.addi %add3A_297, %min3A_301 : i32
      %add3A_303 = arith.constant 0 : i32
      %add3A_304 = arith.addi %add3A_302, %add3A_303 : i32
      %add3A_305 = vector.broadcast %add3A_304 : i32 to vector<16xi32>
      %add3A_306 = arith.addi %add3A_305, %iota3A : vector<16xi32>
      %swap3A = arith.constant 1 : i32
      %swap3A_307 = arith.index_cast %swap3A : i32 to index
      %swap3A_308 = arith.constant 0 : index
      %swap3A_309 = tpu.vector_load %arg10[%swap3A_307, %swap3A_308] {strides = array<i32>} : memref<3x128xi32, #tpu.memory_space<vmem>>, vector<1x16xi32>,
      %swap3A_310 = vector.shape_cast %swap3A_309 : vector<1x16xi32> to vector<16xi32>
      %swap3A_311 = vector.shape_cast %add3A_306 : vector<16xi32> to vector<1x16xi32>
      tpu.vector_store %arg10[%swap3A_307, %swap3A_308], %swap3A_311 {strides = array<i32>} : memref<3x128xi32, #tpu.memory_space<vmem>>, vector<1x16xi32>,
      %add3A_312 = arith.constant 16 : i32
      %add3A_313 = arith.addi %add3A_302, %add3A_312 : i32
      %add3A_314 = vector.broadcast %add3A_313 : i32 to vector<16xi32>
      %add3A_315 = arith.addi %add3A_314, %iota3A : vector<16xi32>
      %swap3A_316 = arith.constant 1 : i32
      %swap3A_317 = arith.index_cast %swap3A_316 : i32 to index
      %swap3A_318 = arith.constant 16 : index
      %swap3A_319 = tpu.vector_load %arg10[%swap3A_317, %swap3A_318] {strides = array<i32>} : memref<3x128xi32, #tpu.memory_space<vmem>>, vector<1x16xi32>,
      %swap3A_320 = vector.shape_cast %swap3A_319 : vector<1x16xi32> to vector<16xi32>
      %swap3A_321 = vector.shape_cast %add3A_315 : vector<16xi32> to vector<1x16xi32>
      tpu.vector_store %arg10[%swap3A_317, %swap3A_318], %swap3A_321 {strides = array<i32>} : memref<3x128xi32, #tpu.memory_space<vmem>>, vector<1x16xi32>,
      %add3A_322 = arith.constant 32 : i32
      %add3A_323 = arith.addi %add3A_302, %add3A_322 : i32
      %add3A_324 = vector.broadcast %add3A_323 : i32 to vector<16xi32>
      %add3A_325 = arith.addi %add3A_324, %iota3A : vector<16xi32>
      %swap3A_326 = arith.constant 1 : i32
      %swap3A_327 = arith.index_cast %swap3A_326 : i32 to index
      %swap3A_328 = arith.constant 32 : index
      %swap3A_329 = tpu.vector_load %arg10[%swap3A_327, %swap3A_328] {strides = array<i32>} : memref<3x128xi32, #tpu.memory_space<vmem>>, vector<1x16xi32>,
      %swap3A_330 = vector.shape_cast %swap3A_329 : vector<1x16xi32> to vector<16xi32>
      %swap3A_331 = vector.shape_cast %add3A_325 : vector<16xi32> to vector<1x16xi32>
      tpu.vector_store %arg10[%swap3A_327, %swap3A_328], %swap3A_331 {strides = array<i32>} : memref<3x128xi32, #tpu.memory_space<vmem>>, vector<1x16xi32>,
      %add3A_332 = arith.constant 48 : i32
      %add3A_333 = arith.addi %add3A_302, %add3A_332 : i32
      %add3A_334 = vector.broadcast %add3A_333 : i32 to vector<16xi32>
      %add3A_335 = arith.addi %add3A_334, %iota3A : vector<16xi32>
      %swap3A_336 = arith.constant 1 : i32
      %swap3A_337 = arith.index_cast %swap3A_336 : i32 to index
      %swap3A_338 = arith.constant 48 : index
      %swap3A_339 = tpu.vector_load %arg10[%swap3A_337, %swap3A_338] {strides = array<i32>} : memref<3x128xi32, #tpu.memory_space<vmem>>, vector<1x16xi32>,
      %swap3A_340 = vector.shape_cast %swap3A_339 : vector<1x16xi32> to vector<16xi32>
      %swap3A_341 = vector.shape_cast %add3A_335 : vector<16xi32> to vector<1x16xi32>
      tpu.vector_store %arg10[%swap3A_337, %swap3A_338], %swap3A_341 {strides = array<i32>} : memref<3x128xi32, #tpu.memory_space<vmem>>, vector<1x16xi32>,
      %add3A_342 = arith.constant 64 : i32
      %add3A_343 = arith.addi %add3A_302, %add3A_342 : i32
      %add3A_344 = vector.broadcast %add3A_343 : i32 to vector<16xi32>
      %add3A_345 = arith.addi %add3A_344, %iota3A : vector<16xi32>
      %swap3A_346 = arith.constant 1 : i32
      %swap3A_347 = arith.index_cast %swap3A_346 : i32 to index
      %swap3A_348 = arith.constant 64 : index
      %swap3A_349 = tpu.vector_load %arg10[%swap3A_347, %swap3A_348] {strides = array<i32>} : memref<3x128xi32, #tpu.memory_space<vmem>>, vector<1x16xi32>,
      %swap3A_350 = vector.shape_cast %swap3A_349 : vector<1x16xi32> to vector<16xi32>
      %swap3A_351 = vector.shape_cast %add3A_345 : vector<16xi32> to vector<1x16xi32>
      tpu.vector_store %arg10[%swap3A_347, %swap3A_348], %swap3A_351 {strides = array<i32>} : memref<3x128xi32, #tpu.memory_space<vmem>>, vector<1x16xi32>,
      %add3A_352 = arith.constant 80 : i32
      %add3A_353 = arith.addi %add3A_302, %add3A_352 : i32
      %add3A_354 = vector.broadcast %add3A_353 : i32 to vector<16xi32>
      %add3A_355 = arith.addi %add3A_354, %iota3A : vector<16xi32>
      %swap3A_356 = arith.constant 1 : i32
      %swap3A_357 = arith.index_cast %swap3A_356 : i32 to index
      %swap3A_358 = arith.constant 80 : index
      %swap3A_359 = tpu.vector_load %arg10[%swap3A_357, %swap3A_358] {strides = array<i32>} : memref<3x128xi32, #tpu.memory_space<vmem>>, vector<1x16xi32>,
      %swap3A_360 = vector.shape_cast %swap3A_359 : vector<1x16xi32> to vector<16xi32>
      %swap3A_361 = vector.shape_cast %add3A_355 : vector<16xi32> to vector<1x16xi32>
      tpu.vector_store %arg10[%swap3A_357, %swap3A_358], %swap3A_361 {strides = array<i32>} : memref<3x128xi32, #tpu.memory_space<vmem>>, vector<1x16xi32>,
      %add3A_362 = arith.constant 96 : i32
      %add3A_363 = arith.addi %add3A_302, %add3A_362 : i32
      %add3A_364 = vector.broadcast %add3A_363 : i32 to vector<16xi32>
      %add3A_365 = arith.addi %add3A_364, %iota3A : vector<16xi32>
      %swap3A_366 = arith.constant 1 : i32
      %swap3A_367 = arith.index_cast %swap3A_366 : i32 to index
      %swap3A_368 = arith.constant 96 : index
      %swap3A_369 = tpu.vector_load %arg10[%swap3A_367, %swap3A_368] {strides = array<i32>} : memref<3x128xi32, #tpu.memory_space<vmem>>, vector<1x16xi32>,
      %swap3A_370 = vector.shape_cast %swap3A_369 : vector<1x16xi32> to vector<16xi32>
      %swap3A_371 = vector.shape_cast %add3A_365 : vector<16xi32> to vector<1x16xi32>
      tpu.vector_store %arg10[%swap3A_367, %swap3A_368], %swap3A_371 {strides = array<i32>} : memref<3x128xi32, #tpu.memory_space<vmem>>, vector<1x16xi32>,
      %add3A_372 = arith.constant 112 : i32
      %add3A_373 = arith.addi %add3A_302, %add3A_372 : i32
      %add3A_374 = vector.broadcast %add3A_373 : i32 to vector<16xi32>
      %add3A_375 = arith.addi %add3A_374, %iota3A : vector<16xi32>
      %swap3A_376 = arith.constant 1 : i32
      %swap3A_377 = arith.index_cast %swap3A_376 : i32 to index
      %swap3A_378 = arith.constant 112 : index
      %swap3A_379 = tpu.vector_load %arg10[%swap3A_377, %swap3A_378] {strides = array<i32>} : memref<3x128xi32, #tpu.memory_space<vmem>>, vector<1x16xi32>,
      %swap3A_380 = vector.shape_cast %swap3A_379 : vector<1x16xi32> to vector<16xi32>
      %swap3A_381 = vector.shape_cast %add3A_375 : vector<16xi32> to vector<1x16xi32>
      tpu.vector_store %arg10[%swap3A_377, %swap3A_378], %swap3A_381 {strides = array<i32>} : memref<3x128xi32, #tpu.memory_space<vmem>>, vector<1x16xi32>,
      %dma_start3A_382 = arith.constant 1 : i32
      %dma_start3A_383 = arith.constant 0 : i32
      %dma_start3A_384 = tpu.memref_slice %arg10[%dma_start3A_382, %dma_start3A_383] : memref<3x128xi32, #tpu.memory_space<vmem>> -> memref<1x128xi32, #tpu.memory_space<vmem>>
      %dma_start3A_385 = tpu.memref_squeeze %dma_start3A_384 : memref<1x128xi32, #tpu.memory_space<vmem>> -> memref<128xi32, #tpu.memory_space<vmem>>
      %dma_start3A_386 = arith.constant 0 : i32
      %dma_start3A_387 = arith.constant 0 : i32
      %dma_start3A_388 = tpu.memref_slice %arg2[%dma_start3A_386, %dma_start3A_387] : memref<16384x256xf32, #tpu.memory_space<hbm>> -> memref<16384x256xf32, #tpu.memory_space<hbm>>
      tpu.enqueue_indirect_dma source(%dma_start3A_388 : memref<16384x256xf32, #tpu.memory_space<hbm>>) target(%arg8 : memref<128x256xf32, #tpu.memory_space<vmem>>) offsets(%dma_start3A_385 : memref<128xi32, #tpu.memory_space<vmem>>) semaphore(%arg15 : memref<!tpu.dma_semaphore, #tpu.memory_space<semaphore_mem>>)
    } else {
    }
    %gt3A_252 = arith.constant 6 : i32
    %gt3A_253 = arith.cmpi sgt, %select_n3A_136, %gt3A_252 : i32
    %convert_element_type3A_254 = arith.extui %gt3A_253 : i1 to i32
    %cond3A_255 = arith.constant 0 : i32
    %cond3A_256 = arith.cmpi ne, %convert_element_type3A_254, %cond3A_255 : i32
    scf.if %cond3A_256 {
      %dma_wait3A_291 = arith.constant 0 : i32
      %dma_wait3A_292 = arith.constant 0 : i32
      %dma_wait3A_293 = tpu.memref_slice %arg10[%dma_wait3A_291, %dma_wait3A_292] : memref<3x128xi32, #tpu.memory_space<vmem>> -> memref<1x128xi32, #tpu.memory_space<vmem>>
      %dma_wait3A_294 = tpu.memref_squeeze %dma_wait3A_293 : memref<1x128xi32, #tpu.memory_space<vmem>> -> memref<128xi32, #tpu.memory_space<vmem>>
      %dma_wait3A_295 = arith.constant 0 : i32
      %dma_wait3A_296 = arith.constant 0 : i32
      %dma_wait3A_297 = tpu.memref_slice %arg2[%dma_wait3A_295, %dma_wait3A_296] : memref<16384x256xf32, #tpu.memory_space<hbm>> -> memref<16384x256xf32, #tpu.memory_space<hbm>>
      tpu.wait_indirect_dma semaphore(%arg14 : memref<!tpu.dma_semaphore, #tpu.memory_space<semaphore_mem>>) src(%dma_wait3A_297 : memref<16384x256xf32, #tpu.memory_space<hbm>>) dst(%arg7 : memref<128x256xf32, #tpu.memory_space<vmem>>)
      %sub3A_298 = arith.constant 1 : i32
      %sub3A_299 = arith.subi %select_n3A_136, %sub3A_298 : i32
      %eq3A_300 = arith.constant 6 : i32
      %eq3A_301 = arith.cmpi eq, %sub3A_299, %eq3A_300 : i32
      %convert_element_type3A_302 = arith.extui %eq3A_301 : i1 to i32
      %cond3A_303 = arith.constant 0 : i32
      %cond3A_304 = arith.cmpi ne, %convert_element_type3A_302, %cond3A_303 : i32
      scf.if %cond3A_304 {
        %gt3A_312 = arith.constant 0 : i32
        %gt3A_313 = arith.cmpi sgt, %select_n3A_108, %gt3A_312 : i32
        %convert_element_type3A_314 = arith.extui %gt3A_313 : i1 to i32
        %cond3A_315 = arith.constant 0 : i32
        %cond3A_316 = arith.cmpi ne, %convert_element_type3A_314, %cond3A_315 : i32
        scf.if %cond3A_316 {
          %dma_wait3A_443 = arith.constant 0 : i32
          %dma_wait3A_444 = tpu.memref_slice %arg4[%add3A_56, %dma_wait3A_443] : memref<32768x256xf32, #tpu.memory_space<hbm>> -> memref<128x256xf32, #tpu.memory_space<hbm>>
          tpu.wait_dma2 semaphore(%arg13 : memref<!tpu.dma_semaphore, #tpu.memory_space<semaphore_mem>>) src(%arg6 : memref<128x256xf32, #tpu.memory_space<vmem_shared>>) dst(%dma_wait3A_444 : memref<128x256xf32, #tpu.memory_space<hbm>>)
        } else {
        }
        %gt3A_317 = arith.constant 1 : i32
        %gt3A_318 = arith.cmpi sgt, %select_n3A_108, %gt3A_317 : i32
        %convert_element_type3A_319 = arith.extui %gt3A_318 : i1 to i32
        %cond3A_320 = arith.constant 0 : i32
        %cond3A_321 = arith.cmpi ne, %convert_element_type3A_319, %cond3A_320 : i32
        scf.if %cond3A_321 {
          %dma_wait3A_443 = arith.constant 0 : i32
          %dma_wait3A_444 = tpu.memref_slice %arg4[%add3A_56, %dma_wait3A_443] : memref<32768x256xf32, #tpu.memory_space<hbm>> -> memref<128x256xf32, #tpu.memory_space<hbm>>
          tpu.wait_dma2 semaphore(%arg13 : memref<!tpu.dma_semaphore, #tpu.memory_space<semaphore_mem>>) src(%arg6 : memref<128x256xf32, #tpu.memory_space<vmem_shared>>) dst(%dma_wait3A_444 : memref<128x256xf32, #tpu.memory_space<hbm>>)
        } else {
        }
        %gt3A_322 = arith.constant 2 : i32
        %gt3A_323 = arith.cmpi sgt, %select_n3A_108, %gt3A_322 : i32
        %convert_element_type3A_324 = arith.extui %gt3A_323 : i1 to i32
        %cond3A_325 = arith.constant 0 : i32
        %cond3A_326 = arith.cmpi ne, %convert_element_type3A_324, %cond3A_325 : i32
        scf.if %cond3A_326 {
          %dma_wait3A_443 = arith.constant 0 : i32
          %dma_wait3A_444 = tpu.memref_slice %arg4[%add3A_56, %dma_wait3A_443] : memref<32768x256xf32, #tpu.memory_space<hbm>> -> memref<128x256xf32, #tpu.memory_space<hbm>>
          tpu.wait_dma2 semaphore(%arg13 : memref<!tpu.dma_semaphore, #tpu.memory_space<semaphore_mem>>) src(%arg6 : memref<128x256xf32, #tpu.memory_space<vmem_shared>>) dst(%dma_wait3A_444 : memref<128x256xf32, #tpu.memory_space<hbm>>)
        } else {
        }
        %gt3A_327 = arith.constant 3 : i32
        %gt3A_328 = arith.cmpi sgt, %select_n3A_108, %gt3A_327 : i32
        %convert_element_type3A_329 = arith.extui %gt3A_328 : i1 to i32
        %cond3A_330 = arith.constant 0 : i32
        %cond3A_331 = arith.cmpi ne, %convert_element_type3A_329, %cond3A_330 : i32
        scf.if %cond3A_331 {
          %dma_wait3A_443 = arith.constant 0 : i32
          %dma_wait3A_444 = tpu.memref_slice %arg4[%add3A_56, %dma_wait3A_443] : memref<32768x256xf32, #tpu.memory_space<hbm>> -> memref<128x256xf32, #tpu.memory_space<hbm>>
          tpu.wait_dma2 semaphore(%arg13 : memref<!tpu.dma_semaphore, #tpu.memory_space<semaphore_mem>>) src(%arg6 : memref<128x256xf32, #tpu.memory_space<vmem_shared>>) dst(%dma_wait3A_444 : memref<128x256xf32, #tpu.memory_space<hbm>>)
        } else {
        }
        %gt3A_332 = arith.constant 4 : i32
        %gt3A_333 = arith.cmpi sgt, %select_n3A_108, %gt3A_332 : i32
        %convert_element_type3A_334 = arith.extui %gt3A_333 : i1 to i32
        %cond3A_335 = arith.constant 0 : i32
        %cond3A_336 = arith.cmpi ne, %convert_element_type3A_334, %cond3A_335 : i32
        scf.if %cond3A_336 {
          %dma_wait3A_443 = arith.constant 0 : i32
          %dma_wait3A_444 = tpu.memref_slice %arg4[%add3A_56, %dma_wait3A_443] : memref<32768x256xf32, #tpu.memory_space<hbm>> -> memref<128x256xf32, #tpu.memory_space<hbm>>
          tpu.wait_dma2 semaphore(%arg13 : memref<!tpu.dma_semaphore, #tpu.memory_space<semaphore_mem>>) src(%arg6 : memref<128x256xf32, #tpu.memory_space<vmem_shared>>) dst(%dma_wait3A_444 : memref<128x256xf32, #tpu.memory_space<hbm>>)
        } else {
        }
        %gt3A_337 = arith.constant 5 : i32
        %gt3A_338 = arith.cmpi sgt, %select_n3A_108, %gt3A_337 : i32
        %convert_element_type3A_339 = arith.extui %gt3A_338 : i1 to i32
        %cond3A_340 = arith.constant 0 : i32
        %cond3A_341 = arith.cmpi ne, %convert_element_type3A_339, %cond3A_340 : i32
        scf.if %cond3A_341 {
          %dma_wait3A_443 = arith.constant 0 : i32
          %dma_wait3A_444 = tpu.memref_slice %arg4[%add3A_56, %dma_wait3A_443] : memref<32768x256xf32, #tpu.memory_space<hbm>> -> memref<128x256xf32, #tpu.memory_space<hbm>>
          tpu.wait_dma2 semaphore(%arg13 : memref<!tpu.dma_semaphore, #tpu.memory_space<semaphore_mem>>) src(%arg6 : memref<128x256xf32, #tpu.memory_space<vmem_shared>>) dst(%dma_wait3A_444 : memref<128x256xf32, #tpu.memory_space<hbm>>)
        } else {
        }
        %gt3A_342 = arith.constant 6 : i32
        %gt3A_343 = arith.cmpi sgt, %select_n3A_108, %gt3A_342 : i32
        %convert_element_type3A_344 = arith.extui %gt3A_343 : i1 to i32
        %cond3A_345 = arith.constant 0 : i32
        %cond3A_346 = arith.cmpi ne, %convert_element_type3A_344, %cond3A_345 : i32
        scf.if %cond3A_346 {
          %dma_wait3A_443 = arith.constant 0 : i32
          %dma_wait3A_444 = tpu.memref_slice %arg4[%add3A_56, %dma_wait3A_443] : memref<32768x256xf32, #tpu.memory_space<hbm>> -> memref<128x256xf32, #tpu.memory_space<hbm>>
          tpu.wait_dma2 semaphore(%arg13 : memref<!tpu.dma_semaphore, #tpu.memory_space<semaphore_mem>>) src(%arg6 : memref<128x256xf32, #tpu.memory_space<vmem_shared>>) dst(%dma_wait3A_444 : memref<128x256xf32, #tpu.memory_space<hbm>>)
        } else {
        }
        %gt3A_347 = arith.constant 7 : i32
        %gt3A_348 = arith.cmpi sgt, %select_n3A_108, %gt3A_347 : i32
        %convert_element_type3A_349 = arith.extui %gt3A_348 : i1 to i32
        %cond3A_350 = arith.constant 0 : i32
        %cond3A_351 = arith.cmpi ne, %convert_element_type3A_349, %cond3A_350 : i32
        scf.if %cond3A_351 {
          %dma_wait3A_443 = arith.constant 0 : i32
          %dma_wait3A_444 = tpu.memref_slice %arg4[%add3A_56, %dma_wait3A_443] : memref<32768x256xf32, #tpu.memory_space<hbm>> -> memref<128x256xf32, #tpu.memory_space<hbm>>
          tpu.wait_dma2 semaphore(%arg13 : memref<!tpu.dma_semaphore, #tpu.memory_space<semaphore_mem>>) src(%arg6 : memref<128x256xf32, #tpu.memory_space<vmem_shared>>) dst(%dma_wait3A_444 : memref<128x256xf32, #tpu.memory_space<hbm>>)
        } else {
        }
        %sub3A_352 = arith.constant 128 : i32
        %sub3A_353 = arith.subi %min3A, %sub3A_352 : i32
        %min3A_354 = arith.constant 768 : i32
        %min3A_355 = arith.minsi %min3A_354, %sub3A_353 : i32
        %add3A_356 = arith.addi %add3A_56, %min3A_355 : i32
        %add3A_357 = arith.constant 0 : i32
        %add3A_358 = arith.addi %add3A_356, %add3A_357 : i32
        %add3A_359 = vector.broadcast %add3A_358 : i32 to vector<16xi32>
        %add3A_360 = arith.addi %add3A_359, %iota3A : vector<16xi32>
        %swap3A = arith.constant 0 : i32
        %swap3A_361 = arith.index_cast %swap3A : i32 to index
        %swap3A_362 = arith.constant 0 : index
        %swap3A_363 = tpu.vector_load %arg11[%swap3A_361, %swap3A_362] {strides = array<i32>} : memref<3x128xi32, #tpu.memory_space<vmem>>, vector<1x16xi32>,
        %swap3A_364 = vector.shape_cast %swap3A_363 : vector<1x16xi32> to vector<16xi32>
        %swap3A_365 = vector.shape_cast %add3A_360 : vector<16xi32> to vector<1x16xi32>
        tpu.vector_store %arg11[%swap3A_361, %swap3A_362], %swap3A_365 {strides = array<i32>} : memref<3x128xi32, #tpu.memory_space<vmem>>, vector<1x16xi32>,
        %add3A_366 = arith.constant 16 : i32
        %add3A_367 = arith.addi %add3A_356, %add3A_366 : i32
        %add3A_368 = vector.broadcast %add3A_367 : i32 to vector<16xi32>
        %add3A_369 = arith.addi %add3A_368, %iota3A : vector<16xi32>
        %swap3A_370 = arith.constant 0 : i32
        %swap3A_371 = arith.index_cast %swap3A_370 : i32 to index
        %swap3A_372 = arith.constant 16 : index
        %swap3A_373 = tpu.vector_load %arg11[%swap3A_371, %swap3A_372] {strides = array<i32>} : memref<3x128xi32, #tpu.memory_space<vmem>>, vector<1x16xi32>,
        %swap3A_374 = vector.shape_cast %swap3A_373 : vector<1x16xi32> to vector<16xi32>
        %swap3A_375 = vector.shape_cast %add3A_369 : vector<16xi32> to vector<1x16xi32>
        tpu.vector_store %arg11[%swap3A_371, %swap3A_372], %swap3A_375 {strides = array<i32>} : memref<3x128xi32, #tpu.memory_space<vmem>>, vector<1x16xi32>,
        %add3A_376 = arith.constant 32 : i32
        %add3A_377 = arith.addi %add3A_356, %add3A_376 : i32
        %add3A_378 = vector.broadcast %add3A_377 : i32 to vector<16xi32>
        %add3A_379 = arith.addi %add3A_378, %iota3A : vector<16xi32>
        %swap3A_380 = arith.constant 0 : i32
        %swap3A_381 = arith.index_cast %swap3A_380 : i32 to index
        %swap3A_382 = arith.constant 32 : index
        %swap3A_383 = tpu.vector_load %arg11[%swap3A_381, %swap3A_382] {strides = array<i32>} : memref<3x128xi32, #tpu.memory_space<vmem>>, vector<1x16xi32>,
        %swap3A_384 = vector.shape_cast %swap3A_383 : vector<1x16xi32> to vector<16xi32>
        %swap3A_385 = vector.shape_cast %add3A_379 : vector<16xi32> to vector<1x16xi32>
        tpu.vector_store %arg11[%swap3A_381, %swap3A_382], %swap3A_385 {strides = array<i32>} : memref<3x128xi32, #tpu.memory_space<vmem>>, vector<1x16xi32>,
        %add3A_386 = arith.constant 48 : i32
        %add3A_387 = arith.addi %add3A_356, %add3A_386 : i32
        %add3A_388 = vector.broadcast %add3A_387 : i32 to vector<16xi32>
        %add3A_389 = arith.addi %add3A_388, %iota3A : vector<16xi32>
        %swap3A_390 = arith.constant 0 : i32
        %swap3A_391 = arith.index_cast %swap3A_390 : i32 to index
        %swap3A_392 = arith.constant 48 : index
        %swap3A_393 = tpu.vector_load %arg11[%swap3A_391, %swap3A_392] {strides = array<i32>} : memref<3x128xi32, #tpu.memory_space<vmem>>, vector<1x16xi32>,
        %swap3A_394 = vector.shape_cast %swap3A_393 : vector<1x16xi32> to vector<16xi32>
        %swap3A_395 = vector.shape_cast %add3A_389 : vector<16xi32> to vector<1x16xi32>
        tpu.vector_store %arg11[%swap3A_391, %swap3A_392], %swap3A_395 {strides = array<i32>} : memref<3x128xi32, #tpu.memory_space<vmem>>, vector<1x16xi32>,
        %add3A_396 = arith.constant 64 : i32
        %add3A_397 = arith.addi %add3A_356, %add3A_396 : i32
        %add3A_398 = vector.broadcast %add3A_397 : i32 to vector<16xi32>
        %add3A_399 = arith.addi %add3A_398, %iota3A : vector<16xi32>
        %swap3A_400 = arith.constant 0 : i32
        %swap3A_401 = arith.index_cast %swap3A_400 : i32 to index
        %swap3A_402 = arith.constant 64 : index
        %swap3A_403 = tpu.vector_load %arg11[%swap3A_401, %swap3A_402] {strides = array<i32>} : memref<3x128xi32, #tpu.memory_space<vmem>>, vector<1x16xi32>,
        %swap3A_404 = vector.shape_cast %swap3A_403 : vector<1x16xi32> to vector<16xi32>
        %swap3A_405 = vector.shape_cast %add3A_399 : vector<16xi32> to vector<1x16xi32>
        tpu.vector_store %arg11[%swap3A_401, %swap3A_402], %swap3A_405 {strides = array<i32>} : memref<3x128xi32, #tpu.memory_space<vmem>>, vector<1x16xi32>,
        %add3A_406 = arith.constant 80 : i32
        %add3A_407 = arith.addi %add3A_356, %add3A_406 : i32
        %add3A_408 = vector.broadcast %add3A_407 : i32 to vector<16xi32>
        %add3A_409 = arith.addi %add3A_408, %iota3A : vector<16xi32>
        %swap3A_410 = arith.constant 0 : i32
        %swap3A_411 = arith.index_cast %swap3A_410 : i32 to index
        %swap3A_412 = arith.constant 80 : index
        %swap3A_413 = tpu.vector_load %arg11[%swap3A_411, %swap3A_412] {strides = array<i32>} : memref<3x128xi32, #tpu.memory_space<vmem>>, vector<1x16xi32>,
        %swap3A_414 = vector.shape_cast %swap3A_413 : vector<1x16xi32> to vector<16xi32>
        %swap3A_415 = vector.shape_cast %add3A_409 : vector<16xi32> to vector<1x16xi32>
        tpu.vector_store %arg11[%swap3A_411, %swap3A_412], %swap3A_415 {strides = array<i32>} : memref<3x128xi32, #tpu.memory_space<vmem>>, vector<1x16xi32>,
        %add3A_416 = arith.constant 96 : i32
        %add3A_417 = arith.addi %add3A_356, %add3A_416 : i32
        %add3A_418 = vector.broadcast %add3A_417 : i32 to vector<16xi32>
        %add3A_419 = arith.addi %add3A_418, %iota3A : vector<16xi32>
        %swap3A_420 = arith.constant 0 : i32
        %swap3A_421 = arith.index_cast %swap3A_420 : i32 to index
        %swap3A_422 = arith.constant 96 : index
        %swap3A_423 = tpu.vector_load %arg11[%swap3A_421, %swap3A_422] {strides = array<i32>} : memref<3x128xi32, #tpu.memory_space<vmem>>, vector<1x16xi32>,
        %swap3A_424 = vector.shape_cast %swap3A_423 : vector<1x16xi32> to vector<16xi32>
        %swap3A_425 = vector.shape_cast %add3A_419 : vector<16xi32> to vector<1x16xi32>
        tpu.vector_store %arg11[%swap3A_421, %swap3A_422], %swap3A_425 {strides = array<i32>} : memref<3x128xi32, #tpu.memory_space<vmem>>, vector<1x16xi32>,
        %add3A_426 = arith.constant 112 : i32
        %add3A_427 = arith.addi %add3A_356, %add3A_426 : i32
        %add3A_428 = vector.broadcast %add3A_427 : i32 to vector<16xi32>
        %add3A_429 = arith.addi %add3A_428, %iota3A : vector<16xi32>
        %swap3A_430 = arith.constant 0 : i32
        %swap3A_431 = arith.index_cast %swap3A_430 : i32 to index
        %swap3A_432 = arith.constant 112 : index
        %swap3A_433 = tpu.vector_load %arg11[%swap3A_431, %swap3A_432] {strides = array<i32>} : memref<3x128xi32, #tpu.memory_space<vmem>>, vector<1x16xi32>,
        %swap3A_434 = vector.shape_cast %swap3A_433 : vector<1x16xi32> to vector<16xi32>
        %swap3A_435 = vector.shape_cast %add3A_429 : vector<16xi32> to vector<1x16xi32>
        tpu.vector_store %arg11[%swap3A_431, %swap3A_432], %swap3A_435 {strides = array<i32>} : memref<3x128xi32, #tpu.memory_space<vmem>>, vector<1x16xi32>,
        %dma_start3A_436 = arith.constant 0 : i32
        %dma_start3A_437 = arith.constant 0 : i32
        %dma_start3A_438 = tpu.memref_slice %arg11[%dma_start3A_436, %dma_start3A_437] : memref<3x128xi32, #tpu.memory_space<vmem>> -> memref<1x128xi32, #tpu.memory_space<vmem>>
        %dma_start3A_439 = tpu.memref_squeeze %dma_start3A_438 : memref<1x128xi32, #tpu.memory_space<vmem>> -> memref<128xi32, #tpu.memory_space<vmem>>
        %dma_start3A_440 = arith.constant 0 : i32
        %dma_start3A_441 = arith.constant 0 : i32
        %dma_start3A_442 = tpu.memref_slice %arg4[%dma_start3A_440, %dma_start3A_441] : memref<32768x256xf32, #tpu.memory_space<hbm>> -> memref<32768x256xf32, #tpu.memory_space<hbm>>
        tpu.enqueue_indirect_dma source(%arg7 : memref<128x256xf32, #tpu.memory_space<vmem>>) target(%dma_start3A_442 : memref<32768x256xf32, #tpu.memory_space<hbm>>) offsets(%dma_start3A_439 : memref<128xi32, #tpu.memory_space<vmem>>) semaphore(%arg17 : memref<!tpu.dma_semaphore, #tpu.memory_space<semaphore_mem>>)
      } else {
      }
      %sub3A_305 = arith.constant 1 : i32
      %sub3A_306 = arith.subi %select_n3A_136, %sub3A_305 : i32
      %ne3A_307 = arith.constant 6 : i32
      %ne3A_308 = arith.cmpi ne, %sub3A_306, %ne3A_307 : i32
      %convert_element_type3A_309 = arith.extui %ne3A_308 : i1 to i32
      %cond3A_310 = arith.constant 0 : i32
      %cond3A_311 = arith.cmpi ne, %convert_element_type3A_309, %cond3A_310 : i32
      scf.if %cond3A_311 {
        %add3A_312 = arith.constant 768 : i32
        %add3A_313 = arith.addi %add3A_56, %add3A_312 : i32
        %multiple_of3A = tpu.assume_multiple %add3A_313, 128 : i32
        %dma_start3A_314 = arith.constant 0 : i32
        %dma_start3A_315 = tpu.memref_slice %arg4[%multiple_of3A, %dma_start3A_314] : memref<32768x256xf32, #tpu.memory_space<hbm>> -> memref<128x256xf32, #tpu.memory_space<hbm>>
        %dma_start3A_316 = arith.constant 0 : i32
        %dma_start3A_317 = tpu.memref_slice %arg4[%multiple_of3A, %dma_start3A_316] : memref<32768x256xf32, #tpu.memory_space<hbm>> -> memref<128x256xf32, #tpu.memory_space<hbm>>
        tpu.enqueue_dma source(%arg7 : memref<128x256xf32, #tpu.memory_space<vmem>>) target(%dma_start3A_317 : memref<128x256xf32, #tpu.memory_space<hbm>>) target_semaphore(%arg17 : memref<!tpu.dma_semaphore, #tpu.memory_space<semaphore_mem>>)
      } else {
      }
    } else {
    }
    %gt3A_257 = arith.constant 8 : i32
    %gt3A_258 = arith.cmpi sgt, %select_n3A_136, %gt3A_257 : i32
    %convert_element_type3A_259 = arith.extui %gt3A_258 : i1 to i32
    %cond3A_260 = arith.constant 0 : i32
    %cond3A_261 = arith.cmpi ne, %convert_element_type3A_259, %cond3A_260 : i32
    scf.if %cond3A_261 {
      %dma_wait3A_291 = arith.constant 0 : i32
      %dma_wait3A_292 = tpu.memref_slice %arg4[%add3A_56, %dma_wait3A_291] : memref<32768x256xf32, #tpu.memory_space<hbm>> -> memref<128x256xf32, #tpu.memory_space<hbm>>
      %dma_wait3A_293 = arith.constant 0 : i32
      %dma_wait3A_294 = tpu.memref_slice %arg4[%add3A_56, %dma_wait3A_293] : memref<32768x256xf32, #tpu.memory_space<hbm>> -> memref<128x256xf32, #tpu.memory_space<hbm>>
      tpu.wait_dma2 semaphore(%arg19 : memref<!tpu.dma_semaphore, #tpu.memory_space<semaphore_mem>>) src(%arg9 : memref<128x256xf32, #tpu.memory_space<vmem>>) dst(%dma_wait3A_294 : memref<128x256xf32, #tpu.memory_space<hbm>>)
      %mul3A_295 = arith.constant 1024 : i32
      %mul3A_296 = arith.muli %select_n3A_30, %mul3A_295 : i32
      %add3A_297 = arith.addi %squeeze3A, %mul3A_296 : i32
      %sub3A_298 = arith.constant 128 : i32
      %sub3A_299 = arith.subi %min3A, %sub3A_298 : i32
      %min3A_300 = arith.constant 1024 : i32
      %min3A_301 = arith.minsi %min3A_300, %sub3A_299 : i32
      %add3A_302 = arith.addi %add3A_297, %min3A_301 : i32
      %add3A_303 = arith.constant 0 : i32
      %add3A_304 = arith.addi %add3A_302, %add3A_303 : i32
      %add3A_305 = vector.broadcast %add3A_304 : i32 to vector<16xi32>
      %add3A_306 = arith.addi %add3A_305, %iota3A : vector<16xi32>
      %swap3A = arith.constant 2 : i32
      %swap3A_307 = arith.index_cast %swap3A : i32 to index
      %swap3A_308 = arith.constant 0 : index
      %swap3A_309 = tpu.vector_load %arg10[%swap3A_307, %swap3A_308] {strides = array<i32>} : memref<3x128xi32, #tpu.memory_space<vmem>>, vector<1x16xi32>,
      %swap3A_310 = vector.shape_cast %swap3A_309 : vector<1x16xi32> to vector<16xi32>
      %swap3A_311 = vector.shape_cast %add3A_306 : vector<16xi32> to vector<1x16xi32>
      tpu.vector_store %arg10[%swap3A_307, %swap3A_308], %swap3A_311 {strides = array<i32>} : memref<3x128xi32, #tpu.memory_space<vmem>>, vector<1x16xi32>,
      %add3A_312 = arith.constant 16 : i32
      %add3A_313 = arith.addi %add3A_302, %add3A_312 : i32
      %add3A_314 = vector.broadcast %add3A_313 : i32 to vector<16xi32>
      %add3A_315 = arith.addi %add3A_314, %iota3A : vector<16xi32>
      %swap3A_316 = arith.constant 2 : i32
      %swap3A_317 = arith.index_cast %swap3A_316 : i32 to index
      %swap3A_318 = arith.constant 16 : index
      %swap3A_319 = tpu.vector_load %arg10[%swap3A_317, %swap3A_318] {strides = array<i32>} : memref<3x128xi32, #tpu.memory_space<vmem>>, vector<1x16xi32>,
      %swap3A_320 = vector.shape_cast %swap3A_319 : vector<1x16xi32> to vector<16xi32>
      %swap3A_321 = vector.shape_cast %add3A_315 : vector<16xi32> to vector<1x16xi32>
      tpu.vector_store %arg10[%swap3A_317, %swap3A_318], %swap3A_321 {strides = array<i32>} : memref<3x128xi32, #tpu.memory_space<vmem>>, vector<1x16xi32>,
      %add3A_322 = arith.constant 32 : i32
      %add3A_323 = arith.addi %add3A_302, %add3A_322 : i32
      %add3A_324 = vector.broadcast %add3A_323 : i32 to vector<16xi32>
      %add3A_325 = arith.addi %add3A_324, %iota3A : vector<16xi32>
      %swap3A_326 = arith.constant 2 : i32
      %swap3A_327 = arith.index_cast %swap3A_326 : i32 to index
      %swap3A_328 = arith.constant 32 : index
      %swap3A_329 = tpu.vector_load %arg10[%swap3A_327, %swap3A_328] {strides = array<i32>} : memref<3x128xi32, #tpu.memory_space<vmem>>, vector<1x16xi32>,
      %swap3A_330 = vector.shape_cast %swap3A_329 : vector<1x16xi32> to vector<16xi32>
      %swap3A_331 = vector.shape_cast %add3A_325 : vector<16xi32> to vector<1x16xi32>
      tpu.vector_store %arg10[%swap3A_327, %swap3A_328], %swap3A_331 {strides = array<i32>} : memref<3x128xi32, #tpu.memory_space<vmem>>, vector<1x16xi32>,
      %add3A_332 = arith.constant 48 : i32
      %add3A_333 = arith.addi %add3A_302, %add3A_332 : i32
      %add3A_334 = vector.broadcast %add3A_333 : i32 to vector<16xi32>
      %add3A_335 = arith.addi %add3A_334, %iota3A : vector<16xi32>
      %swap3A_336 = arith.constant 2 : i32
      %swap3A_337 = arith.index_cast %swap3A_336 : i32 to index
      %swap3A_338 = arith.constant 48 : index
      %swap3A_339 = tpu.vector_load %arg10[%swap3A_337, %swap3A_338] {strides = array<i32>} : memref<3x128xi32, #tpu.memory_space<vmem>>, vector<1x16xi32>,
      %swap3A_340 = vector.shape_cast %swap3A_339 : vector<1x16xi32> to vector<16xi32>
      %swap3A_341 = vector.shape_cast %add3A_335 : vector<16xi32> to vector<1x16xi32>
      tpu.vector_store %arg10[%swap3A_337, %swap3A_338], %swap3A_341 {strides = array<i32>} : memref<3x128xi32, #tpu.memory_space<vmem>>, vector<1x16xi32>,
      %add3A_342 = arith.constant 64 : i32
      %add3A_343 = arith.addi %add3A_302, %add3A_342 : i32
      %add3A_344 = vector.broadcast %add3A_343 : i32 to vector<16xi32>
      %add3A_345 = arith.addi %add3A_344, %iota3A : vector<16xi32>
      %swap3A_346 = arith.constant 2 : i32
      %swap3A_347 = arith.index_cast %swap3A_346 : i32 to index
      %swap3A_348 = arith.constant 64 : index
      %swap3A_349 = tpu.vector_load %arg10[%swap3A_347, %swap3A_348] {strides = array<i32>} : memref<3x128xi32, #tpu.memory_space<vmem>>, vector<1x16xi32>,
      %swap3A_350 = vector.shape_cast %swap3A_349 : vector<1x16xi32> to vector<16xi32>
      %swap3A_351 = vector.shape_cast %add3A_345 : vector<16xi32> to vector<1x16xi32>
      tpu.vector_store %arg10[%swap3A_347, %swap3A_348], %swap3A_351 {strides = array<i32>} : memref<3x128xi32, #tpu.memory_space<vmem>>, vector<1x16xi32>,
      %add3A_352 = arith.constant 80 : i32
      %add3A_353 = arith.addi %add3A_302, %add3A_352 : i32
      %add3A_354 = vector.broadcast %add3A_353 : i32 to vector<16xi32>
      %add3A_355 = arith.addi %add3A_354, %iota3A : vector<16xi32>
      %swap3A_356 = arith.constant 2 : i32
      %swap3A_357 = arith.index_cast %swap3A_356 : i32 to index
      %swap3A_358 = arith.constant 80 : index
      %swap3A_359 = tpu.vector_load %arg10[%swap3A_357, %swap3A_358] {strides = array<i32>} : memref<3x128xi32, #tpu.memory_space<vmem>>, vector<1x16xi32>,
      %swap3A_360 = vector.shape_cast %swap3A_359 : vector<1x16xi32> to vector<16xi32>
      %swap3A_361 = vector.shape_cast %add3A_355 : vector<16xi32> to vector<1x16xi32>
      tpu.vector_store %arg10[%swap3A_357, %swap3A_358], %swap3A_361 {strides = array<i32>} : memref<3x128xi32, #tpu.memory_space<vmem>>, vector<1x16xi32>,
      %add3A_362 = arith.constant 96 : i32
      %add3A_363 = arith.addi %add3A_302, %add3A_362 : i32
      %add3A_364 = vector.broadcast %add3A_363 : i32 to vector<16xi32>
      %add3A_365 = arith.addi %add3A_364, %iota3A : vector<16xi32>
      %swap3A_366 = arith.constant 2 : i32
      %swap3A_367 = arith.index_cast %swap3A_366 : i32 to index
      %swap3A_368 = arith.constant 96 : index
      %swap3A_369 = tpu.vector_load %arg10[%swap3A_367, %swap3A_368] {strides = array<i32>} : memref<3x128xi32, #tpu.memory_space<vmem>>, vector<1x16xi32>,
      %swap3A_370 = vector.shape_cast %swap3A_369 : vector<1x16xi32> to vector<16xi32>
      %swap3A_371 = vector.shape_cast %add3A_365 : vector<16xi32> to vector<1x16xi32>
      tpu.vector_store %arg10[%swap3A_367, %swap3A_368], %swap3A_371 {strides = array<i32>} : memref<3x128xi32, #tpu.memory_space<vmem>>, vector<1x16xi32>,
      %add3A_372 = arith.constant 112 : i32
      %add3A_373 = arith.addi %add3A_302, %add3A_372 : i32
      %add3A_374 = vector.broadcast %add3A_373 : i32 to vector<16xi32>
      %add3A_375 = arith.addi %add3A_374, %iota3A : vector<16xi32>
      %swap3A_376 = arith.constant 2 : i32
      %swap3A_377 = arith.index_cast %swap3A_376 : i32 to index
      %swap3A_378 = arith.constant 112 : index
      %swap3A_379 = tpu.vector_load %arg10[%swap3A_377, %swap3A_378] {strides = array<i32>} : memref<3x128xi32, #tpu.memory_space<vmem>>, vector<1x16xi32>,
      %swap3A_380 = vector.shape_cast %swap3A_379 : vector<1x16xi32> to vector<16xi32>
      %swap3A_381 = vector.shape_cast %add3A_375 : vector<16xi32> to vector<1x16xi32>
      tpu.vector_store %arg10[%swap3A_377, %swap3A_378], %swap3A_381 {strides = array<i32>} : memref<3x128xi32, #tpu.memory_space<vmem>>, vector<1x16xi32>,
      %dma_start3A_382 = arith.constant 2 : i32
      %dma_start3A_383 = arith.constant 0 : i32
      %dma_start3A_384 = tpu.memref_slice %arg10[%dma_start3A_382, %dma_start3A_383] : memref<3x128xi32, #tpu.memory_space<vmem>> -> memref<1x128xi32, #tpu.memory_space<vmem>>
      %dma_start3A_385 = tpu.memref_squeeze %dma_start3A_384 : memref<1x128xi32, #tpu.memory_space<vmem>> -> memref<128xi32, #tpu.memory_space<vmem>>
      %dma_start3A_386 = arith.constant 0 : i32
      %dma_start3A_387 = arith.constant 0 : i32
      %dma_start3A_388 = tpu.memref_slice %arg2[%dma_start3A_386, %dma_start3A_387] : memref<16384x256xf32, #tpu.memory_space<hbm>> -> memref<16384x256xf32, #tpu.memory_space<hbm>>
      tpu.enqueue_indirect_dma source(%dma_start3A_388 : memref<16384x256xf32, #tpu.memory_space<hbm>>) target(%arg9 : memref<128x256xf32, #tpu.memory_space<vmem>>) offsets(%dma_start3A_385 : memref<128xi32, #tpu.memory_space<vmem>>) semaphore(%arg16 : memref<!tpu.dma_semaphore, #tpu.memory_space<semaphore_mem>>)
    } else {
    }
    %gt3A_262 = arith.constant 7 : i32
    %gt3A_263 = arith.cmpi sgt, %select_n3A_136, %gt3A_262 : i32
    %convert_element_type3A_264 = arith.extui %gt3A_263 : i1 to i32
    %cond3A_265 = arith.constant 0 : i32
    %cond3A_266 = arith.cmpi ne, %convert_element_type3A_264, %cond3A_265 : i32
    scf.if %cond3A_266 {
      %dma_wait3A_291 = arith.constant 1 : i32
      %dma_wait3A_292 = arith.constant 0 : i32
      %dma_wait3A_293 = tpu.memref_slice %arg10[%dma_wait3A_291, %dma_wait3A_292] : memref<3x128xi32, #tpu.memory_space<vmem>> -> memref<1x128xi32, #tpu.memory_space<vmem>>
      %dma_wait3A_294 = tpu.memref_squeeze %dma_wait3A_293 : memref<1x128xi32, #tpu.memory_space<vmem>> -> memref<128xi32, #tpu.memory_space<vmem>>
      %dma_wait3A_295 = arith.constant 0 : i32
      %dma_wait3A_296 = arith.constant 0 : i32
      %dma_wait3A_297 = tpu.memref_slice %arg2[%dma_wait3A_295, %dma_wait3A_296] : memref<16384x256xf32, #tpu.memory_space<hbm>> -> memref<16384x256xf32, #tpu.memory_space<hbm>>
      tpu.wait_indirect_dma semaphore(%arg15 : memref<!tpu.dma_semaphore, #tpu.memory_space<semaphore_mem>>) src(%dma_wait3A_297 : memref<16384x256xf32, #tpu.memory_space<hbm>>) dst(%arg8 : memref<128x256xf32, #tpu.memory_space<vmem>>)
      %sub3A_298 = arith.constant 1 : i32
      %sub3A_299 = arith.subi %select_n3A_136, %sub3A_298 : i32
      %eq3A_300 = arith.constant 7 : i32
      %eq3A_301 = arith.cmpi eq, %sub3A_299, %eq3A_300 : i32
      %convert_element_type3A_302 = arith.extui %eq3A_301 : i1 to i32
      %cond3A_303 = arith.constant 0 : i32
      %cond3A_304 = arith.cmpi ne, %convert_element_type3A_302, %cond3A_303 : i32
      scf.if %cond3A_304 {
        %gt3A_312 = arith.constant 0 : i32
        %gt3A_313 = arith.cmpi sgt, %select_n3A_108, %gt3A_312 : i32
        %convert_element_type3A_314 = arith.extui %gt3A_313 : i1 to i32
        %cond3A_315 = arith.constant 0 : i32
        %cond3A_316 = arith.cmpi ne, %convert_element_type3A_314, %cond3A_315 : i32
        scf.if %cond3A_316 {
          %dma_wait3A_443 = arith.constant 0 : i32
          %dma_wait3A_444 = tpu.memref_slice %arg4[%add3A_56, %dma_wait3A_443] : memref<32768x256xf32, #tpu.memory_space<hbm>> -> memref<128x256xf32, #tpu.memory_space<hbm>>
          tpu.wait_dma2 semaphore(%arg13 : memref<!tpu.dma_semaphore, #tpu.memory_space<semaphore_mem>>) src(%arg6 : memref<128x256xf32, #tpu.memory_space<vmem_shared>>) dst(%dma_wait3A_444 : memref<128x256xf32, #tpu.memory_space<hbm>>)
        } else {
        }
        %gt3A_317 = arith.constant 1 : i32
        %gt3A_318 = arith.cmpi sgt, %select_n3A_108, %gt3A_317 : i32
        %convert_element_type3A_319 = arith.extui %gt3A_318 : i1 to i32
        %cond3A_320 = arith.constant 0 : i32
        %cond3A_321 = arith.cmpi ne, %convert_element_type3A_319, %cond3A_320 : i32
        scf.if %cond3A_321 {
          %dma_wait3A_443 = arith.constant 0 : i32
          %dma_wait3A_444 = tpu.memref_slice %arg4[%add3A_56, %dma_wait3A_443] : memref<32768x256xf32, #tpu.memory_space<hbm>> -> memref<128x256xf32, #tpu.memory_space<hbm>>
          tpu.wait_dma2 semaphore(%arg13 : memref<!tpu.dma_semaphore, #tpu.memory_space<semaphore_mem>>) src(%arg6 : memref<128x256xf32, #tpu.memory_space<vmem_shared>>) dst(%dma_wait3A_444 : memref<128x256xf32, #tpu.memory_space<hbm>>)
        } else {
        }
        %gt3A_322 = arith.constant 2 : i32
        %gt3A_323 = arith.cmpi sgt, %select_n3A_108, %gt3A_322 : i32
        %convert_element_type3A_324 = arith.extui %gt3A_323 : i1 to i32
        %cond3A_325 = arith.constant 0 : i32
        %cond3A_326 = arith.cmpi ne, %convert_element_type3A_324, %cond3A_325 : i32
        scf.if %cond3A_326 {
          %dma_wait3A_443 = arith.constant 0 : i32
          %dma_wait3A_444 = tpu.memref_slice %arg4[%add3A_56, %dma_wait3A_443] : memref<32768x256xf32, #tpu.memory_space<hbm>> -> memref<128x256xf32, #tpu.memory_space<hbm>>
          tpu.wait_dma2 semaphore(%arg13 : memref<!tpu.dma_semaphore, #tpu.memory_space<semaphore_mem>>) src(%arg6 : memref<128x256xf32, #tpu.memory_space<vmem_shared>>) dst(%dma_wait3A_444 : memref<128x256xf32, #tpu.memory_space<hbm>>)
        } else {
        }
        %gt3A_327 = arith.constant 3 : i32
        %gt3A_328 = arith.cmpi sgt, %select_n3A_108, %gt3A_327 : i32
        %convert_element_type3A_329 = arith.extui %gt3A_328 : i1 to i32
        %cond3A_330 = arith.constant 0 : i32
        %cond3A_331 = arith.cmpi ne, %convert_element_type3A_329, %cond3A_330 : i32
        scf.if %cond3A_331 {
          %dma_wait3A_443 = arith.constant 0 : i32
          %dma_wait3A_444 = tpu.memref_slice %arg4[%add3A_56, %dma_wait3A_443] : memref<32768x256xf32, #tpu.memory_space<hbm>> -> memref<128x256xf32, #tpu.memory_space<hbm>>
          tpu.wait_dma2 semaphore(%arg13 : memref<!tpu.dma_semaphore, #tpu.memory_space<semaphore_mem>>) src(%arg6 : memref<128x256xf32, #tpu.memory_space<vmem_shared>>) dst(%dma_wait3A_444 : memref<128x256xf32, #tpu.memory_space<hbm>>)
        } else {
        }
        %gt3A_332 = arith.constant 4 : i32
        %gt3A_333 = arith.cmpi sgt, %select_n3A_108, %gt3A_332 : i32
        %convert_element_type3A_334 = arith.extui %gt3A_333 : i1 to i32
        %cond3A_335 = arith.constant 0 : i32
        %cond3A_336 = arith.cmpi ne, %convert_element_type3A_334, %cond3A_335 : i32
        scf.if %cond3A_336 {
          %dma_wait3A_443 = arith.constant 0 : i32
          %dma_wait3A_444 = tpu.memref_slice %arg4[%add3A_56, %dma_wait3A_443] : memref<32768x256xf32, #tpu.memory_space<hbm>> -> memref<128x256xf32, #tpu.memory_space<hbm>>
          tpu.wait_dma2 semaphore(%arg13 : memref<!tpu.dma_semaphore, #tpu.memory_space<semaphore_mem>>) src(%arg6 : memref<128x256xf32, #tpu.memory_space<vmem_shared>>) dst(%dma_wait3A_444 : memref<128x256xf32, #tpu.memory_space<hbm>>)
        } else {
        }
        %gt3A_337 = arith.constant 5 : i32
        %gt3A_338 = arith.cmpi sgt, %select_n3A_108, %gt3A_337 : i32
        %convert_element_type3A_339 = arith.extui %gt3A_338 : i1 to i32
        %cond3A_340 = arith.constant 0 : i32
        %cond3A_341 = arith.cmpi ne, %convert_element_type3A_339, %cond3A_340 : i32
        scf.if %cond3A_341 {
          %dma_wait3A_443 = arith.constant 0 : i32
          %dma_wait3A_444 = tpu.memref_slice %arg4[%add3A_56, %dma_wait3A_443] : memref<32768x256xf32, #tpu.memory_space<hbm>> -> memref<128x256xf32, #tpu.memory_space<hbm>>
          tpu.wait_dma2 semaphore(%arg13 : memref<!tpu.dma_semaphore, #tpu.memory_space<semaphore_mem>>) src(%arg6 : memref<128x256xf32, #tpu.memory_space<vmem_shared>>) dst(%dma_wait3A_444 : memref<128x256xf32, #tpu.memory_space<hbm>>)
        } else {
        }
        %gt3A_342 = arith.constant 6 : i32
        %gt3A_343 = arith.cmpi sgt, %select_n3A_108, %gt3A_342 : i32
        %convert_element_type3A_344 = arith.extui %gt3A_343 : i1 to i32
        %cond3A_345 = arith.constant 0 : i32
        %cond3A_346 = arith.cmpi ne, %convert_element_type3A_344, %cond3A_345 : i32
        scf.if %cond3A_346 {
          %dma_wait3A_443 = arith.constant 0 : i32
          %dma_wait3A_444 = tpu.memref_slice %arg4[%add3A_56, %dma_wait3A_443] : memref<32768x256xf32, #tpu.memory_space<hbm>> -> memref<128x256xf32, #tpu.memory_space<hbm>>
          tpu.wait_dma2 semaphore(%arg13 : memref<!tpu.dma_semaphore, #tpu.memory_space<semaphore_mem>>) src(%arg6 : memref<128x256xf32, #tpu.memory_space<vmem_shared>>) dst(%dma_wait3A_444 : memref<128x256xf32, #tpu.memory_space<hbm>>)
        } else {
        }
        %gt3A_347 = arith.constant 7 : i32
        %gt3A_348 = arith.cmpi sgt, %select_n3A_108, %gt3A_347 : i32
        %convert_element_type3A_349 = arith.extui %gt3A_348 : i1 to i32
        %cond3A_350 = arith.constant 0 : i32
        %cond3A_351 = arith.cmpi ne, %convert_element_type3A_349, %cond3A_350 : i32
        scf.if %cond3A_351 {
          %dma_wait3A_443 = arith.constant 0 : i32
          %dma_wait3A_444 = tpu.memref_slice %arg4[%add3A_56, %dma_wait3A_443] : memref<32768x256xf32, #tpu.memory_space<hbm>> -> memref<128x256xf32, #tpu.memory_space<hbm>>
          tpu.wait_dma2 semaphore(%arg13 : memref<!tpu.dma_semaphore, #tpu.memory_space<semaphore_mem>>) src(%arg6 : memref<128x256xf32, #tpu.memory_space<vmem_shared>>) dst(%dma_wait3A_444 : memref<128x256xf32, #tpu.memory_space<hbm>>)
        } else {
        }
        %sub3A_352 = arith.constant 128 : i32
        %sub3A_353 = arith.subi %min3A, %sub3A_352 : i32
        %min3A_354 = arith.constant 896 : i32
        %min3A_355 = arith.minsi %min3A_354, %sub3A_353 : i32
        %add3A_356 = arith.addi %add3A_56, %min3A_355 : i32
        %add3A_357 = arith.constant 0 : i32
        %add3A_358 = arith.addi %add3A_356, %add3A_357 : i32
        %add3A_359 = vector.broadcast %add3A_358 : i32 to vector<16xi32>
        %add3A_360 = arith.addi %add3A_359, %iota3A : vector<16xi32>
        %swap3A = arith.constant 1 : i32
        %swap3A_361 = arith.index_cast %swap3A : i32 to index
        %swap3A_362 = arith.constant 0 : index
        %swap3A_363 = tpu.vector_load %arg11[%swap3A_361, %swap3A_362] {strides = array<i32>} : memref<3x128xi32, #tpu.memory_space<vmem>>, vector<1x16xi32>,
        %swap3A_364 = vector.shape_cast %swap3A_363 : vector<1x16xi32> to vector<16xi32>
        %swap3A_365 = vector.shape_cast %add3A_360 : vector<16xi32> to vector<1x16xi32>
        tpu.vector_store %arg11[%swap3A_361, %swap3A_362], %swap3A_365 {strides = array<i32>} : memref<3x128xi32, #tpu.memory_space<vmem>>, vector<1x16xi32>,
        %add3A_366 = arith.constant 16 : i32
        %add3A_367 = arith.addi %add3A_356, %add3A_366 : i32
        %add3A_368 = vector.broadcast %add3A_367 : i32 to vector<16xi32>
        %add3A_369 = arith.addi %add3A_368, %iota3A : vector<16xi32>
        %swap3A_370 = arith.constant 1 : i32
        %swap3A_371 = arith.index_cast %swap3A_370 : i32 to index
        %swap3A_372 = arith.constant 16 : index
        %swap3A_373 = tpu.vector_load %arg11[%swap3A_371, %swap3A_372] {strides = array<i32>} : memref<3x128xi32, #tpu.memory_space<vmem>>, vector<1x16xi32>,
        %swap3A_374 = vector.shape_cast %swap3A_373 : vector<1x16xi32> to vector<16xi32>
        %swap3A_375 = vector.shape_cast %add3A_369 : vector<16xi32> to vector<1x16xi32>
        tpu.vector_store %arg11[%swap3A_371, %swap3A_372], %swap3A_375 {strides = array<i32>} : memref<3x128xi32, #tpu.memory_space<vmem>>, vector<1x16xi32>,
        %add3A_376 = arith.constant 32 : i32
        %add3A_377 = arith.addi %add3A_356, %add3A_376 : i32
        %add3A_378 = vector.broadcast %add3A_377 : i32 to vector<16xi32>
        %add3A_379 = arith.addi %add3A_378, %iota3A : vector<16xi32>
        %swap3A_380 = arith.constant 1 : i32
        %swap3A_381 = arith.index_cast %swap3A_380 : i32 to index
        %swap3A_382 = arith.constant 32 : index
        %swap3A_383 = tpu.vector_load %arg11[%swap3A_381, %swap3A_382] {strides = array<i32>} : memref<3x128xi32, #tpu.memory_space<vmem>>, vector<1x16xi32>,
        %swap3A_384 = vector.shape_cast %swap3A_383 : vector<1x16xi32> to vector<16xi32>
        %swap3A_385 = vector.shape_cast %add3A_379 : vector<16xi32> to vector<1x16xi32>
        tpu.vector_store %arg11[%swap3A_381, %swap3A_382], %swap3A_385 {strides = array<i32>} : memref<3x128xi32, #tpu.memory_space<vmem>>, vector<1x16xi32>,
        %add3A_386 = arith.constant 48 : i32
        %add3A_387 = arith.addi %add3A_356, %add3A_386 : i32
        %add3A_388 = vector.broadcast %add3A_387 : i32 to vector<16xi32>
        %add3A_389 = arith.addi %add3A_388, %iota3A : vector<16xi32>
        %swap3A_390 = arith.constant 1 : i32
        %swap3A_391 = arith.index_cast %swap3A_390 : i32 to index
        %swap3A_392 = arith.constant 48 : index
        %swap3A_393 = tpu.vector_load %arg11[%swap3A_391, %swap3A_392] {strides = array<i32>} : memref<3x128xi32, #tpu.memory_space<vmem>>, vector<1x16xi32>,
        %swap3A_394 = vector.shape_cast %swap3A_393 : vector<1x16xi32> to vector<16xi32>
        %swap3A_395 = vector.shape_cast %add3A_389 : vector<16xi32> to vector<1x16xi32>
        tpu.vector_store %arg11[%swap3A_391, %swap3A_392], %swap3A_395 {strides = array<i32>} : memref<3x128xi32, #tpu.memory_space<vmem>>, vector<1x16xi32>,
        %add3A_396 = arith.constant 64 : i32
        %add3A_397 = arith.addi %add3A_356, %add3A_396 : i32
        %add3A_398 = vector.broadcast %add3A_397 : i32 to vector<16xi32>
        %add3A_399 = arith.addi %add3A_398, %iota3A : vector<16xi32>
        %swap3A_400 = arith.constant 1 : i32
        %swap3A_401 = arith.index_cast %swap3A_400 : i32 to index
        %swap3A_402 = arith.constant 64 : index
        %swap3A_403 = tpu.vector_load %arg11[%swap3A_401, %swap3A_402] {strides = array<i32>} : memref<3x128xi32, #tpu.memory_space<vmem>>, vector<1x16xi32>,
        %swap3A_404 = vector.shape_cast %swap3A_403 : vector<1x16xi32> to vector<16xi32>
        %swap3A_405 = vector.shape_cast %add3A_399 : vector<16xi32> to vector<1x16xi32>
        tpu.vector_store %arg11[%swap3A_401, %swap3A_402], %swap3A_405 {strides = array<i32>} : memref<3x128xi32, #tpu.memory_space<vmem>>, vector<1x16xi32>,
        %add3A_406 = arith.constant 80 : i32
        %add3A_407 = arith.addi %add3A_356, %add3A_406 : i32
        %add3A_408 = vector.broadcast %add3A_407 : i32 to vector<16xi32>
        %add3A_409 = arith.addi %add3A_408, %iota3A : vector<16xi32>
        %swap3A_410 = arith.constant 1 : i32
        %swap3A_411 = arith.index_cast %swap3A_410 : i32 to index
        %swap3A_412 = arith.constant 80 : index
        %swap3A_413 = tpu.vector_load %arg11[%swap3A_411, %swap3A_412] {strides = array<i32>} : memref<3x128xi32, #tpu.memory_space<vmem>>, vector<1x16xi32>,
        %swap3A_414 = vector.shape_cast %swap3A_413 : vector<1x16xi32> to vector<16xi32>
        %swap3A_415 = vector.shape_cast %add3A_409 : vector<16xi32> to vector<1x16xi32>
        tpu.vector_store %arg11[%swap3A_411, %swap3A_412], %swap3A_415 {strides = array<i32>} : memref<3x128xi32, #tpu.memory_space<vmem>>, vector<1x16xi32>,
        %add3A_416 = arith.constant 96 : i32
        %add3A_417 = arith.addi %add3A_356, %add3A_416 : i32
        %add3A_418 = vector.broadcast %add3A_417 : i32 to vector<16xi32>
        %add3A_419 = arith.addi %add3A_418, %iota3A : vector<16xi32>
        %swap3A_420 = arith.constant 1 : i32
        %swap3A_421 = arith.index_cast %swap3A_420 : i32 to index
        %swap3A_422 = arith.constant 96 : index
        %swap3A_423 = tpu.vector_load %arg11[%swap3A_421, %swap3A_422] {strides = array<i32>} : memref<3x128xi32, #tpu.memory_space<vmem>>, vector<1x16xi32>,
        %swap3A_424 = vector.shape_cast %swap3A_423 : vector<1x16xi32> to vector<16xi32>
        %swap3A_425 = vector.shape_cast %add3A_419 : vector<16xi32> to vector<1x16xi32>
        tpu.vector_store %arg11[%swap3A_421, %swap3A_422], %swap3A_425 {strides = array<i32>} : memref<3x128xi32, #tpu.memory_space<vmem>>, vector<1x16xi32>,
        %add3A_426 = arith.constant 112 : i32
        %add3A_427 = arith.addi %add3A_356, %add3A_426 : i32
        %add3A_428 = vector.broadcast %add3A_427 : i32 to vector<16xi32>
        %add3A_429 = arith.addi %add3A_428, %iota3A : vector<16xi32>
        %swap3A_430 = arith.constant 1 : i32
        %swap3A_431 = arith.index_cast %swap3A_430 : i32 to index
        %swap3A_432 = arith.constant 112 : index
        %swap3A_433 = tpu.vector_load %arg11[%swap3A_431, %swap3A_432] {strides = array<i32>} : memref<3x128xi32, #tpu.memory_space<vmem>>, vector<1x16xi32>,
        %swap3A_434 = vector.shape_cast %swap3A_433 : vector<1x16xi32> to vector<16xi32>
        %swap3A_435 = vector.shape_cast %add3A_429 : vector<16xi32> to vector<1x16xi32>
        tpu.vector_store %arg11[%swap3A_431, %swap3A_432], %swap3A_435 {strides = array<i32>} : memref<3x128xi32, #tpu.memory_space<vmem>>, vector<1x16xi32>,
        %dma_start3A_436 = arith.constant 1 : i32
        %dma_start3A_437 = arith.constant 0 : i32
        %dma_start3A_438 = tpu.memref_slice %arg11[%dma_start3A_436, %dma_start3A_437] : memref<3x128xi32, #tpu.memory_space<vmem>> -> memref<1x128xi32, #tpu.memory_space<vmem>>
        %dma_start3A_439 = tpu.memref_squeeze %dma_start3A_438 : memref<1x128xi32, #tpu.memory_space<vmem>> -> memref<128xi32, #tpu.memory_space<vmem>>
        %dma_start3A_440 = arith.constant 0 : i32
        %dma_start3A_441 = arith.constant 0 : i32
        %dma_start3A_442 = tpu.memref_slice %arg4[%dma_start3A_440, %dma_start3A_441] : memref<32768x256xf32, #tpu.memory_space<hbm>> -> memref<32768x256xf32, #tpu.memory_space<hbm>>
        tpu.enqueue_indirect_dma source(%arg8 : memref<128x256xf32, #tpu.memory_space<vmem>>) target(%dma_start3A_442 : memref<32768x256xf32, #tpu.memory_space<hbm>>) offsets(%dma_start3A_439 : memref<128xi32, #tpu.memory_space<vmem>>) semaphore(%arg18 : memref<!tpu.dma_semaphore, #tpu.memory_space<semaphore_mem>>)
      } else {
      }
      %sub3A_305 = arith.constant 1 : i32
      %sub3A_306 = arith.subi %select_n3A_136, %sub3A_305 : i32
      %ne3A_307 = arith.constant 7 : i32
      %ne3A_308 = arith.cmpi ne, %sub3A_306, %ne3A_307 : i32
      %convert_element_type3A_309 = arith.extui %ne3A_308 : i1 to i32
      %cond3A_310 = arith.constant 0 : i32
      %cond3A_311 = arith.cmpi ne, %convert_element_type3A_309, %cond3A_310 : i32
      scf.if %cond3A_311 {
        %add3A_312 = arith.constant 896 : i32
        %add3A_313 = arith.addi %add3A_56, %add3A_312 : i32
        %multiple_of3A = tpu.assume_multiple %add3A_313, 128 : i32
        %dma_start3A_314 = arith.constant 0 : i32
        %dma_start3A_315 = tpu.memref_slice %arg4[%multiple_of3A, %dma_start3A_314] : memref<32768x256xf32, #tpu.memory_space<hbm>> -> memref<128x256xf32, #tpu.memory_space<hbm>>
        %dma_start3A_316 = arith.constant 0 : i32
        %dma_start3A_317 = tpu.memref_slice %arg4[%multiple_of3A, %dma_start3A_316] : memref<32768x256xf32, #tpu.memory_space<hbm>> -> memref<128x256xf32, #tpu.memory_space<hbm>>
        tpu.enqueue_dma source(%arg8 : memref<128x256xf32, #tpu.memory_space<vmem>>) target(%dma_start3A_317 : memref<128x256xf32, #tpu.memory_space<hbm>>) target_semaphore(%arg18 : memref<!tpu.dma_semaphore, #tpu.memory_space<semaphore_mem>>)
      } else {
      }
    } else {
    }
    %gt3A_267 = arith.constant 9 : i32
    %gt3A_268 = arith.cmpi sgt, %select_n3A_136, %gt3A_267 : i32
    %convert_element_type3A_269 = arith.extui %gt3A_268 : i1 to i32
    %cond3A_270 = arith.constant 0 : i32
    %cond3A_271 = arith.cmpi ne, %convert_element_type3A_269, %cond3A_270 : i32
    scf.if %cond3A_271 {
      %dma_wait3A_291 = arith.constant 0 : i32
      %dma_wait3A_292 = tpu.memref_slice %arg4[%add3A_56, %dma_wait3A_291] : memref<32768x256xf32, #tpu.memory_space<hbm>> -> memref<128x256xf32, #tpu.memory_space<hbm>>
      %dma_wait3A_293 = arith.constant 0 : i32
      %dma_wait3A_294 = tpu.memref_slice %arg4[%add3A_56, %dma_wait3A_293] : memref<32768x256xf32, #tpu.memory_space<hbm>> -> memref<128x256xf32, #tpu.memory_space<hbm>>
      tpu.wait_dma2 semaphore(%arg17 : memref<!tpu.dma_semaphore, #tpu.memory_space<semaphore_mem>>) src(%arg7 : memref<128x256xf32, #tpu.memory_space<vmem>>) dst(%dma_wait3A_294 : memref<128x256xf32, #tpu.memory_space<hbm>>)
      %mul3A_295 = arith.constant 1024 : i32
      %mul3A_296 = arith.muli %select_n3A_30, %mul3A_295 : i32
      %add3A_297 = arith.addi %squeeze3A, %mul3A_296 : i32
      %sub3A_298 = arith.constant 128 : i32
      %sub3A_299 = arith.subi %min3A, %sub3A_298 : i32
      %min3A_300 = arith.constant 1152 : i32
      %min3A_301 = arith.minsi %min3A_300, %sub3A_299 : i32
      %add3A_302 = arith.addi %add3A_297, %min3A_301 : i32
      %add3A_303 = arith.constant 0 : i32
      %add3A_304 = arith.addi %add3A_302, %add3A_303 : i32
      %add3A_305 = vector.broadcast %add3A_304 : i32 to vector<16xi32>
      %add3A_306 = arith.addi %add3A_305, %iota3A : vector<16xi32>
      %swap3A = arith.constant 0 : i32
      %swap3A_307 = arith.index_cast %swap3A : i32 to index
      %swap3A_308 = arith.constant 0 : index
      %swap3A_309 = tpu.vector_load %arg10[%swap3A_307, %swap3A_308] {strides = array<i32>} : memref<3x128xi32, #tpu.memory_space<vmem>>, vector<1x16xi32>,
      %swap3A_310 = vector.shape_cast %swap3A_309 : vector<1x16xi32> to vector<16xi32>
      %swap3A_311 = vector.shape_cast %add3A_306 : vector<16xi32> to vector<1x16xi32>
      tpu.vector_store %arg10[%swap3A_307, %swap3A_308], %swap3A_311 {strides = array<i32>} : memref<3x128xi32, #tpu.memory_space<vmem>>, vector<1x16xi32>,
      %add3A_312 = arith.constant 16 : i32
      %add3A_313 = arith.addi %add3A_302, %add3A_312 : i32
      %add3A_314 = vector.broadcast %add3A_313 : i32 to vector<16xi32>
      %add3A_315 = arith.addi %add3A_314, %iota3A : vector<16xi32>
      %swap3A_316 = arith.constant 0 : i32
      %swap3A_317 = arith.index_cast %swap3A_316 : i32 to index
      %swap3A_318 = arith.constant 16 : index
      %swap3A_319 = tpu.vector_load %arg10[%swap3A_317, %swap3A_318] {strides = array<i32>} : memref<3x128xi32, #tpu.memory_space<vmem>>, vector<1x16xi32>,
      %swap3A_320 = vector.shape_cast %swap3A_319 : vector<1x16xi32> to vector<16xi32>
      %swap3A_321 = vector.shape_cast %add3A_315 : vector<16xi32> to vector<1x16xi32>
      tpu.vector_store %arg10[%swap3A_317, %swap3A_318], %swap3A_321 {strides = array<i32>} : memref<3x128xi32, #tpu.memory_space<vmem>>, vector<1x16xi32>,
      %add3A_322 = arith.constant 32 : i32
      %add3A_323 = arith.addi %add3A_302, %add3A_322 : i32
      %add3A_324 = vector.broadcast %add3A_323 : i32 to vector<16xi32>
      %add3A_325 = arith.addi %add3A_324, %iota3A : vector<16xi32>
      %swap3A_326 = arith.constant 0 : i32
      %swap3A_327 = arith.index_cast %swap3A_326 : i32 to index
      %swap3A_328 = arith.constant 32 : index
      %swap3A_329 = tpu.vector_load %arg10[%swap3A_327, %swap3A_328] {strides = array<i32>} : memref<3x128xi32, #tpu.memory_space<vmem>>, vector<1x16xi32>,
      %swap3A_330 = vector.shape_cast %swap3A_329 : vector<1x16xi32> to vector<16xi32>
      %swap3A_331 = vector.shape_cast %add3A_325 : vector<16xi32> to vector<1x16xi32>
      tpu.vector_store %arg10[%swap3A_327, %swap3A_328], %swap3A_331 {strides = array<i32>} : memref<3x128xi32, #tpu.memory_space<vmem>>, vector<1x16xi32>,
      %add3A_332 = arith.constant 48 : i32
      %add3A_333 = arith.addi %add3A_302, %add3A_332 : i32
      %add3A_334 = vector.broadcast %add3A_333 : i32 to vector<16xi32>
      %add3A_335 = arith.addi %add3A_334, %iota3A : vector<16xi32>
      %swap3A_336 = arith.constant 0 : i32
      %swap3A_337 = arith.index_cast %swap3A_336 : i32 to index
      %swap3A_338 = arith.constant 48 : index
      %swap3A_339 = tpu.vector_load %arg10[%swap3A_337, %swap3A_338] {strides = array<i32>} : memref<3x128xi32, #tpu.memory_space<vmem>>, vector<1x16xi32>,
      %swap3A_340 = vector.shape_cast %swap3A_339 : vector<1x16xi32> to vector<16xi32>
      %swap3A_341 = vector.shape_cast %add3A_335 : vector<16xi32> to vector<1x16xi32>
      tpu.vector_store %arg10[%swap3A_337, %swap3A_338], %swap3A_341 {strides = array<i32>} : memref<3x128xi32, #tpu.memory_space<vmem>>, vector<1x16xi32>,
      %add3A_342 = arith.constant 64 : i32
      %add3A_343 = arith.addi %add3A_302, %add3A_342 : i32
      %add3A_344 = vector.broadcast %add3A_343 : i32 to vector<16xi32>
      %add3A_345 = arith.addi %add3A_344, %iota3A : vector<16xi32>
      %swap3A_346 = arith.constant 0 : i32
      %swap3A_347 = arith.index_cast %swap3A_346 : i32 to index
      %swap3A_348 = arith.constant 64 : index
      %swap3A_349 = tpu.vector_load %arg10[%swap3A_347, %swap3A_348] {strides = array<i32>} : memref<3x128xi32, #tpu.memory_space<vmem>>, vector<1x16xi32>,
      %swap3A_350 = vector.shape_cast %swap3A_349 : vector<1x16xi32> to vector<16xi32>
      %swap3A_351 = vector.shape_cast %add3A_345 : vector<16xi32> to vector<1x16xi32>
      tpu.vector_store %arg10[%swap3A_347, %swap3A_348], %swap3A_351 {strides = array<i32>} : memref<3x128xi32, #tpu.memory_space<vmem>>, vector<1x16xi32>,
      %add3A_352 = arith.constant 80 : i32
      %add3A_353 = arith.addi %add3A_302, %add3A_352 : i32
      %add3A_354 = vector.broadcast %add3A_353 : i32 to vector<16xi32>
      %add3A_355 = arith.addi %add3A_354, %iota3A : vector<16xi32>
      %swap3A_356 = arith.constant 0 : i32
      %swap3A_357 = arith.index_cast %swap3A_356 : i32 to index
      %swap3A_358 = arith.constant 80 : index
      %swap3A_359 = tpu.vector_load %arg10[%swap3A_357, %swap3A_358] {strides = array<i32>} : memref<3x128xi32, #tpu.memory_space<vmem>>, vector<1x16xi32>,
      %swap3A_360 = vector.shape_cast %swap3A_359 : vector<1x16xi32> to vector<16xi32>
      %swap3A_361 = vector.shape_cast %add3A_355 : vector<16xi32> to vector<1x16xi32>
      tpu.vector_store %arg10[%swap3A_357, %swap3A_358], %swap3A_361 {strides = array<i32>} : memref<3x128xi32, #tpu.memory_space<vmem>>, vector<1x16xi32>,
      %add3A_362 = arith.constant 96 : i32
      %add3A_363 = arith.addi %add3A_302, %add3A_362 : i32
      %add3A_364 = vector.broadcast %add3A_363 : i32 to vector<16xi32>
      %add3A_365 = arith.addi %add3A_364, %iota3A : vector<16xi32>
      %swap3A_366 = arith.constant 0 : i32
      %swap3A_367 = arith.index_cast %swap3A_366 : i32 to index
      %swap3A_368 = arith.constant 96 : index
      %swap3A_369 = tpu.vector_load %arg10[%swap3A_367, %swap3A_368] {strides = array<i32>} : memref<3x128xi32, #tpu.memory_space<vmem>>, vector<1x16xi32>,
      %swap3A_370 = vector.shape_cast %swap3A_369 : vector<1x16xi32> to vector<16xi32>
      %swap3A_371 = vector.shape_cast %add3A_365 : vector<16xi32> to vector<1x16xi32>
      tpu.vector_store %arg10[%swap3A_367, %swap3A_368], %swap3A_371 {strides = array<i32>} : memref<3x128xi32, #tpu.memory_space<vmem>>, vector<1x16xi32>,
      %add3A_372 = arith.constant 112 : i32
      %add3A_373 = arith.addi %add3A_302, %add3A_372 : i32
      %add3A_374 = vector.broadcast %add3A_373 : i32 to vector<16xi32>
      %add3A_375 = arith.addi %add3A_374, %iota3A : vector<16xi32>
      %swap3A_376 = arith.constant 0 : i32
      %swap3A_377 = arith.index_cast %swap3A_376 : i32 to index
      %swap3A_378 = arith.constant 112 : index
      %swap3A_379 = tpu.vector_load %arg10[%swap3A_377, %swap3A_378] {strides = array<i32>} : memref<3x128xi32, #tpu.memory_space<vmem>>, vector<1x16xi32>,
      %swap3A_380 = vector.shape_cast %swap3A_379 : vector<1x16xi32> to vector<16xi32>
      %swap3A_381 = vector.shape_cast %add3A_375 : vector<16xi32> to vector<1x16xi32>
      tpu.vector_store %arg10[%swap3A_377, %swap3A_378], %swap3A_381 {strides = array<i32>} : memref<3x128xi32, #tpu.memory_space<vmem>>, vector<1x16xi32>,
      %dma_start3A_382 = arith.constant 0 : i32
      %dma_start3A_383 = arith.constant 0 : i32
      %dma_start3A_384 = tpu.memref_slice %arg10[%dma_start3A_382, %dma_start3A_383] : memref<3x128xi32, #tpu.memory_space<vmem>> -> memref<1x128xi32, #tpu.memory_space<vmem>>
      %dma_start3A_385 = tpu.memref_squeeze %dma_start3A_384 : memref<1x128xi32, #tpu.memory_space<vmem>> -> memref<128xi32, #tpu.memory_space<vmem>>
      %dma_start3A_386 = arith.constant 0 : i32
      %dma_start3A_387 = arith.constant 0 : i32
      %dma_start3A_388 = tpu.memref_slice %arg2[%dma_start3A_386, %dma_start3A_387] : memref<16384x256xf32, #tpu.memory_space<hbm>> -> memref<16384x256xf32, #tpu.memory_space<hbm>>
      tpu.enqueue_indirect_dma source(%dma_start3A_388 : memref<16384x256xf32, #tpu.memory_space<hbm>>) target(%arg7 : memref<128x256xf32, #tpu.memory_space<vmem>>) offsets(%dma_start3A_385 : memref<128xi32, #tpu.memory_space<vmem>>) semaphore(%arg14 : memref<!tpu.dma_semaphore, #tpu.memory_space<semaphore_mem>>)
    } else {
    }
    %ge3A = arith.constant 3 : i32
    %ge3A_272 = arith.cmpi sge, %select_n3A_136, %ge3A : i32
    %convert_element_type3A_273 = arith.extui %ge3A_272 : i1 to i32
    %cond3A_274 = arith.constant 0 : i32
    %cond3A_275 = arith.cmpi ne, %convert_element_type3A_273, %cond3A_274 : i32
    scf.if %cond3A_275 {
      %dma_wait3A_291 = arith.constant 0 : i32
      %dma_wait3A_292 = tpu.memref_slice %arg4[%add3A_56, %dma_wait3A_291] : memref<32768x256xf32, #tpu.memory_space<hbm>> -> memref<128x256xf32, #tpu.memory_space<hbm>>
      %dma_wait3A_293 = arith.constant 0 : i32
      %dma_wait3A_294 = tpu.memref_slice %arg4[%add3A_56, %dma_wait3A_293] : memref<32768x256xf32, #tpu.memory_space<hbm>> -> memref<128x256xf32, #tpu.memory_space<hbm>>
      tpu.wait_dma2 semaphore(%arg17 : memref<!tpu.dma_semaphore, #tpu.memory_space<semaphore_mem>>) src(%arg7 : memref<128x256xf32, #tpu.memory_space<vmem>>) dst(%dma_wait3A_294 : memref<128x256xf32, #tpu.memory_space<hbm>>)
      %dma_wait3A_295 = arith.constant 0 : i32
      %dma_wait3A_296 = tpu.memref_slice %arg4[%add3A_56, %dma_wait3A_295] : memref<32768x256xf32, #tpu.memory_space<hbm>> -> memref<128x256xf32, #tpu.memory_space<hbm>>
      %dma_wait3A_297 = arith.constant 0 : i32
      %dma_wait3A_298 = tpu.memref_slice %arg4[%add3A_56, %dma_wait3A_297] : memref<32768x256xf32, #tpu.memory_space<hbm>> -> memref<128x256xf32, #tpu.memory_space<hbm>>
      tpu.wait_dma2 semaphore(%arg18 : memref<!tpu.dma_semaphore, #tpu.memory_space<semaphore_mem>>) src(%arg8 : memref<128x256xf32, #tpu.memory_space<vmem>>) dst(%dma_wait3A_298 : memref<128x256xf32, #tpu.memory_space<hbm>>)
      %dma_wait3A_299 = arith.constant 0 : i32
      %dma_wait3A_300 = tpu.memref_slice %arg4[%add3A_56, %dma_wait3A_299] : memref<32768x256xf32, #tpu.memory_space<hbm>> -> memref<128x256xf32, #tpu.memory_space<hbm>>
      %dma_wait3A_301 = arith.constant 0 : i32
      %dma_wait3A_302 = tpu.memref_slice %arg4[%add3A_56, %dma_wait3A_301] : memref<32768x256xf32, #tpu.memory_space<hbm>> -> memref<128x256xf32, #tpu.memory_space<hbm>>
      tpu.wait_dma2 semaphore(%arg19 : memref<!tpu.dma_semaphore, #tpu.memory_space<semaphore_mem>>) src(%arg9 : memref<128x256xf32, #tpu.memory_space<vmem>>) dst(%dma_wait3A_302 : memref<128x256xf32, #tpu.memory_space<hbm>>)
    } else {
    }
    %eq3A_276 = arith.constant 2 : i32
    %eq3A_277 = arith.cmpi eq, %select_n3A_136, %eq3A_276 : i32
    %convert_element_type3A_278 = arith.extui %eq3A_277 : i1 to i32
    %cond3A_279 = arith.constant 0 : i32
    %cond3A_280 = arith.cmpi ne, %convert_element_type3A_278, %cond3A_279 : i32
    scf.if %cond3A_280 {
      %dma_wait3A_291 = arith.constant 0 : i32
      %dma_wait3A_292 = tpu.memref_slice %arg4[%add3A_56, %dma_wait3A_291] : memref<32768x256xf32, #tpu.memory_space<hbm>> -> memref<128x256xf32, #tpu.memory_space<hbm>>
      %dma_wait3A_293 = arith.constant 0 : i32
      %dma_wait3A_294 = tpu.memref_slice %arg4[%add3A_56, %dma_wait3A_293] : memref<32768x256xf32, #tpu.memory_space<hbm>> -> memref<128x256xf32, #tpu.memory_space<hbm>>
      tpu.wait_dma2 semaphore(%arg17 : memref<!tpu.dma_semaphore, #tpu.memory_space<semaphore_mem>>) src(%arg7 : memref<128x256xf32, #tpu.memory_space<vmem>>) dst(%dma_wait3A_294 : memref<128x256xf32, #tpu.memory_space<hbm>>)
      %dma_wait3A_295 = arith.constant 0 : i32
      %dma_wait3A_296 = tpu.memref_slice %arg4[%add3A_56, %dma_wait3A_295] : memref<32768x256xf32, #tpu.memory_space<hbm>> -> memref<128x256xf32, #tpu.memory_space<hbm>>
      %dma_wait3A_297 = arith.constant 0 : i32
      %dma_wait3A_298 = tpu.memref_slice %arg4[%add3A_56, %dma_wait3A_297] : memref<32768x256xf32, #tpu.memory_space<hbm>> -> memref<128x256xf32, #tpu.memory_space<hbm>>
      tpu.wait_dma2 semaphore(%arg18 : memref<!tpu.dma_semaphore, #tpu.memory_space<semaphore_mem>>) src(%arg8 : memref<128x256xf32, #tpu.memory_space<vmem>>) dst(%dma_wait3A_298 : memref<128x256xf32, #tpu.memory_space<hbm>>)
    } else {
    }
    %eq3A_281 = arith.constant 1 : i32
    %eq3A_282 = arith.cmpi eq, %select_n3A_136, %eq3A_281 : i32
    %convert_element_type3A_283 = arith.extui %eq3A_282 : i1 to i32
    %cond3A_284 = arith.constant 0 : i32
    %cond3A_285 = arith.cmpi ne, %convert_element_type3A_283, %cond3A_284 : i32
    scf.if %cond3A_285 {
      %dma_wait3A_291 = arith.constant 0 : i32
      %dma_wait3A_292 = tpu.memref_slice %arg4[%add3A_56, %dma_wait3A_291] : memref<32768x256xf32, #tpu.memory_space<hbm>> -> memref<128x256xf32, #tpu.memory_space<hbm>>
      %dma_wait3A_293 = arith.constant 0 : i32
      %dma_wait3A_294 = tpu.memref_slice %arg4[%add3A_56, %dma_wait3A_293] : memref<32768x256xf32, #tpu.memory_space<hbm>> -> memref<128x256xf32, #tpu.memory_space<hbm>>
      tpu.wait_dma2 semaphore(%arg17 : memref<!tpu.dma_semaphore, #tpu.memory_space<semaphore_mem>>) src(%arg7 : memref<128x256xf32, #tpu.memory_space<vmem>>) dst(%dma_wait3A_294 : memref<128x256xf32, #tpu.memory_space<hbm>>)
    } else {
    }
    %eq3A_286 = arith.constant 0 : i32
    %eq3A_287 = arith.cmpi eq, %select_n3A_136, %eq3A_286 : i32
    %convert_element_type3A_288 = arith.extui %eq3A_287 : i1 to i32
    %cond3A_289 = arith.constant 0 : i32
    %cond3A_290 = arith.cmpi ne, %convert_element_type3A_288, %cond3A_289 : i32
    scf.if %cond3A_290 {
      %gt3A_291 = arith.constant 0 : i32
      %gt3A_292 = arith.cmpi sgt, %select_n3A_108, %gt3A_291 : i32
      %convert_element_type3A_293 = arith.extui %gt3A_292 : i1 to i32
      %cond3A_294 = arith.constant 0 : i32
      %cond3A_295 = arith.cmpi ne, %convert_element_type3A_293, %cond3A_294 : i32
      scf.if %cond3A_295 {
        %dma_wait3A_331 = arith.constant 0 : i32
        %dma_wait3A_332 = tpu.memref_slice %arg4[%add3A_56, %dma_wait3A_331] : memref<32768x256xf32, #tpu.memory_space<hbm>> -> memref<128x256xf32, #tpu.memory_space<hbm>>
        tpu.wait_dma2 semaphore(%arg13 : memref<!tpu.dma_semaphore, #tpu.memory_space<semaphore_mem>>) src(%arg6 : memref<128x256xf32, #tpu.memory_space<vmem_shared>>) dst(%dma_wait3A_332 : memref<128x256xf32, #tpu.memory_space<hbm>>)
      } else {
      }
      %gt3A_296 = arith.constant 1 : i32
      %gt3A_297 = arith.cmpi sgt, %select_n3A_108, %gt3A_296 : i32
      %convert_element_type3A_298 = arith.extui %gt3A_297 : i1 to i32
      %cond3A_299 = arith.constant 0 : i32
      %cond3A_300 = arith.cmpi ne, %convert_element_type3A_298, %cond3A_299 : i32
      scf.if %cond3A_300 {
        %dma_wait3A_331 = arith.constant 0 : i32
        %dma_wait3A_332 = tpu.memref_slice %arg4[%add3A_56, %dma_wait3A_331] : memref<32768x256xf32, #tpu.memory_space<hbm>> -> memref<128x256xf32, #tpu.memory_space<hbm>>
        tpu.wait_dma2 semaphore(%arg13 : memref<!tpu.dma_semaphore, #tpu.memory_space<semaphore_mem>>) src(%arg6 : memref<128x256xf32, #tpu.memory_space<vmem_shared>>) dst(%dma_wait3A_332 : memref<128x256xf32, #tpu.memory_space<hbm>>)
      } else {
      }
      %gt3A_301 = arith.constant 2 : i32
      %gt3A_302 = arith.cmpi sgt, %select_n3A_108, %gt3A_301 : i32
      %convert_element_type3A_303 = arith.extui %gt3A_302 : i1 to i32
      %cond3A_304 = arith.constant 0 : i32
      %cond3A_305 = arith.cmpi ne, %convert_element_type3A_303, %cond3A_304 : i32
      scf.if %cond3A_305 {
        %dma_wait3A_331 = arith.constant 0 : i32
        %dma_wait3A_332 = tpu.memref_slice %arg4[%add3A_56, %dma_wait3A_331] : memref<32768x256xf32, #tpu.memory_space<hbm>> -> memref<128x256xf32, #tpu.memory_space<hbm>>
        tpu.wait_dma2 semaphore(%arg13 : memref<!tpu.dma_semaphore, #tpu.memory_space<semaphore_mem>>) src(%arg6 : memref<128x256xf32, #tpu.memory_space<vmem_shared>>) dst(%dma_wait3A_332 : memref<128x256xf32, #tpu.memory_space<hbm>>)
      } else {
      }
      %gt3A_306 = arith.constant 3 : i32
      %gt3A_307 = arith.cmpi sgt, %select_n3A_108, %gt3A_306 : i32
      %convert_element_type3A_308 = arith.extui %gt3A_307 : i1 to i32
      %cond3A_309 = arith.constant 0 : i32
      %cond3A_310 = arith.cmpi ne, %convert_element_type3A_308, %cond3A_309 : i32
      scf.if %cond3A_310 {
        %dma_wait3A_331 = arith.constant 0 : i32
        %dma_wait3A_332 = tpu.memref_slice %arg4[%add3A_56, %dma_wait3A_331] : memref<32768x256xf32, #tpu.memory_space<hbm>> -> memref<128x256xf32, #tpu.memory_space<hbm>>
        tpu.wait_dma2 semaphore(%arg13 : memref<!tpu.dma_semaphore, #tpu.memory_space<semaphore_mem>>) src(%arg6 : memref<128x256xf32, #tpu.memory_space<vmem_shared>>) dst(%dma_wait3A_332 : memref<128x256xf32, #tpu.memory_space<hbm>>)
      } else {
      }
      %gt3A_311 = arith.constant 4 : i32
      %gt3A_312 = arith.cmpi sgt, %select_n3A_108, %gt3A_311 : i32
      %convert_element_type3A_313 = arith.extui %gt3A_312 : i1 to i32
      %cond3A_314 = arith.constant 0 : i32
      %cond3A_315 = arith.cmpi ne, %convert_element_type3A_313, %cond3A_314 : i32
      scf.if %cond3A_315 {
        %dma_wait3A_331 = arith.constant 0 : i32
        %dma_wait3A_332 = tpu.memref_slice %arg4[%add3A_56, %dma_wait3A_331] : memref<32768x256xf32, #tpu.memory_space<hbm>> -> memref<128x256xf32, #tpu.memory_space<hbm>>
        tpu.wait_dma2 semaphore(%arg13 : memref<!tpu.dma_semaphore, #tpu.memory_space<semaphore_mem>>) src(%arg6 : memref<128x256xf32, #tpu.memory_space<vmem_shared>>) dst(%dma_wait3A_332 : memref<128x256xf32, #tpu.memory_space<hbm>>)
      } else {
      }
      %gt3A_316 = arith.constant 5 : i32
      %gt3A_317 = arith.cmpi sgt, %select_n3A_108, %gt3A_316 : i32
      %convert_element_type3A_318 = arith.extui %gt3A_317 : i1 to i32
      %cond3A_319 = arith.constant 0 : i32
      %cond3A_320 = arith.cmpi ne, %convert_element_type3A_318, %cond3A_319 : i32
      scf.if %cond3A_320 {
        %dma_wait3A_331 = arith.constant 0 : i32
        %dma_wait3A_332 = tpu.memref_slice %arg4[%add3A_56, %dma_wait3A_331] : memref<32768x256xf32, #tpu.memory_space<hbm>> -> memref<128x256xf32, #tpu.memory_space<hbm>>
        tpu.wait_dma2 semaphore(%arg13 : memref<!tpu.dma_semaphore, #tpu.memory_space<semaphore_mem>>) src(%arg6 : memref<128x256xf32, #tpu.memory_space<vmem_shared>>) dst(%dma_wait3A_332 : memref<128x256xf32, #tpu.memory_space<hbm>>)
      } else {
      }
      %gt3A_321 = arith.constant 6 : i32
      %gt3A_322 = arith.cmpi sgt, %select_n3A_108, %gt3A_321 : i32
      %convert_element_type3A_323 = arith.extui %gt3A_322 : i1 to i32
      %cond3A_324 = arith.constant 0 : i32
      %cond3A_325 = arith.cmpi ne, %convert_element_type3A_323, %cond3A_324 : i32
      scf.if %cond3A_325 {
        %dma_wait3A_331 = arith.constant 0 : i32
        %dma_wait3A_332 = tpu.memref_slice %arg4[%add3A_56, %dma_wait3A_331] : memref<32768x256xf32, #tpu.memory_space<hbm>> -> memref<128x256xf32, #tpu.memory_space<hbm>>
        tpu.wait_dma2 semaphore(%arg13 : memref<!tpu.dma_semaphore, #tpu.memory_space<semaphore_mem>>) src(%arg6 : memref<128x256xf32, #tpu.memory_space<vmem_shared>>) dst(%dma_wait3A_332 : memref<128x256xf32, #tpu.memory_space<hbm>>)
      } else {
      }
      %gt3A_326 = arith.constant 7 : i32
      %gt3A_327 = arith.cmpi sgt, %select_n3A_108, %gt3A_326 : i32
      %convert_element_type3A_328 = arith.extui %gt3A_327 : i1 to i32
      %cond3A_329 = arith.constant 0 : i32
      %cond3A_330 = arith.cmpi ne, %convert_element_type3A_328, %cond3A_329 : i32
      scf.if %cond3A_330 {
        %dma_wait3A_331 = arith.constant 0 : i32
        %dma_wait3A_332 = tpu.memref_slice %arg4[%add3A_56, %dma_wait3A_331] : memref<32768x256xf32, #tpu.memory_space<hbm>> -> memref<128x256xf32, #tpu.memory_space<hbm>>
        tpu.wait_dma2 semaphore(%arg13 : memref<!tpu.dma_semaphore, #tpu.memory_space<semaphore_mem>>) src(%arg6 : memref<128x256xf32, #tpu.memory_space<vmem_shared>>) dst(%dma_wait3A_332 : memref<128x256xf32, #tpu.memory_space<hbm>>)
      } else {
      }
    } else {
    }
    return
  }
}

</mosaic_0001>

<sc_bundles>
// kernel: kernel.3.cloned.1.call-start
scs
__scs_entry_jumppad:
0x0: {  	(pc) =	sbr.rel $0x88, $3  }
0x1: {  	(tag) =	ssettag $0x0;
	lr =	simm.s32 $0x1  }
0x2: {  	[smem:$0x3F9F] =	sst lr;
	_ =	strace $0xD0000000  }
0x3: {  	_ = 	snop  }
0x4: {  	_ = 	snop  }
0x5: {  	_ = 	snop  }
0x6: {  	_ = 	snop  }
0x7: {  	_ = 	snop  }
__scs_overlays_trampoline_lowered:
0x8: {  	[smem:$0x3FAE] =	sst s0  }
0x9: {  	[smem:$0x3FAF] =	sst s1  }
0xa: {  	[smem:$0x3FB0] =	sst s2  }
0xb: {  	[smem:$0x3FB1] =	sst s3  }
0xc: {  	[smem:$0x3FB2] =	sst s4  }
0xd: {  	[smem:$0x3FB3] =	sst s5  }
0xe: {  	[smem:$0x3FB4] =	sst s6  }
0xf: {  	[smem:$0x3FB5] =	sst s7  }
0x10: {  	[smem:$0x3FB6] =	sst s8  }
0x11: {  	[smem:$0x3FB7] =	sst s9;
	s0 =	simm.s32 @!p0 $0x0  }
0x12: {  	s1 =	sld [smem:$0x3F9D];
	s0 =	simm.s32 @p0 $0x1  }
0x13: {  	[smem:$0x3FB8] =	sst s0;
	s0 =	simm.s32 @!p1 $0x0  }
0x14: {  	s2 =	sld [smem:$0x3F9C];
	s0 =	simm.s32 @p1 $0x1  }
0x15: {  	[smem:$0x3FB9] =	sst s0;
	s0 =	simm.s32 @!p2 $0x0  }
0x16: {  	s3 =	sld [smem:$0x3FDB];
	s0 =	simm.s32 @p2 $0x1  }
0x17: {  	s4 =	simm.s32 $0x1BF5;
	[smem:$0x3FBB] =	sst s0  }
0x18: {  	s0 =	sld [smem:$0x3F9E];
	_ =	swait.ge [sflag:s4], $0x0  }
0x19: {  	s7 =	sld [smem:$0x3F9F]  }
0x1a: {  	s8 =	sadd.s32 $0xFFFFE003, lr  }
0x1b: {  	s9 =	sadd.s32 $0xFFFFFEF7, lr;
	s5 =	simm.s32 $0xFFFFFFFF;
	p2 =	slt.u32 s8, $0xFFFFF086  }
0x1c: {  	p1 =	slt.u32 s9, $0xF7A;
	s5 =	simm.s32 @!p2 $0x0  }
0x1d: {  	s5 =	simm.s32 @p1 $0x1;
	p0 =	seq.s32 s7, s2  }
0x1e: {  	s7 =	smul.u32 @!p0 $0xF7A, s2;
	p2 =	seq.s32 @!p0 s5, $0x0  }
0x1f: {  	s9 =	smul.u32 $0xF7A, s1;
	s8 =	simm.s32 @!p0 $0x1BF5;
	p2 =	por !p2, p0  }
0x20: {  	[sflag:s8] =	ssyncset.s32 @!p0 $0xFFFFF086;
	s6 =	sadd.s32 @!p0 s3, s7;
	s7 =	simm.s32 @!p0 $0x108  }
0x21: {  	s3 =	sadd.s32 s3, s9;
	s6 =	sadd.s32 @!p0 $0x88, s6;
	s7 =	simm.s32 @p2 $0x1082  }
0x22: {  	[simem:s7], [sflag:s8] =	dma.local @!p0 [hbm:s6], $0xF7A  }
0x23: {  	s9 =	sor.u32 $0xD0000000, s2;
	s6 =	simm.s32 $0x108;
	_ =	swait.ge @!p0 [sflag:s8], $0x0  }
0x24: {  	s3 =	sadd.s32 $0x88, s3;
	s6 =	simm.s32 @!p1 $0x1082;
	[sflag:s4] =	ssyncset.s32 $0xFFFFF086  }
0x25: {  	[simem:s6], [sflag:s4] =	dma.local [hbm:s3], $0xF7A  }
0x26: {  	[smem:$0x3F9F] =	sst s1;
	(tag) =	ssettag s2;
	_ =	strace s9  }
0x27: {  	s1 =	sld [smem:$0x3FAF]  }
0x28: {  	s2 =	sld [smem:$0x3FB0]  }
0x29: {  	s4 =	sld [smem:$0x3FB2]  }
0x2a: {  	p0 =	seq.s32 s5, $0x0;
	s5 =	sld [smem:$0x3FB3]  }
0x2b: {  	s6 =	sld [smem:$0x3FB4]  }
0x2c: {  	s7 =	sld [smem:$0x3FB5]  }
0x2d: {  	s3 =	simm.s32 $0x108;
	s8 =	sld [smem:$0x3FB6]  }
0x2e: {  	s3 =	simm.s32 @!p0 $0x1082;
	s9 =	sld [smem:$0x3FB7]  }
0x2f: {  	lr =	sadd.s32 s0, s3;
	s0 =	sld [smem:$0x3FAE]  }
0x30: {  	s3 =	sld [smem:$0x3FB1]  }
0x31: {  	[smem:$0x3FBA] =	sst s10  }
0x32: {  	s10 =	sld [smem:$0x3FB8];
	_ =	sdelay $0x3  }
0x33: {  	p0 =	seq.s32 s10, $0x1;
	s10 =	sld [smem:$0x3FBA];
	_ =	sdelay $0x3  }
0x34: {  	[smem:$0x3FBA] =	sst s10  }
0x35: {  	s10 =	sld [smem:$0x3FB9];
	_ =	sdelay $0x3  }
0x36: {  	p1 =	seq.s32 s10, $0x1;
	s10 =	sld [smem:$0x3FBA];
	_ =	sdelay $0x3  }
0x37: {  	[smem:$0x3FBA] =	sst s10  }
0x38: {  	s10 =	sld [smem:$0x3FBB]  }
0x39: {  	_ = 	snop;
	(pc) =	sbr.ind lr, $3  }
0x3a: {  	_ = 	snop  }
0x3b: {  	_ = 	snop  }
0x3c: {  	p2 =	seq.s32 s10, $0x1;
	s10 =	sld [smem:$0x3FBA]  }
0x3d: {  	_ =	shalt  }
0x3e: {  	_ =	shalt  }
0x3f: {  	_ =	shalt  }
0x40: {  	_ =	shalt  }
0x41: {  	_ =	shalt  }
0x42: {  	_ =	shalt  }
0x43: {  	_ =	shalt  }
0x44: {  	_ =	shalt  }
0x45: {  	_ =	shalt  }
0x46: {  	_ =	shalt  }
0x47: {  	_ =	shalt  }
0x48: {  	_ =	shalt  }
0x49: {  	_ =	shalt  }
0x4a: {  	_ =	shalt  }
0x4b: {  	_ =	shalt  }
0x4c: {  	_ =	shalt  }
0x4d: {  	_ =	shalt  }
0x4e: {  	_ =	shalt  }
0x4f: {  	_ =	shalt  }
0x50: {  	_ =	shalt  }
0x51: {  	_ =	shalt  }
0x52: {  	_ =	shalt  }
0x53: {  	_ =	shalt  }
0x54: {  	_ =	shalt  }
0x55: {  	_ =	shalt  }
0x56: {  	_ =	shalt  }
0x57: {  	_ =	shalt  }
0x58: {  	_ =	shalt  }
0x59: {  	_ =	shalt  }
0x5a: {  	_ =	shalt  }
0x5b: {  	_ =	shalt  }
0x5c: {  	_ =	shalt  }
0x5d: {  	_ =	shalt  }
0x5e: {  	_ =	shalt  }
0x5f: {  	_ =	shalt  }
0x60: {  	_ =	shalt  }
0x61: {  	_ =	shalt  }
0x62: {  	_ =	shalt  }
0x63: {  	_ =	shalt  }
0x64: {  	_ =	shalt  }
0x65: {  	_ =	shalt  }
0x66: {  	_ =	shalt  }
0x67: {  	_ =	shalt  }
0x68: {  	_ =	shalt  }
0x69: {  	_ =	shalt  }
0x6a: {  	_ =	shalt  }
0x6b: {  	_ =	shalt  }
0x6c: {  	_ =	shalt  }
0x6d: {  	_ =	shalt  }
0x6e: {  	_ =	shalt  }
0x6f: {  	_ =	shalt  }
0x70: {  	_ =	shalt  }
0x71: {  	_ =	shalt  }
0x72: {  	_ =	shalt  }
0x73: {  	_ =	shalt  }
0x74: {  	_ =	shalt  }
0x75: {  	_ =	shalt  }
0x76: {  	_ =	shalt  }
0x77: {  	_ =	shalt  }
0x78: {  	_ =	shalt  }
0x79: {  	_ =	shalt  }
0x7a: {  	_ =	shalt  }
0x7b: {  	_ =	shalt  }
0x7c: {  	_ =	shalt  }
0x7d: {  	_ =	shalt  }
0x7e: {  	_ =	shalt  }
0x7f: {  	_ =	shalt  }
0x80: {  	_ =	shalt  }
0x81: {  	_ =	shalt  }
0x82: {  	_ =	shalt  }
0x83: {  	_ =	shalt  }
0x84: {  	_ =	shalt  }
0x85: {  	_ =	shalt  }
0x86: {  	_ =	shalt  }
0x87: {  	_ =	shalt  }
.Lfunc_end0:
.L_simem_size_0:
called_computation_lowered:
.L_overlay_start_0:
0x88: {  	s2 =	sld [smem:$0x3FD9]  }
0x89: {  	s3 =	sld [smem:$0x3FFE];
	_ =	sdelay $0x1  }
0x8a: {  	s1 =	srdreg.scid  }
0x8b: {  	s0 =	sand.u32 $0x1, s1  }
0x8c: {  	s18 =	sshll.u32 s0, $0xA;
	s2 =	sadd.s32 s3, s2  }
0x8d: {  	s2 =	sadd.s32 s2, s18  }
0x8e: {  	[smem:$0x3FC6] =	sst s2  }
0x8f: {  	_ = 	snop  }
0x90: {  	s2 =	sld [smem:$0x3FC9]  }
0x91: {  	s19 =	sld [smem:$0x3FC8]  }
0x92: {  	s4 =	sld [smem:$0x3FD0];
	(tm) =	ssettm $0x1  }
0x93: {  	s5 =	sld [smem:$0x3FFB];
	_ =	sdelay $0x3  }
0x94: {  	_ =	strace s5  }
0x95: {  	s5 =	sld [smem:$0x3FFC];
	_ =	sdelay $0x3  }
0x96: {  	_ =	strace s5  }
0x97: {  	s5 =	sld [smem:$0x3FFD];
	_ =	sdelay $0x3  }
0x98: {  	_ =	strace s5  }
0x99: {  	_ =	strace $0x8FFFFFFF  }
0x9a: {  	s20 =	sld [smem:$0x3FDB];
	_ =	sdelay $0x1  }
0x9b: {  	s6 =	simm.s32 $_scs_section_size  }
0x9c: {  	s7 =	simm.s32 $_size__tile_overlayer_lowered;
	s8 =	simm.s32 $_tile_overlayer_lowered  }
0x9d: {  	s23 =	simm.s32 $0x1BFF;
	s22 =	sshll.u32 s8, $0x1;
	s5 =	sadd.s32 s6, s20  }
0x9e: {  	s9 =	simm.s32 $0x0;
	s21 =	sshll.u32 s7, $0x1;
	s7 =	sadd.s32 s22, s5  }
0x9f: {  	[timem:s9], [sflag:s23] =	dma.local [hbm:s7], s21  }
0xa0: {  	_ =	swait.ge [sflag:s23], s21  }
0xa1: {  	s6 =	ssub.s32 $0x0, s21;
	[sflag:s23] =	ssyncset.done $0x0  }
0xa2: {  	[sflag:s23] =	ssyncadd.s32 s6;
	_ =	sdelay $0x1  }
0xa3: {  	s24 =	simm.s32 $0x1B8B  }
0xa4: {  	_ =	swait.ge [sflag:s24], $0x1  }
0xa5: {  	[sflag:s24] =	ssyncset.done $0x0  }
0xa6: {  	s25 =	simm.s32 $0x1B8E;
	[sflag:s24] =	ssyncadd.s32 $0xFFFFFFFF  }
0xa7: {  	s26 =	simm.s32 $execute0_lowered;
	[smem:$0x3FD2] =	sst s25  }
0xa8: {  	s6 =	sshll.u32 s26, $0x1;
	_ =	strace $0x80000046;
	[dreg:$0x1] =	wrdreg $0xFFFFFFFF  }
0xa9: {  	s28 =	simm.s32 $_size_execute0_lowered;
	s5 =	sadd.s32 s5, s6;
	[dreg:$0x0] =	wrdreg $0x0  }
0xaa: {  	s6 =	sshll.u32 s28, $0x1;
	[dreg:$0x2] =	wrdreg s5  }
0xab: {  	[dreg:$0x3] =	wrdreg s6  }
0xac: {  	[dreg:$0x4] =	wrdreg $0xC0  }
0xad: {  	_ =	task [dreg:s9], $0x5FFFF  }
0xae: {  	[dreg:$0x1] =	wrdreg $0xFFFFFFFF  }
0xaf: {  	[dreg:$0x0] =	wrdreg $0x60  }
0xb0: {  	[dreg:$0x2] =	wrdreg s2  }
0xb1: {  	[dreg:$0x3] =	wrdreg s19  }
0xb2: {  	[dreg:$0x4] =	wrdreg s4  }
0xb3: {  	[dreg:$0x5] =	wrdreg $0x800  }
0xb4: {  	[dreg:$0x6] =	wrdreg $0x9  }
0xb5: {  	_ =	task.clear_ibuf [dreg:s9], $0x7FFFF;
	_ =	strace $0x90000046  }
0xb6: {  	s29 =	simm.s32 $0x9;
	_ =	strace $0x80000048  }
0xb7: {  	_ =	swait.ge [sflag:s29], $0x1  }
0xb8: {  	[sflag:s29] =	ssyncadd.s32 $0xFFFFFFFF  }
0xb9: {  	_ =	strace $0x90000048  }
0xba: {  	_ =	sfence  }
0xbb: {  	s30 =	sld [smem:$0x0];
	_ =	sdelay $0x2  }
0xbc: {  	s31 =	sshll.u32 s1, $0xD;
	s1 =	sshrl.u32 s1, $0x2  }
0xbd: {  	s3 =	sand.u32 $0x4000, s31;
	s1 =	sadd.s32 s1, s30  }
0xbe: {  	s0 =	sor.u32 s3, s0;
	s1 =	sshll.u32 s1, $0x11  }
0xbf: {  	s0 =	sor.u32 s1, s0  }
0xc0: {  	s0 =	sadd.s32 $0x8F2B, s0  }
0xc1: {  	[sflag:s0] =	ssyncadd.remote.s32 $0x1  }
0xc2: {  	_ =	sfence.sel $0xFFFF  }
0xc3: {  	[dreg:$0x0] =	wrdreg $0xFFFFFFFF;
	(pc) =	sbr.abs _section_cstart, $3  }
0xc4: {  	[dreg:$0x1] =	wrdreg $0xFFFFFFFF  }
0xc5: {  	_ =	task.clear_ibuf [dreg:s9], $0x2FFFF;
	_ =	strace $0x9FFFFFFF  }
0xc6: {  	(tm) =	ssettm $0x7FFFFFFF  }
0xc7: {  	_ =	shalt  }
tec
execute0_lowered:
.L_overlay_start_1:
0x0: {  	(tag) =	ssettag $0x1  }
0x1: {  	s0 =	srdreg.scid  }
0x2: {  	s8 =	stileid.u32;
	s4 =	rddreg [dreg:$0x2];
	s0 =	sand.u32 $0x1, s0  }
0x3: {  	s5 =	rddreg [dreg:$0x3];
	s7 =	simm.s32 $0x0;
	s1 =	sshll.u32 s0, $0x4  }
0x4: {  	s10 =	simm.s32 $0x1;
	s3 =	sand.u32 $0x1, s8;
	s2 =	sor.u32 s8, s1  }
0x5: {  	s16 =	sshll.u32 s8, $0xA;
	p1 =	seq.s32 s3, $0x1;
	p0 =	seq.s32 s2, $0x0  }
0x6: {  	[smem:$0x7FF] =	sst s7;
	s20 =	sshll.u32 s8, $0xB;
	p0 =	por !p0, !p1  }
0x7: {  	s3 =	simm.s32 $0x1;
	s17 =	sand.u32 $0x400, s16;
	p0 =	por !p0, !p0  }
0x8: {  	s0 =	ssub.s32 $0x2, s0;
	s2 =	sshrl.u32 s2, $0x1;
	s3 =	simm.s32 @!p0 $0x0  }
0x9: {  	s1 =	rddreg [dreg:$0x0];
	s19 =	sshrl.u32 s0, $0x1;
	s6 =	ssub.s32 s2, s3  }
0xa: {  	[dreg:$0x5] =	wrdreg s17;
	s0 =	ssub.s32 s0, s19;
	s18 =	sshll.u32 s6, $0xB  }
0xb: {  	_ =	strace $0x80000047;
	s0 =	smax.u32 s0, $0x1;
	s9 =	sor.u32 s17, s18  }
0xc: {  	[dreg:$0x10] =	wrdreg s0;
	s2 =	sadd.s32 s20, s5;
	s3 =	sshll.u32 s9, $0x5  }
0xd: {  	s14 =	simm.s32 $0x10880;
	[dreg:$0x7] =	wrdreg s2;
	s11 =	sand.u32 $0x1FFF8000, s3  }
0xe: {  	[dreg:$0x6] =	wrdreg s9;
	s3 =	sadd.s32 s4, s3;
	s21 =	sadd.s32 s11, s4  }
0xf: {  	s12 =	simm.s32 $0x9;
	[dreg:$0x8] =	wrdreg s3;
	s22 =	sadd.s32 $0x1000, s21  }
0x10: {  	s28 =	simm.s32 $0x3;
	s23 =	sadd.s32 $0x2000, s21;
	[dreg:$0x9] =	wrdreg s22  }
0x11: {  	s29 =	simm.s32 $0x8;
	s24 =	sadd.s32 $0x3000, s21;
	[dreg:$0xa] =	wrdreg s23  }
0x12: {  	s30 =	simm.s32 $0x0;
	s25 =	sadd.s32 $0x4000, s21;
	[dreg:$0xb] =	wrdreg s24  }
.Ltmp0:
0x13: {  	s26 =	sadd.s32 $0x5000, s21;
	[dreg:$0xc] =	wrdreg s25;
	(pc) =	sbr.rel .LBB2_1-.Ltmp0, $4  }
0x14: {  	s0 =	simm.s32 $0x6;
	s31 =	sadd.s32 $0x6000, s21;
	[dreg:$0xd] =	wrdreg s26  }
0x15: {  	v0 =	vlaneseq.u32;
	s13 =	sadd.s32 $0xFFFFFF80, s9;
	s2 =	sadd.s32 $0x7000, s21;
	[dreg:$0xe] =	wrdreg s31  }
0x16: {  	vm0 =	vmmov $0xffff;
	v4 =	vimm.f32 $0.0e+00;
	v2 =	vshrl.u32 v0, $0x3;
	s21 =	simm.s32 $0x8880;
	[dreg:$0xf] =	wrdreg s2;
	s2 =	simm.s32 $0x4  }
0x17: {  	v1 =	vand.u32 $0x7, v0;
	v3 =	vor.u32 $0x8, v0;
	v2 =	vmul.u32 $0x8, v2;
	s23 =	simm.s32 $0x880;
	s25 =	simm.s32 $0x5;
	s26 =	simm.s32 $0x7  }
.LBB2_52:
0x18: {  	s3 =	rddreg [dreg:$0xf]  }
0x19: {  	[hbm4b:s3+s7] =	stream.linear.scatter [tilespmem:s21], [sflag:$0x7], $0x8000, $0x38;
	[tilespmem:$0x18C80] =	vst v63  }
.LBB2_53:
0x1a: {  	_ =	swait.ge [sflag:s0], $0x8000  }
0x1b: {  	[sflag:s0] =	ssyncset.done $0x0  }
0x1c: {  	[sflag:s0] =	ssyncadd.s32 $0xFFFF8000  }
0x1d: {  	_ =	swait.ge [sflag:s26], $0x8000  }
0x1e: {  	[sflag:s26] =	ssyncset.done $0x0  }
0x1f: {  	[sflag:s26] =	ssyncadd.s32 $0xFFFF8000  }
0x20: {  	_ =	swait.ge [sflag:s29], $0x8000  }
0x21: {  	[sflag:s29] =	ssyncset.done $0x0  }
0x22: {  	[sflag:s29] =	ssyncadd.s32 $0xFFFF8000  }
.LBB2_54:
0x23: {  	s3 =	sld [smem:$0x7FD];
	_ =	sdelay $0x2  }
0x24: {  	p4 =	seq.s32 s3, $0x1  }
0x25: {  	p0 =	slt.s32 @p4 s19, $0x1  }
0x26: {  	p0 =	por p0, !p4  }
0x27: {  	s3 =	simm.s32 @!p0 $0x2  }
0x28: {  	_ =	swait.ge @!p0 [sflag:s3], $0x1000  }
0x29: {  	s8 =	sld [smem:$0x7F7];
	_ =	sdelay $0x2  }
0x2a: {  	p1 =	seq.s32 s8, $0x1  }
0x2b: {  	[sflag:s3] =	ssyncset.done @!p0 $0x0;
	p1 =	por !p1, !p4  }
0x2c: {  	[sflag:s3] =	ssyncadd.s32 @!p0 $0xFFFFF000;
	s3 =	simm.s32 @!p1 $0x2  }
0x2d: {  	_ =	swait.ge @!p1 [sflag:s3], $0x1000  }
0x2e: {  	p0 =	por !p2, !p4;
	[sflag:s3] =	ssyncset.done @!p1 $0x0  }
0x2f: {  	[sflag:s3] =	ssyncadd.s32 @!p1 $0xFFFFF000;
	s3 =	simm.s32 @!p0 $0x2  }
0x30: {  	_ =	swait.ge @!p0 [sflag:s3], $0x1000  }
0x31: {  	s19 =	sld [smem:$0x7F6];
	_ =	sdelay $0x2  }
0x32: {  	p2 =	seq.s32 s19, $0x1  }
0x33: {  	[sflag:s3] =	ssyncset.done @!p0 $0x0;
	p1 =	por !p2, !p4  }
0x34: {  	[sflag:s3] =	ssyncadd.s32 @!p0 $0xFFFFF000;
	s3 =	simm.s32 @!p1 $0x2  }
0x35: {  	_ =	swait.ge @!p1 [sflag:s3], $0x1000  }
0x36: {  	s20 =	sld [smem:$0x7F9];
	_ =	sdelay $0x2  }
0x37: {  	p3 =	seq.s32 s20, $0x1  }
0x38: {  	[sflag:s3] =	ssyncset.done @!p1 $0x0;
	p0 =	por !p3, !p4  }
0x39: {  	[sflag:s3] =	ssyncadd.s32 @!p1 $0xFFFFF000;
	s3 =	simm.s32 @!p0 $0x2  }
0x3a: {  	_ =	swait.ge @!p0 [sflag:s3], $0x1000  }
0x3b: {  	p1 =	por !p5, !p4;
	[sflag:s3] =	ssyncset.done @!p0 $0x0  }
0x3c: {  	[sflag:s3] =	ssyncadd.s32 @!p0 $0xFFFFF000;
	s3 =	simm.s32 @!p1 $0x2  }
0x3d: {  	_ =	swait.ge @!p1 [sflag:s3], $0x1000  }
0x3e: {  	s22 =	sld [smem:$0x7FA];
	_ =	sdelay $0x2  }
0x3f: {  	p5 =	seq.s32 s22, $0x1  }
0x40: {  	[sflag:s3] =	ssyncset.done @!p1 $0x0;
	p0 =	por !p5, !p4  }
0x41: {  	[sflag:s3] =	ssyncadd.s32 @!p1 $0xFFFFF000;
	s3 =	simm.s32 @!p0 $0x2  }
0x42: {  	_ =	swait.ge @!p0 [sflag:s3], $0x1000  }
0x43: {  	s24 =	sld [smem:$0x7F8];
	_ =	sdelay $0x2  }
0x44: {  	p6 =	seq.s32 s24, $0x1  }
0x45: {  	[sflag:s3] =	ssyncset.done @!p0 $0x0;
	p1 =	por !p6, !p4  }
0x46: {  	[sflag:s3] =	ssyncadd.s32 @!p0 $0xFFFFF000;
	s3 =	simm.s32 @!p1 $0x2  }
0x47: {  	p0 =	seq.s32 @!p4 s31, $0x1;
	_ =	swait.ge @!p1 [sflag:s3], $0x1000  }
0x48: {  	p2 =	por !p0, p4;
	p3 =	por p0, p4;
	[sflag:s3] =	ssyncset.done @!p1 $0x0  }
0x49: {  	[sflag:s3] =	ssyncadd.s32 @!p1 $0xFFFFF000;
	s3 =	simm.s32 @!p2 $0x6;
	p1 =	sne.s32 @!p3 s31, $0x2  }
0x4a: {  	p0 =	por @!p4 p1, p0;
	_ =	swait.ge @!p2 [sflag:s3], $0x8000  }
0x4b: {  	p0 =	por p0, p4;
	[sflag:s3] =	ssyncset.done @!p2 $0x0  }
0x4c: {  	[sflag:s3] =	ssyncadd.s32 @!p2 $0xFFFF8000;
	s3 =	simm.s32 @!p0 $0x6  }
0x4d: {  	_ =	swait.ge @!p0 [sflag:s3], $0x8000  }
0x4e: {  	[sflag:s3] =	ssyncset.done @!p0 $0x0  }
0x4f: {  	[sflag:s3] =	ssyncadd.s32 @!p0 $0xFFFF8000;
	s3 =	simm.s32 @!p0 $0x7  }
0x50: {  	_ =	swait.ge @!p0 [sflag:s3], $0x8000  }
0x51: {  	s30 =	sadd.s32 $0x1, s30;
	s31 =	rddreg [dreg:$0x10]  }
0x52: {  	p1 =	sne.s32 s30, s31  }
.Ltmp1:
0x53: {  	_ = 	snop;
	(pc) =	sbr.rel @!p1 .LBB2_55-.Ltmp1, $3  }
0x54: {  	_ =	sdelay $0x1  }
0x55: {  	[sflag:s3] =	ssyncset.done @!p0 $0x0  }
0x56: {  	[sflag:s3] =	ssyncadd.s32 @!p0 $0xFFFF8000  }
.LBB2_1:
0x57: {  	s3 =	rddreg [dreg:$0x1]  }
0x58: {  	[tilespmem:s7], [sflag:$0x1] =	stream.linear.gather [hbm4b:s3+s7], $0x11, $0x38;
	[tilespmem:$0x18C80] =	vst v63  }
0x59: {  	_ =	swait.ge [sflag:s10], $0x11  }
0x5a: {  	[sflag:s10] =	ssyncset.done $0x0  }
0x5b: {  	[sflag:s10] =	ssyncadd.s32 $0xFFFFFFEF  }
0x5c: {  	v5 =	vld [tilespmem:s6+$0x0]  }
0x5d: {  	v6 =	vld [tilespmem:s6+$0x1];
	_ =	sdelay $0x3  }
0x5e: {  	(v2sf) =	vpush v5, $0x0  }
0x5f: {  	(v2sf) =	vpush v6, $0x0;
	_ =	sdelay $0xd  }
0x60: {  	s8 =	rddreg [dreg:$0x5];
	s22 =	spop (v2sf)  }
0x61: {  	s11 =	spop (v2sf);
	s16 =	sadd.s32 s8, s22  }
0x62: {  	s18 =	ssub.s32 s11, s16  }
0x63: {  	p0 =	sgt.s32 s18, $0x0;
	s20 =	smov.u32 s18  }
0x64: {  	s20 =	simm.s32 @!p0 $0x0  }
0x65: {  	s3 =	smin.u32 s20, $0x400  }
0x66: {  	s24 =	sadd.s32 $0x7F, s3  }
0x67: {  	s31 =	sshrl.u32 s24, $0x7  }
0x68: {  	p0 =	seq.s32 s31, $0x0  }
.Ltmp2:
0x69: {  	_ = 	snop;
	(pc) =	sbr.rel @p0 .LBB2_3-.Ltmp2, $4  }
0x6a: {  	_ = 	snop  }
0x6b: {  	s8 =	simm.s32 @!p0 $0x0  }
0x6c: {  	s8 =	simm.s32 @p0 $0x1  }
0x6d: {  	[smem:$0x7FD] =	sst s8  }
0x6e: {  	s11 =	smin.u32 s20, $0x80  }
0x6f: {  	s11 =	sadd.s32 s11, s16  }
0x70: {  	s15 =	sadd.s32 $0xFFFFFF80, s11  }
0x71: {  	v5 =	vadd.s32 s15, v0  }
0x72: {  	v6 =	vshll.u32 v5, $0x1  }
0x73: {  	s9 =	sadd.s32 $0xFFFFFF90, s11;
	v7 =	vand.u32 $0x7, v5;
	v6 =	vand.u32 $0xFFFFFFF0, v6  }
0x74: {  	s17 =	sadd.s32 $0xFFFFFFA0, s11;
	[tilespmem:$0x18880] =	vst v5;
	v5 =	vadd.s32 s9, v0;
	v6 =	vor.u32 v7, v6  }
0x75: {  	s19 =	sadd.s32 $0xFFFFFFB0, s11;
	[tilespmem:$0x18890] =	vst v5;
	v5 =	vadd.s32 s17, v0;
	v7 =	vperm.xlane v6, v1  }
0x76: {  	s22 =	sadd.s32 $0xFFFFFFC0, s11;
	[tilespmem:$0x188A0] =	vst v5;
	v5 =	vadd.s32 s19, v0  }
0x77: {  	s24 =	sadd.s32 $0xFFFFFFD0, s11;
	[tilespmem:$0x188B0] =	vst v5;
	v5 =	vadd.s32 s22, v0;
	v6 =	vperm.xlane v6, v3;
	v7 =	vadd.s32 v2, v7  }
0x78: {  	s8 =	sadd.s32 $0xFFFFFFE0, s11;
	[tilespmem:$0x188C0] =	vst v5;
	v5 =	vadd.s32 s24, v0  }
0x79: {  	s11 =	sadd.s32 $0xFFFFFFF0, s11;
	[tilespmem:$0x188D0] =	vst v5;
	v5 =	vadd.s32 s8, v0;
	v6 =	vadd.s32 v2, v6  }
0x7a: {  	[tilespmem:$0x188E0] =	vst v5;
	v5 =	vadd.s32 s11, v0  }
0x7b: {  	[tilespmem:$0x188F0] =	vst v5  }
0x7c: {  	[tilespmem:s23], [sflag:$0x3] =	stream.indirect_vreg.gather [hbm4b:s1+s7], $0x80, v7, vm0, $0xb8;
	[tilespmem:$0x18C80] =	vst v63  }
0x7d: {  	s8 =	simm.s32 $0x1080  }
0x7e: {  	[tilespmem:s8], [sflag:$0x3] =	stream.indirect_vreg.gather [hbm4b:s1+s7], $0x80, v6, vm0, $0xb8;
	[tilespmem:$0x18C80] =	vst v63  }
0x7f: {  	v5 =	vld [tilespmem:$0x18890];
	_ =	sdelay $0x4  }
0x80: {  	v6 =	vshll.u32 v5, $0x1  }
0x81: {  	v5 =	vand.u32 $0x7, v5;
	v6 =	vand.u32 $0xFFFFFFF0, v6  }
0x82: {  	v5 =	vor.u32 v5, v6  }
0x83: {  	v6 =	vperm.xlane v5, v1;
	_ =	sdelay $0x1  }
0x84: {  	v5 =	vperm.xlane v5, v3;
	v6 =	vadd.s32 v2, v6;
	_ =	sdelay $0x1  }
0x85: {  	v5 =	vadd.s32 v2, v5;
	_ =	sdelay $0x1  }
0x86: {  	s9 =	simm.s32 $0x1880  }
0x87: {  	[tilespmem:s9], [sflag:$0x3] =	stream.indirect_vreg.gather [hbm4b:s1+s7], $0x80, v6, vm0, $0xb8;
	[tilespmem:$0x18C80] =	vst v63  }
0x88: {  	s11 =	simm.s32 $0x2080  }
0x89: {  	[tilespmem:s11], [sflag:$0x3] =	stream.indirect_vreg.gather [hbm4b:s1+s7], $0x80, v5, vm0, $0xb8;
	[tilespmem:$0x18C80] =	vst v63  }
0x8a: {  	v5 =	vld [tilespmem:$0x188A0];
	_ =	sdelay $0x4  }
0x8b: {  	v6 =	vshll.u32 v5, $0x1  }
0x8c: {  	v5 =	vand.u32 $0x7, v5;
	v6 =	vand.u32 $0xFFFFFFF0, v6  }
0x8d: {  	v5 =	vor.u32 v5, v6  }
0x8e: {  	v6 =	vperm.xlane v5, v1;
	_ =	sdelay $0x1  }
0x8f: {  	v5 =	vperm.xlane v5, v3;
	v6 =	vadd.s32 v2, v6;
	_ =	sdelay $0x1  }
0x90: {  	v5 =	vadd.s32 v2, v5;
	_ =	sdelay $0x1  }
0x91: {  	s15 =	simm.s32 $0x2880  }
0x92: {  	[tilespmem:s15], [sflag:$0x3] =	stream.indirect_vreg.gather [hbm4b:s1+s7], $0x80, v6, vm0, $0xb8;
	[tilespmem:$0x18C80] =	vst v63  }
0x93: {  	s17 =	simm.s32 $0x3080  }
0x94: {  	[tilespmem:s17], [sflag:$0x3] =	stream.indirect_vreg.gather [hbm4b:s1+s7], $0x80, v5, vm0, $0xb8;
	[tilespmem:$0x18C80] =	vst v63  }
0x95: {  	v5 =	vld [tilespmem:$0x188B0];
	_ =	sdelay $0x4  }
0x96: {  	v6 =	vshll.u32 v5, $0x1  }
0x97: {  	v5 =	vand.u32 $0x7, v5;
	v6 =	vand.u32 $0xFFFFFFF0, v6  }
0x98: {  	v5 =	vor.u32 v5, v6  }
0x99: {  	v6 =	vperm.xlane v5, v1;
	_ =	sdelay $0x1  }
0x9a: {  	v5 =	vperm.xlane v5, v3;
	v6 =	vadd.s32 v2, v6;
	_ =	sdelay $0x1  }
0x9b: {  	v5 =	vadd.s32 v2, v5;
	_ =	sdelay $0x1  }
0x9c: {  	s19 =	simm.s32 $0x3880  }
0x9d: {  	[tilespmem:s19], [sflag:$0x3] =	stream.indirect_vreg.gather [hbm4b:s1+s7], $0x80, v6, vm0, $0xb8;
	[tilespmem:$0x18C80] =	vst v63  }
0x9e: {  	s22 =	simm.s32 $0x4080  }
0x9f: {  	[tilespmem:s22], [sflag:$0x3] =	stream.indirect_vreg.gather [hbm4b:s1+s7], $0x80, v5, vm0, $0xb8;
	[tilespmem:$0x18C80] =	vst v63  }
0xa0: {  	v5 =	vld [tilespmem:$0x188C0];
	_ =	sdelay $0x4  }
0xa1: {  	v6 =	vshll.u32 v5, $0x1  }
0xa2: {  	v5 =	vand.u32 $0x7, v5;
	v6 =	vand.u32 $0xFFFFFFF0, v6  }
0xa3: {  	v5 =	vor.u32 v5, v6  }
0xa4: {  	v6 =	vperm.xlane v5, v1;
	_ =	sdelay $0x1  }
0xa5: {  	v5 =	vperm.xlane v5, v3;
	v6 =	vadd.s32 v2, v6;
	_ =	sdelay $0x1  }
0xa6: {  	v5 =	vadd.s32 v2, v5;
	_ =	sdelay $0x1  }
0xa7: {  	s24 =	simm.s32 $0x4880  }
0xa8: {  	[tilespmem:s24], [sflag:$0x3] =	stream.indirect_vreg.gather [hbm4b:s1+s7], $0x80, v6, vm0, $0xb8;
	[tilespmem:$0x18C80] =	vst v63  }
0xa9: {  	s9 =	simm.s32 $0x5080  }
0xaa: {  	[tilespmem:s9], [sflag:$0x3] =	stream.indirect_vreg.gather [hbm4b:s1+s7], $0x80, v5, vm0, $0xb8;
	[tilespmem:$0x18C80] =	vst v63  }
0xab: {  	v5 =	vld [tilespmem:$0x188D0];
	_ =	sdelay $0x4  }
0xac: {  	v6 =	vshll.u32 v5, $0x1  }
0xad: {  	v5 =	vand.u32 $0x7, v5;
	v6 =	vand.u32 $0xFFFFFFF0, v6  }
0xae: {  	v5 =	vor.u32 v5, v6  }
0xaf: {  	v6 =	vperm.xlane v5, v1;
	_ =	sdelay $0x1  }
0xb0: {  	v5 =	vperm.xlane v5, v3;
	v6 =	vadd.s32 v2, v6;
	_ =	sdelay $0x1  }
0xb1: {  	v5 =	vadd.s32 v2, v5;
	_ =	sdelay $0x1  }
0xb2: {  	s11 =	simm.s32 $0x5880  }
0xb3: {  	[tilespmem:s11], [sflag:$0x3] =	stream.indirect_vreg.gather [hbm4b:s1+s7], $0x80, v6, vm0, $0xb8;
	[tilespmem:$0x18C80] =	vst v63  }
0xb4: {  	s15 =	simm.s32 $0x6080  }
0xb5: {  	[tilespmem:s15], [sflag:$0x3] =	stream.indirect_vreg.gather [hbm4b:s1+s7], $0x80, v5, vm0, $0xb8;
	[tilespmem:$0x18C80] =	vst v63  }
0xb6: {  	v5 =	vld [tilespmem:$0x188E0];
	_ =	sdelay $0x4  }
0xb7: {  	v6 =	vshll.u32 v5, $0x1  }
0xb8: {  	v5 =	vand.u32 $0x7, v5;
	v6 =	vand.u32 $0xFFFFFFF0, v6  }
0xb9: {  	v5 =	vor.u32 v5, v6  }
0xba: {  	v6 =	vperm.xlane v5, v1;
	_ =	sdelay $0x1  }
0xbb: {  	v5 =	vperm.xlane v5, v3;
	v6 =	vadd.s32 v2, v6;
	_ =	sdelay $0x1  }
0xbc: {  	v5 =	vadd.s32 v2, v5;
	_ =	sdelay $0x1  }
0xbd: {  	s17 =	simm.s32 $0x6880  }
0xbe: {  	[tilespmem:s17], [sflag:$0x3] =	stream.indirect_vreg.gather [hbm4b:s1+s7], $0x80, v6, vm0, $0xb8;
	[tilespmem:$0x18C80] =	vst v63  }
0xbf: {  	s19 =	simm.s32 $0x7080  }
0xc0: {  	[tilespmem:s19], [sflag:$0x3] =	stream.indirect_vreg.gather [hbm4b:s1+s7], $0x80, v5, vm0, $0xb8;
	[tilespmem:$0x18C80] =	vst v63  }
0xc1: {  	v5 =	vld [tilespmem:$0x188F0];
	_ =	sdelay $0x4  }
0xc2: {  	v6 =	vshll.u32 v5, $0x1  }
0xc3: {  	v5 =	vand.u32 $0x7, v5;
	v6 =	vand.u32 $0xFFFFFFF0, v6  }
0xc4: {  	v5 =	vor.u32 v5, v6  }
0xc5: {  	v6 =	vperm.xlane v5, v1;
	_ =	sdelay $0x1  }
0xc6: {  	v5 =	vperm.xlane v5, v3;
	v6 =	vadd.s32 v2, v6;
	_ =	sdelay $0x1  }
0xc7: {  	v5 =	vadd.s32 v2, v5;
	_ =	sdelay $0x1  }
0xc8: {  	s22 =	simm.s32 $0x7880  }
0xc9: {  	[tilespmem:s22], [sflag:$0x3] =	stream.indirect_vreg.gather [hbm4b:s1+s7], $0x80, v6, vm0, $0xb8;
	[tilespmem:$0x18C80] =	vst v63  }
0xca: {  	s24 =	simm.s32 $0x8080  }
0xcb: {  	[tilespmem:s24], [sflag:$0x3] =	stream.indirect_vreg.gather [hbm4b:s1+s7], $0x80, v5, vm0, $0xb8;
	[tilespmem:$0x18C80] =	vst v63  }
.LBB2_3:
0xcc: {  	p0 =	slt.s32 s18, $0x81  }
.Ltmp3:
0xcd: {  	_ = 	snop;
	(pc) =	sbr.rel @p0 .LBB2_5-.Ltmp3, $4  }
0xce: {  	_ = 	snop  }
0xcf: {  	s8 =	simm.s32 @!p0 $0x0  }
0xd0: {  	s8 =	simm.s32 @p0 $0x1  }
0xd1: {  	[smem:$0x7FC] =	sst s8  }
0xd2: {  	s11 =	smin.u32 s20, $0x100  }
0xd3: {  	s11 =	sadd.s32 s11, s16  }
0xd4: {  	s15 =	sadd.s32 $0xFFFFFF80, s11  }
0xd5: {  	v5 =	vadd.s32 s15, v0  }
0xd6: {  	v6 =	vshll.u32 v5, $0x1  }
0xd7: {  	s17 =	sadd.s32 $0xFFFFFF90, s11;
	v7 =	vand.u32 $0x7, v5;
	v6 =	vand.u32 $0xFFFFFFF0, v6  }
0xd8: {  	s19 =	sadd.s32 $0xFFFFFFA0, s11;
	[tilespmem:$0x18900] =	vst v5;
	v5 =	vadd.s32 s17, v0;
	v6 =	vor.u32 v7, v6  }
0xd9: {  	s22 =	sadd.s32 $0xFFFFFFB0, s11;
	[tilespmem:$0x18910] =	vst v5;
	v5 =	vadd.s32 s19, v0;
	v7 =	vperm.xlane v6, v1  }
0xda: {  	s24 =	sadd.s32 $0xFFFFFFC0, s11;
	[tilespmem:$0x18920] =	vst v5;
	v5 =	vadd.s32 s22, v0  }
0xdb: {  	s8 =	sadd.s32 $0xFFFFFFD0, s11;
	[tilespmem:$0x18930] =	vst v5;
	v5 =	vadd.s32 s24, v0;
	v6 =	vperm.xlane v6, v3;
	v7 =	vadd.s32 v2, v7  }
0xdc: {  	s9 =	sadd.s32 $0xFFFFFFE0, s11;
	[tilespmem:$0x18940] =	vst v5;
	v5 =	vadd.s32 s8, v0  }
0xdd: {  	s11 =	sadd.s32 $0xFFFFFFF0, s11;
	[tilespmem:$0x18950] =	vst v5;
	v5 =	vadd.s32 s9, v0;
	v6 =	vadd.s32 v2, v6  }
0xde: {  	[tilespmem:$0x18960] =	vst v5;
	v5 =	vadd.s32 s11, v0  }
0xdf: {  	[tilespmem:$0x18970] =	vst v5  }
0xe0: {  	[tilespmem:s21], [sflag:$0x4] =	stream.indirect_vreg.gather [hbm4b:s1+s7], $0x80, v7, vm0, $0xb8;
	[tilespmem:$0x18C80] =	vst v63  }
0xe1: {  	s8 =	simm.s32 $0x9080  }
0xe2: {  	[tilespmem:s8], [sflag:$0x4] =	stream.indirect_vreg.gather [hbm4b:s1+s7], $0x80, v6, vm0, $0xb8;
	[tilespmem:$0x18C80] =	vst v63  }
0xe3: {  	v5 =	vld [tilespmem:$0x18910];
	_ =	sdelay $0x4  }
0xe4: {  	v6 =	vshll.u32 v5, $0x1  }
0xe5: {  	v5 =	vand.u32 $0x7, v5;
	v6 =	vand.u32 $0xFFFFFFF0, v6  }
0xe6: {  	v5 =	vor.u32 v5, v6  }
0xe7: {  	v6 =	vperm.xlane v5, v1;
	_ =	sdelay $0x1  }
0xe8: {  	v5 =	vperm.xlane v5, v3;
	v6 =	vadd.s32 v2, v6;
	_ =	sdelay $0x1  }
0xe9: {  	v5 =	vadd.s32 v2, v5;
	_ =	sdelay $0x1  }
0xea: {  	s15 =	simm.s32 $0x9880  }
0xeb: {  	[tilespmem:s15], [sflag:$0x4] =	stream.indirect_vreg.gather [hbm4b:s1+s7], $0x80, v6, vm0, $0xb8;
	[tilespmem:$0x18C80] =	vst v63  }
0xec: {  	s17 =	simm.s32 $0xA080  }
0xed: {  	[tilespmem:s17], [sflag:$0x4] =	stream.indirect_vreg.gather [hbm4b:s1+s7], $0x80, v5, vm0, $0xb8;
	[tilespmem:$0x18C80] =	vst v63  }
0xee: {  	v5 =	vld [tilespmem:$0x18920];
	_ =	sdelay $0x4  }
0xef: {  	v6 =	vshll.u32 v5, $0x1  }
0xf0: {  	v5 =	vand.u32 $0x7, v5;
	v6 =	vand.u32 $0xFFFFFFF0, v6  }
0xf1: {  	v5 =	vor.u32 v5, v6  }
0xf2: {  	v6 =	vperm.xlane v5, v1;
	_ =	sdelay $0x1  }
0xf3: {  	v5 =	vperm.xlane v5, v3;
	v6 =	vadd.s32 v2, v6;
	_ =	sdelay $0x1  }
0xf4: {  	v5 =	vadd.s32 v2, v5;
	_ =	sdelay $0x1  }
0xf5: {  	s19 =	simm.s32 $0xA880  }
0xf6: {  	[tilespmem:s19], [sflag:$0x4] =	stream.indirect_vreg.gather [hbm4b:s1+s7], $0x80, v6, vm0, $0xb8;
	[tilespmem:$0x18C80] =	vst v63  }
0xf7: {  	s21 =	simm.s32 $0xB080  }
0xf8: {  	[tilespmem:s21], [sflag:$0x4] =	stream.indirect_vreg.gather [hbm4b:s1+s7], $0x80, v5, vm0, $0xb8;
	[tilespmem:$0x18C80] =	vst v63  }
0xf9: {  	v5 =	vld [tilespmem:$0x18930];
	_ =	sdelay $0x4  }
0xfa: {  	v6 =	vshll.u32 v5, $0x1  }
0xfb: {  	v5 =	vand.u32 $0x7, v5;
	v6 =	vand.u32 $0xFFFFFFF0, v6  }
0xfc: {  	v5 =	vor.u32 v5, v6  }
0xfd: {  	v6 =	vperm.xlane v5, v1;
	_ =	sdelay $0x1  }
0xfe: {  	v5 =	vperm.xlane v5, v3;
	v6 =	vadd.s32 v2, v6;
	_ =	sdelay $0x1  }
0xff: {  	v5 =	vadd.s32 v2, v5;
	_ =	sdelay $0x1  }
0x100: {  	s22 =	simm.s32 $0xB880  }
0x101: {  	[tilespmem:s22], [sflag:$0x4] =	stream.indirect_vreg.gather [hbm4b:s1+s7], $0x80, v6, vm0, $0xb8;
	[tilespmem:$0x18C80] =	vst v63  }
0x102: {  	s24 =	simm.s32 $0xC080  }
0x103: {  	[tilespmem:s24], [sflag:$0x4] =	stream.indirect_vreg.gather [hbm4b:s1+s7], $0x80, v5, vm0, $0xb8;
	[tilespmem:$0x18C80] =	vst v63  }
0x104: {  	v5 =	vld [tilespmem:$0x18940];
	_ =	sdelay $0x4  }
0x105: {  	v6 =	vshll.u32 v5, $0x1  }
0x106: {  	v5 =	vand.u32 $0x7, v5;
	v6 =	vand.u32 $0xFFFFFFF0, v6  }
0x107: {  	v5 =	vor.u32 v5, v6  }
0x108: {  	v6 =	vperm.xlane v5, v1;
	_ =	sdelay $0x1  }
0x109: {  	v5 =	vperm.xlane v5, v3;
	v6 =	vadd.s32 v2, v6;
	_ =	sdelay $0x1  }
0x10a: {  	v5 =	vadd.s32 v2, v5;
	_ =	sdelay $0x1  }
0x10b: {  	s9 =	simm.s32 $0xC880  }
0x10c: {  	[tilespmem:s9], [sflag:$0x4] =	stream.indirect_vreg.gather [hbm4b:s1+s7], $0x80, v6, vm0, $0xb8;
	[tilespmem:$0x18C80] =	vst v63  }
0x10d: {  	s11 =	simm.s32 $0xD080  }
0x10e: {  	[tilespmem:s11], [sflag:$0x4] =	stream.indirect_vreg.gather [hbm4b:s1+s7], $0x80, v5, vm0, $0xb8;
	[tilespmem:$0x18C80] =	vst v63  }
0x10f: {  	v5 =	vld [tilespmem:$0x18950];
	_ =	sdelay $0x4  }
0x110: {  	v6 =	vshll.u32 v5, $0x1  }
0x111: {  	v5 =	vand.u32 $0x7, v5;
	v6 =	vand.u32 $0xFFFFFFF0, v6  }
0x112: {  	v5 =	vor.u32 v5, v6  }
0x113: {  	v6 =	vperm.xlane v5, v1;
	_ =	sdelay $0x1  }
0x114: {  	v5 =	vperm.xlane v5, v3;
	v6 =	vadd.s32 v2, v6;
	_ =	sdelay $0x1  }
0x115: {  	v5 =	vadd.s32 v2, v5;
	_ =	sdelay $0x1  }
0x116: {  	s15 =	simm.s32 $0xD880  }
0x117: {  	[tilespmem:s15], [sflag:$0x4] =	stream.indirect_vreg.gather [hbm4b:s1+s7], $0x80, v6, vm0, $0xb8;
	[tilespmem:$0x18C80] =	vst v63  }
0x118: {  	s17 =	simm.s32 $0xE080  }
0x119: {  	[tilespmem:s17], [sflag:$0x4] =	stream.indirect_vreg.gather [hbm4b:s1+s7], $0x80, v5, vm0, $0xb8;
	[tilespmem:$0x18C80] =	vst v63  }
0x11a: {  	v5 =	vld [tilespmem:$0x18960];
	_ =	sdelay $0x4  }
0x11b: {  	v6 =	vshll.u32 v5, $0x1  }
0x11c: {  	v5 =	vand.u32 $0x7, v5;
	v6 =	vand.u32 $0xFFFFFFF0, v6  }
0x11d: {  	v5 =	vor.u32 v5, v6  }
0x11e: {  	v6 =	vperm.xlane v5, v1;
	_ =	sdelay $0x1  }
0x11f: {  	v5 =	vperm.xlane v5, v3;
	v6 =	vadd.s32 v2, v6;
	_ =	sdelay $0x1  }
0x120: {  	v5 =	vadd.s32 v2, v5;
	_ =	sdelay $0x1  }
0x121: {  	s19 =	simm.s32 $0xE880  }
0x122: {  	[tilespmem:s19], [sflag:$0x4] =	stream.indirect_vreg.gather [hbm4b:s1+s7], $0x80, v6, vm0, $0xb8;
	[tilespmem:$0x18C80] =	vst v63  }
0x123: {  	s21 =	simm.s32 $0xF080  }
0x124: {  	[tilespmem:s21], [sflag:$0x4] =	stream.indirect_vreg.gather [hbm4b:s1+s7], $0x80, v5, vm0, $0xb8;
	[tilespmem:$0x18C80] =	vst v63  }
0x125: {  	v5 =	vld [tilespmem:$0x18970];
	_ =	sdelay $0x4  }
0x126: {  	v6 =	vshll.u32 v5, $0x1  }
0x127: {  	v5 =	vand.u32 $0x7, v5;
	v6 =	vand.u32 $0xFFFFFFF0, v6  }
0x128: {  	v5 =	vor.u32 v5, v6  }
0x129: {  	v6 =	vperm.xlane v5, v1;
	_ =	sdelay $0x1  }
0x12a: {  	v5 =	vperm.xlane v5, v3;
	v6 =	vadd.s32 v2, v6;
	_ =	sdelay $0x1  }
0x12b: {  	v5 =	vadd.s32 v2, v5;
	_ =	sdelay $0x1  }
0x12c: {  	s22 =	simm.s32 $0xF880  }
0x12d: {  	[tilespmem:s22], [sflag:$0x4] =	stream.indirect_vreg.gather [hbm4b:s1+s7], $0x80, v6, vm0, $0xb8;
	[tilespmem:$0x18C80] =	vst v63  }
0x12e: {  	s24 =	simm.s32 $0x10080  }
0x12f: {  	[tilespmem:s24], [sflag:$0x4] =	stream.indirect_vreg.gather [hbm4b:s1+s7], $0x80, v5, vm0, $0xb8;
	[tilespmem:$0x18C80] =	vst v63  }
.LBB2_5:
0x130: {  	s11 =	sand.u32 $0x7F, s3  }
0x131: {  	p1 =	slt.s32 s18, $0x1;
	s22 =	simm.s32 $0x0;
	p2 =	sne.s32 s11, $0x0  }
0x132: {  	s17 =	sand.u32 $0x400, s22;
	s11 =	sand.u32 $0x380, s22;
	p1 =	por !p1, !p2  }
0x133: {  	s15 =	simm.s32 $0xFFFFFFFF;
	s17 =	sor.u32 s11, s17;
	p1 =	por !p1, !p1  }
0x134: {  	s11 =	sadd.s32 $0x10880, s17;
	[tilespmem:s17+$0x10880] =	vst v4;
	s15 =	simm.s32 @!p1 $0x0  }
0x135: {  	[tilespmem:s11+$0x10] =	vst v4;
	s15 =	sshll.u32 s15, $0x7  }
0x136: {  	[tilespmem:s11+$0x20] =	vst v4;
	s15 =	sadd.s32 s3, s15  }
0x137: {  	[tilespmem:s11+$0x30] =	vst v4;
	s15 =	sand.u32 $0xFFFFFF80, s15  }
0x138: {  	s21 =	simm.s32 $0x400;
	s22 =	simm.s32 $0x40;
	[tilespmem:s11+$0x40] =	vst v4;
	s24 =	ssub.s32 $0x400, s15  }
0x139: {  	s17 =	sadd.s32 $0xFFFFFFFF, s31;
	[tilespmem:s11+$0x50] =	vst v4;
	s19 =	sshra.s32 s24, $0x7;
	s24 =	simm.s32 $0x0  }
.LBB2_6:
0x13a: {  	s8 =	sand.u32 $0x400, s21;
	s9 =	sand.u32 $0x380, s22;
	s24 =	sadd.s32 $0x8, s24;
	[tilespmem:s11+$0x60] =	vst v4  }
0x13b: {  	s8 =	sor.u32 s9, s8;
	p1 =	slt.u32 s24, $0x78;
	[tilespmem:s11+$0x70] =	vst v4  }
0x13c: {  	s11 =	sadd.s32 $0x10880, s8;
	[tilespmem:s8+$0x10880] =	vst v4  }
.Ltmp4:
0x13d: {  	[tilespmem:s11+$0x10] =	vst v4;
	(pc) =	sbr.rel @p1 .LBB2_6-.Ltmp4, $4  }
0x13e: {  	[tilespmem:s11+$0x20] =	vst v4  }
0x13f: {  	[tilespmem:s11+$0x30] =	vst v4  }
0x140: {  	[tilespmem:s11+$0x40] =	vst v4  }
0x141: {  	s21 =	sadd.s32 $0x400, s21;
	s22 =	sadd.s32 $0x40, s22;
	[tilespmem:s11+$0x50] =	vst v4  }
0x142: {  	[tilespmem:s11+$0x60] =	vst v4  }
0x143: {  	[tilespmem:s11+$0x70] =	vst v4;
	s8 =	rddreg [dreg:$0x7]  }
0x144: {  	[spmem:s8] =	stream.linear.scatter [tilespmem:s14], [sflag:$0x9], $0x800, $0x38;
	[tilespmem:$0x18C80] =	vst v63  }
0x145: {  	p3 =	slt.s32 s19, $0x1;
	s11 =	stileid.u32;
	_ =	swait.ge [sflag:s12], $0x800  }
0x146: {  	s11 =	sshll.u32 @!p3 s11, $0x6;
	p1 =	seq.s32 @!p3 s15, $0x380;
	s8 =	rddreg [dreg:$0x6]  }
0x147: {  	s24 =	sor.u32 @!p3 $0x1C02, s11;
	[sflag:s12] =	ssyncset.done $0x0;
	s8 =	sadd.s32 @!p3 s8, s15  }
0x148: {  	s11 =	sshrl.u32 @!p3 s5, $0x3;
	[sflag:s12] =	ssyncadd.s32 $0xFFFFF800;
	s9 =	sshll.u32 @!p3 s8, $0x5  }
0x149: {  	p6 =	por p3, p1;
	[bflag:$0x0] =	sbarrier.arrive $0xFFFF;
	s9 =	sadd.s32 @!p3 s4, s9  }
0x14a: {  	[hbm:s9], [sflag:s24] =	dma.local @!p3 [spmem:s11], $0x1000  }
0x14b: {  	s11 =	sshll.u32 @!p6 s8, $0x8  }
0x14c: {  	s8 =	sadd.s32 @!p6 $0x8000, s11  }
0x14d: {  	p1 =	slt.u32 @!p6 s19, $0x3;
	s8 =	sshrl.u32 @!p6 s8, $0x3  }
0x14e: {  	p5 =	por p6, p1;
	s9 =	sshrl.u32 @!p6 s5, $0x3;
	s8 =	sadd.s32 @!p6 s4, s8  }
0x14f: {  	[hbm:s8], [sflag:s24] =	dma.local @!p6 [spmem:s9], $0x1000  }
0x150: {  	s8 =	sadd.s32 @!p5 $0x10000, s11  }
0x151: {  	p1 =	seq.s32 @!p5 s15, $0x280;
	s8 =	sshrl.u32 @!p5 s8, $0x3  }
0x152: {  	p1 =	por p5, p1;
	s9 =	sshrl.u32 @!p5 s5, $0x3;
	s8 =	sadd.s32 @!p5 s4, s8  }
0x153: {  	[hbm:s8], [sflag:s24] =	dma.local @!p5 [spmem:s9], $0x1000  }
0x154: {  	p2 =	slt.u32 @!p1 s19, $0x5;
	s8 =	sadd.s32 @!p1 $0x18000, s11  }
0x155: {  	p2 =	por p1, p2;
	s8 =	sshrl.u32 @!p1 s8, $0x3  }
.Ltmp5:
0x156: {  	s9 =	sshrl.u32 @!p1 s5, $0x3;
	s8 =	sadd.s32 @!p1 s4, s8;
	(pc) =	sbr.rel @p2 .LBB2_8-.Ltmp5, $4  }
0x157: {  	[hbm:s8], [sflag:s24] =	dma.local @!p1 [spmem:s9], $0x1000  }
0x158: {  	s8 =	simm.s32 @!p3 $0x0  }
0x159: {  	s8 =	simm.s32 @p3 $0x1  }
0x15a: {  	[smem:$0x7FB] =	sst s8  }
0x15b: {  	s8 =	sadd.s32 $0x20000, s11  }
0x15c: {  	s8 =	sshrl.u32 s8, $0x3  }
0x15d: {  	s9 =	sshrl.u32 s5, $0x3;
	p1 =	seq.s32 s15, $0x180;
	s8 =	sadd.s32 s4, s8  }
0x15e: {  	[hbm:s8], [sflag:s24] =	dma.local [spmem:s9], $0x1000  }
0x15f: {  	s8 =	sadd.s32 @!p1 $0x28000, s11  }
0x160: {  	p2 =	slt.u32 @!p1 s19, $0x7;
	s8 =	sshrl.u32 @!p1 s8, $0x3  }
0x161: {  	p4 =	por p2, p1;
	s9 =	sshrl.u32 @!p1 s5, $0x3;
	s8 =	sadd.s32 @!p1 s4, s8  }
0x162: {  	[hbm:s8], [sflag:s24] =	dma.local @!p1 [spmem:s9], $0x1000  }
0x163: {  	p5 =	seq.s32 @!p4 s15, $0x80;
	s8 =	sadd.s32 @!p4 $0x30000, s11  }
0x164: {  	p6 =	por @!p1 p5, p2;
	s8 =	sshrl.u32 @!p4 s8, $0x3  }
0x165: {  	p6 =	por p6, p1;
	s9 =	sshrl.u32 @!p4 s5, $0x3;
	s8 =	sadd.s32 @!p4 s4, s8  }
0x166: {  	[hbm:s8], [sflag:s24] =	dma.local @!p4 [spmem:s9], $0x1000  }
0x167: {  	s8 =	sadd.s32 @!p6 $0x38000, s11  }
0x168: {  	p0 =	por @!p1 !p5, p2;
	p5 =	por @!p4 $0x1, $0x1;
	s8 =	sshrl.u32 @!p6 s8, $0x3  }
0x169: {  	p2 =	por !p2, p1;
	s9 =	sshrl.u32 @!p6 s5, $0x3;
	s8 =	sadd.s32 @!p6 s4, s8  }
0x16a: {  	[hbm:s8], [sflag:s24] =	dma.local @!p6 [spmem:s9], $0x1000  }
0x16b: {  	p0 =	por !p0, p1;
	p4 =	por @!p4 $0x0, $0x0;
	p6 =	por @!p6 $0x1, $0x1  }
0x16c: {  	p5 =	por @!p0 p6, p6;
	p4 =	por @!p0 p6, p6;
	p0 =	por @!p1 $0x0, $0x0  }
0x16d: {  	p6 =	por p5, p5;
	p4 =	por @!p2 p0, p0;
	p0 =	por @!p1 $0x1, $0x1  }
0x16e: {  	p6 =	por @!p2 p0, p0;
	p0 =	por $0x0, $0x0  }
0x16f: {  	p0 =	por @!p1 p4, p4  }
0x170: {  	s8 =	simm.s32 @!p0 $0x0  }
0x171: {  	p3 =	por @!p1 $0x0, $0x0;
	s8 =	simm.s32 @p0 $0x1;
	p0 =	por $0x1, $0x1  }
0x172: {  	p5 =	por @!p2 p3, p3;
	p0 =	por @!p1 p6, p6  }
0x173: {  	p2 =	por $0x1, $0x1;
	[smem:$0x7F8] =	sst s8;
	s8 =	simm.s32 @!p0 $0x0  }
0x174: {  	p2 =	por @!p1 p6, p6;
	s8 =	simm.s32 @p0 $0x1  }
0x175: {  	p0 =	por $0x1, $0x1;
	[smem:$0x7F6] =	sst s8;
	s8 =	simm.s32 @!p2 $0x0  }
0x176: {  	p4 =	por $0x0, $0x0;
	p0 =	por @!p1 p6, p6;
	s8 =	simm.s32 @p2 $0x1  }
.Ltmp6:
0x177: {  	[smem:$0x7F7] =	sst s8;
	s8 =	simm.s32 @!p0 $0x0;
	(pc) =	sbr.rel .LBB2_10-.Ltmp6, $4  }
0x178: {  	s21 =	simm.s32 $0x8880;
	p4 =	por @!p1 p5, p5;
	s8 =	simm.s32 @p0 $0x1  }
0x179: {  	p3 =	por $0x0, $0x0;
	[smem:$0x7F9] =	sst s8;
	s8 =	simm.s32 @!p4 $0x0  }
0x17a: {  	p3 =	por @!p1 p6, p6;
	p2 =	por $0x1, $0x1;
	s8 =	simm.s32 @p4 $0x1  }
0x17b: {  	p5 =	por p3, p3;
	p2 =	por @!p1 p6, p6;
	[smem:$0x7FA] =	sst s8  }
.LBB2_8:
0x17c: {  	p2 =	por @!p3 $0x0, $0x0;
	p0 =	por $0x0, $0x0  }
0x17d: {  	p0 =	por @!p3 p2, p2  }
0x17e: {  	p3 =	por @!p6 $0x0, $0x0;
	p2 =	por p0, p0  }
0x17f: {  	p2 =	por @!p6 p3, p3  }
0x180: {  	p3 =	por @!p6 $0x1, $0x1;
	p4 =	por p2, p2  }
0x181: {  	p0 =	por @!p6 p3, p3;
	p6 =	por @!p5 $0x1, $0x1;
	p3 =	por @!p5 $0x0, $0x0  }
0x182: {  	p4 =	por @!p5 p3, p3;
	p0 =	por @!p5 p6, p6  }
0x183: {  	p2 =	por @!p5 p6, p6;
	p5 =	por @!p1 $0x1, $0x1;
	p3 =	por p4, p4  }
0x184: {  	p3 =	por @!p1 p5, p5  }
0x185: {  	s8 =	simm.s32 @!p3 $0x0  }
0x186: {  	p0 =	por @!p1 p5, p5;
	s8 =	simm.s32 @p3 $0x1  }
0x187: {  	[smem:$0x7F6] =	sst s8;
	s8 =	simm.s32 @!p0 $0x0  }
0x188: {  	p6 =	por @!p1 $0x0, $0x0;
	s8 =	simm.s32 @p0 $0x1;
	p0 =	por p4, p4  }
0x189: {  	p0 =	por @!p1 p6, p6  }
0x18a: {  	[smem:$0x7F7] =	sst s8;
	s8 =	simm.s32 @!p0 $0x0  }
0x18b: {  	s8 =	simm.s32 @p0 $0x1;
	p0 =	por p4, p4  }
0x18c: {  	p0 =	por @!p1 p6, p6  }
0x18d: {  	p2 =	por @!p1 p5, p5;
	[smem:$0x7F8] =	sst s8;
	s8 =	simm.s32 @!p0 $0x0  }
0x18e: {  	p5 =	por p4, p4;
	p4 =	por @!p1 p6, p6;
	s8 =	simm.s32 @p0 $0x1  }
0x18f: {  	[smem:$0x7F9] =	sst s8;
	s8 =	simm.s32 @!p4 $0x0  }
0x190: {  	s8 =	simm.s32 @p4 $0x1  }
0x191: {  	s21 =	simm.s32 $0x8880;
	p5 =	por @!p1 p6, p6;
	[smem:$0x7FA] =	sst s8  }
.LBB2_10:
0x192: {  	s8 =	sld [smem:$0x7FD];
	_ =	sdelay $0x2  }
0x193: {  	p0 =	seq.s32 s8, $0x1  }
.Ltmp7:
0x194: {  	_ = 	snop;
	(pc) =	sbr.rel @p0 .LBB2_14-.Ltmp7, $2  }
0x195: {  	s24 =	sld [smem:$0x7FB];
	_ =	sdelay $0x2  }
0x196: {  	p3 =	seq.s32 s24, $0x1  }
0x197: {  	p0 =	sne.s32 s17, $0x0  }
.Ltmp8:
0x198: {  	_ = 	snop;
	(pc) =	sbr.rel @!p0 .LBB2_12-.Ltmp8, $4  }
0x199: {  	_ = 	snop  }
0x19a: {  	_ =	swait.ge [sflag:s28], $0x8000  }
0x19b: {  	[sflag:s28] =	ssyncset.done $0x0  }
0x19c: {  	[sflag:s28] =	ssyncadd.s32 $0xFFFF8000  }
.Ltmp9:
0x19d: {  	(pc) =	sbr.rel .LBB2_14-.Ltmp9, $3  }
0x19e: {  	_ =	sdelay $0x1  }
0x19f: {  	s8 =	rddreg [dreg:$0x8]  }
0x1a0: {  	[hbm4b:s8+s7] =	stream.linear.scatter [tilespmem:s23], [sflag:$0x6], $0x8000, $0x38;
	[tilespmem:$0x18C80] =	vst v63  }
.LBB2_12:
0x1a1: {  	s8 =	simm.s32 @!p3 $0x2  }
0x1a2: {  	_ =	swait.ge @!p3 [sflag:s8], $0x1000  }
0x1a3: {  	s15 =	sld [smem:$0x7F7];
	_ =	sdelay $0x2  }
0x1a4: {  	[sflag:s8] =	ssyncset.done @!p3 $0x0;
	p0 =	seq.s32 s15, $0x1  }
0x1a5: {  	[sflag:s8] =	ssyncadd.s32 @!p3 $0xFFFFF000;
	s8 =	simm.s32 @p0 $0x2  }
0x1a6: {  	_ =	swait.ge @p0 [sflag:s8], $0x1000  }
0x1a7: {  	[sflag:s8] =	ssyncset.done @p0 $0x0  }
0x1a8: {  	[sflag:s8] =	ssyncadd.s32 @p0 $0xFFFFF000;
	s8 =	simm.s32 @p2 $0x2  }
0x1a9: {  	_ =	swait.ge @p2 [sflag:s8], $0x1000  }
0x1aa: {  	s22 =	sld [smem:$0x7F6];
	_ =	sdelay $0x2  }
0x1ab: {  	[sflag:s8] =	ssyncset.done @p2 $0x0;
	p0 =	seq.s32 s22, $0x1  }
0x1ac: {  	[sflag:s8] =	ssyncadd.s32 @p2 $0xFFFFF000;
	s8 =	simm.s32 @p0 $0x2  }
0x1ad: {  	_ =	swait.ge @p0 [sflag:s8], $0x1000  }
0x1ae: {  	s24 =	sld [smem:$0x7F9];
	_ =	sdelay $0x1  }
0x1af: {  	[sflag:s8] =	ssyncset.done @p0 $0x0  }
0x1b0: {  	[sflag:s8] =	ssyncadd.s32 @p0 $0xFFFFF000;
	p0 =	seq.s32 s24, $0x1  }
0x1b1: {  	s8 =	simm.s32 @p0 $0x2  }
0x1b2: {  	_ =	swait.ge @p0 [sflag:s8], $0x1000  }
0x1b3: {  	[sflag:s8] =	ssyncset.done @p0 $0x0  }
0x1b4: {  	[sflag:s8] =	ssyncadd.s32 @p0 $0xFFFFF000;
	s8 =	simm.s32 @p5 $0x2  }
0x1b5: {  	_ =	swait.ge @p5 [sflag:s8], $0x1000  }
0x1b6: {  	s9 =	sld [smem:$0x7FA];
	_ =	sdelay $0x2  }
0x1b7: {  	[sflag:s8] =	ssyncset.done @p5 $0x0;
	p0 =	seq.s32 s9, $0x1  }
0x1b8: {  	[sflag:s8] =	ssyncadd.s32 @p5 $0xFFFFF000;
	s8 =	simm.s32 @p0 $0x2  }
0x1b9: {  	_ =	swait.ge @p0 [sflag:s8], $0x1000  }
0x1ba: {  	s11 =	sld [smem:$0x7F8];
	_ =	sdelay $0x1  }
0x1bb: {  	[sflag:s8] =	ssyncset.done @p0 $0x0  }
0x1bc: {  	s9 =	smin.u32 s20, $0x80;
	[sflag:s8] =	ssyncadd.s32 @p0 $0xFFFFF000;
	p0 =	seq.s32 s11, $0x1  }
0x1bd: {  	s9 =	sadd.s32 s9, s13;
	s8 =	simm.s32 @p0 $0x2  }
0x1be: {  	v5 =	vadd.s32 s9, v0;
	_ =	swait.ge @p0 [sflag:s8], $0x1000  }
0x1bf: {  	v6 =	vshll.u32 v5, $0x1;
	[sflag:s8] =	ssyncset.done @p0 $0x0  }
0x1c0: {  	s15 =	sadd.s32 $0x10, s9;
	v7 =	vand.u32 $0x7, v5;
	v6 =	vand.u32 $0xFFFFFFF0, v6;
	[sflag:s8] =	ssyncadd.s32 @p0 $0xFFFFF000  }
0x1c1: {  	s22 =	sadd.s32 $0x20, s9;
	v6 =	vor.u32 v7, v6;
	[tilespmem:$0x18A80] =	vst v5;
	v5 =	vadd.s32 s15, v0  }
0x1c2: {  	s24 =	sadd.s32 $0x30, s9;
	v7 =	vperm.xlane v6, v1;
	[tilespmem:$0x18A90] =	vst v5;
	v5 =	vadd.s32 s22, v0  }
0x1c3: {  	s11 =	sadd.s32 $0x40, s9;
	[tilespmem:$0x18AA0] =	vst v5;
	v5 =	vadd.s32 s24, v0  }
0x1c4: {  	v6 =	vperm.xlane v6, v3;
	v7 =	vadd.s32 v2, v7;
	s15 =	sadd.s32 $0x50, s9;
	[tilespmem:$0x18AB0] =	vst v5;
	v5 =	vadd.s32 s11, v0  }
0x1c5: {  	s22 =	sadd.s32 $0x60, s9;
	[tilespmem:$0x18AC0] =	vst v5;
	v5 =	vadd.s32 s15, v0  }
0x1c6: {  	v6 =	vadd.s32 v2, v6;
	s24 =	sadd.s32 $0x70, s9;
	[tilespmem:$0x18AD0] =	vst v5;
	v5 =	vadd.s32 s22, v0  }
0x1c7: {  	[tilespmem:$0x18AE0] =	vst v5;
	v5 =	vadd.s32 s24, v0  }
0x1c8: {  	[tilespmem:$0x18AF0] =	vst v5  }
0x1c9: {  	[hbm4b:s4+s7] =	stream.indirect_vreg.scatter [tilespmem:s23], [sflag:$0x6], $0x80, v7, vm0, $0xb8;
	[tilespmem:$0x18C80] =	vst v63  }
0x1ca: {  	s9 =	simm.s32 $0x1080  }
0x1cb: {  	[hbm4b:s4+s7] =	stream.indirect_vreg.scatter [tilespmem:s9], [sflag:$0x6], $0x80, v6, vm0, $0xb8;
	[tilespmem:$0x18C80] =	vst v63  }
0x1cc: {  	v5 =	vld [tilespmem:$0x18A90];
	_ =	sdelay $0x4  }
0x1cd: {  	v6 =	vshll.u32 v5, $0x1  }
0x1ce: {  	v5 =	vand.u32 $0x7, v5;
	v6 =	vand.u32 $0xFFFFFFF0, v6  }
0x1cf: {  	v5 =	vor.u32 v5, v6  }
0x1d0: {  	v6 =	vperm.xlane v5, v1;
	_ =	sdelay $0x1  }
0x1d1: {  	v5 =	vperm.xlane v5, v3;
	v6 =	vadd.s32 v2, v6;
	_ =	sdelay $0x1  }
0x1d2: {  	v5 =	vadd.s32 v2, v5;
	_ =	sdelay $0x1  }
0x1d3: {  	s11 =	simm.s32 $0x1880  }
0x1d4: {  	[hbm4b:s4+s7] =	stream.indirect_vreg.scatter [tilespmem:s11], [sflag:$0x6], $0x80, v6, vm0, $0xb8;
	[tilespmem:$0x18C80] =	vst v63  }
0x1d5: {  	s15 =	simm.s32 $0x2080  }
0x1d6: {  	[hbm4b:s4+s7] =	stream.indirect_vreg.scatter [tilespmem:s15], [sflag:$0x6], $0x80, v5, vm0, $0xb8;
	[tilespmem:$0x18C80] =	vst v63  }
0x1d7: {  	v5 =	vld [tilespmem:$0x18AA0];
	_ =	sdelay $0x4  }
0x1d8: {  	v6 =	vshll.u32 v5, $0x1  }
0x1d9: {  	v5 =	vand.u32 $0x7, v5;
	v6 =	vand.u32 $0xFFFFFFF0, v6  }
0x1da: {  	v5 =	vor.u32 v5, v6  }
0x1db: {  	v6 =	vperm.xlane v5, v1;
	_ =	sdelay $0x1  }
0x1dc: {  	v5 =	vperm.xlane v5, v3;
	v6 =	vadd.s32 v2, v6;
	_ =	sdelay $0x1  }
0x1dd: {  	v5 =	vadd.s32 v2, v5;
	_ =	sdelay $0x1  }
0x1de: {  	s22 =	simm.s32 $0x2880  }
0x1df: {  	[hbm4b:s4+s7] =	stream.indirect_vreg.scatter [tilespmem:s22], [sflag:$0x6], $0x80, v6, vm0, $0xb8;
	[tilespmem:$0x18C80] =	vst v63  }
0x1e0: {  	s24 =	simm.s32 $0x3080  }
0x1e1: {  	[hbm4b:s4+s7] =	stream.indirect_vreg.scatter [tilespmem:s24], [sflag:$0x6], $0x80, v5, vm0, $0xb8;
	[tilespmem:$0x18C80] =	vst v63  }
0x1e2: {  	v5 =	vld [tilespmem:$0x18AB0];
	_ =	sdelay $0x4  }
0x1e3: {  	v6 =	vshll.u32 v5, $0x1  }
0x1e4: {  	v5 =	vand.u32 $0x7, v5;
	v6 =	vand.u32 $0xFFFFFFF0, v6  }
0x1e5: {  	v5 =	vor.u32 v5, v6  }
0x1e6: {  	v6 =	vperm.xlane v5, v1;
	_ =	sdelay $0x1  }
0x1e7: {  	v5 =	vperm.xlane v5, v3;
	v6 =	vadd.s32 v2, v6;
	_ =	sdelay $0x1  }
0x1e8: {  	v5 =	vadd.s32 v2, v5;
	_ =	sdelay $0x1  }
0x1e9: {  	s9 =	simm.s32 $0x3880  }
0x1ea: {  	[hbm4b:s4+s7] =	stream.indirect_vreg.scatter [tilespmem:s9], [sflag:$0x6], $0x80, v6, vm0, $0xb8;
	[tilespmem:$0x18C80] =	vst v63  }
0x1eb: {  	s11 =	simm.s32 $0x4080  }
0x1ec: {  	[hbm4b:s4+s7] =	stream.indirect_vreg.scatter [tilespmem:s11], [sflag:$0x6], $0x80, v5, vm0, $0xb8;
	[tilespmem:$0x18C80] =	vst v63  }
0x1ed: {  	v5 =	vld [tilespmem:$0x18AC0];
	_ =	sdelay $0x4  }
0x1ee: {  	v6 =	vshll.u32 v5, $0x1  }
0x1ef: {  	v5 =	vand.u32 $0x7, v5;
	v6 =	vand.u32 $0xFFFFFFF0, v6  }
0x1f0: {  	v5 =	vor.u32 v5, v6  }
0x1f1: {  	v6 =	vperm.xlane v5, v1;
	_ =	sdelay $0x1  }
0x1f2: {  	v5 =	vperm.xlane v5, v3;
	v6 =	vadd.s32 v2, v6;
	_ =	sdelay $0x1  }
0x1f3: {  	v5 =	vadd.s32 v2, v5;
	_ =	sdelay $0x1  }
0x1f4: {  	s15 =	simm.s32 $0x4880  }
0x1f5: {  	[hbm4b:s4+s7] =	stream.indirect_vreg.scatter [tilespmem:s15], [sflag:$0x6], $0x80, v6, vm0, $0xb8;
	[tilespmem:$0x18C80] =	vst v63  }
0x1f6: {  	s22 =	simm.s32 $0x5080  }
0x1f7: {  	[hbm4b:s4+s7] =	stream.indirect_vreg.scatter [tilespmem:s22], [sflag:$0x6], $0x80, v5, vm0, $0xb8;
	[tilespmem:$0x18C80] =	vst v63  }
0x1f8: {  	v5 =	vld [tilespmem:$0x18AD0];
	_ =	sdelay $0x4  }
0x1f9: {  	v6 =	vshll.u32 v5, $0x1  }
0x1fa: {  	v5 =	vand.u32 $0x7, v5;
	v6 =	vand.u32 $0xFFFFFFF0, v6  }
0x1fb: {  	v5 =	vor.u32 v5, v6  }
0x1fc: {  	v6 =	vperm.xlane v5, v1;
	_ =	sdelay $0x1  }
0x1fd: {  	v5 =	vperm.xlane v5, v3;
	v6 =	vadd.s32 v2, v6;
	_ =	sdelay $0x1  }
0x1fe: {  	v5 =	vadd.s32 v2, v5;
	_ =	sdelay $0x1  }
0x1ff: {  	s24 =	simm.s32 $0x5880  }
0x200: {  	[hbm4b:s4+s7] =	stream.indirect_vreg.scatter [tilespmem:s24], [sflag:$0x6], $0x80, v6, vm0, $0xb8;
	[tilespmem:$0x18C80] =	vst v63  }
0x201: {  	s9 =	simm.s32 $0x6080  }
0x202: {  	[hbm4b:s4+s7] =	stream.indirect_vreg.scatter [tilespmem:s9], [sflag:$0x6], $0x80, v5, vm0, $0xb8;
	[tilespmem:$0x18C80] =	vst v63  }
0x203: {  	v5 =	vld [tilespmem:$0x18AE0];
	_ =	sdelay $0x4  }
0x204: {  	v6 =	vshll.u32 v5, $0x1  }
0x205: {  	v5 =	vand.u32 $0x7, v5;
	v6 =	vand.u32 $0xFFFFFFF0, v6  }
0x206: {  	v5 =	vor.u32 v5, v6  }
0x207: {  	v6 =	vperm.xlane v5, v1;
	_ =	sdelay $0x1  }
0x208: {  	v5 =	vperm.xlane v5, v3;
	v6 =	vadd.s32 v2, v6;
	_ =	sdelay $0x1  }
0x209: {  	v5 =	vadd.s32 v2, v5;
	_ =	sdelay $0x1  }
0x20a: {  	s11 =	simm.s32 $0x6880  }
0x20b: {  	[hbm4b:s4+s7] =	stream.indirect_vreg.scatter [tilespmem:s11], [sflag:$0x6], $0x80, v6, vm0, $0xb8;
	[tilespmem:$0x18C80] =	vst v63  }
0x20c: {  	s15 =	simm.s32 $0x7080  }
0x20d: {  	[hbm4b:s4+s7] =	stream.indirect_vreg.scatter [tilespmem:s15], [sflag:$0x6], $0x80, v5, vm0, $0xb8;
	[tilespmem:$0x18C80] =	vst v63  }
0x20e: {  	v5 =	vld [tilespmem:$0x18AF0];
	_ =	sdelay $0x4  }
0x20f: {  	v6 =	vshll.u32 v5, $0x1  }
0x210: {  	v5 =	vand.u32 $0x7, v5;
	v6 =	vand.u32 $0xFFFFFFF0, v6  }
0x211: {  	v5 =	vor.u32 v5, v6  }
0x212: {  	v6 =	vperm.xlane v5, v1;
	_ =	sdelay $0x1  }
0x213: {  	v5 =	vperm.xlane v5, v3;
	v6 =	vadd.s32 v2, v6;
	_ =	sdelay $0x1  }
0x214: {  	v5 =	vadd.s32 v2, v5;
	_ =	sdelay $0x1  }
0x215: {  	s22 =	simm.s32 $0x7880  }
0x216: {  	[hbm4b:s4+s7] =	stream.indirect_vreg.scatter [tilespmem:s22], [sflag:$0x6], $0x80, v6, vm0, $0xb8;
	[tilespmem:$0x18C80] =	vst v63  }
0x217: {  	s24 =	simm.s32 $0x8080  }
0x218: {  	[hbm4b:s4+s7] =	stream.indirect_vreg.scatter [tilespmem:s24], [sflag:$0x6], $0x80, v5, vm0, $0xb8;
	[tilespmem:$0x18C80] =	vst v63  }
.LBB2_14:
0x219: {  	p1 =	slt.s32 s18, $0x101  }
.Ltmp10:
0x21a: {  	_ = 	snop;
	(pc) =	sbr.rel @p1 .LBB2_16-.Ltmp10, $1  }
0x21b: {  	_ =	sdelay $0x3  }
0x21c: {  	s8 =	smin.u32 s20, $0x180  }
0x21d: {  	s8 =	sadd.s32 s8, s16  }
0x21e: {  	s9 =	sadd.s32 $0xFFFFFF80, s8  }
0x21f: {  	v5 =	vadd.s32 s9, v0  }
0x220: {  	v6 =	vshll.u32 v5, $0x1  }
0x221: {  	s22 =	sadd.s32 $0xFFFFFF90, s8;
	v7 =	vand.u32 $0x7, v5;
	v6 =	vand.u32 $0xFFFFFFF0, v6  }
0x222: {  	s24 =	sadd.s32 $0xFFFFFFA0, s8;
	[tilespmem:$0x18980] =	vst v5;
	v5 =	vadd.s32 s22, v0;
	v6 =	vor.u32 v7, v6  }
0x223: {  	s11 =	sadd.s32 $0xFFFFFFB0, s8;
	[tilespmem:$0x18990] =	vst v5;
	v5 =	vadd.s32 s24, v0;
	v7 =	vperm.xlane v6, v1  }
0x224: {  	s15 =	sadd.s32 $0xFFFFFFC0, s8;
	[tilespmem:$0x189A0] =	vst v5;
	v5 =	vadd.s32 s11, v0  }
0x225: {  	s22 =	sadd.s32 $0xFFFFFFD0, s8;
	[tilespmem:$0x189B0] =	vst v5;
	v5 =	vadd.s32 s15, v0;
	v6 =	vperm.xlane v6, v3;
	v7 =	vadd.s32 v2, v7  }
0x226: {  	s24 =	sadd.s32 $0xFFFFFFE0, s8;
	[tilespmem:$0x189C0] =	vst v5;
	v5 =	vadd.s32 s22, v0  }
0x227: {  	s8 =	sadd.s32 $0xFFFFFFF0, s8;
	[tilespmem:$0x189D0] =	vst v5;
	v5 =	vadd.s32 s24, v0;
	v6 =	vadd.s32 v2, v6  }
0x228: {  	[tilespmem:$0x189E0] =	vst v5;
	v5 =	vadd.s32 s8, v0  }
0x229: {  	[tilespmem:$0x189F0] =	vst v5  }
0x22a: {  	[tilespmem:s14], [sflag:$0x5] =	stream.indirect_vreg.gather [hbm4b:s1+s7], $0x80, v7, vm0, $0xb8;
	[tilespmem:$0x18C80] =	vst v63  }
0x22b: {  	s9 =	simm.s32 $0x11080  }
0x22c: {  	[tilespmem:s9], [sflag:$0x5] =	stream.indirect_vreg.gather [hbm4b:s1+s7], $0x80, v6, vm0, $0xb8;
	[tilespmem:$0x18C80] =	vst v63  }
0x22d: {  	v5 =	vld [tilespmem:$0x18990];
	_ =	sdelay $0x4  }
0x22e: {  	v6 =	vshll.u32 v5, $0x1  }
0x22f: {  	v5 =	vand.u32 $0x7, v5;
	v6 =	vand.u32 $0xFFFFFFF0, v6  }
0x230: {  	v5 =	vor.u32 v5, v6  }
0x231: {  	v6 =	vperm.xlane v5, v1;
	_ =	sdelay $0x1  }
0x232: {  	v5 =	vperm.xlane v5, v3;
	v6 =	vadd.s32 v2, v6;
	_ =	sdelay $0x1  }
0x233: {  	v5 =	vadd.s32 v2, v5;
	_ =	sdelay $0x1  }
0x234: {  	s11 =	simm.s32 $0x11880  }
0x235: {  	[tilespmem:s11], [sflag:$0x5] =	stream.indirect_vreg.gather [hbm4b:s1+s7], $0x80, v6, vm0, $0xb8;
	[tilespmem:$0x18C80] =	vst v63  }
0x236: {  	s15 =	simm.s32 $0x12080  }
0x237: {  	[tilespmem:s15], [sflag:$0x5] =	stream.indirect_vreg.gather [hbm4b:s1+s7], $0x80, v5, vm0, $0xb8;
	[tilespmem:$0x18C80] =	vst v63  }
0x238: {  	v5 =	vld [tilespmem:$0x189A0];
	_ =	sdelay $0x4  }
0x239: {  	v6 =	vshll.u32 v5, $0x1  }
0x23a: {  	v5 =	vand.u32 $0x7, v5;
	v6 =	vand.u32 $0xFFFFFFF0, v6  }
0x23b: {  	v5 =	vor.u32 v5, v6  }
0x23c: {  	v6 =	vperm.xlane v5, v1;
	_ =	sdelay $0x1  }
0x23d: {  	v5 =	vperm.xlane v5, v3;
	v6 =	vadd.s32 v2, v6;
	_ =	sdelay $0x1  }
0x23e: {  	v5 =	vadd.s32 v2, v5;
	_ =	sdelay $0x1  }
0x23f: {  	s22 =	simm.s32 $0x12880  }
0x240: {  	[tilespmem:s22], [sflag:$0x5] =	stream.indirect_vreg.gather [hbm4b:s1+s7], $0x80, v6, vm0, $0xb8;
	[tilespmem:$0x18C80] =	vst v63  }
0x241: {  	s24 =	simm.s32 $0x13080  }
0x242: {  	[tilespmem:s24], [sflag:$0x5] =	stream.indirect_vreg.gather [hbm4b:s1+s7], $0x80, v5, vm0, $0xb8;
	[tilespmem:$0x18C80] =	vst v63  }
0x243: {  	v5 =	vld [tilespmem:$0x189B0];
	_ =	sdelay $0x4  }
0x244: {  	v6 =	vshll.u32 v5, $0x1  }
0x245: {  	v5 =	vand.u32 $0x7, v5;
	v6 =	vand.u32 $0xFFFFFFF0, v6  }
0x246: {  	v5 =	vor.u32 v5, v6  }
0x247: {  	v6 =	vperm.xlane v5, v1;
	_ =	sdelay $0x1  }
0x248: {  	v5 =	vperm.xlane v5, v3;
	v6 =	vadd.s32 v2, v6;
	_ =	sdelay $0x1  }
0x249: {  	v5 =	vadd.s32 v2, v5;
	_ =	sdelay $0x1  }
0x24a: {  	s9 =	simm.s32 $0x13880  }
0x24b: {  	[tilespmem:s9], [sflag:$0x5] =	stream.indirect_vreg.gather [hbm4b:s1+s7], $0x80, v6, vm0, $0xb8;
	[tilespmem:$0x18C80] =	vst v63  }
0x24c: {  	s11 =	simm.s32 $0x14080  }
0x24d: {  	[tilespmem:s11], [sflag:$0x5] =	stream.indirect_vreg.gather [hbm4b:s1+s7], $0x80, v5, vm0, $0xb8;
	[tilespmem:$0x18C80] =	vst v63  }
0x24e: {  	v5 =	vld [tilespmem:$0x189C0];
	_ =	sdelay $0x4  }
0x24f: {  	v6 =	vshll.u32 v5, $0x1  }
0x250: {  	v5 =	vand.u32 $0x7, v5;
	v6 =	vand.u32 $0xFFFFFFF0, v6  }
0x251: {  	v5 =	vor.u32 v5, v6  }
0x252: {  	v6 =	vperm.xlane v5, v1;
	_ =	sdelay $0x1  }
0x253: {  	v5 =	vperm.xlane v5, v3;
	v6 =	vadd.s32 v2, v6;
	_ =	sdelay $0x1  }
0x254: {  	v5 =	vadd.s32 v2, v5;
	_ =	sdelay $0x1  }
0x255: {  	s15 =	simm.s32 $0x14880  }
0x256: {  	[tilespmem:s15], [sflag:$0x5] =	stream.indirect_vreg.gather [hbm4b:s1+s7], $0x80, v6, vm0, $0xb8;
	[tilespmem:$0x18C80] =	vst v63  }
0x257: {  	s22 =	simm.s32 $0x15080  }
0x258: {  	[tilespmem:s22], [sflag:$0x5] =	stream.indirect_vreg.gather [hbm4b:s1+s7], $0x80, v5, vm0, $0xb8;
	[tilespmem:$0x18C80] =	vst v63  }
0x259: {  	v5 =	vld [tilespmem:$0x189D0];
	_ =	sdelay $0x4  }
0x25a: {  	v6 =	vshll.u32 v5, $0x1  }
0x25b: {  	v5 =	vand.u32 $0x7, v5;
	v6 =	vand.u32 $0xFFFFFFF0, v6  }
0x25c: {  	v5 =	vor.u32 v5, v6  }
0x25d: {  	v6 =	vperm.xlane v5, v1;
	_ =	sdelay $0x1  }
0x25e: {  	v5 =	vperm.xlane v5, v3;
	v6 =	vadd.s32 v2, v6;
	_ =	sdelay $0x1  }
0x25f: {  	v5 =	vadd.s32 v2, v5;
	_ =	sdelay $0x1  }
0x260: {  	s24 =	simm.s32 $0x15880  }
0x261: {  	[tilespmem:s24], [sflag:$0x5] =	stream.indirect_vreg.gather [hbm4b:s1+s7], $0x80, v6, vm0, $0xb8;
	[tilespmem:$0x18C80] =	vst v63  }
0x262: {  	s9 =	simm.s32 $0x16080  }
0x263: {  	[tilespmem:s9], [sflag:$0x5] =	stream.indirect_vreg.gather [hbm4b:s1+s7], $0x80, v5, vm0, $0xb8;
	[tilespmem:$0x18C80] =	vst v63  }
0x264: {  	v5 =	vld [tilespmem:$0x189E0];
	_ =	sdelay $0x4  }
0x265: {  	v6 =	vshll.u32 v5, $0x1  }
0x266: {  	v5 =	vand.u32 $0x7, v5;
	v6 =	vand.u32 $0xFFFFFFF0, v6  }
0x267: {  	v5 =	vor.u32 v5, v6  }
0x268: {  	v6 =	vperm.xlane v5, v1;
	_ =	sdelay $0x1  }
0x269: {  	v5 =	vperm.xlane v5, v3;
	v6 =	vadd.s32 v2, v6;
	_ =	sdelay $0x1  }
0x26a: {  	v5 =	vadd.s32 v2, v5;
	_ =	sdelay $0x1  }
0x26b: {  	s11 =	simm.s32 $0x16880  }
0x26c: {  	[tilespmem:s11], [sflag:$0x5] =	stream.indirect_vreg.gather [hbm4b:s1+s7], $0x80, v6, vm0, $0xb8;
	[tilespmem:$0x18C80] =	vst v63  }
0x26d: {  	s15 =	simm.s32 $0x17080  }
0x26e: {  	[tilespmem:s15], [sflag:$0x5] =	stream.indirect_vreg.gather [hbm4b:s1+s7], $0x80, v5, vm0, $0xb8;
	[tilespmem:$0x18C80] =	vst v63  }
0x26f: {  	v5 =	vld [tilespmem:$0x189F0];
	_ =	sdelay $0x4  }
0x270: {  	v6 =	vshll.u32 v5, $0x1  }
0x271: {  	v5 =	vand.u32 $0x7, v5;
	v6 =	vand.u32 $0xFFFFFFF0, v6  }
0x272: {  	v5 =	vor.u32 v5, v6  }
0x273: {  	v6 =	vperm.xlane v5, v1;
	_ =	sdelay $0x1  }
0x274: {  	v5 =	vperm.xlane v5, v3;
	v6 =	vadd.s32 v2, v6;
	_ =	sdelay $0x1  }
0x275: {  	v5 =	vadd.s32 v2, v5  }
.Ltmp11:
0x276: {  	_ = 	snop;
	(pc) =	sbr.rel .LBB2_17-.Ltmp11, $4  }
0x277: {  	s22 =	simm.s32 $0x17880  }
0x278: {  	[tilespmem:s22], [sflag:$0x5] =	stream.indirect_vreg.gather [hbm4b:s1+s7], $0x80, v6, vm0, $0xb8;
	[tilespmem:$0x18C80] =	vst v63  }
0x279: {  	s24 =	simm.s32 $0x18080  }
0x27a: {  	[tilespmem:s24], [sflag:$0x5] =	stream.indirect_vreg.gather [hbm4b:s1+s7], $0x80, v5, vm0, $0xb8;
	[tilespmem:$0x18C80] =	vst v63  }
.LBB2_16:
0x27b: {  	s8 =	sld [smem:$0x7FC];
	_ =	sdelay $0x2  }
0x27c: {  	p0 =	seq.s32 s8, $0x1  }
.Ltmp12:
0x27d: {  	_ = 	snop;
	(pc) =	sbr.rel @p0 .LBB2_54-.Ltmp12, $1  }
0x27e: {  	_ =	sdelay $0x3  }
.LBB2_17:
0x27f: {  	p0 =	sne.s32 s17, $0x1  }
.Ltmp13:
0x280: {  	_ = 	snop;
	(pc) =	sbr.rel @p0 .LBB2_19-.Ltmp13, $4  }
0x281: {  	_ = 	snop  }
0x282: {  	_ =	swait.ge [sflag:s2], $0x8000  }
0x283: {  	[sflag:s2] =	ssyncset.done $0x0  }
0x284: {  	[sflag:s2] =	ssyncadd.s32 $0xFFFF8000  }
0x285: {  	s8 =	simm.s32 @!p3 $0x2  }
0x286: {  	_ =	swait.ge @!p3 [sflag:s8], $0x1000  }
0x287: {  	s15 =	sld [smem:$0x7F7];
	_ =	sdelay $0x2  }
0x288: {  	[sflag:s8] =	ssyncset.done @!p3 $0x0;
	p0 =	seq.s32 s15, $0x1  }
0x289: {  	[sflag:s8] =	ssyncadd.s32 @!p3 $0xFFFFF000;
	s8 =	simm.s32 @p0 $0x2  }
0x28a: {  	_ =	swait.ge @p0 [sflag:s8], $0x1000  }
0x28b: {  	[sflag:s8] =	ssyncset.done @p0 $0x0  }
0x28c: {  	[sflag:s8] =	ssyncadd.s32 @p0 $0xFFFFF000;
	s8 =	simm.s32 @p2 $0x2  }
0x28d: {  	_ =	swait.ge @p2 [sflag:s8], $0x1000  }
0x28e: {  	s22 =	sld [smem:$0x7F6];
	_ =	sdelay $0x2  }
0x28f: {  	[sflag:s8] =	ssyncset.done @p2 $0x0;
	p0 =	seq.s32 s22, $0x1  }
0x290: {  	[sflag:s8] =	ssyncadd.s32 @p2 $0xFFFFF000;
	s8 =	simm.s32 @p0 $0x2  }
0x291: {  	_ =	swait.ge @p0 [sflag:s8], $0x1000  }
0x292: {  	s24 =	sld [smem:$0x7F9];
	_ =	sdelay $0x1  }
0x293: {  	[sflag:s8] =	ssyncset.done @p0 $0x0  }
0x294: {  	[sflag:s8] =	ssyncadd.s32 @p0 $0xFFFFF000;
	p0 =	seq.s32 s24, $0x1  }
0x295: {  	s8 =	simm.s32 @p0 $0x2  }
0x296: {  	_ =	swait.ge @p0 [sflag:s8], $0x1000  }
0x297: {  	[sflag:s8] =	ssyncset.done @p0 $0x0  }
0x298: {  	[sflag:s8] =	ssyncadd.s32 @p0 $0xFFFFF000;
	s8 =	simm.s32 @p5 $0x2  }
0x299: {  	_ =	swait.ge @p5 [sflag:s8], $0x1000  }
0x29a: {  	s9 =	sld [smem:$0x7FA];
	_ =	sdelay $0x2  }
0x29b: {  	[sflag:s8] =	ssyncset.done @p5 $0x0;
	p0 =	seq.s32 s9, $0x1  }
0x29c: {  	[sflag:s8] =	ssyncadd.s32 @p5 $0xFFFFF000;
	s8 =	simm.s32 @p0 $0x2  }
0x29d: {  	_ =	swait.ge @p0 [sflag:s8], $0x1000  }
0x29e: {  	s11 =	sld [smem:$0x7F8];
	_ =	sdelay $0x1  }
0x29f: {  	[sflag:s8] =	ssyncset.done @p0 $0x0  }
0x2a0: {  	s9 =	smin.u32 s20, $0x100;
	[sflag:s8] =	ssyncadd.s32 @p0 $0xFFFFF000;
	p0 =	seq.s32 s11, $0x1  }
0x2a1: {  	s9 =	sadd.s32 s9, s13;
	s8 =	simm.s32 @p0 $0x2  }
0x2a2: {  	v5 =	vadd.s32 s9, v0;
	_ =	swait.ge @p0 [sflag:s8], $0x1000  }
0x2a3: {  	v6 =	vshll.u32 v5, $0x1;
	[sflag:s8] =	ssyncset.done @p0 $0x0  }
0x2a4: {  	s15 =	sadd.s32 $0x10, s9;
	v7 =	vand.u32 $0x7, v5;
	v6 =	vand.u32 $0xFFFFFFF0, v6;
	[sflag:s8] =	ssyncadd.s32 @p0 $0xFFFFF000  }
0x2a5: {  	s22 =	sadd.s32 $0x20, s9;
	v6 =	vor.u32 v7, v6;
	[tilespmem:$0x18B00] =	vst v5;
	v5 =	vadd.s32 s15, v0  }
0x2a6: {  	s24 =	sadd.s32 $0x30, s9;
	v7 =	vperm.xlane v6, v1;
	[tilespmem:$0x18B10] =	vst v5;
	v5 =	vadd.s32 s22, v0  }
0x2a7: {  	s11 =	sadd.s32 $0x40, s9;
	[tilespmem:$0x18B20] =	vst v5;
	v5 =	vadd.s32 s24, v0  }
0x2a8: {  	v6 =	vperm.xlane v6, v3;
	v7 =	vadd.s32 v2, v7;
	s15 =	sadd.s32 $0x50, s9;
	[tilespmem:$0x18B30] =	vst v5;
	v5 =	vadd.s32 s11, v0  }
0x2a9: {  	s22 =	sadd.s32 $0x60, s9;
	[tilespmem:$0x18B40] =	vst v5;
	v5 =	vadd.s32 s15, v0  }
0x2aa: {  	v6 =	vadd.s32 v2, v6;
	s24 =	sadd.s32 $0x70, s9;
	[tilespmem:$0x18B50] =	vst v5;
	v5 =	vadd.s32 s22, v0  }
0x2ab: {  	[tilespmem:$0x18B60] =	vst v5;
	v5 =	vadd.s32 s24, v0  }
0x2ac: {  	[tilespmem:$0x18B70] =	vst v5  }
0x2ad: {  	[hbm4b:s4+s7] =	stream.indirect_vreg.scatter [tilespmem:s21], [sflag:$0x7], $0x80, v7, vm0, $0xb8;
	[tilespmem:$0x18C80] =	vst v63  }
0x2ae: {  	s9 =	simm.s32 $0x9080  }
0x2af: {  	[hbm4b:s4+s7] =	stream.indirect_vreg.scatter [tilespmem:s9], [sflag:$0x7], $0x80, v6, vm0, $0xb8;
	[tilespmem:$0x18C80] =	vst v63  }
0x2b0: {  	v5 =	vld [tilespmem:$0x18B10];
	_ =	sdelay $0x4  }
0x2b1: {  	v6 =	vshll.u32 v5, $0x1  }
0x2b2: {  	v5 =	vand.u32 $0x7, v5;
	v6 =	vand.u32 $0xFFFFFFF0, v6  }
0x2b3: {  	v5 =	vor.u32 v5, v6  }
0x2b4: {  	v6 =	vperm.xlane v5, v1;
	_ =	sdelay $0x1  }
0x2b5: {  	v5 =	vperm.xlane v5, v3;
	v6 =	vadd.s32 v2, v6;
	_ =	sdelay $0x1  }
0x2b6: {  	v5 =	vadd.s32 v2, v5;
	_ =	sdelay $0x1  }
0x2b7: {  	s11 =	simm.s32 $0x9880  }
0x2b8: {  	[hbm4b:s4+s7] =	stream.indirect_vreg.scatter [tilespmem:s11], [sflag:$0x7], $0x80, v6, vm0, $0xb8;
	[tilespmem:$0x18C80] =	vst v63  }
0x2b9: {  	s15 =	simm.s32 $0xA080  }
0x2ba: {  	[hbm4b:s4+s7] =	stream.indirect_vreg.scatter [tilespmem:s15], [sflag:$0x7], $0x80, v5, vm0, $0xb8;
	[tilespmem:$0x18C80] =	vst v63  }
0x2bb: {  	v5 =	vld [tilespmem:$0x18B20];
	_ =	sdelay $0x4  }
0x2bc: {  	v6 =	vshll.u32 v5, $0x1  }
0x2bd: {  	v5 =	vand.u32 $0x7, v5;
	v6 =	vand.u32 $0xFFFFFFF0, v6  }
0x2be: {  	v5 =	vor.u32 v5, v6  }
0x2bf: {  	v6 =	vperm.xlane v5, v1;
	_ =	sdelay $0x1  }
0x2c0: {  	v5 =	vperm.xlane v5, v3;
	v6 =	vadd.s32 v2, v6;
	_ =	sdelay $0x1  }
0x2c1: {  	v5 =	vadd.s32 v2, v5;
	_ =	sdelay $0x1  }
0x2c2: {  	s22 =	simm.s32 $0xA880  }
0x2c3: {  	[hbm4b:s4+s7] =	stream.indirect_vreg.scatter [tilespmem:s22], [sflag:$0x7], $0x80, v6, vm0, $0xb8;
	[tilespmem:$0x18C80] =	vst v63  }
0x2c4: {  	s24 =	simm.s32 $0xB080  }
0x2c5: {  	[hbm4b:s4+s7] =	stream.indirect_vreg.scatter [tilespmem:s24], [sflag:$0x7], $0x80, v5, vm0, $0xb8;
	[tilespmem:$0x18C80] =	vst v63  }
0x2c6: {  	v5 =	vld [tilespmem:$0x18B30];
	_ =	sdelay $0x4  }
0x2c7: {  	v6 =	vshll.u32 v5, $0x1  }
0x2c8: {  	v5 =	vand.u32 $0x7, v5;
	v6 =	vand.u32 $0xFFFFFFF0, v6  }
0x2c9: {  	v5 =	vor.u32 v5, v6  }
0x2ca: {  	v6 =	vperm.xlane v5, v1;
	_ =	sdelay $0x1  }
0x2cb: {  	v5 =	vperm.xlane v5, v3;
	v6 =	vadd.s32 v2, v6;
	_ =	sdelay $0x1  }
0x2cc: {  	v5 =	vadd.s32 v2, v5;
	_ =	sdelay $0x1  }
0x2cd: {  	s9 =	simm.s32 $0xB880  }
0x2ce: {  	[hbm4b:s4+s7] =	stream.indirect_vreg.scatter [tilespmem:s9], [sflag:$0x7], $0x80, v6, vm0, $0xb8;
	[tilespmem:$0x18C80] =	vst v63  }
0x2cf: {  	s11 =	simm.s32 $0xC080  }
0x2d0: {  	[hbm4b:s4+s7] =	stream.indirect_vreg.scatter [tilespmem:s11], [sflag:$0x7], $0x80, v5, vm0, $0xb8;
	[tilespmem:$0x18C80] =	vst v63  }
0x2d1: {  	v5 =	vld [tilespmem:$0x18B40];
	_ =	sdelay $0x4  }
0x2d2: {  	v6 =	vshll.u32 v5, $0x1  }
0x2d3: {  	v5 =	vand.u32 $0x7, v5;
	v6 =	vand.u32 $0xFFFFFFF0, v6  }
0x2d4: {  	v5 =	vor.u32 v5, v6  }
0x2d5: {  	v6 =	vperm.xlane v5, v1;
	_ =	sdelay $0x1  }
0x2d6: {  	v5 =	vperm.xlane v5, v3;
	v6 =	vadd.s32 v2, v6;
	_ =	sdelay $0x1  }
0x2d7: {  	v5 =	vadd.s32 v2, v5;
	_ =	sdelay $0x1  }
0x2d8: {  	s15 =	simm.s32 $0xC880  }
0x2d9: {  	[hbm4b:s4+s7] =	stream.indirect_vreg.scatter [tilespmem:s15], [sflag:$0x7], $0x80, v6, vm0, $0xb8;
	[tilespmem:$0x18C80] =	vst v63  }
0x2da: {  	s22 =	simm.s32 $0xD080  }
0x2db: {  	[hbm4b:s4+s7] =	stream.indirect_vreg.scatter [tilespmem:s22], [sflag:$0x7], $0x80, v5, vm0, $0xb8;
	[tilespmem:$0x18C80] =	vst v63  }
0x2dc: {  	v5 =	vld [tilespmem:$0x18B50];
	_ =	sdelay $0x4  }
0x2dd: {  	v6 =	vshll.u32 v5, $0x1  }
0x2de: {  	v5 =	vand.u32 $0x7, v5;
	v6 =	vand.u32 $0xFFFFFFF0, v6  }
0x2df: {  	v5 =	vor.u32 v5, v6  }
0x2e0: {  	v6 =	vperm.xlane v5, v1;
	_ =	sdelay $0x1  }
0x2e1: {  	v5 =	vperm.xlane v5, v3;
	v6 =	vadd.s32 v2, v6;
	_ =	sdelay $0x1  }
0x2e2: {  	v5 =	vadd.s32 v2, v5;
	_ =	sdelay $0x1  }
0x2e3: {  	s24 =	simm.s32 $0xD880  }
0x2e4: {  	[hbm4b:s4+s7] =	stream.indirect_vreg.scatter [tilespmem:s24], [sflag:$0x7], $0x80, v6, vm0, $0xb8;
	[tilespmem:$0x18C80] =	vst v63  }
0x2e5: {  	s9 =	simm.s32 $0xE080  }
0x2e6: {  	[hbm4b:s4+s7] =	stream.indirect_vreg.scatter [tilespmem:s9], [sflag:$0x7], $0x80, v5, vm0, $0xb8;
	[tilespmem:$0x18C80] =	vst v63  }
0x2e7: {  	v5 =	vld [tilespmem:$0x18B60];
	_ =	sdelay $0x4  }
0x2e8: {  	v6 =	vshll.u32 v5, $0x1  }
0x2e9: {  	v5 =	vand.u32 $0x7, v5;
	v6 =	vand.u32 $0xFFFFFFF0, v6  }
0x2ea: {  	v5 =	vor.u32 v5, v6  }
0x2eb: {  	v6 =	vperm.xlane v5, v1;
	_ =	sdelay $0x1  }
0x2ec: {  	v5 =	vperm.xlane v5, v3;
	v6 =	vadd.s32 v2, v6;
	_ =	sdelay $0x1  }
0x2ed: {  	v5 =	vadd.s32 v2, v5;
	_ =	sdelay $0x1  }
0x2ee: {  	s11 =	simm.s32 $0xE880  }
0x2ef: {  	[hbm4b:s4+s7] =	stream.indirect_vreg.scatter [tilespmem:s11], [sflag:$0x7], $0x80, v6, vm0, $0xb8;
	[tilespmem:$0x18C80] =	vst v63  }
0x2f0: {  	s15 =	simm.s32 $0xF080  }
0x2f1: {  	[hbm4b:s4+s7] =	stream.indirect_vreg.scatter [tilespmem:s15], [sflag:$0x7], $0x80, v5, vm0, $0xb8;
	[tilespmem:$0x18C80] =	vst v63  }
0x2f2: {  	v5 =	vld [tilespmem:$0x18B70];
	_ =	sdelay $0x4  }
0x2f3: {  	v6 =	vshll.u32 v5, $0x1  }
0x2f4: {  	v5 =	vand.u32 $0x7, v5;
	v6 =	vand.u32 $0xFFFFFFF0, v6  }
0x2f5: {  	v5 =	vor.u32 v5, v6  }
0x2f6: {  	v6 =	vperm.xlane v5, v1;
	_ =	sdelay $0x1  }
0x2f7: {  	v5 =	vperm.xlane v5, v3;
	v6 =	vadd.s32 v2, v6;
	_ =	sdelay $0x1  }
0x2f8: {  	v5 =	vadd.s32 v2, v5  }
.Ltmp14:
0x2f9: {  	_ = 	snop;
	(pc) =	sbr.rel .LBB2_20-.Ltmp14, $4  }
0x2fa: {  	s22 =	simm.s32 $0xF880  }
0x2fb: {  	[hbm4b:s4+s7] =	stream.indirect_vreg.scatter [tilespmem:s22], [sflag:$0x7], $0x80, v6, vm0, $0xb8;
	[tilespmem:$0x18C80] =	vst v63  }
0x2fc: {  	s24 =	simm.s32 $0x10080  }
0x2fd: {  	[hbm4b:s4+s7] =	stream.indirect_vreg.scatter [tilespmem:s24], [sflag:$0x7], $0x80, v5, vm0, $0xb8;
	[tilespmem:$0x18C80] =	vst v63  }
.LBB2_19:
0x2fe: {  	s8 =	rddreg [dreg:$0x9]  }
0x2ff: {  	[hbm4b:s8+s7] =	stream.linear.scatter [tilespmem:s21], [sflag:$0x7], $0x8000, $0x38;
	[tilespmem:$0x18C80] =	vst v63  }
.LBB2_20:
0x300: {  	p6 =	slt.u32 s18, $0x181  }
.Ltmp15:
0x301: {  	_ = 	snop;
	(pc) =	sbr.rel @p6 .LBB2_22-.Ltmp15, $1  }
0x302: {  	_ =	sdelay $0x3  }
0x303: {  	s8 =	smin.u32 s20, $0x200  }
0x304: {  	s8 =	sadd.s32 s8, s16  }
0x305: {  	s9 =	sadd.s32 $0xFFFFFF80, s8  }
0x306: {  	_ =	swait.ge [sflag:s0], $0x8000;
	v5 =	vadd.s32 s9, v0  }
0x307: {  	[sflag:s0] =	ssyncset.done $0x0;
	v6 =	vshll.u32 v5, $0x1  }
0x308: {  	[sflag:s0] =	ssyncadd.s32 $0xFFFF8000;
	s22 =	sadd.s32 $0xFFFFFF90, s8;
	v7 =	vand.u32 $0x7, v5;
	v6 =	vand.u32 $0xFFFFFFF0, v6  }
0x309: {  	s24 =	sadd.s32 $0xFFFFFFA0, s8;
	[tilespmem:$0x18880] =	vst v5;
	v5 =	vadd.s32 s22, v0;
	v6 =	vor.u32 v7, v6  }
0x30a: {  	s11 =	sadd.s32 $0xFFFFFFB0, s8;
	[tilespmem:$0x18890] =	vst v5;
	v5 =	vadd.s32 s24, v0;
	v7 =	vperm.xlane v6, v1  }
0x30b: {  	s15 =	sadd.s32 $0xFFFFFFC0, s8;
	[tilespmem:$0x188A0] =	vst v5;
	v5 =	vadd.s32 s11, v0  }
0x30c: {  	s22 =	sadd.s32 $0xFFFFFFD0, s8;
	[tilespmem:$0x188B0] =	vst v5;
	v5 =	vadd.s32 s15, v0;
	v6 =	vperm.xlane v6, v3;
	v7 =	vadd.s32 v2, v7  }
0x30d: {  	s24 =	sadd.s32 $0xFFFFFFE0, s8;
	[tilespmem:$0x188C0] =	vst v5;
	v5 =	vadd.s32 s22, v0  }
0x30e: {  	s8 =	sadd.s32 $0xFFFFFFF0, s8;
	[tilespmem:$0x188D0] =	vst v5;
	v5 =	vadd.s32 s24, v0;
	v6 =	vadd.s32 v2, v6  }
0x30f: {  	[tilespmem:$0x188E0] =	vst v5;
	v5 =	vadd.s32 s8, v0  }
0x310: {  	[tilespmem:$0x188F0] =	vst v5  }
0x311: {  	[tilespmem:s23], [sflag:$0x3] =	stream.indirect_vreg.gather [hbm4b:s1+s7], $0x80, v7, vm0, $0xb8;
	[tilespmem:$0x18C80] =	vst v63  }
0x312: {  	s9 =	simm.s32 $0x1080  }
0x313: {  	[tilespmem:s9], [sflag:$0x3] =	stream.indirect_vreg.gather [hbm4b:s1+s7], $0x80, v6, vm0, $0xb8;
	[tilespmem:$0x18C80] =	vst v63  }
0x314: {  	v5 =	vld [tilespmem:$0x18890];
	_ =	sdelay $0x4  }
0x315: {  	v6 =	vshll.u32 v5, $0x1  }
0x316: {  	v5 =	vand.u32 $0x7, v5;
	v6 =	vand.u32 $0xFFFFFFF0, v6  }
0x317: {  	v5 =	vor.u32 v5, v6  }
0x318: {  	v6 =	vperm.xlane v5, v1;
	_ =	sdelay $0x1  }
0x319: {  	v5 =	vperm.xlane v5, v3;
	v6 =	vadd.s32 v2, v6;
	_ =	sdelay $0x1  }
0x31a: {  	v5 =	vadd.s32 v2, v5;
	_ =	sdelay $0x1  }
0x31b: {  	s11 =	simm.s32 $0x1880  }
0x31c: {  	[tilespmem:s11], [sflag:$0x3] =	stream.indirect_vreg.gather [hbm4b:s1+s7], $0x80, v6, vm0, $0xb8;
	[tilespmem:$0x18C80] =	vst v63  }
0x31d: {  	s15 =	simm.s32 $0x2080  }
0x31e: {  	[tilespmem:s15], [sflag:$0x3] =	stream.indirect_vreg.gather [hbm4b:s1+s7], $0x80, v5, vm0, $0xb8;
	[tilespmem:$0x18C80] =	vst v63  }
0x31f: {  	v5 =	vld [tilespmem:$0x188A0];
	_ =	sdelay $0x4  }
0x320: {  	v6 =	vshll.u32 v5, $0x1  }
0x321: {  	v5 =	vand.u32 $0x7, v5;
	v6 =	vand.u32 $0xFFFFFFF0, v6  }
0x322: {  	v5 =	vor.u32 v5, v6  }
0x323: {  	v6 =	vperm.xlane v5, v1;
	_ =	sdelay $0x1  }
0x324: {  	v5 =	vperm.xlane v5, v3;
	v6 =	vadd.s32 v2, v6;
	_ =	sdelay $0x1  }
0x325: {  	v5 =	vadd.s32 v2, v5;
	_ =	sdelay $0x1  }
0x326: {  	s22 =	simm.s32 $0x2880  }
0x327: {  	[tilespmem:s22], [sflag:$0x3] =	stream.indirect_vreg.gather [hbm4b:s1+s7], $0x80, v6, vm0, $0xb8;
	[tilespmem:$0x18C80] =	vst v63  }
0x328: {  	s24 =	simm.s32 $0x3080  }
0x329: {  	[tilespmem:s24], [sflag:$0x3] =	stream.indirect_vreg.gather [hbm4b:s1+s7], $0x80, v5, vm0, $0xb8;
	[tilespmem:$0x18C80] =	vst v63  }
0x32a: {  	v5 =	vld [tilespmem:$0x188B0];
	_ =	sdelay $0x4  }
0x32b: {  	v6 =	vshll.u32 v5, $0x1  }
0x32c: {  	v5 =	vand.u32 $0x7, v5;
	v6 =	vand.u32 $0xFFFFFFF0, v6  }
0x32d: {  	v5 =	vor.u32 v5, v6  }
0x32e: {  	v6 =	vperm.xlane v5, v1;
	_ =	sdelay $0x1  }
0x32f: {  	v5 =	vperm.xlane v5, v3;
	v6 =	vadd.s32 v2, v6;
	_ =	sdelay $0x1  }
0x330: {  	v5 =	vadd.s32 v2, v5;
	_ =	sdelay $0x1  }
0x331: {  	s9 =	simm.s32 $0x3880  }
0x332: {  	[tilespmem:s9], [sflag:$0x3] =	stream.indirect_vreg.gather [hbm4b:s1+s7], $0x80, v6, vm0, $0xb8;
	[tilespmem:$0x18C80] =	vst v63  }
0x333: {  	s11 =	simm.s32 $0x4080  }
0x334: {  	[tilespmem:s11], [sflag:$0x3] =	stream.indirect_vreg.gather [hbm4b:s1+s7], $0x80, v5, vm0, $0xb8;
	[tilespmem:$0x18C80] =	vst v63  }
0x335: {  	v5 =	vld [tilespmem:$0x188C0];
	_ =	sdelay $0x4  }
0x336: {  	v6 =	vshll.u32 v5, $0x1  }
0x337: {  	v5 =	vand.u32 $0x7, v5;
	v6 =	vand.u32 $0xFFFFFFF0, v6  }
0x338: {  	v5 =	vor.u32 v5, v6  }
0x339: {  	v6 =	vperm.xlane v5, v1;
	_ =	sdelay $0x1  }
0x33a: {  	v5 =	vperm.xlane v5, v3;
	v6 =	vadd.s32 v2, v6;
	_ =	sdelay $0x1  }
0x33b: {  	v5 =	vadd.s32 v2, v5;
	_ =	sdelay $0x1  }
0x33c: {  	s15 =	simm.s32 $0x4880  }
0x33d: {  	[tilespmem:s15], [sflag:$0x3] =	stream.indirect_vreg.gather [hbm4b:s1+s7], $0x80, v6, vm0, $0xb8;
	[tilespmem:$0x18C80] =	vst v63  }
0x33e: {  	s22 =	simm.s32 $0x5080  }
0x33f: {  	[tilespmem:s22], [sflag:$0x3] =	stream.indirect_vreg.gather [hbm4b:s1+s7], $0x80, v5, vm0, $0xb8;
	[tilespmem:$0x18C80] =	vst v63  }
0x340: {  	v5 =	vld [tilespmem:$0x188D0];
	_ =	sdelay $0x4  }
0x341: {  	v6 =	vshll.u32 v5, $0x1  }
0x342: {  	v5 =	vand.u32 $0x7, v5;
	v6 =	vand.u32 $0xFFFFFFF0, v6  }
0x343: {  	v5 =	vor.u32 v5, v6  }
0x344: {  	v6 =	vperm.xlane v5, v1;
	_ =	sdelay $0x1  }
0x345: {  	v5 =	vperm.xlane v5, v3;
	v6 =	vadd.s32 v2, v6;
	_ =	sdelay $0x1  }
0x346: {  	v5 =	vadd.s32 v2, v5;
	_ =	sdelay $0x1  }
0x347: {  	s24 =	simm.s32 $0x5880  }
0x348: {  	[tilespmem:s24], [sflag:$0x3] =	stream.indirect_vreg.gather [hbm4b:s1+s7], $0x80, v6, vm0, $0xb8;
	[tilespmem:$0x18C80] =	vst v63  }
0x349: {  	s9 =	simm.s32 $0x6080  }
0x34a: {  	[tilespmem:s9], [sflag:$0x3] =	stream.indirect_vreg.gather [hbm4b:s1+s7], $0x80, v5, vm0, $0xb8;
	[tilespmem:$0x18C80] =	vst v63  }
0x34b: {  	v5 =	vld [tilespmem:$0x188E0];
	_ =	sdelay $0x4  }
0x34c: {  	v6 =	vshll.u32 v5, $0x1  }
0x34d: {  	v5 =	vand.u32 $0x7, v5;
	v6 =	vand.u32 $0xFFFFFFF0, v6  }
0x34e: {  	v5 =	vor.u32 v5, v6  }
0x34f: {  	v6 =	vperm.xlane v5, v1;
	_ =	sdelay $0x1  }
0x350: {  	v5 =	vperm.xlane v5, v3;
	v6 =	vadd.s32 v2, v6;
	_ =	sdelay $0x1  }
0x351: {  	v5 =	vadd.s32 v2, v5;
	_ =	sdelay $0x1  }
0x352: {  	s11 =	simm.s32 $0x6880  }
0x353: {  	[tilespmem:s11], [sflag:$0x3] =	stream.indirect_vreg.gather [hbm4b:s1+s7], $0x80, v6, vm0, $0xb8;
	[tilespmem:$0x18C80] =	vst v63  }
0x354: {  	s15 =	simm.s32 $0x7080  }
0x355: {  	[tilespmem:s15], [sflag:$0x3] =	stream.indirect_vreg.gather [hbm4b:s1+s7], $0x80, v5, vm0, $0xb8;
	[tilespmem:$0x18C80] =	vst v63  }
0x356: {  	v5 =	vld [tilespmem:$0x188F0];
	_ =	sdelay $0x4  }
0x357: {  	v6 =	vshll.u32 v5, $0x1  }
0x358: {  	v5 =	vand.u32 $0x7, v5;
	v6 =	vand.u32 $0xFFFFFFF0, v6  }
0x359: {  	v5 =	vor.u32 v5, v6  }
0x35a: {  	v6 =	vperm.xlane v5, v1;
	_ =	sdelay $0x1  }
0x35b: {  	v5 =	vperm.xlane v5, v3;
	v6 =	vadd.s32 v2, v6;
	_ =	sdelay $0x1  }
0x35c: {  	v5 =	vadd.s32 v2, v5  }
.Ltmp16:
0x35d: {  	_ = 	snop;
	(pc) =	sbr.rel .LBB2_23-.Ltmp16, $4  }
0x35e: {  	s22 =	simm.s32 $0x7880  }
0x35f: {  	[tilespmem:s22], [sflag:$0x3] =	stream.indirect_vreg.gather [hbm4b:s1+s7], $0x80, v6, vm0, $0xb8;
	[tilespmem:$0x18C80] =	vst v63  }
0x360: {  	s24 =	simm.s32 $0x8080  }
0x361: {  	[tilespmem:s24], [sflag:$0x3] =	stream.indirect_vreg.gather [hbm4b:s1+s7], $0x80, v5, vm0, $0xb8;
	[tilespmem:$0x18C80] =	vst v63  }
.LBB2_22:
.Ltmp17:
0x362: {  	(pc) =	sbr.rel @p1 .LBB2_54-.Ltmp17, $1  }
0x363: {  	_ =	sdelay $0x3  }
.LBB2_23:
0x364: {  	p0 =	sne.s32 s17, $0x2  }
.Ltmp18:
0x365: {  	_ = 	snop;
	(pc) =	sbr.rel @p0 .LBB2_25-.Ltmp18, $4  }
0x366: {  	_ = 	snop  }
0x367: {  	_ =	swait.ge [sflag:s25], $0x8000  }
0x368: {  	[sflag:s25] =	ssyncset.done $0x0  }
0x369: {  	[sflag:s25] =	ssyncadd.s32 $0xFFFF8000  }
0x36a: {  	s8 =	simm.s32 @!p3 $0x2  }
0x36b: {  	_ =	swait.ge @!p3 [sflag:s8], $0x1000  }
0x36c: {  	s15 =	sld [smem:$0x7F7];
	_ =	sdelay $0x2  }
0x36d: {  	[sflag:s8] =	ssyncset.done @!p3 $0x0;
	p0 =	seq.s32 s15, $0x1  }
0x36e: {  	[sflag:s8] =	ssyncadd.s32 @!p3 $0xFFFFF000;
	s8 =	simm.s32 @p0 $0x2  }
0x36f: {  	_ =	swait.ge @p0 [sflag:s8], $0x1000  }
0x370: {  	[sflag:s8] =	ssyncset.done @p0 $0x0  }
0x371: {  	[sflag:s8] =	ssyncadd.s32 @p0 $0xFFFFF000;
	s8 =	simm.s32 @p2 $0x2  }
0x372: {  	_ =	swait.ge @p2 [sflag:s8], $0x1000  }
0x373: {  	s22 =	sld [smem:$0x7F6];
	_ =	sdelay $0x2  }
0x374: {  	[sflag:s8] =	ssyncset.done @p2 $0x0;
	p0 =	seq.s32 s22, $0x1  }
0x375: {  	[sflag:s8] =	ssyncadd.s32 @p2 $0xFFFFF000;
	s8 =	simm.s32 @p0 $0x2  }
0x376: {  	_ =	swait.ge @p0 [sflag:s8], $0x1000  }
0x377: {  	s24 =	sld [smem:$0x7F9];
	_ =	sdelay $0x1  }
0x378: {  	[sflag:s8] =	ssyncset.done @p0 $0x0  }
0x379: {  	[sflag:s8] =	ssyncadd.s32 @p0 $0xFFFFF000;
	p0 =	seq.s32 s24, $0x1  }
0x37a: {  	s8 =	simm.s32 @p0 $0x2  }
0x37b: {  	_ =	swait.ge @p0 [sflag:s8], $0x1000  }
0x37c: {  	[sflag:s8] =	ssyncset.done @p0 $0x0  }
0x37d: {  	[sflag:s8] =	ssyncadd.s32 @p0 $0xFFFFF000;
	s8 =	simm.s32 @p5 $0x2  }
0x37e: {  	_ =	swait.ge @p5 [sflag:s8], $0x1000  }
0x37f: {  	s9 =	sld [smem:$0x7FA];
	_ =	sdelay $0x2  }
0x380: {  	[sflag:s8] =	ssyncset.done @p5 $0x0;
	p0 =	seq.s32 s9, $0x1  }
0x381: {  	[sflag:s8] =	ssyncadd.s32 @p5 $0xFFFFF000;
	s8 =	simm.s32 @p0 $0x2  }
0x382: {  	_ =	swait.ge @p0 [sflag:s8], $0x1000  }
0x383: {  	s11 =	sld [smem:$0x7F8];
	_ =	sdelay $0x1  }
0x384: {  	[sflag:s8] =	ssyncset.done @p0 $0x0  }
0x385: {  	s9 =	smin.u32 s20, $0x180;
	[sflag:s8] =	ssyncadd.s32 @p0 $0xFFFFF000;
	p0 =	seq.s32 s11, $0x1  }
0x386: {  	s9 =	sadd.s32 s9, s13;
	s8 =	simm.s32 @p0 $0x2  }
0x387: {  	v5 =	vadd.s32 s9, v0;
	_ =	swait.ge @p0 [sflag:s8], $0x1000  }
0x388: {  	v6 =	vshll.u32 v5, $0x1;
	[sflag:s8] =	ssyncset.done @p0 $0x0  }
0x389: {  	s15 =	sadd.s32 $0x10, s9;
	v7 =	vand.u32 $0x7, v5;
	v6 =	vand.u32 $0xFFFFFFF0, v6;
	[sflag:s8] =	ssyncadd.s32 @p0 $0xFFFFF000  }
0x38a: {  	s22 =	sadd.s32 $0x20, s9;
	v6 =	vor.u32 v7, v6;
	[tilespmem:$0x18B80] =	vst v5;
	v5 =	vadd.s32 s15, v0  }
0x38b: {  	s24 =	sadd.s32 $0x30, s9;
	v7 =	vperm.xlane v6, v1;
	[tilespmem:$0x18B90] =	vst v5;
	v5 =	vadd.s32 s22, v0  }
0x38c: {  	s11 =	sadd.s32 $0x40, s9;
	[tilespmem:$0x18BA0] =	vst v5;
	v5 =	vadd.s32 s24, v0  }
0x38d: {  	v6 =	vperm.xlane v6, v3;
	v7 =	vadd.s32 v2, v7;
	s15 =	sadd.s32 $0x50, s9;
	[tilespmem:$0x18BB0] =	vst v5;
	v5 =	vadd.s32 s11, v0  }
0x38e: {  	s22 =	sadd.s32 $0x60, s9;
	[tilespmem:$0x18BC0] =	vst v5;
	v5 =	vadd.s32 s15, v0  }
0x38f: {  	v6 =	vadd.s32 v2, v6;
	s24 =	sadd.s32 $0x70, s9;
	[tilespmem:$0x18BD0] =	vst v5;
	v5 =	vadd.s32 s22, v0  }
0x390: {  	[tilespmem:$0x18BE0] =	vst v5;
	v5 =	vadd.s32 s24, v0  }
0x391: {  	[tilespmem:$0x18BF0] =	vst v5  }
0x392: {  	[hbm4b:s4+s7] =	stream.indirect_vreg.scatter [tilespmem:s14], [sflag:$0x8], $0x80, v7, vm0, $0xb8;
	[tilespmem:$0x18C80] =	vst v63  }
0x393: {  	s9 =	simm.s32 $0x11080  }
0x394: {  	[hbm4b:s4+s7] =	stream.indirect_vreg.scatter [tilespmem:s9], [sflag:$0x8], $0x80, v6, vm0, $0xb8;
	[tilespmem:$0x18C80] =	vst v63  }
0x395: {  	v5 =	vld [tilespmem:$0x18B90];
	_ =	sdelay $0x4  }
0x396: {  	v6 =	vshll.u32 v5, $0x1  }
0x397: {  	v5 =	vand.u32 $0x7, v5;
	v6 =	vand.u32 $0xFFFFFFF0, v6  }
0x398: {  	v5 =	vor.u32 v5, v6  }
0x399: {  	v6 =	vperm.xlane v5, v1;
	_ =	sdelay $0x1  }
0x39a: {  	v5 =	vperm.xlane v5, v3;
	v6 =	vadd.s32 v2, v6;
	_ =	sdelay $0x1  }
0x39b: {  	v5 =	vadd.s32 v2, v5;
	_ =	sdelay $0x1  }
0x39c: {  	s11 =	simm.s32 $0x11880  }
0x39d: {  	[hbm4b:s4+s7] =	stream.indirect_vreg.scatter [tilespmem:s11], [sflag:$0x8], $0x80, v6, vm0, $0xb8;
	[tilespmem:$0x18C80] =	vst v63  }
0x39e: {  	s15 =	simm.s32 $0x12080  }
0x39f: {  	[hbm4b:s4+s7] =	stream.indirect_vreg.scatter [tilespmem:s15], [sflag:$0x8], $0x80, v5, vm0, $0xb8;
	[tilespmem:$0x18C80] =	vst v63  }
0x3a0: {  	v5 =	vld [tilespmem:$0x18BA0];
	_ =	sdelay $0x4  }
0x3a1: {  	v6 =	vshll.u32 v5, $0x1  }
0x3a2: {  	v5 =	vand.u32 $0x7, v5;
	v6 =	vand.u32 $0xFFFFFFF0, v6  }
0x3a3: {  	v5 =	vor.u32 v5, v6  }
0x3a4: {  	v6 =	vperm.xlane v5, v1;
	_ =	sdelay $0x1  }
0x3a5: {  	v5 =	vperm.xlane v5, v3;
	v6 =	vadd.s32 v2, v6;
	_ =	sdelay $0x1  }
0x3a6: {  	v5 =	vadd.s32 v2, v5;
	_ =	sdelay $0x1  }
0x3a7: {  	s22 =	simm.s32 $0x12880  }
0x3a8: {  	[hbm4b:s4+s7] =	stream.indirect_vreg.scatter [tilespmem:s22], [sflag:$0x8], $0x80, v6, vm0, $0xb8;
	[tilespmem:$0x18C80] =	vst v63  }
0x3a9: {  	s24 =	simm.s32 $0x13080  }
0x3aa: {  	[hbm4b:s4+s7] =	stream.indirect_vreg.scatter [tilespmem:s24], [sflag:$0x8], $0x80, v5, vm0, $0xb8;
	[tilespmem:$0x18C80] =	vst v63  }
0x3ab: {  	v5 =	vld [tilespmem:$0x18BB0];
	_ =	sdelay $0x4  }
0x3ac: {  	v6 =	vshll.u32 v5, $0x1  }
0x3ad: {  	v5 =	vand.u32 $0x7, v5;
	v6 =	vand.u32 $0xFFFFFFF0, v6  }
0x3ae: {  	v5 =	vor.u32 v5, v6  }
0x3af: {  	v6 =	vperm.xlane v5, v1;
	_ =	sdelay $0x1  }
0x3b0: {  	v5 =	vperm.xlane v5, v3;
	v6 =	vadd.s32 v2, v6;
	_ =	sdelay $0x1  }
0x3b1: {  	v5 =	vadd.s32 v2, v5;
	_ =	sdelay $0x1  }
0x3b2: {  	s9 =	simm.s32 $0x13880  }
0x3b3: {  	[hbm4b:s4+s7] =	stream.indirect_vreg.scatter [tilespmem:s9], [sflag:$0x8], $0x80, v6, vm0, $0xb8;
	[tilespmem:$0x18C80] =	vst v63  }
0x3b4: {  	s11 =	simm.s32 $0x14080  }
0x3b5: {  	[hbm4b:s4+s7] =	stream.indirect_vreg.scatter [tilespmem:s11], [sflag:$0x8], $0x80, v5, vm0, $0xb8;
	[tilespmem:$0x18C80] =	vst v63  }
0x3b6: {  	v5 =	vld [tilespmem:$0x18BC0];
	_ =	sdelay $0x4  }
0x3b7: {  	v6 =	vshll.u32 v5, $0x1  }
0x3b8: {  	v5 =	vand.u32 $0x7, v5;
	v6 =	vand.u32 $0xFFFFFFF0, v6  }
0x3b9: {  	v5 =	vor.u32 v5, v6  }
0x3ba: {  	v6 =	vperm.xlane v5, v1;
	_ =	sdelay $0x1  }
0x3bb: {  	v5 =	vperm.xlane v5, v3;
	v6 =	vadd.s32 v2, v6;
	_ =	sdelay $0x1  }
0x3bc: {  	v5 =	vadd.s32 v2, v5;
	_ =	sdelay $0x1  }
0x3bd: {  	s15 =	simm.s32 $0x14880  }
0x3be: {  	[hbm4b:s4+s7] =	stream.indirect_vreg.scatter [tilespmem:s15], [sflag:$0x8], $0x80, v6, vm0, $0xb8;
	[tilespmem:$0x18C80] =	vst v63  }
0x3bf: {  	s22 =	simm.s32 $0x15080  }
0x3c0: {  	[hbm4b:s4+s7] =	stream.indirect_vreg.scatter [tilespmem:s22], [sflag:$0x8], $0x80, v5, vm0, $0xb8;
	[tilespmem:$0x18C80] =	vst v63  }
0x3c1: {  	v5 =	vld [tilespmem:$0x18BD0];
	_ =	sdelay $0x4  }
0x3c2: {  	v6 =	vshll.u32 v5, $0x1  }
0x3c3: {  	v5 =	vand.u32 $0x7, v5;
	v6 =	vand.u32 $0xFFFFFFF0, v6  }
0x3c4: {  	v5 =	vor.u32 v5, v6  }
0x3c5: {  	v6 =	vperm.xlane v5, v1;
	_ =	sdelay $0x1  }
0x3c6: {  	v5 =	vperm.xlane v5, v3;
	v6 =	vadd.s32 v2, v6;
	_ =	sdelay $0x1  }
0x3c7: {  	v5 =	vadd.s32 v2, v5;
	_ =	sdelay $0x1  }
0x3c8: {  	s24 =	simm.s32 $0x15880  }
0x3c9: {  	[hbm4b:s4+s7] =	stream.indirect_vreg.scatter [tilespmem:s24], [sflag:$0x8], $0x80, v6, vm0, $0xb8;
	[tilespmem:$0x18C80] =	vst v63  }
0x3ca: {  	s9 =	simm.s32 $0x16080  }
0x3cb: {  	[hbm4b:s4+s7] =	stream.indirect_vreg.scatter [tilespmem:s9], [sflag:$0x8], $0x80, v5, vm0, $0xb8;
	[tilespmem:$0x18C80] =	vst v63  }
0x3cc: {  	v5 =	vld [tilespmem:$0x18BE0];
	_ =	sdelay $0x4  }
0x3cd: {  	v6 =	vshll.u32 v5, $0x1  }
0x3ce: {  	v5 =	vand.u32 $0x7, v5;
	v6 =	vand.u32 $0xFFFFFFF0, v6  }
0x3cf: {  	v5 =	vor.u32 v5, v6  }
0x3d0: {  	v6 =	vperm.xlane v5, v1;
	_ =	sdelay $0x1  }
0x3d1: {  	v5 =	vperm.xlane v5, v3;
	v6 =	vadd.s32 v2, v6;
	_ =	sdelay $0x1  }
0x3d2: {  	v5 =	vadd.s32 v2, v5;
	_ =	sdelay $0x1  }
0x3d3: {  	s11 =	simm.s32 $0x16880  }
0x3d4: {  	[hbm4b:s4+s7] =	stream.indirect_vreg.scatter [tilespmem:s11], [sflag:$0x8], $0x80, v6, vm0, $0xb8;
	[tilespmem:$0x18C80] =	vst v63  }
0x3d5: {  	s15 =	simm.s32 $0x17080  }
0x3d6: {  	[hbm4b:s4+s7] =	stream.indirect_vreg.scatter [tilespmem:s15], [sflag:$0x8], $0x80, v5, vm0, $0xb8;
	[tilespmem:$0x18C80] =	vst v63  }
0x3d7: {  	v5 =	vld [tilespmem:$0x18BF0];
	_ =	sdelay $0x4  }
0x3d8: {  	v6 =	vshll.u32 v5, $0x1  }
0x3d9: {  	v5 =	vand.u32 $0x7, v5;
	v6 =	vand.u32 $0xFFFFFFF0, v6  }
0x3da: {  	v5 =	vor.u32 v5, v6  }
0x3db: {  	v6 =	vperm.xlane v5, v1;
	_ =	sdelay $0x1  }
0x3dc: {  	v5 =	vperm.xlane v5, v3;
	v6 =	vadd.s32 v2, v6;
	_ =	sdelay $0x1  }
0x3dd: {  	v5 =	vadd.s32 v2, v5  }
.Ltmp19:
0x3de: {  	_ = 	snop;
	(pc) =	sbr.rel .LBB2_26-.Ltmp19, $4  }
0x3df: {  	s22 =	simm.s32 $0x17880  }
0x3e0: {  	[hbm4b:s4+s7] =	stream.indirect_vreg.scatter [tilespmem:s22], [sflag:$0x8], $0x80, v6, vm0, $0xb8;
	[tilespmem:$0x18C80] =	vst v63  }
0x3e1: {  	s24 =	simm.s32 $0x18080  }
0x3e2: {  	[hbm4b:s4+s7] =	stream.indirect_vreg.scatter [tilespmem:s24], [sflag:$0x8], $0x80, v5, vm0, $0xb8;
	[tilespmem:$0x18C80] =	vst v63  }
.LBB2_25:
0x3e3: {  	s8 =	rddreg [dreg:$0xa]  }
0x3e4: {  	[hbm4b:s8+s7] =	stream.linear.scatter [tilespmem:s14], [sflag:$0x8], $0x8000, $0x38;
	[tilespmem:$0x18C80] =	vst v63  }
.LBB2_26:
0x3e5: {  	p1 =	slt.u32 s18, $0x201  }
.Ltmp20:
0x3e6: {  	_ = 	snop;
	(pc) =	sbr.rel @p1 .LBB2_28-.Ltmp20, $1  }
0x3e7: {  	_ =	sdelay $0x3  }
0x3e8: {  	s8 =	smin.u32 s20, $0x280  }
0x3e9: {  	s8 =	sadd.s32 s8, s16  }
0x3ea: {  	s9 =	sadd.s32 $0xFFFFFF80, s8  }
0x3eb: {  	_ =	swait.ge [sflag:s26], $0x8000;
	v5 =	vadd.s32 s9, v0  }
0x3ec: {  	[sflag:s26] =	ssyncset.done $0x0;
	v6 =	vshll.u32 v5, $0x1  }
0x3ed: {  	[sflag:s26] =	ssyncadd.s32 $0xFFFF8000;
	s22 =	sadd.s32 $0xFFFFFF90, s8;
	v7 =	vand.u32 $0x7, v5;
	v6 =	vand.u32 $0xFFFFFFF0, v6  }
0x3ee: {  	s24 =	sadd.s32 $0xFFFFFFA0, s8;
	[tilespmem:$0x18900] =	vst v5;
	v5 =	vadd.s32 s22, v0;
	v6 =	vor.u32 v7, v6  }
0x3ef: {  	s11 =	sadd.s32 $0xFFFFFFB0, s8;
	[tilespmem:$0x18910] =	vst v5;
	v5 =	vadd.s32 s24, v0;
	v7 =	vperm.xlane v6, v1  }
0x3f0: {  	s15 =	sadd.s32 $0xFFFFFFC0, s8;
	[tilespmem:$0x18920] =	vst v5;
	v5 =	vadd.s32 s11, v0  }
0x3f1: {  	s22 =	sadd.s32 $0xFFFFFFD0, s8;
	[tilespmem:$0x18930] =	vst v5;
	v5 =	vadd.s32 s15, v0;
	v6 =	vperm.xlane v6, v3;
	v7 =	vadd.s32 v2, v7  }
0x3f2: {  	s24 =	sadd.s32 $0xFFFFFFE0, s8;
	[tilespmem:$0x18940] =	vst v5;
	v5 =	vadd.s32 s22, v0  }
0x3f3: {  	s8 =	sadd.s32 $0xFFFFFFF0, s8;
	[tilespmem:$0x18950] =	vst v5;
	v5 =	vadd.s32 s24, v0;
	v6 =	vadd.s32 v2, v6  }
0x3f4: {  	[tilespmem:$0x18960] =	vst v5;
	v5 =	vadd.s32 s8, v0  }
0x3f5: {  	[tilespmem:$0x18970] =	vst v5  }
0x3f6: {  	[tilespmem:s21], [sflag:$0x4] =	stream.indirect_vreg.gather [hbm4b:s1+s7], $0x80, v7, vm0, $0xb8;
	[tilespmem:$0x18C80] =	vst v63  }
0x3f7: {  	s9 =	simm.s32 $0x9080  }
0x3f8: {  	[tilespmem:s9], [sflag:$0x4] =	stream.indirect_vreg.gather [hbm4b:s1+s7], $0x80, v6, vm0, $0xb8;
	[tilespmem:$0x18C80] =	vst v63  }
0x3f9: {  	v5 =	vld [tilespmem:$0x18910];
	_ =	sdelay $0x4  }
0x3fa: {  	v6 =	vshll.u32 v5, $0x1  }
0x3fb: {  	v5 =	vand.u32 $0x7, v5;
	v6 =	vand.u32 $0xFFFFFFF0, v6  }
0x3fc: {  	v5 =	vor.u32 v5, v6  }
0x3fd: {  	v6 =	vperm.xlane v5, v1;
	_ =	sdelay $0x1  }
0x3fe: {  	v5 =	vperm.xlane v5, v3;
	v6 =	vadd.s32 v2, v6;
	_ =	sdelay $0x1  }
0x3ff: {  	v5 =	vadd.s32 v2, v5;
	_ =	sdelay $0x1  }
0x400: {  	s11 =	simm.s32 $0x9880  }
0x401: {  	[tilespmem:s11], [sflag:$0x4] =	stream.indirect_vreg.gather [hbm4b:s1+s7], $0x80, v6, vm0, $0xb8;
	[tilespmem:$0x18C80] =	vst v63  }
0x402: {  	s15 =	simm.s32 $0xA080  }
0x403: {  	[tilespmem:s15], [sflag:$0x4] =	stream.indirect_vreg.gather [hbm4b:s1+s7], $0x80, v5, vm0, $0xb8;
	[tilespmem:$0x18C80] =	vst v63  }
0x404: {  	v5 =	vld [tilespmem:$0x18920];
	_ =	sdelay $0x4  }
0x405: {  	v6 =	vshll.u32 v5, $0x1  }
0x406: {  	v5 =	vand.u32 $0x7, v5;
	v6 =	vand.u32 $0xFFFFFFF0, v6  }
0x407: {  	v5 =	vor.u32 v5, v6  }
0x408: {  	v6 =	vperm.xlane v5, v1;
	_ =	sdelay $0x1  }
0x409: {  	v5 =	vperm.xlane v5, v3;
	v6 =	vadd.s32 v2, v6;
	_ =	sdelay $0x1  }
0x40a: {  	v5 =	vadd.s32 v2, v5;
	_ =	sdelay $0x1  }
0x40b: {  	s22 =	simm.s32 $0xA880  }
0x40c: {  	[tilespmem:s22], [sflag:$0x4] =	stream.indirect_vreg.gather [hbm4b:s1+s7], $0x80, v6, vm0, $0xb8;
	[tilespmem:$0x18C80] =	vst v63  }
0x40d: {  	s24 =	simm.s32 $0xB080  }
0x40e: {  	[tilespmem:s24], [sflag:$0x4] =	stream.indirect_vreg.gather [hbm4b:s1+s7], $0x80, v5, vm0, $0xb8;
	[tilespmem:$0x18C80] =	vst v63  }
0x40f: {  	v5 =	vld [tilespmem:$0x18930];
	_ =	sdelay $0x4  }
0x410: {  	v6 =	vshll.u32 v5, $0x1  }
0x411: {  	v5 =	vand.u32 $0x7, v5;
	v6 =	vand.u32 $0xFFFFFFF0, v6  }
0x412: {  	v5 =	vor.u32 v5, v6  }
0x413: {  	v6 =	vperm.xlane v5, v1;
	_ =	sdelay $0x1  }
0x414: {  	v5 =	vperm.xlane v5, v3;
	v6 =	vadd.s32 v2, v6;
	_ =	sdelay $0x1  }
0x415: {  	v5 =	vadd.s32 v2, v5;
	_ =	sdelay $0x1  }
0x416: {  	s9 =	simm.s32 $0xB880  }
0x417: {  	[tilespmem:s9], [sflag:$0x4] =	stream.indirect_vreg.gather [hbm4b:s1+s7], $0x80, v6, vm0, $0xb8;
	[tilespmem:$0x18C80] =	vst v63  }
0x418: {  	s11 =	simm.s32 $0xC080  }
0x419: {  	[tilespmem:s11], [sflag:$0x4] =	stream.indirect_vreg.gather [hbm4b:s1+s7], $0x80, v5, vm0, $0xb8;
	[tilespmem:$0x18C80] =	vst v63  }
0x41a: {  	v5 =	vld [tilespmem:$0x18940];
	_ =	sdelay $0x4  }
0x41b: {  	v6 =	vshll.u32 v5, $0x1  }
0x41c: {  	v5 =	vand.u32 $0x7, v5;
	v6 =	vand.u32 $0xFFFFFFF0, v6  }
0x41d: {  	v5 =	vor.u32 v5, v6  }
0x41e: {  	v6 =	vperm.xlane v5, v1;
	_ =	sdelay $0x1  }
0x41f: {  	v5 =	vperm.xlane v5, v3;
	v6 =	vadd.s32 v2, v6;
	_ =	sdelay $0x1  }
0x420: {  	v5 =	vadd.s32 v2, v5;
	_ =	sdelay $0x1  }
0x421: {  	s15 =	simm.s32 $0xC880  }
0x422: {  	[tilespmem:s15], [sflag:$0x4] =	stream.indirect_vreg.gather [hbm4b:s1+s7], $0x80, v6, vm0, $0xb8;
	[tilespmem:$0x18C80] =	vst v63  }
0x423: {  	s22 =	simm.s32 $0xD080  }
0x424: {  	[tilespmem:s22], [sflag:$0x4] =	stream.indirect_vreg.gather [hbm4b:s1+s7], $0x80, v5, vm0, $0xb8;
	[tilespmem:$0x18C80] =	vst v63  }
0x425: {  	v5 =	vld [tilespmem:$0x18950];
	_ =	sdelay $0x4  }
0x426: {  	v6 =	vshll.u32 v5, $0x1  }
0x427: {  	v5 =	vand.u32 $0x7, v5;
	v6 =	vand.u32 $0xFFFFFFF0, v6  }
0x428: {  	v5 =	vor.u32 v5, v6  }
0x429: {  	v6 =	vperm.xlane v5, v1;
	_ =	sdelay $0x1  }
0x42a: {  	v5 =	vperm.xlane v5, v3;
	v6 =	vadd.s32 v2, v6;
	_ =	sdelay $0x1  }
0x42b: {  	v5 =	vadd.s32 v2, v5;
	_ =	sdelay $0x1  }
0x42c: {  	s24 =	simm.s32 $0xD880  }
0x42d: {  	[tilespmem:s24], [sflag:$0x4] =	stream.indirect_vreg.gather [hbm4b:s1+s7], $0x80, v6, vm0, $0xb8;
	[tilespmem:$0x18C80] =	vst v63  }
0x42e: {  	s9 =	simm.s32 $0xE080  }
0x42f: {  	[tilespmem:s9], [sflag:$0x4] =	stream.indirect_vreg.gather [hbm4b:s1+s7], $0x80, v5, vm0, $0xb8;
	[tilespmem:$0x18C80] =	vst v63  }
0x430: {  	v5 =	vld [tilespmem:$0x18960];
	_ =	sdelay $0x4  }
0x431: {  	v6 =	vshll.u32 v5, $0x1  }
0x432: {  	v5 =	vand.u32 $0x7, v5;
	v6 =	vand.u32 $0xFFFFFFF0, v6  }
0x433: {  	v5 =	vor.u32 v5, v6  }
0x434: {  	v6 =	vperm.xlane v5, v1;
	_ =	sdelay $0x1  }
0x435: {  	v5 =	vperm.xlane v5, v3;
	v6 =	vadd.s32 v2, v6;
	_ =	sdelay $0x1  }
0x436: {  	v5 =	vadd.s32 v2, v5;
	_ =	sdelay $0x1  }
0x437: {  	s11 =	simm.s32 $0xE880  }
0x438: {  	[tilespmem:s11], [sflag:$0x4] =	stream.indirect_vreg.gather [hbm4b:s1+s7], $0x80, v6, vm0, $0xb8;
	[tilespmem:$0x18C80] =	vst v63  }
0x439: {  	s15 =	simm.s32 $0xF080  }
0x43a: {  	[tilespmem:s15], [sflag:$0x4] =	stream.indirect_vreg.gather [hbm4b:s1+s7], $0x80, v5, vm0, $0xb8;
	[tilespmem:$0x18C80] =	vst v63  }
0x43b: {  	v5 =	vld [tilespmem:$0x18970];
	_ =	sdelay $0x4  }
0x43c: {  	v6 =	vshll.u32 v5, $0x1  }
0x43d: {  	v5 =	vand.u32 $0x7, v5;
	v6 =	vand.u32 $0xFFFFFFF0, v6  }
0x43e: {  	v5 =	vor.u32 v5, v6  }
0x43f: {  	v6 =	vperm.xlane v5, v1;
	_ =	sdelay $0x1  }
0x440: {  	v5 =	vperm.xlane v5, v3;
	v6 =	vadd.s32 v2, v6;
	_ =	sdelay $0x1  }
0x441: {  	v5 =	vadd.s32 v2, v5  }
.Ltmp21:
0x442: {  	_ = 	snop;
	(pc) =	sbr.rel .LBB2_29-.Ltmp21, $4  }
0x443: {  	s22 =	simm.s32 $0xF880  }
0x444: {  	[tilespmem:s22], [sflag:$0x4] =	stream.indirect_vreg.gather [hbm4b:s1+s7], $0x80, v6, vm0, $0xb8;
	[tilespmem:$0x18C80] =	vst v63  }
0x445: {  	s24 =	simm.s32 $0x10080  }
0x446: {  	[tilespmem:s24], [sflag:$0x4] =	stream.indirect_vreg.gather [hbm4b:s1+s7], $0x80, v5, vm0, $0xb8;
	[tilespmem:$0x18C80] =	vst v63  }
.LBB2_28:
.Ltmp22:
0x447: {  	(pc) =	sbr.rel @p6 .LBB2_53-.Ltmp22, $1  }
0x448: {  	_ =	sdelay $0x3  }
.LBB2_29:
0x449: {  	p0 =	sne.s32 s17, $0x3  }
.Ltmp23:
0x44a: {  	_ = 	snop;
	(pc) =	sbr.rel @p0 .LBB2_31-.Ltmp23, $4  }
0x44b: {  	_ = 	snop  }
0x44c: {  	_ =	swait.ge [sflag:s28], $0x8000  }
0x44d: {  	[sflag:s28] =	ssyncset.done $0x0  }
0x44e: {  	[sflag:s28] =	ssyncadd.s32 $0xFFFF8000  }
0x44f: {  	s8 =	simm.s32 @!p3 $0x2  }
0x450: {  	_ =	swait.ge @!p3 [sflag:s8], $0x1000  }
0x451: {  	s15 =	sld [smem:$0x7F7];
	_ =	sdelay $0x2  }
0x452: {  	[sflag:s8] =	ssyncset.done @!p3 $0x0;
	p0 =	seq.s32 s15, $0x1  }
0x453: {  	[sflag:s8] =	ssyncadd.s32 @!p3 $0xFFFFF000;
	s8 =	simm.s32 @p0 $0x2  }
0x454: {  	_ =	swait.ge @p0 [sflag:s8], $0x1000  }
0x455: {  	[sflag:s8] =	ssyncset.done @p0 $0x0  }
0x456: {  	[sflag:s8] =	ssyncadd.s32 @p0 $0xFFFFF000;
	s8 =	simm.s32 @p2 $0x2  }
0x457: {  	_ =	swait.ge @p2 [sflag:s8], $0x1000  }
0x458: {  	s22 =	sld [smem:$0x7F6];
	_ =	sdelay $0x2  }
0x459: {  	[sflag:s8] =	ssyncset.done @p2 $0x0;
	p0 =	seq.s32 s22, $0x1  }
0x45a: {  	[sflag:s8] =	ssyncadd.s32 @p2 $0xFFFFF000;
	s8 =	simm.s32 @p0 $0x2  }
0x45b: {  	_ =	swait.ge @p0 [sflag:s8], $0x1000  }
0x45c: {  	s24 =	sld [smem:$0x7F9];
	_ =	sdelay $0x1  }
0x45d: {  	[sflag:s8] =	ssyncset.done @p0 $0x0  }
0x45e: {  	[sflag:s8] =	ssyncadd.s32 @p0 $0xFFFFF000;
	p0 =	seq.s32 s24, $0x1  }
0x45f: {  	s8 =	simm.s32 @p0 $0x2  }
0x460: {  	_ =	swait.ge @p0 [sflag:s8], $0x1000  }
0x461: {  	[sflag:s8] =	ssyncset.done @p0 $0x0  }
0x462: {  	[sflag:s8] =	ssyncadd.s32 @p0 $0xFFFFF000;
	s8 =	simm.s32 @p5 $0x2  }
0x463: {  	_ =	swait.ge @p5 [sflag:s8], $0x1000  }
0x464: {  	s9 =	sld [smem:$0x7FA];
	_ =	sdelay $0x2  }
0x465: {  	[sflag:s8] =	ssyncset.done @p5 $0x0;
	p0 =	seq.s32 s9, $0x1  }
0x466: {  	[sflag:s8] =	ssyncadd.s32 @p5 $0xFFFFF000;
	s8 =	simm.s32 @p0 $0x2  }
0x467: {  	_ =	swait.ge @p0 [sflag:s8], $0x1000  }
0x468: {  	s11 =	sld [smem:$0x7F8];
	_ =	sdelay $0x1  }
0x469: {  	[sflag:s8] =	ssyncset.done @p0 $0x0  }
0x46a: {  	s9 =	smin.u32 s20, $0x200;
	[sflag:s8] =	ssyncadd.s32 @p0 $0xFFFFF000;
	p0 =	seq.s32 s11, $0x1  }
0x46b: {  	s9 =	sadd.s32 s9, s13;
	s8 =	simm.s32 @p0 $0x2  }
0x46c: {  	v5 =	vadd.s32 s9, v0;
	_ =	swait.ge @p0 [sflag:s8], $0x1000  }
0x46d: {  	v6 =	vshll.u32 v5, $0x1;
	[sflag:s8] =	ssyncset.done @p0 $0x0  }
0x46e: {  	s15 =	sadd.s32 $0x10, s9;
	v7 =	vand.u32 $0x7, v5;
	v6 =	vand.u32 $0xFFFFFFF0, v6;
	[sflag:s8] =	ssyncadd.s32 @p0 $0xFFFFF000  }
0x46f: {  	s22 =	sadd.s32 $0x20, s9;
	v6 =	vor.u32 v7, v6;
	[tilespmem:$0x18A80] =	vst v5;
	v5 =	vadd.s32 s15, v0  }
0x470: {  	s24 =	sadd.s32 $0x30, s9;
	v7 =	vperm.xlane v6, v1;
	[tilespmem:$0x18A90] =	vst v5;
	v5 =	vadd.s32 s22, v0  }
0x471: {  	s11 =	sadd.s32 $0x40, s9;
	[tilespmem:$0x18AA0] =	vst v5;
	v5 =	vadd.s32 s24, v0  }
0x472: {  	v6 =	vperm.xlane v6, v3;
	v7 =	vadd.s32 v2, v7;
	s15 =	sadd.s32 $0x50, s9;
	[tilespmem:$0x18AB0] =	vst v5;
	v5 =	vadd.s32 s11, v0  }
0x473: {  	s22 =	sadd.s32 $0x60, s9;
	[tilespmem:$0x18AC0] =	vst v5;
	v5 =	vadd.s32 s15, v0  }
0x474: {  	v6 =	vadd.s32 v2, v6;
	s24 =	sadd.s32 $0x70, s9;
	[tilespmem:$0x18AD0] =	vst v5;
	v5 =	vadd.s32 s22, v0  }
0x475: {  	[tilespmem:$0x18AE0] =	vst v5;
	v5 =	vadd.s32 s24, v0  }
0x476: {  	[tilespmem:$0x18AF0] =	vst v5  }
0x477: {  	[hbm4b:s4+s7] =	stream.indirect_vreg.scatter [tilespmem:s23], [sflag:$0x6], $0x80, v7, vm0, $0xb8;
	[tilespmem:$0x18C80] =	vst v63  }
0x478: {  	s9 =	simm.s32 $0x1080  }
0x479: {  	[hbm4b:s4+s7] =	stream.indirect_vreg.scatter [tilespmem:s9], [sflag:$0x6], $0x80, v6, vm0, $0xb8;
	[tilespmem:$0x18C80] =	vst v63  }
0x47a: {  	v5 =	vld [tilespmem:$0x18A90];
	_ =	sdelay $0x4  }
0x47b: {  	v6 =	vshll.u32 v5, $0x1  }
0x47c: {  	v5 =	vand.u32 $0x7, v5;
	v6 =	vand.u32 $0xFFFFFFF0, v6  }
0x47d: {  	v5 =	vor.u32 v5, v6  }
0x47e: {  	v6 =	vperm.xlane v5, v1;
	_ =	sdelay $0x1  }
0x47f: {  	v5 =	vperm.xlane v5, v3;
	v6 =	vadd.s32 v2, v6;
	_ =	sdelay $0x1  }
0x480: {  	v5 =	vadd.s32 v2, v5;
	_ =	sdelay $0x1  }
0x481: {  	s11 =	simm.s32 $0x1880  }
0x482: {  	[hbm4b:s4+s7] =	stream.indirect_vreg.scatter [tilespmem:s11], [sflag:$0x6], $0x80, v6, vm0, $0xb8;
	[tilespmem:$0x18C80] =	vst v63  }
0x483: {  	s15 =	simm.s32 $0x2080  }
0x484: {  	[hbm4b:s4+s7] =	stream.indirect_vreg.scatter [tilespmem:s15], [sflag:$0x6], $0x80, v5, vm0, $0xb8;
	[tilespmem:$0x18C80] =	vst v63  }
0x485: {  	v5 =	vld [tilespmem:$0x18AA0];
	_ =	sdelay $0x4  }
0x486: {  	v6 =	vshll.u32 v5, $0x1  }
0x487: {  	v5 =	vand.u32 $0x7, v5;
	v6 =	vand.u32 $0xFFFFFFF0, v6  }
0x488: {  	v5 =	vor.u32 v5, v6  }
0x489: {  	v6 =	vperm.xlane v5, v1;
	_ =	sdelay $0x1  }
0x48a: {  	v5 =	vperm.xlane v5, v3;
	v6 =	vadd.s32 v2, v6;
	_ =	sdelay $0x1  }
0x48b: {  	v5 =	vadd.s32 v2, v5;
	_ =	sdelay $0x1  }
0x48c: {  	s22 =	simm.s32 $0x2880  }
0x48d: {  	[hbm4b:s4+s7] =	stream.indirect_vreg.scatter [tilespmem:s22], [sflag:$0x6], $0x80, v6, vm0, $0xb8;
	[tilespmem:$0x18C80] =	vst v63  }
0x48e: {  	s24 =	simm.s32 $0x3080  }
0x48f: {  	[hbm4b:s4+s7] =	stream.indirect_vreg.scatter [tilespmem:s24], [sflag:$0x6], $0x80, v5, vm0, $0xb8;
	[tilespmem:$0x18C80] =	vst v63  }
0x490: {  	v5 =	vld [tilespmem:$0x18AB0];
	_ =	sdelay $0x4  }
0x491: {  	v6 =	vshll.u32 v5, $0x1  }
0x492: {  	v5 =	vand.u32 $0x7, v5;
	v6 =	vand.u32 $0xFFFFFFF0, v6  }
0x493: {  	v5 =	vor.u32 v5, v6  }
0x494: {  	v6 =	vperm.xlane v5, v1;
	_ =	sdelay $0x1  }
0x495: {  	v5 =	vperm.xlane v5, v3;
	v6 =	vadd.s32 v2, v6;
	_ =	sdelay $0x1  }
0x496: {  	v5 =	vadd.s32 v2, v5;
	_ =	sdelay $0x1  }
0x497: {  	s9 =	simm.s32 $0x3880  }
0x498: {  	[hbm4b:s4+s7] =	stream.indirect_vreg.scatter [tilespmem:s9], [sflag:$0x6], $0x80, v6, vm0, $0xb8;
	[tilespmem:$0x18C80] =	vst v63  }
0x499: {  	s11 =	simm.s32 $0x4080  }
0x49a: {  	[hbm4b:s4+s7] =	stream.indirect_vreg.scatter [tilespmem:s11], [sflag:$0x6], $0x80, v5, vm0, $0xb8;
	[tilespmem:$0x18C80] =	vst v63  }
0x49b: {  	v5 =	vld [tilespmem:$0x18AC0];
	_ =	sdelay $0x4  }
0x49c: {  	v6 =	vshll.u32 v5, $0x1  }
0x49d: {  	v5 =	vand.u32 $0x7, v5;
	v6 =	vand.u32 $0xFFFFFFF0, v6  }
0x49e: {  	v5 =	vor.u32 v5, v6  }
0x49f: {  	v6 =	vperm.xlane v5, v1;
	_ =	sdelay $0x1  }
0x4a0: {  	v5 =	vperm.xlane v5, v3;
	v6 =	vadd.s32 v2, v6;
	_ =	sdelay $0x1  }
0x4a1: {  	v5 =	vadd.s32 v2, v5;
	_ =	sdelay $0x1  }
0x4a2: {  	s15 =	simm.s32 $0x4880  }
0x4a3: {  	[hbm4b:s4+s7] =	stream.indirect_vreg.scatter [tilespmem:s15], [sflag:$0x6], $0x80, v6, vm0, $0xb8;
	[tilespmem:$0x18C80] =	vst v63  }
0x4a4: {  	s22 =	simm.s32 $0x5080  }
0x4a5: {  	[hbm4b:s4+s7] =	stream.indirect_vreg.scatter [tilespmem:s22], [sflag:$0x6], $0x80, v5, vm0, $0xb8;
	[tilespmem:$0x18C80] =	vst v63  }
0x4a6: {  	v5 =	vld [tilespmem:$0x18AD0];
	_ =	sdelay $0x4  }
0x4a7: {  	v6 =	vshll.u32 v5, $0x1  }
0x4a8: {  	v5 =	vand.u32 $0x7, v5;
	v6 =	vand.u32 $0xFFFFFFF0, v6  }
0x4a9: {  	v5 =	vor.u32 v5, v6  }
0x4aa: {  	v6 =	vperm.xlane v5, v1;
	_ =	sdelay $0x1  }
0x4ab: {  	v5 =	vperm.xlane v5, v3;
	v6 =	vadd.s32 v2, v6;
	_ =	sdelay $0x1  }
0x4ac: {  	v5 =	vadd.s32 v2, v5;
	_ =	sdelay $0x1  }
0x4ad: {  	s24 =	simm.s32 $0x5880  }
0x4ae: {  	[hbm4b:s4+s7] =	stream.indirect_vreg.scatter [tilespmem:s24], [sflag:$0x6], $0x80, v6, vm0, $0xb8;
	[tilespmem:$0x18C80] =	vst v63  }
0x4af: {  	s9 =	simm.s32 $0x6080  }
0x4b0: {  	[hbm4b:s4+s7] =	stream.indirect_vreg.scatter [tilespmem:s9], [sflag:$0x6], $0x80, v5, vm0, $0xb8;
	[tilespmem:$0x18C80] =	vst v63  }
0x4b1: {  	v5 =	vld [tilespmem:$0x18AE0];
	_ =	sdelay $0x4  }
0x4b2: {  	v6 =	vshll.u32 v5, $0x1  }
0x4b3: {  	v5 =	vand.u32 $0x7, v5;
	v6 =	vand.u32 $0xFFFFFFF0, v6  }
0x4b4: {  	v5 =	vor.u32 v5, v6  }
0x4b5: {  	v6 =	vperm.xlane v5, v1;
	_ =	sdelay $0x1  }
0x4b6: {  	v5 =	vperm.xlane v5, v3;
	v6 =	vadd.s32 v2, v6;
	_ =	sdelay $0x1  }
0x4b7: {  	v5 =	vadd.s32 v2, v5;
	_ =	sdelay $0x1  }
0x4b8: {  	s11 =	simm.s32 $0x6880  }
0x4b9: {  	[hbm4b:s4+s7] =	stream.indirect_vreg.scatter [tilespmem:s11], [sflag:$0x6], $0x80, v6, vm0, $0xb8;
	[tilespmem:$0x18C80] =	vst v63  }
0x4ba: {  	s15 =	simm.s32 $0x7080  }
0x4bb: {  	[hbm4b:s4+s7] =	stream.indirect_vreg.scatter [tilespmem:s15], [sflag:$0x6], $0x80, v5, vm0, $0xb8;
	[tilespmem:$0x18C80] =	vst v63  }
0x4bc: {  	v5 =	vld [tilespmem:$0x18AF0];
	_ =	sdelay $0x4  }
0x4bd: {  	v6 =	vshll.u32 v5, $0x1  }
0x4be: {  	v5 =	vand.u32 $0x7, v5;
	v6 =	vand.u32 $0xFFFFFFF0, v6  }
0x4bf: {  	v5 =	vor.u32 v5, v6  }
0x4c0: {  	v6 =	vperm.xlane v5, v1;
	_ =	sdelay $0x1  }
0x4c1: {  	v5 =	vperm.xlane v5, v3;
	v6 =	vadd.s32 v2, v6;
	_ =	sdelay $0x1  }
0x4c2: {  	v5 =	vadd.s32 v2, v5  }
.Ltmp24:
0x4c3: {  	_ = 	snop;
	(pc) =	sbr.rel .LBB2_32-.Ltmp24, $4  }
0x4c4: {  	s22 =	simm.s32 $0x7880  }
0x4c5: {  	[hbm4b:s4+s7] =	stream.indirect_vreg.scatter [tilespmem:s22], [sflag:$0x6], $0x80, v6, vm0, $0xb8;
	[tilespmem:$0x18C80] =	vst v63  }
0x4c6: {  	s24 =	simm.s32 $0x8080  }
0x4c7: {  	[hbm4b:s4+s7] =	stream.indirect_vreg.scatter [tilespmem:s24], [sflag:$0x6], $0x80, v5, vm0, $0xb8;
	[tilespmem:$0x18C80] =	vst v63  }
.LBB2_31:
0x4c8: {  	s8 =	rddreg [dreg:$0xb]  }
0x4c9: {  	[hbm4b:s8+s7] =	stream.linear.scatter [tilespmem:s23], [sflag:$0x6], $0x8000, $0x38;
	[tilespmem:$0x18C80] =	vst v63  }
.LBB2_32:
0x4ca: {  	p6 =	slt.u32 s18, $0x281  }
.Ltmp25:
0x4cb: {  	_ = 	snop;
	(pc) =	sbr.rel @p6 .LBB2_34-.Ltmp25, $1  }
0x4cc: {  	_ =	sdelay $0x3  }
0x4cd: {  	s8 =	smin.u32 s20, $0x300  }
0x4ce: {  	s8 =	sadd.s32 s8, s16  }
0x4cf: {  	s9 =	sadd.s32 $0xFFFFFF80, s8  }
0x4d0: {  	_ =	swait.ge [sflag:s29], $0x8000;
	v5 =	vadd.s32 s9, v0  }
0x4d1: {  	[sflag:s29] =	ssyncset.done $0x0;
	v6 =	vshll.u32 v5, $0x1  }
0x4d2: {  	[sflag:s29] =	ssyncadd.s32 $0xFFFF8000;
	s22 =	sadd.s32 $0xFFFFFF90, s8;
	v7 =	vand.u32 $0x7, v5;
	v6 =	vand.u32 $0xFFFFFFF0, v6  }
0x4d3: {  	s24 =	sadd.s32 $0xFFFFFFA0, s8;
	[tilespmem:$0x18980] =	vst v5;
	v5 =	vadd.s32 s22, v0;
	v6 =	vor.u32 v7, v6  }
0x4d4: {  	s11 =	sadd.s32 $0xFFFFFFB0, s8;
	[tilespmem:$0x18990] =	vst v5;
	v5 =	vadd.s32 s24, v0;
	v7 =	vperm.xlane v6, v1  }
0x4d5: {  	s15 =	sadd.s32 $0xFFFFFFC0, s8;
	[tilespmem:$0x189A0] =	vst v5;
	v5 =	vadd.s32 s11, v0  }
0x4d6: {  	s22 =	sadd.s32 $0xFFFFFFD0, s8;
	[tilespmem:$0x189B0] =	vst v5;
	v5 =	vadd.s32 s15, v0;
	v6 =	vperm.xlane v6, v3;
	v7 =	vadd.s32 v2, v7  }
0x4d7: {  	s24 =	sadd.s32 $0xFFFFFFE0, s8;
	[tilespmem:$0x189C0] =	vst v5;
	v5 =	vadd.s32 s22, v0  }
0x4d8: {  	s8 =	sadd.s32 $0xFFFFFFF0, s8;
	[tilespmem:$0x189D0] =	vst v5;
	v5 =	vadd.s32 s24, v0;
	v6 =	vadd.s32 v2, v6  }
0x4d9: {  	[tilespmem:$0x189E0] =	vst v5;
	v5 =	vadd.s32 s8, v0  }
0x4da: {  	[tilespmem:$0x189F0] =	vst v5  }
0x4db: {  	[tilespmem:s14], [sflag:$0x5] =	stream.indirect_vreg.gather [hbm4b:s1+s7], $0x80, v7, vm0, $0xb8;
	[tilespmem:$0x18C80] =	vst v63  }
0x4dc: {  	s9 =	simm.s32 $0x11080  }
0x4dd: {  	[tilespmem:s9], [sflag:$0x5] =	stream.indirect_vreg.gather [hbm4b:s1+s7], $0x80, v6, vm0, $0xb8;
	[tilespmem:$0x18C80] =	vst v63  }
0x4de: {  	v5 =	vld [tilespmem:$0x18990];
	_ =	sdelay $0x4  }
0x4df: {  	v6 =	vshll.u32 v5, $0x1  }
0x4e0: {  	v5 =	vand.u32 $0x7, v5;
	v6 =	vand.u32 $0xFFFFFFF0, v6  }
0x4e1: {  	v5 =	vor.u32 v5, v6  }
0x4e2: {  	v6 =	vperm.xlane v5, v1;
	_ =	sdelay $0x1  }
0x4e3: {  	v5 =	vperm.xlane v5, v3;
	v6 =	vadd.s32 v2, v6;
	_ =	sdelay $0x1  }
0x4e4: {  	v5 =	vadd.s32 v2, v5;
	_ =	sdelay $0x1  }
0x4e5: {  	s11 =	simm.s32 $0x11880  }
0x4e6: {  	[tilespmem:s11], [sflag:$0x5] =	stream.indirect_vreg.gather [hbm4b:s1+s7], $0x80, v6, vm0, $0xb8;
	[tilespmem:$0x18C80] =	vst v63  }
0x4e7: {  	s15 =	simm.s32 $0x12080  }
0x4e8: {  	[tilespmem:s15], [sflag:$0x5] =	stream.indirect_vreg.gather [hbm4b:s1+s7], $0x80, v5, vm0, $0xb8;
	[tilespmem:$0x18C80] =	vst v63  }
0x4e9: {  	v5 =	vld [tilespmem:$0x189A0];
	_ =	sdelay $0x4  }
0x4ea: {  	v6 =	vshll.u32 v5, $0x1  }
0x4eb: {  	v5 =	vand.u32 $0x7, v5;
	v6 =	vand.u32 $0xFFFFFFF0, v6  }
0x4ec: {  	v5 =	vor.u32 v5, v6  }
0x4ed: {  	v6 =	vperm.xlane v5, v1;
	_ =	sdelay $0x1  }
0x4ee: {  	v5 =	vperm.xlane v5, v3;
	v6 =	vadd.s32 v2, v6;
	_ =	sdelay $0x1  }
0x4ef: {  	v5 =	vadd.s32 v2, v5;
	_ =	sdelay $0x1  }
0x4f0: {  	s22 =	simm.s32 $0x12880  }
0x4f1: {  	[tilespmem:s22], [sflag:$0x5] =	stream.indirect_vreg.gather [hbm4b:s1+s7], $0x80, v6, vm0, $0xb8;
	[tilespmem:$0x18C80] =	vst v63  }
0x4f2: {  	s24 =	simm.s32 $0x13080  }
0x4f3: {  	[tilespmem:s24], [sflag:$0x5] =	stream.indirect_vreg.gather [hbm4b:s1+s7], $0x80, v5, vm0, $0xb8;
	[tilespmem:$0x18C80] =	vst v63  }
0x4f4: {  	v5 =	vld [tilespmem:$0x189B0];
	_ =	sdelay $0x4  }
0x4f5: {  	v6 =	vshll.u32 v5, $0x1  }
0x4f6: {  	v5 =	vand.u32 $0x7, v5;
	v6 =	vand.u32 $0xFFFFFFF0, v6  }
0x4f7: {  	v5 =	vor.u32 v5, v6  }
0x4f8: {  	v6 =	vperm.xlane v5, v1;
	_ =	sdelay $0x1  }
0x4f9: {  	v5 =	vperm.xlane v5, v3;
	v6 =	vadd.s32 v2, v6;
	_ =	sdelay $0x1  }
0x4fa: {  	v5 =	vadd.s32 v2, v5;
	_ =	sdelay $0x1  }
0x4fb: {  	s9 =	simm.s32 $0x13880  }
0x4fc: {  	[tilespmem:s9], [sflag:$0x5] =	stream.indirect_vreg.gather [hbm4b:s1+s7], $0x80, v6, vm0, $0xb8;
	[tilespmem:$0x18C80] =	vst v63  }
0x4fd: {  	s11 =	simm.s32 $0x14080  }
0x4fe: {  	[tilespmem:s11], [sflag:$0x5] =	stream.indirect_vreg.gather [hbm4b:s1+s7], $0x80, v5, vm0, $0xb8;
	[tilespmem:$0x18C80] =	vst v63  }
0x4ff: {  	v5 =	vld [tilespmem:$0x189C0];
	_ =	sdelay $0x4  }
0x500: {  	v6 =	vshll.u32 v5, $0x1  }
0x501: {  	v5 =	vand.u32 $0x7, v5;
	v6 =	vand.u32 $0xFFFFFFF0, v6  }
0x502: {  	v5 =	vor.u32 v5, v6  }
0x503: {  	v6 =	vperm.xlane v5, v1;
	_ =	sdelay $0x1  }
0x504: {  	v5 =	vperm.xlane v5, v3;
	v6 =	vadd.s32 v2, v6;
	_ =	sdelay $0x1  }
0x505: {  	v5 =	vadd.s32 v2, v5;
	_ =	sdelay $0x1  }
0x506: {  	s15 =	simm.s32 $0x14880  }
0x507: {  	[tilespmem:s15], [sflag:$0x5] =	stream.indirect_vreg.gather [hbm4b:s1+s7], $0x80, v6, vm0, $0xb8;
	[tilespmem:$0x18C80] =	vst v63  }
0x508: {  	s22 =	simm.s32 $0x15080  }
0x509: {  	[tilespmem:s22], [sflag:$0x5] =	stream.indirect_vreg.gather [hbm4b:s1+s7], $0x80, v5, vm0, $0xb8;
	[tilespmem:$0x18C80] =	vst v63  }
0x50a: {  	v5 =	vld [tilespmem:$0x189D0];
	_ =	sdelay $0x4  }
0x50b: {  	v6 =	vshll.u32 v5, $0x1  }
0x50c: {  	v5 =	vand.u32 $0x7, v5;
	v6 =	vand.u32 $0xFFFFFFF0, v6  }
0x50d: {  	v5 =	vor.u32 v5, v6  }
0x50e: {  	v6 =	vperm.xlane v5, v1;
	_ =	sdelay $0x1  }
0x50f: {  	v5 =	vperm.xlane v5, v3;
	v6 =	vadd.s32 v2, v6;
	_ =	sdelay $0x1  }
0x510: {  	v5 =	vadd.s32 v2, v5;
	_ =	sdelay $0x1  }
0x511: {  	s24 =	simm.s32 $0x15880  }
0x512: {  	[tilespmem:s24], [sflag:$0x5] =	stream.indirect_vreg.gather [hbm4b:s1+s7], $0x80, v6, vm0, $0xb8;
	[tilespmem:$0x18C80] =	vst v63  }
0x513: {  	s9 =	simm.s32 $0x16080  }
0x514: {  	[tilespmem:s9], [sflag:$0x5] =	stream.indirect_vreg.gather [hbm4b:s1+s7], $0x80, v5, vm0, $0xb8;
	[tilespmem:$0x18C80] =	vst v63  }
0x515: {  	v5 =	vld [tilespmem:$0x189E0];
	_ =	sdelay $0x4  }
0x516: {  	v6 =	vshll.u32 v5, $0x1  }
0x517: {  	v5 =	vand.u32 $0x7, v5;
	v6 =	vand.u32 $0xFFFFFFF0, v6  }
0x518: {  	v5 =	vor.u32 v5, v6  }
0x519: {  	v6 =	vperm.xlane v5, v1;
	_ =	sdelay $0x1  }
0x51a: {  	v5 =	vperm.xlane v5, v3;
	v6 =	vadd.s32 v2, v6;
	_ =	sdelay $0x1  }
0x51b: {  	v5 =	vadd.s32 v2, v5;
	_ =	sdelay $0x1  }
0x51c: {  	s11 =	simm.s32 $0x16880  }
0x51d: {  	[tilespmem:s11], [sflag:$0x5] =	stream.indirect_vreg.gather [hbm4b:s1+s7], $0x80, v6, vm0, $0xb8;
	[tilespmem:$0x18C80] =	vst v63  }
0x51e: {  	s15 =	simm.s32 $0x17080  }
0x51f: {  	[tilespmem:s15], [sflag:$0x5] =	stream.indirect_vreg.gather [hbm4b:s1+s7], $0x80, v5, vm0, $0xb8;
	[tilespmem:$0x18C80] =	vst v63  }
0x520: {  	v5 =	vld [tilespmem:$0x189F0];
	_ =	sdelay $0x4  }
0x521: {  	v6 =	vshll.u32 v5, $0x1  }
0x522: {  	v5 =	vand.u32 $0x7, v5;
	v6 =	vand.u32 $0xFFFFFFF0, v6  }
0x523: {  	v5 =	vor.u32 v5, v6  }
0x524: {  	v6 =	vperm.xlane v5, v1;
	_ =	sdelay $0x1  }
0x525: {  	v5 =	vperm.xlane v5, v3;
	v6 =	vadd.s32 v2, v6;
	_ =	sdelay $0x1  }
0x526: {  	v5 =	vadd.s32 v2, v5  }
.Ltmp26:
0x527: {  	_ = 	snop;
	(pc) =	sbr.rel .LBB2_35-.Ltmp26, $4  }
0x528: {  	s22 =	simm.s32 $0x17880  }
0x529: {  	[tilespmem:s22], [sflag:$0x5] =	stream.indirect_vreg.gather [hbm4b:s1+s7], $0x80, v6, vm0, $0xb8;
	[tilespmem:$0x18C80] =	vst v63  }
0x52a: {  	s24 =	simm.s32 $0x18080  }
0x52b: {  	[tilespmem:s24], [sflag:$0x5] =	stream.indirect_vreg.gather [hbm4b:s1+s7], $0x80, v5, vm0, $0xb8;
	[tilespmem:$0x18C80] =	vst v63  }
.LBB2_34:
.Ltmp27:
0x52c: {  	(pc) =	sbr.rel @p1 .LBB2_53-.Ltmp27, $1  }
0x52d: {  	_ =	sdelay $0x3  }
.LBB2_35:
0x52e: {  	p0 =	sne.s32 s17, $0x4  }
.Ltmp28:
0x52f: {  	_ = 	snop;
	(pc) =	sbr.rel @p0 .LBB2_37-.Ltmp28, $4  }
0x530: {  	_ = 	snop  }
0x531: {  	_ =	swait.ge [sflag:s2], $0x8000  }
0x532: {  	[sflag:s2] =	ssyncset.done $0x0  }
0x533: {  	[sflag:s2] =	ssyncadd.s32 $0xFFFF8000  }
0x534: {  	s8 =	simm.s32 @!p3 $0x2  }
0x535: {  	_ =	swait.ge @!p3 [sflag:s8], $0x1000  }
0x536: {  	s15 =	sld [smem:$0x7F7];
	_ =	sdelay $0x2  }
0x537: {  	[sflag:s8] =	ssyncset.done @!p3 $0x0;
	p0 =	seq.s32 s15, $0x1  }
0x538: {  	[sflag:s8] =	ssyncadd.s32 @!p3 $0xFFFFF000;
	s8 =	simm.s32 @p0 $0x2  }
0x539: {  	_ =	swait.ge @p0 [sflag:s8], $0x1000  }
0x53a: {  	[sflag:s8] =	ssyncset.done @p0 $0x0  }
0x53b: {  	[sflag:s8] =	ssyncadd.s32 @p0 $0xFFFFF000;
	s8 =	simm.s32 @p2 $0x2  }
0x53c: {  	_ =	swait.ge @p2 [sflag:s8], $0x1000  }
0x53d: {  	s22 =	sld [smem:$0x7F6];
	_ =	sdelay $0x2  }
0x53e: {  	[sflag:s8] =	ssyncset.done @p2 $0x0;
	p0 =	seq.s32 s22, $0x1  }
0x53f: {  	[sflag:s8] =	ssyncadd.s32 @p2 $0xFFFFF000;
	s8 =	simm.s32 @p0 $0x2  }
0x540: {  	_ =	swait.ge @p0 [sflag:s8], $0x1000  }
0x541: {  	s24 =	sld [smem:$0x7F9];
	_ =	sdelay $0x1  }
0x542: {  	[sflag:s8] =	ssyncset.done @p0 $0x0  }
0x543: {  	[sflag:s8] =	ssyncadd.s32 @p0 $0xFFFFF000;
	p0 =	seq.s32 s24, $0x1  }
0x544: {  	s8 =	simm.s32 @p0 $0x2  }
0x545: {  	_ =	swait.ge @p0 [sflag:s8], $0x1000  }
0x546: {  	[sflag:s8] =	ssyncset.done @p0 $0x0  }
0x547: {  	[sflag:s8] =	ssyncadd.s32 @p0 $0xFFFFF000;
	s8 =	simm.s32 @p5 $0x2  }
0x548: {  	_ =	swait.ge @p5 [sflag:s8], $0x1000  }
0x549: {  	s9 =	sld [smem:$0x7FA];
	_ =	sdelay $0x2  }
0x54a: {  	[sflag:s8] =	ssyncset.done @p5 $0x0;
	p0 =	seq.s32 s9, $0x1  }
0x54b: {  	[sflag:s8] =	ssyncadd.s32 @p5 $0xFFFFF000;
	s8 =	simm.s32 @p0 $0x2  }
0x54c: {  	_ =	swait.ge @p0 [sflag:s8], $0x1000  }
0x54d: {  	s11 =	sld [smem:$0x7F8];
	_ =	sdelay $0x1  }
0x54e: {  	[sflag:s8] =	ssyncset.done @p0 $0x0  }
0x54f: {  	s9 =	smin.u32 s20, $0x280;
	[sflag:s8] =	ssyncadd.s32 @p0 $0xFFFFF000;
	p0 =	seq.s32 s11, $0x1  }
0x550: {  	s9 =	sadd.s32 s9, s13;
	s8 =	simm.s32 @p0 $0x2  }
0x551: {  	v5 =	vadd.s32 s9, v0;
	_ =	swait.ge @p0 [sflag:s8], $0x1000  }
0x552: {  	v6 =	vshll.u32 v5, $0x1;
	[sflag:s8] =	ssyncset.done @p0 $0x0  }
0x553: {  	s15 =	sadd.s32 $0x10, s9;
	v7 =	vand.u32 $0x7, v5;
	v6 =	vand.u32 $0xFFFFFFF0, v6;
	[sflag:s8] =	ssyncadd.s32 @p0 $0xFFFFF000  }
0x554: {  	s22 =	sadd.s32 $0x20, s9;
	v6 =	vor.u32 v7, v6;
	[tilespmem:$0x18B00] =	vst v5;
	v5 =	vadd.s32 s15, v0  }
0x555: {  	s24 =	sadd.s32 $0x30, s9;
	v7 =	vperm.xlane v6, v1;
	[tilespmem:$0x18B10] =	vst v5;
	v5 =	vadd.s32 s22, v0  }
0x556: {  	s11 =	sadd.s32 $0x40, s9;
	[tilespmem:$0x18B20] =	vst v5;
	v5 =	vadd.s32 s24, v0  }
0x557: {  	v6 =	vperm.xlane v6, v3;
	v7 =	vadd.s32 v2, v7;
	s15 =	sadd.s32 $0x50, s9;
	[tilespmem:$0x18B30] =	vst v5;
	v5 =	vadd.s32 s11, v0  }
0x558: {  	s22 =	sadd.s32 $0x60, s9;
	[tilespmem:$0x18B40] =	vst v5;
	v5 =	vadd.s32 s15, v0  }
0x559: {  	v6 =	vadd.s32 v2, v6;
	s24 =	sadd.s32 $0x70, s9;
	[tilespmem:$0x18B50] =	vst v5;
	v5 =	vadd.s32 s22, v0  }
0x55a: {  	[tilespmem:$0x18B60] =	vst v5;
	v5 =	vadd.s32 s24, v0  }
0x55b: {  	[tilespmem:$0x18B70] =	vst v5  }
0x55c: {  	[hbm4b:s4+s7] =	stream.indirect_vreg.scatter [tilespmem:s21], [sflag:$0x7], $0x80, v7, vm0, $0xb8;
	[tilespmem:$0x18C80] =	vst v63  }
0x55d: {  	s9 =	simm.s32 $0x9080  }
0x55e: {  	[hbm4b:s4+s7] =	stream.indirect_vreg.scatter [tilespmem:s9], [sflag:$0x7], $0x80, v6, vm0, $0xb8;
	[tilespmem:$0x18C80] =	vst v63  }
0x55f: {  	v5 =	vld [tilespmem:$0x18B10];
	_ =	sdelay $0x4  }
0x560: {  	v6 =	vshll.u32 v5, $0x1  }
0x561: {  	v5 =	vand.u32 $0x7, v5;
	v6 =	vand.u32 $0xFFFFFFF0, v6  }
0x562: {  	v5 =	vor.u32 v5, v6  }
0x563: {  	v6 =	vperm.xlane v5, v1;
	_ =	sdelay $0x1  }
0x564: {  	v5 =	vperm.xlane v5, v3;
	v6 =	vadd.s32 v2, v6;
	_ =	sdelay $0x1  }
0x565: {  	v5 =	vadd.s32 v2, v5;
	_ =	sdelay $0x1  }
0x566: {  	s11 =	simm.s32 $0x9880  }
0x567: {  	[hbm4b:s4+s7] =	stream.indirect_vreg.scatter [tilespmem:s11], [sflag:$0x7], $0x80, v6, vm0, $0xb8;
	[tilespmem:$0x18C80] =	vst v63  }
0x568: {  	s15 =	simm.s32 $0xA080  }
0x569: {  	[hbm4b:s4+s7] =	stream.indirect_vreg.scatter [tilespmem:s15], [sflag:$0x7], $0x80, v5, vm0, $0xb8;
	[tilespmem:$0x18C80] =	vst v63  }
0x56a: {  	v5 =	vld [tilespmem:$0x18B20];
	_ =	sdelay $0x4  }
0x56b: {  	v6 =	vshll.u32 v5, $0x1  }
0x56c: {  	v5 =	vand.u32 $0x7, v5;
	v6 =	vand.u32 $0xFFFFFFF0, v6  }
0x56d: {  	v5 =	vor.u32 v5, v6  }
0x56e: {  	v6 =	vperm.xlane v5, v1;
	_ =	sdelay $0x1  }
0x56f: {  	v5 =	vperm.xlane v5, v3;
	v6 =	vadd.s32 v2, v6;
	_ =	sdelay $0x1  }
0x570: {  	v5 =	vadd.s32 v2, v5;
	_ =	sdelay $0x1  }
0x571: {  	s22 =	simm.s32 $0xA880  }
0x572: {  	[hbm4b:s4+s7] =	stream.indirect_vreg.scatter [tilespmem:s22], [sflag:$0x7], $0x80, v6, vm0, $0xb8;
	[tilespmem:$0x18C80] =	vst v63  }
0x573: {  	s24 =	simm.s32 $0xB080  }
0x574: {  	[hbm4b:s4+s7] =	stream.indirect_vreg.scatter [tilespmem:s24], [sflag:$0x7], $0x80, v5, vm0, $0xb8;
	[tilespmem:$0x18C80] =	vst v63  }
0x575: {  	v5 =	vld [tilespmem:$0x18B30];
	_ =	sdelay $0x4  }
0x576: {  	v6 =	vshll.u32 v5, $0x1  }
0x577: {  	v5 =	vand.u32 $0x7, v5;
	v6 =	vand.u32 $0xFFFFFFF0, v6  }
0x578: {  	v5 =	vor.u32 v5, v6  }
0x579: {  	v6 =	vperm.xlane v5, v1;
	_ =	sdelay $0x1  }
0x57a: {  	v5 =	vperm.xlane v5, v3;
	v6 =	vadd.s32 v2, v6;
	_ =	sdelay $0x1  }
0x57b: {  	v5 =	vadd.s32 v2, v5;
	_ =	sdelay $0x1  }
0x57c: {  	s9 =	simm.s32 $0xB880  }
0x57d: {  	[hbm4b:s4+s7] =	stream.indirect_vreg.scatter [tilespmem:s9], [sflag:$0x7], $0x80, v6, vm0, $0xb8;
	[tilespmem:$0x18C80] =	vst v63  }
0x57e: {  	s11 =	simm.s32 $0xC080  }
0x57f: {  	[hbm4b:s4+s7] =	stream.indirect_vreg.scatter [tilespmem:s11], [sflag:$0x7], $0x80, v5, vm0, $0xb8;
	[tilespmem:$0x18C80] =	vst v63  }
0x580: {  	v5 =	vld [tilespmem:$0x18B40];
	_ =	sdelay $0x4  }
0x581: {  	v6 =	vshll.u32 v5, $0x1  }
0x582: {  	v5 =	vand.u32 $0x7, v5;
	v6 =	vand.u32 $0xFFFFFFF0, v6  }
0x583: {  	v5 =	vor.u32 v5, v6  }
0x584: {  	v6 =	vperm.xlane v5, v1;
	_ =	sdelay $0x1  }
0x585: {  	v5 =	vperm.xlane v5, v3;
	v6 =	vadd.s32 v2, v6;
	_ =	sdelay $0x1  }
0x586: {  	v5 =	vadd.s32 v2, v5;
	_ =	sdelay $0x1  }
0x587: {  	s15 =	simm.s32 $0xC880  }
0x588: {  	[hbm4b:s4+s7] =	stream.indirect_vreg.scatter [tilespmem:s15], [sflag:$0x7], $0x80, v6, vm0, $0xb8;
	[tilespmem:$0x18C80] =	vst v63  }
0x589: {  	s22 =	simm.s32 $0xD080  }
0x58a: {  	[hbm4b:s4+s7] =	stream.indirect_vreg.scatter [tilespmem:s22], [sflag:$0x7], $0x80, v5, vm0, $0xb8;
	[tilespmem:$0x18C80] =	vst v63  }
0x58b: {  	v5 =	vld [tilespmem:$0x18B50];
	_ =	sdelay $0x4  }
0x58c: {  	v6 =	vshll.u32 v5, $0x1  }
0x58d: {  	v5 =	vand.u32 $0x7, v5;
	v6 =	vand.u32 $0xFFFFFFF0, v6  }
0x58e: {  	v5 =	vor.u32 v5, v6  }
0x58f: {  	v6 =	vperm.xlane v5, v1;
	_ =	sdelay $0x1  }
0x590: {  	v5 =	vperm.xlane v5, v3;
	v6 =	vadd.s32 v2, v6;
	_ =	sdelay $0x1  }
0x591: {  	v5 =	vadd.s32 v2, v5;
	_ =	sdelay $0x1  }
0x592: {  	s24 =	simm.s32 $0xD880  }
0x593: {  	[hbm4b:s4+s7] =	stream.indirect_vreg.scatter [tilespmem:s24], [sflag:$0x7], $0x80, v6, vm0, $0xb8;
	[tilespmem:$0x18C80] =	vst v63  }
0x594: {  	s9 =	simm.s32 $0xE080  }
0x595: {  	[hbm4b:s4+s7] =	stream.indirect_vreg.scatter [tilespmem:s9], [sflag:$0x7], $0x80, v5, vm0, $0xb8;
	[tilespmem:$0x18C80] =	vst v63  }
0x596: {  	v5 =	vld [tilespmem:$0x18B60];
	_ =	sdelay $0x4  }
0x597: {  	v6 =	vshll.u32 v5, $0x1  }
0x598: {  	v5 =	vand.u32 $0x7, v5;
	v6 =	vand.u32 $0xFFFFFFF0, v6  }
0x599: {  	v5 =	vor.u32 v5, v6  }
0x59a: {  	v6 =	vperm.xlane v5, v1;
	_ =	sdelay $0x1  }
0x59b: {  	v5 =	vperm.xlane v5, v3;
	v6 =	vadd.s32 v2, v6;
	_ =	sdelay $0x1  }
0x59c: {  	v5 =	vadd.s32 v2, v5;
	_ =	sdelay $0x1  }
0x59d: {  	s11 =	simm.s32 $0xE880  }
0x59e: {  	[hbm4b:s4+s7] =	stream.indirect_vreg.scatter [tilespmem:s11], [sflag:$0x7], $0x80, v6, vm0, $0xb8;
	[tilespmem:$0x18C80] =	vst v63  }
0x59f: {  	s15 =	simm.s32 $0xF080  }
0x5a0: {  	[hbm4b:s4+s7] =	stream.indirect_vreg.scatter [tilespmem:s15], [sflag:$0x7], $0x80, v5, vm0, $0xb8;
	[tilespmem:$0x18C80] =	vst v63  }
0x5a1: {  	v5 =	vld [tilespmem:$0x18B70];
	_ =	sdelay $0x4  }
0x5a2: {  	v6 =	vshll.u32 v5, $0x1  }
0x5a3: {  	v5 =	vand.u32 $0x7, v5;
	v6 =	vand.u32 $0xFFFFFFF0, v6  }
0x5a4: {  	v5 =	vor.u32 v5, v6  }
0x5a5: {  	v6 =	vperm.xlane v5, v1;
	_ =	sdelay $0x1  }
0x5a6: {  	v5 =	vperm.xlane v5, v3;
	v6 =	vadd.s32 v2, v6;
	_ =	sdelay $0x1  }
0x5a7: {  	v5 =	vadd.s32 v2, v5  }
.Ltmp29:
0x5a8: {  	_ = 	snop;
	(pc) =	sbr.rel .LBB2_38-.Ltmp29, $4  }
0x5a9: {  	s22 =	simm.s32 $0xF880  }
0x5aa: {  	[hbm4b:s4+s7] =	stream.indirect_vreg.scatter [tilespmem:s22], [sflag:$0x7], $0x80, v6, vm0, $0xb8;
	[tilespmem:$0x18C80] =	vst v63  }
0x5ab: {  	s24 =	simm.s32 $0x10080  }
0x5ac: {  	[hbm4b:s4+s7] =	stream.indirect_vreg.scatter [tilespmem:s24], [sflag:$0x7], $0x80, v5, vm0, $0xb8;
	[tilespmem:$0x18C80] =	vst v63  }
.LBB2_37:
0x5ad: {  	s8 =	rddreg [dreg:$0xc]  }
0x5ae: {  	[hbm4b:s8+s7] =	stream.linear.scatter [tilespmem:s21], [sflag:$0x7], $0x8000, $0x38;
	[tilespmem:$0x18C80] =	vst v63  }
.LBB2_38:
0x5af: {  	p4 =	slt.u32 s18, $0x301  }
.Ltmp30:
0x5b0: {  	_ = 	snop;
	(pc) =	sbr.rel @p4 .LBB2_40-.Ltmp30, $1  }
0x5b1: {  	_ =	sdelay $0x3  }
0x5b2: {  	s8 =	smin.u32 s20, $0x380  }
0x5b3: {  	s8 =	sadd.s32 s8, s16  }
0x5b4: {  	s9 =	sadd.s32 $0xFFFFFF80, s8  }
0x5b5: {  	_ =	swait.ge [sflag:s0], $0x8000;
	v5 =	vadd.s32 s9, v0  }
0x5b6: {  	[sflag:s0] =	ssyncset.done $0x0;
	v6 =	vshll.u32 v5, $0x1  }
0x5b7: {  	[sflag:s0] =	ssyncadd.s32 $0xFFFF8000;
	s22 =	sadd.s32 $0xFFFFFF90, s8;
	v7 =	vand.u32 $0x7, v5;
	v6 =	vand.u32 $0xFFFFFFF0, v6  }
0x5b8: {  	s24 =	sadd.s32 $0xFFFFFFA0, s8;
	[tilespmem:$0x18880] =	vst v5;
	v5 =	vadd.s32 s22, v0;
	v6 =	vor.u32 v7, v6  }
0x5b9: {  	s11 =	sadd.s32 $0xFFFFFFB0, s8;
	[tilespmem:$0x18890] =	vst v5;
	v5 =	vadd.s32 s24, v0;
	v7 =	vperm.xlane v6, v1  }
0x5ba: {  	s15 =	sadd.s32 $0xFFFFFFC0, s8;
	[tilespmem:$0x188A0] =	vst v5;
	v5 =	vadd.s32 s11, v0  }
0x5bb: {  	s22 =	sadd.s32 $0xFFFFFFD0, s8;
	[tilespmem:$0x188B0] =	vst v5;
	v5 =	vadd.s32 s15, v0;
	v6 =	vperm.xlane v6, v3;
	v7 =	vadd.s32 v2, v7  }
0x5bc: {  	s24 =	sadd.s32 $0xFFFFFFE0, s8;
	[tilespmem:$0x188C0] =	vst v5;
	v5 =	vadd.s32 s22, v0  }
0x5bd: {  	s8 =	sadd.s32 $0xFFFFFFF0, s8;
	[tilespmem:$0x188D0] =	vst v5;
	v5 =	vadd.s32 s24, v0;
	v6 =	vadd.s32 v2, v6  }
0x5be: {  	[tilespmem:$0x188E0] =	vst v5;
	v5 =	vadd.s32 s8, v0  }
0x5bf: {  	[tilespmem:$0x188F0] =	vst v5  }
0x5c0: {  	[tilespmem:s23], [sflag:$0x3] =	stream.indirect_vreg.gather [hbm4b:s1+s7], $0x80, v7, vm0, $0xb8;
	[tilespmem:$0x18C80] =	vst v63  }
0x5c1: {  	s9 =	simm.s32 $0x1080  }
0x5c2: {  	[tilespmem:s9], [sflag:$0x3] =	stream.indirect_vreg.gather [hbm4b:s1+s7], $0x80, v6, vm0, $0xb8;
	[tilespmem:$0x18C80] =	vst v63  }
0x5c3: {  	v5 =	vld [tilespmem:$0x18890];
	_ =	sdelay $0x4  }
0x5c4: {  	v6 =	vshll.u32 v5, $0x1  }
0x5c5: {  	v5 =	vand.u32 $0x7, v5;
	v6 =	vand.u32 $0xFFFFFFF0, v6  }
0x5c6: {  	v5 =	vor.u32 v5, v6  }
0x5c7: {  	v6 =	vperm.xlane v5, v1;
	_ =	sdelay $0x1  }
0x5c8: {  	v5 =	vperm.xlane v5, v3;
	v6 =	vadd.s32 v2, v6;
	_ =	sdelay $0x1  }
0x5c9: {  	v5 =	vadd.s32 v2, v5;
	_ =	sdelay $0x1  }
0x5ca: {  	s11 =	simm.s32 $0x1880  }
0x5cb: {  	[tilespmem:s11], [sflag:$0x3] =	stream.indirect_vreg.gather [hbm4b:s1+s7], $0x80, v6, vm0, $0xb8;
	[tilespmem:$0x18C80] =	vst v63  }
0x5cc: {  	s15 =	simm.s32 $0x2080  }
0x5cd: {  	[tilespmem:s15], [sflag:$0x3] =	stream.indirect_vreg.gather [hbm4b:s1+s7], $0x80, v5, vm0, $0xb8;
	[tilespmem:$0x18C80] =	vst v63  }
0x5ce: {  	v5 =	vld [tilespmem:$0x188A0];
	_ =	sdelay $0x4  }
0x5cf: {  	v6 =	vshll.u32 v5, $0x1  }
0x5d0: {  	v5 =	vand.u32 $0x7, v5;
	v6 =	vand.u32 $0xFFFFFFF0, v6  }
0x5d1: {  	v5 =	vor.u32 v5, v6  }
0x5d2: {  	v6 =	vperm.xlane v5, v1;
	_ =	sdelay $0x1  }
0x5d3: {  	v5 =	vperm.xlane v5, v3;
	v6 =	vadd.s32 v2, v6;
	_ =	sdelay $0x1  }
0x5d4: {  	v5 =	vadd.s32 v2, v5;
	_ =	sdelay $0x1  }
0x5d5: {  	s22 =	simm.s32 $0x2880  }
0x5d6: {  	[tilespmem:s22], [sflag:$0x3] =	stream.indirect_vreg.gather [hbm4b:s1+s7], $0x80, v6, vm0, $0xb8;
	[tilespmem:$0x18C80] =	vst v63  }
0x5d7: {  	s24 =	simm.s32 $0x3080  }
0x5d8: {  	[tilespmem:s24], [sflag:$0x3] =	stream.indirect_vreg.gather [hbm4b:s1+s7], $0x80, v5, vm0, $0xb8;
	[tilespmem:$0x18C80] =	vst v63  }
0x5d9: {  	v5 =	vld [tilespmem:$0x188B0];
	_ =	sdelay $0x4  }
0x5da: {  	v6 =	vshll.u32 v5, $0x1  }
0x5db: {  	v5 =	vand.u32 $0x7, v5;
	v6 =	vand.u32 $0xFFFFFFF0, v6  }
0x5dc: {  	v5 =	vor.u32 v5, v6  }
0x5dd: {  	v6 =	vperm.xlane v5, v1;
	_ =	sdelay $0x1  }
0x5de: {  	v5 =	vperm.xlane v5, v3;
	v6 =	vadd.s32 v2, v6;
	_ =	sdelay $0x1  }
0x5df: {  	v5 =	vadd.s32 v2, v5;
	_ =	sdelay $0x1  }
0x5e0: {  	s9 =	simm.s32 $0x3880  }
0x5e1: {  	[tilespmem:s9], [sflag:$0x3] =	stream.indirect_vreg.gather [hbm4b:s1+s7], $0x80, v6, vm0, $0xb8;
	[tilespmem:$0x18C80] =	vst v63  }
0x5e2: {  	s11 =	simm.s32 $0x4080  }
0x5e3: {  	[tilespmem:s11], [sflag:$0x3] =	stream.indirect_vreg.gather [hbm4b:s1+s7], $0x80, v5, vm0, $0xb8;
	[tilespmem:$0x18C80] =	vst v63  }
0x5e4: {  	v5 =	vld [tilespmem:$0x188C0];
	_ =	sdelay $0x4  }
0x5e5: {  	v6 =	vshll.u32 v5, $0x1  }
0x5e6: {  	v5 =	vand.u32 $0x7, v5;
	v6 =	vand.u32 $0xFFFFFFF0, v6  }
0x5e7: {  	v5 =	vor.u32 v5, v6  }
0x5e8: {  	v6 =	vperm.xlane v5, v1;
	_ =	sdelay $0x1  }
0x5e9: {  	v5 =	vperm.xlane v5, v3;
	v6 =	vadd.s32 v2, v6;
	_ =	sdelay $0x1  }
0x5ea: {  	v5 =	vadd.s32 v2, v5;
	_ =	sdelay $0x1  }
0x5eb: {  	s15 =	simm.s32 $0x4880  }
0x5ec: {  	[tilespmem:s15], [sflag:$0x3] =	stream.indirect_vreg.gather [hbm4b:s1+s7], $0x80, v6, vm0, $0xb8;
	[tilespmem:$0x18C80] =	vst v63  }
0x5ed: {  	s22 =	simm.s32 $0x5080  }
0x5ee: {  	[tilespmem:s22], [sflag:$0x3] =	stream.indirect_vreg.gather [hbm4b:s1+s7], $0x80, v5, vm0, $0xb8;
	[tilespmem:$0x18C80] =	vst v63  }
0x5ef: {  	v5 =	vld [tilespmem:$0x188D0];
	_ =	sdelay $0x4  }
0x5f0: {  	v6 =	vshll.u32 v5, $0x1  }
0x5f1: {  	v5 =	vand.u32 $0x7, v5;
	v6 =	vand.u32 $0xFFFFFFF0, v6  }
0x5f2: {  	v5 =	vor.u32 v5, v6  }
0x5f3: {  	v6 =	vperm.xlane v5, v1;
	_ =	sdelay $0x1  }
0x5f4: {  	v5 =	vperm.xlane v5, v3;
	v6 =	vadd.s32 v2, v6;
	_ =	sdelay $0x1  }
0x5f5: {  	v5 =	vadd.s32 v2, v5;
	_ =	sdelay $0x1  }
0x5f6: {  	s24 =	simm.s32 $0x5880  }
0x5f7: {  	[tilespmem:s24], [sflag:$0x3] =	stream.indirect_vreg.gather [hbm4b:s1+s7], $0x80, v6, vm0, $0xb8;
	[tilespmem:$0x18C80] =	vst v63  }
0x5f8: {  	s9 =	simm.s32 $0x6080  }
0x5f9: {  	[tilespmem:s9], [sflag:$0x3] =	stream.indirect_vreg.gather [hbm4b:s1+s7], $0x80, v5, vm0, $0xb8;
	[tilespmem:$0x18C80] =	vst v63  }
0x5fa: {  	v5 =	vld [tilespmem:$0x188E0];
	_ =	sdelay $0x4  }
0x5fb: {  	v6 =	vshll.u32 v5, $0x1  }
0x5fc: {  	v5 =	vand.u32 $0x7, v5;
	v6 =	vand.u32 $0xFFFFFFF0, v6  }
0x5fd: {  	v5 =	vor.u32 v5, v6  }
0x5fe: {  	v6 =	vperm.xlane v5, v1;
	_ =	sdelay $0x1  }
0x5ff: {  	v5 =	vperm.xlane v5, v3;
	v6 =	vadd.s32 v2, v6;
	_ =	sdelay $0x1  }
0x600: {  	v5 =	vadd.s32 v2, v5;
	_ =	sdelay $0x1  }
0x601: {  	s11 =	simm.s32 $0x6880  }
0x602: {  	[tilespmem:s11], [sflag:$0x3] =	stream.indirect_vreg.gather [hbm4b:s1+s7], $0x80, v6, vm0, $0xb8;
	[tilespmem:$0x18C80] =	vst v63  }
0x603: {  	s15 =	simm.s32 $0x7080  }
0x604: {  	[tilespmem:s15], [sflag:$0x3] =	stream.indirect_vreg.gather [hbm4b:s1+s7], $0x80, v5, vm0, $0xb8;
	[tilespmem:$0x18C80] =	vst v63  }
0x605: {  	v5 =	vld [tilespmem:$0x188F0];
	_ =	sdelay $0x4  }
0x606: {  	v6 =	vshll.u32 v5, $0x1  }
0x607: {  	v5 =	vand.u32 $0x7, v5;
	v6 =	vand.u32 $0xFFFFFFF0, v6  }
0x608: {  	v5 =	vor.u32 v5, v6  }
0x609: {  	v6 =	vperm.xlane v5, v1;
	_ =	sdelay $0x1  }
0x60a: {  	v5 =	vperm.xlane v5, v3;
	v6 =	vadd.s32 v2, v6;
	_ =	sdelay $0x1  }
0x60b: {  	v5 =	vadd.s32 v2, v5  }
.Ltmp31:
0x60c: {  	_ = 	snop;
	(pc) =	sbr.rel .LBB2_41-.Ltmp31, $4  }
0x60d: {  	s22 =	simm.s32 $0x7880  }
0x60e: {  	[tilespmem:s22], [sflag:$0x3] =	stream.indirect_vreg.gather [hbm4b:s1+s7], $0x80, v6, vm0, $0xb8;
	[tilespmem:$0x18C80] =	vst v63  }
0x60f: {  	s24 =	simm.s32 $0x8080  }
0x610: {  	[tilespmem:s24], [sflag:$0x3] =	stream.indirect_vreg.gather [hbm4b:s1+s7], $0x80, v5, vm0, $0xb8;
	[tilespmem:$0x18C80] =	vst v63  }
.LBB2_40:
.Ltmp32:
0x611: {  	(pc) =	sbr.rel @p6 .LBB2_53-.Ltmp32, $1  }
0x612: {  	_ =	sdelay $0x3  }
.LBB2_41:
0x613: {  	p0 =	sne.s32 s17, $0x5  }
.Ltmp33:
0x614: {  	_ = 	snop;
	(pc) =	sbr.rel @p0 .LBB2_43-.Ltmp33, $4  }
0x615: {  	_ = 	snop  }
0x616: {  	_ =	swait.ge [sflag:s25], $0x8000  }
0x617: {  	[sflag:s25] =	ssyncset.done $0x0  }
0x618: {  	[sflag:s25] =	ssyncadd.s32 $0xFFFF8000  }
0x619: {  	s8 =	simm.s32 @!p3 $0x2  }
0x61a: {  	_ =	swait.ge @!p3 [sflag:s8], $0x1000  }
0x61b: {  	s15 =	sld [smem:$0x7F7];
	_ =	sdelay $0x2  }
0x61c: {  	[sflag:s8] =	ssyncset.done @!p3 $0x0;
	p0 =	seq.s32 s15, $0x1  }
0x61d: {  	[sflag:s8] =	ssyncadd.s32 @!p3 $0xFFFFF000;
	s8 =	simm.s32 @p0 $0x2  }
0x61e: {  	_ =	swait.ge @p0 [sflag:s8], $0x1000  }
0x61f: {  	[sflag:s8] =	ssyncset.done @p0 $0x0  }
0x620: {  	[sflag:s8] =	ssyncadd.s32 @p0 $0xFFFFF000;
	s8 =	simm.s32 @p2 $0x2  }
0x621: {  	_ =	swait.ge @p2 [sflag:s8], $0x1000  }
0x622: {  	s22 =	sld [smem:$0x7F6];
	_ =	sdelay $0x2  }
0x623: {  	[sflag:s8] =	ssyncset.done @p2 $0x0;
	p0 =	seq.s32 s22, $0x1  }
0x624: {  	[sflag:s8] =	ssyncadd.s32 @p2 $0xFFFFF000;
	s8 =	simm.s32 @p0 $0x2  }
0x625: {  	_ =	swait.ge @p0 [sflag:s8], $0x1000  }
0x626: {  	s24 =	sld [smem:$0x7F9];
	_ =	sdelay $0x1  }
0x627: {  	[sflag:s8] =	ssyncset.done @p0 $0x0  }
0x628: {  	[sflag:s8] =	ssyncadd.s32 @p0 $0xFFFFF000;
	p0 =	seq.s32 s24, $0x1  }
0x629: {  	s8 =	simm.s32 @p0 $0x2  }
0x62a: {  	_ =	swait.ge @p0 [sflag:s8], $0x1000  }
0x62b: {  	[sflag:s8] =	ssyncset.done @p0 $0x0  }
0x62c: {  	[sflag:s8] =	ssyncadd.s32 @p0 $0xFFFFF000;
	s8 =	simm.s32 @p5 $0x2  }
0x62d: {  	_ =	swait.ge @p5 [sflag:s8], $0x1000  }
0x62e: {  	s9 =	sld [smem:$0x7FA];
	_ =	sdelay $0x2  }
0x62f: {  	[sflag:s8] =	ssyncset.done @p5 $0x0;
	p0 =	seq.s32 s9, $0x1  }
0x630: {  	[sflag:s8] =	ssyncadd.s32 @p5 $0xFFFFF000;
	s8 =	simm.s32 @p0 $0x2  }
0x631: {  	_ =	swait.ge @p0 [sflag:s8], $0x1000  }
0x632: {  	s11 =	sld [smem:$0x7F8];
	_ =	sdelay $0x1  }
0x633: {  	[sflag:s8] =	ssyncset.done @p0 $0x0  }
0x634: {  	s9 =	smin.u32 s20, $0x300;
	[sflag:s8] =	ssyncadd.s32 @p0 $0xFFFFF000;
	p0 =	seq.s32 s11, $0x1  }
0x635: {  	s9 =	sadd.s32 s9, s13;
	s8 =	simm.s32 @p0 $0x2  }
0x636: {  	v5 =	vadd.s32 s9, v0;
	_ =	swait.ge @p0 [sflag:s8], $0x1000  }
0x637: {  	v6 =	vshll.u32 v5, $0x1;
	[sflag:s8] =	ssyncset.done @p0 $0x0  }
0x638: {  	s15 =	sadd.s32 $0x10, s9;
	v7 =	vand.u32 $0x7, v5;
	v6 =	vand.u32 $0xFFFFFFF0, v6;
	[sflag:s8] =	ssyncadd.s32 @p0 $0xFFFFF000  }
0x639: {  	s22 =	sadd.s32 $0x20, s9;
	v6 =	vor.u32 v7, v6;
	[tilespmem:$0x18B80] =	vst v5;
	v5 =	vadd.s32 s15, v0  }
0x63a: {  	s24 =	sadd.s32 $0x30, s9;
	v7 =	vperm.xlane v6, v1;
	[tilespmem:$0x18B90] =	vst v5;
	v5 =	vadd.s32 s22, v0  }
0x63b: {  	s11 =	sadd.s32 $0x40, s9;
	[tilespmem:$0x18BA0] =	vst v5;
	v5 =	vadd.s32 s24, v0  }
0x63c: {  	v6 =	vperm.xlane v6, v3;
	v7 =	vadd.s32 v2, v7;
	s15 =	sadd.s32 $0x50, s9;
	[tilespmem:$0x18BB0] =	vst v5;
	v5 =	vadd.s32 s11, v0  }
0x63d: {  	s22 =	sadd.s32 $0x60, s9;
	[tilespmem:$0x18BC0] =	vst v5;
	v5 =	vadd.s32 s15, v0  }
0x63e: {  	v6 =	vadd.s32 v2, v6;
	s24 =	sadd.s32 $0x70, s9;
	[tilespmem:$0x18BD0] =	vst v5;
	v5 =	vadd.s32 s22, v0  }
0x63f: {  	[tilespmem:$0x18BE0] =	vst v5;
	v5 =	vadd.s32 s24, v0  }
0x640: {  	[tilespmem:$0x18BF0] =	vst v5  }
0x641: {  	[hbm4b:s4+s7] =	stream.indirect_vreg.scatter [tilespmem:s14], [sflag:$0x8], $0x80, v7, vm0, $0xb8;
	[tilespmem:$0x18C80] =	vst v63  }
0x642: {  	s9 =	simm.s32 $0x11080  }
0x643: {  	[hbm4b:s4+s7] =	stream.indirect_vreg.scatter [tilespmem:s9], [sflag:$0x8], $0x80, v6, vm0, $0xb8;
	[tilespmem:$0x18C80] =	vst v63  }
0x644: {  	v5 =	vld [tilespmem:$0x18B90];
	_ =	sdelay $0x4  }
0x645: {  	v6 =	vshll.u32 v5, $0x1  }
0x646: {  	v5 =	vand.u32 $0x7, v5;
	v6 =	vand.u32 $0xFFFFFFF0, v6  }
0x647: {  	v5 =	vor.u32 v5, v6  }
0x648: {  	v6 =	vperm.xlane v5, v1;
	_ =	sdelay $0x1  }
0x649: {  	v5 =	vperm.xlane v5, v3;
	v6 =	vadd.s32 v2, v6;
	_ =	sdelay $0x1  }
0x64a: {  	v5 =	vadd.s32 v2, v5;
	_ =	sdelay $0x1  }
0x64b: {  	s11 =	simm.s32 $0x11880  }
0x64c: {  	[hbm4b:s4+s7] =	stream.indirect_vreg.scatter [tilespmem:s11], [sflag:$0x8], $0x80, v6, vm0, $0xb8;
	[tilespmem:$0x18C80] =	vst v63  }
0x64d: {  	s15 =	simm.s32 $0x12080  }
0x64e: {  	[hbm4b:s4+s7] =	stream.indirect_vreg.scatter [tilespmem:s15], [sflag:$0x8], $0x80, v5, vm0, $0xb8;
	[tilespmem:$0x18C80] =	vst v63  }
0x64f: {  	v5 =	vld [tilespmem:$0x18BA0];
	_ =	sdelay $0x4  }
0x650: {  	v6 =	vshll.u32 v5, $0x1  }
0x651: {  	v5 =	vand.u32 $0x7, v5;
	v6 =	vand.u32 $0xFFFFFFF0, v6  }
0x652: {  	v5 =	vor.u32 v5, v6  }
0x653: {  	v6 =	vperm.xlane v5, v1;
	_ =	sdelay $0x1  }
0x654: {  	v5 =	vperm.xlane v5, v3;
	v6 =	vadd.s32 v2, v6;
	_ =	sdelay $0x1  }
0x655: {  	v5 =	vadd.s32 v2, v5;
	_ =	sdelay $0x1  }
0x656: {  	s22 =	simm.s32 $0x12880  }
0x657: {  	[hbm4b:s4+s7] =	stream.indirect_vreg.scatter [tilespmem:s22], [sflag:$0x8], $0x80, v6, vm0, $0xb8;
	[tilespmem:$0x18C80] =	vst v63  }
0x658: {  	s24 =	simm.s32 $0x13080  }
0x659: {  	[hbm4b:s4+s7] =	stream.indirect_vreg.scatter [tilespmem:s24], [sflag:$0x8], $0x80, v5, vm0, $0xb8;
	[tilespmem:$0x18C80] =	vst v63  }
0x65a: {  	v5 =	vld [tilespmem:$0x18BB0];
	_ =	sdelay $0x4  }
0x65b: {  	v6 =	vshll.u32 v5, $0x1  }
0x65c: {  	v5 =	vand.u32 $0x7, v5;
	v6 =	vand.u32 $0xFFFFFFF0, v6  }
0x65d: {  	v5 =	vor.u32 v5, v6  }
0x65e: {  	v6 =	vperm.xlane v5, v1;
	_ =	sdelay $0x1  }
0x65f: {  	v5 =	vperm.xlane v5, v3;
	v6 =	vadd.s32 v2, v6;
	_ =	sdelay $0x1  }
0x660: {  	v5 =	vadd.s32 v2, v5;
	_ =	sdelay $0x1  }
0x661: {  	s9 =	simm.s32 $0x13880  }
0x662: {  	[hbm4b:s4+s7] =	stream.indirect_vreg.scatter [tilespmem:s9], [sflag:$0x8], $0x80, v6, vm0, $0xb8;
	[tilespmem:$0x18C80] =	vst v63  }
0x663: {  	s11 =	simm.s32 $0x14080  }
0x664: {  	[hbm4b:s4+s7] =	stream.indirect_vreg.scatter [tilespmem:s11], [sflag:$0x8], $0x80, v5, vm0, $0xb8;
	[tilespmem:$0x18C80] =	vst v63  }
0x665: {  	v5 =	vld [tilespmem:$0x18BC0];
	_ =	sdelay $0x4  }
0x666: {  	v6 =	vshll.u32 v5, $0x1  }
0x667: {  	v5 =	vand.u32 $0x7, v5;
	v6 =	vand.u32 $0xFFFFFFF0, v6  }
0x668: {  	v5 =	vor.u32 v5, v6  }
0x669: {  	v6 =	vperm.xlane v5, v1;
	_ =	sdelay $0x1  }
0x66a: {  	v5 =	vperm.xlane v5, v3;
	v6 =	vadd.s32 v2, v6;
	_ =	sdelay $0x1  }
0x66b: {  	v5 =	vadd.s32 v2, v5;
	_ =	sdelay $0x1  }
0x66c: {  	s15 =	simm.s32 $0x14880  }
0x66d: {  	[hbm4b:s4+s7] =	stream.indirect_vreg.scatter [tilespmem:s15], [sflag:$0x8], $0x80, v6, vm0, $0xb8;
	[tilespmem:$0x18C80] =	vst v63  }
0x66e: {  	s22 =	simm.s32 $0x15080  }
0x66f: {  	[hbm4b:s4+s7] =	stream.indirect_vreg.scatter [tilespmem:s22], [sflag:$0x8], $0x80, v5, vm0, $0xb8;
	[tilespmem:$0x18C80] =	vst v63  }
0x670: {  	v5 =	vld [tilespmem:$0x18BD0];
	_ =	sdelay $0x4  }
0x671: {  	v6 =	vshll.u32 v5, $0x1  }
0x672: {  	v5 =	vand.u32 $0x7, v5;
	v6 =	vand.u32 $0xFFFFFFF0, v6  }
0x673: {  	v5 =	vor.u32 v5, v6  }
0x674: {  	v6 =	vperm.xlane v5, v1;
	_ =	sdelay $0x1  }
0x675: {  	v5 =	vperm.xlane v5, v3;
	v6 =	vadd.s32 v2, v6;
	_ =	sdelay $0x1  }
0x676: {  	v5 =	vadd.s32 v2, v5;
	_ =	sdelay $0x1  }
0x677: {  	s24 =	simm.s32 $0x15880  }
0x678: {  	[hbm4b:s4+s7] =	stream.indirect_vreg.scatter [tilespmem:s24], [sflag:$0x8], $0x80, v6, vm0, $0xb8;
	[tilespmem:$0x18C80] =	vst v63  }
0x679: {  	s9 =	simm.s32 $0x16080  }
0x67a: {  	[hbm4b:s4+s7] =	stream.indirect_vreg.scatter [tilespmem:s9], [sflag:$0x8], $0x80, v5, vm0, $0xb8;
	[tilespmem:$0x18C80] =	vst v63  }
0x67b: {  	v5 =	vld [tilespmem:$0x18BE0];
	_ =	sdelay $0x4  }
0x67c: {  	v6 =	vshll.u32 v5, $0x1  }
0x67d: {  	v5 =	vand.u32 $0x7, v5;
	v6 =	vand.u32 $0xFFFFFFF0, v6  }
0x67e: {  	v5 =	vor.u32 v5, v6  }
0x67f: {  	v6 =	vperm.xlane v5, v1;
	_ =	sdelay $0x1  }
0x680: {  	v5 =	vperm.xlane v5, v3;
	v6 =	vadd.s32 v2, v6;
	_ =	sdelay $0x1  }
0x681: {  	v5 =	vadd.s32 v2, v5;
	_ =	sdelay $0x1  }
0x682: {  	s11 =	simm.s32 $0x16880  }
0x683: {  	[hbm4b:s4+s7] =	stream.indirect_vreg.scatter [tilespmem:s11], [sflag:$0x8], $0x80, v6, vm0, $0xb8;
	[tilespmem:$0x18C80] =	vst v63  }
0x684: {  	s15 =	simm.s32 $0x17080  }
0x685: {  	[hbm4b:s4+s7] =	stream.indirect_vreg.scatter [tilespmem:s15], [sflag:$0x8], $0x80, v5, vm0, $0xb8;
	[tilespmem:$0x18C80] =	vst v63  }
0x686: {  	v5 =	vld [tilespmem:$0x18BF0];
	_ =	sdelay $0x4  }
0x687: {  	v6 =	vshll.u32 v5, $0x1  }
0x688: {  	v5 =	vand.u32 $0x7, v5;
	v6 =	vand.u32 $0xFFFFFFF0, v6  }
0x689: {  	v5 =	vor.u32 v5, v6  }
0x68a: {  	v6 =	vperm.xlane v5, v1;
	_ =	sdelay $0x1  }
0x68b: {  	v5 =	vperm.xlane v5, v3;
	v6 =	vadd.s32 v2, v6;
	_ =	sdelay $0x1  }
0x68c: {  	v5 =	vadd.s32 v2, v5  }
.Ltmp34:
0x68d: {  	_ = 	snop;
	(pc) =	sbr.rel .LBB2_44-.Ltmp34, $4  }
0x68e: {  	s22 =	simm.s32 $0x17880  }
0x68f: {  	[hbm4b:s4+s7] =	stream.indirect_vreg.scatter [tilespmem:s22], [sflag:$0x8], $0x80, v6, vm0, $0xb8;
	[tilespmem:$0x18C80] =	vst v63  }
0x690: {  	s24 =	simm.s32 $0x18080  }
0x691: {  	[hbm4b:s4+s7] =	stream.indirect_vreg.scatter [tilespmem:s24], [sflag:$0x8], $0x80, v5, vm0, $0xb8;
	[tilespmem:$0x18C80] =	vst v63  }
.LBB2_43:
0x692: {  	s8 =	rddreg [dreg:$0xd]  }
0x693: {  	[hbm4b:s8+s7] =	stream.linear.scatter [tilespmem:s14], [sflag:$0x8], $0x8000, $0x38;
	[tilespmem:$0x18C80] =	vst v63  }
.LBB2_44:
0x694: {  	p1 =	slt.u32 s18, $0x381  }
.Ltmp35:
0x695: {  	_ = 	snop;
	(pc) =	sbr.rel @p1 .LBB2_46-.Ltmp35, $1  }
0x696: {  	_ =	sdelay $0x3  }
0x697: {  	s8 =	sadd.s32 s3, s16  }
0x698: {  	s9 =	sadd.s32 $0xFFFFFF80, s8  }
0x699: {  	_ =	swait.ge [sflag:s26], $0x8000;
	v5 =	vadd.s32 s9, v0  }
0x69a: {  	[sflag:s26] =	ssyncset.done $0x0;
	v6 =	vshll.u32 v5, $0x1  }
0x69b: {  	s15 =	sadd.s32 $0xFFFFFF90, s8;
	[sflag:s26] =	ssyncadd.s32 $0xFFFF8000;
	v7 =	vand.u32 $0x7, v5;
	v6 =	vand.u32 $0xFFFFFFF0, v6  }
0x69c: {  	s16 =	sadd.s32 $0xFFFFFFA0, s8;
	[tilespmem:$0x18900] =	vst v5;
	v5 =	vadd.s32 s15, v0;
	v6 =	vor.u32 v7, v6  }
0x69d: {  	s22 =	sadd.s32 $0xFFFFFFB0, s8;
	[tilespmem:$0x18910] =	vst v5;
	v5 =	vadd.s32 s16, v0;
	v7 =	vperm.xlane v6, v1  }
0x69e: {  	s24 =	sadd.s32 $0xFFFFFFC0, s8;
	[tilespmem:$0x18920] =	vst v5;
	v5 =	vadd.s32 s22, v0  }
0x69f: {  	s11 =	sadd.s32 $0xFFFFFFD0, s8;
	[tilespmem:$0x18930] =	vst v5;
	v5 =	vadd.s32 s24, v0;
	v6 =	vperm.xlane v6, v3;
	v7 =	vadd.s32 v2, v7  }
0x6a0: {  	s15 =	sadd.s32 $0xFFFFFFE0, s8;
	[tilespmem:$0x18940] =	vst v5;
	v5 =	vadd.s32 s11, v0  }
0x6a1: {  	s8 =	sadd.s32 $0xFFFFFFF0, s8;
	[tilespmem:$0x18950] =	vst v5;
	v5 =	vadd.s32 s15, v0;
	v6 =	vadd.s32 v2, v6  }
0x6a2: {  	[tilespmem:$0x18960] =	vst v5;
	v5 =	vadd.s32 s8, v0  }
0x6a3: {  	[tilespmem:$0x18970] =	vst v5  }
0x6a4: {  	[tilespmem:s21], [sflag:$0x4] =	stream.indirect_vreg.gather [hbm4b:s1+s7], $0x80, v7, vm0, $0xb8;
	[tilespmem:$0x18C80] =	vst v63  }
0x6a5: {  	s16 =	simm.s32 $0x9080  }
0x6a6: {  	[tilespmem:s16], [sflag:$0x4] =	stream.indirect_vreg.gather [hbm4b:s1+s7], $0x80, v6, vm0, $0xb8;
	[tilespmem:$0x18C80] =	vst v63  }
0x6a7: {  	v5 =	vld [tilespmem:$0x18910];
	_ =	sdelay $0x4  }
0x6a8: {  	v6 =	vshll.u32 v5, $0x1  }
0x6a9: {  	v5 =	vand.u32 $0x7, v5;
	v6 =	vand.u32 $0xFFFFFFF0, v6  }
0x6aa: {  	v5 =	vor.u32 v5, v6  }
0x6ab: {  	v6 =	vperm.xlane v5, v1;
	_ =	sdelay $0x1  }
0x6ac: {  	v5 =	vperm.xlane v5, v3;
	v6 =	vadd.s32 v2, v6;
	_ =	sdelay $0x1  }
0x6ad: {  	v5 =	vadd.s32 v2, v5;
	_ =	sdelay $0x1  }
0x6ae: {  	s22 =	simm.s32 $0x9880  }
0x6af: {  	[tilespmem:s22], [sflag:$0x4] =	stream.indirect_vreg.gather [hbm4b:s1+s7], $0x80, v6, vm0, $0xb8;
	[tilespmem:$0x18C80] =	vst v63  }
0x6b0: {  	s24 =	simm.s32 $0xA080  }
0x6b1: {  	[tilespmem:s24], [sflag:$0x4] =	stream.indirect_vreg.gather [hbm4b:s1+s7], $0x80, v5, vm0, $0xb8;
	[tilespmem:$0x18C80] =	vst v63  }
0x6b2: {  	v5 =	vld [tilespmem:$0x18920];
	_ =	sdelay $0x4  }
0x6b3: {  	v6 =	vshll.u32 v5, $0x1  }
0x6b4: {  	v5 =	vand.u32 $0x7, v5;
	v6 =	vand.u32 $0xFFFFFFF0, v6  }
0x6b5: {  	v5 =	vor.u32 v5, v6  }
0x6b6: {  	v6 =	vperm.xlane v5, v1;
	_ =	sdelay $0x1  }
0x6b7: {  	v5 =	vperm.xlane v5, v3;
	v6 =	vadd.s32 v2, v6;
	_ =	sdelay $0x1  }
0x6b8: {  	v5 =	vadd.s32 v2, v5;
	_ =	sdelay $0x1  }
0x6b9: {  	s9 =	simm.s32 $0xA880  }
0x6ba: {  	[tilespmem:s9], [sflag:$0x4] =	stream.indirect_vreg.gather [hbm4b:s1+s7], $0x80, v6, vm0, $0xb8;
	[tilespmem:$0x18C80] =	vst v63  }
0x6bb: {  	s11 =	simm.s32 $0xB080  }
0x6bc: {  	[tilespmem:s11], [sflag:$0x4] =	stream.indirect_vreg.gather [hbm4b:s1+s7], $0x80, v5, vm0, $0xb8;
	[tilespmem:$0x18C80] =	vst v63  }
0x6bd: {  	v5 =	vld [tilespmem:$0x18930];
	_ =	sdelay $0x4  }
0x6be: {  	v6 =	vshll.u32 v5, $0x1  }
0x6bf: {  	v5 =	vand.u32 $0x7, v5;
	v6 =	vand.u32 $0xFFFFFFF0, v6  }
0x6c0: {  	v5 =	vor.u32 v5, v6  }
0x6c1: {  	v6 =	vperm.xlane v5, v1;
	_ =	sdelay $0x1  }
0x6c2: {  	v5 =	vperm.xlane v5, v3;
	v6 =	vadd.s32 v2, v6;
	_ =	sdelay $0x1  }
0x6c3: {  	v5 =	vadd.s32 v2, v5;
	_ =	sdelay $0x1  }
0x6c4: {  	s15 =	simm.s32 $0xB880  }
0x6c5: {  	[tilespmem:s15], [sflag:$0x4] =	stream.indirect_vreg.gather [hbm4b:s1+s7], $0x80, v6, vm0, $0xb8;
	[tilespmem:$0x18C80] =	vst v63  }
0x6c6: {  	s16 =	simm.s32 $0xC080  }
0x6c7: {  	[tilespmem:s16], [sflag:$0x4] =	stream.indirect_vreg.gather [hbm4b:s1+s7], $0x80, v5, vm0, $0xb8;
	[tilespmem:$0x18C80] =	vst v63  }
0x6c8: {  	v5 =	vld [tilespmem:$0x18940];
	_ =	sdelay $0x4  }
0x6c9: {  	v6 =	vshll.u32 v5, $0x1  }
0x6ca: {  	v5 =	vand.u32 $0x7, v5;
	v6 =	vand.u32 $0xFFFFFFF0, v6  }
0x6cb: {  	v5 =	vor.u32 v5, v6  }
0x6cc: {  	v6 =	vperm.xlane v5, v1;
	_ =	sdelay $0x1  }
0x6cd: {  	v5 =	vperm.xlane v5, v3;
	v6 =	vadd.s32 v2, v6;
	_ =	sdelay $0x1  }
0x6ce: {  	v5 =	vadd.s32 v2, v5;
	_ =	sdelay $0x1  }
0x6cf: {  	s22 =	simm.s32 $0xC880  }
0x6d0: {  	[tilespmem:s22], [sflag:$0x4] =	stream.indirect_vreg.gather [hbm4b:s1+s7], $0x80, v6, vm0, $0xb8;
	[tilespmem:$0x18C80] =	vst v63  }
0x6d1: {  	s24 =	simm.s32 $0xD080  }
0x6d2: {  	[tilespmem:s24], [sflag:$0x4] =	stream.indirect_vreg.gather [hbm4b:s1+s7], $0x80, v5, vm0, $0xb8;
	[tilespmem:$0x18C80] =	vst v63  }
0x6d3: {  	v5 =	vld [tilespmem:$0x18950];
	_ =	sdelay $0x4  }
0x6d4: {  	v6 =	vshll.u32 v5, $0x1  }
0x6d5: {  	v5 =	vand.u32 $0x7, v5;
	v6 =	vand.u32 $0xFFFFFFF0, v6  }
0x6d6: {  	v5 =	vor.u32 v5, v6  }
0x6d7: {  	v6 =	vperm.xlane v5, v1;
	_ =	sdelay $0x1  }
0x6d8: {  	v5 =	vperm.xlane v5, v3;
	v6 =	vadd.s32 v2, v6;
	_ =	sdelay $0x1  }
0x6d9: {  	v5 =	vadd.s32 v2, v5;
	_ =	sdelay $0x1  }
0x6da: {  	s9 =	simm.s32 $0xD880  }
0x6db: {  	[tilespmem:s9], [sflag:$0x4] =	stream.indirect_vreg.gather [hbm4b:s1+s7], $0x80, v6, vm0, $0xb8;
	[tilespmem:$0x18C80] =	vst v63  }
0x6dc: {  	s11 =	simm.s32 $0xE080  }
0x6dd: {  	[tilespmem:s11], [sflag:$0x4] =	stream.indirect_vreg.gather [hbm4b:s1+s7], $0x80, v5, vm0, $0xb8;
	[tilespmem:$0x18C80] =	vst v63  }
0x6de: {  	v5 =	vld [tilespmem:$0x18960];
	_ =	sdelay $0x4  }
0x6df: {  	v6 =	vshll.u32 v5, $0x1  }
0x6e0: {  	v5 =	vand.u32 $0x7, v5;
	v6 =	vand.u32 $0xFFFFFFF0, v6  }
0x6e1: {  	v5 =	vor.u32 v5, v6  }
0x6e2: {  	v6 =	vperm.xlane v5, v1;
	_ =	sdelay $0x1  }
0x6e3: {  	v5 =	vperm.xlane v5, v3;
	v6 =	vadd.s32 v2, v6;
	_ =	sdelay $0x1  }
0x6e4: {  	v5 =	vadd.s32 v2, v5;
	_ =	sdelay $0x1  }
0x6e5: {  	s15 =	simm.s32 $0xE880  }
0x6e6: {  	[tilespmem:s15], [sflag:$0x4] =	stream.indirect_vreg.gather [hbm4b:s1+s7], $0x80, v6, vm0, $0xb8;
	[tilespmem:$0x18C80] =	vst v63  }
0x6e7: {  	s16 =	simm.s32 $0xF080  }
0x6e8: {  	[tilespmem:s16], [sflag:$0x4] =	stream.indirect_vreg.gather [hbm4b:s1+s7], $0x80, v5, vm0, $0xb8;
	[tilespmem:$0x18C80] =	vst v63  }
0x6e9: {  	v5 =	vld [tilespmem:$0x18970];
	_ =	sdelay $0x4  }
0x6ea: {  	v6 =	vshll.u32 v5, $0x1  }
0x6eb: {  	v5 =	vand.u32 $0x7, v5;
	v6 =	vand.u32 $0xFFFFFFF0, v6  }
0x6ec: {  	v5 =	vor.u32 v5, v6  }
0x6ed: {  	v6 =	vperm.xlane v5, v1;
	_ =	sdelay $0x1  }
0x6ee: {  	v5 =	vperm.xlane v5, v3;
	v6 =	vadd.s32 v2, v6;
	_ =	sdelay $0x1  }
0x6ef: {  	v5 =	vadd.s32 v2, v5  }
.Ltmp36:
0x6f0: {  	_ = 	snop;
	(pc) =	sbr.rel .LBB2_47-.Ltmp36, $4  }
0x6f1: {  	s22 =	simm.s32 $0xF880  }
0x6f2: {  	[tilespmem:s22], [sflag:$0x4] =	stream.indirect_vreg.gather [hbm4b:s1+s7], $0x80, v6, vm0, $0xb8;
	[tilespmem:$0x18C80] =	vst v63  }
0x6f3: {  	s24 =	simm.s32 $0x10080  }
0x6f4: {  	[tilespmem:s24], [sflag:$0x4] =	stream.indirect_vreg.gather [hbm4b:s1+s7], $0x80, v5, vm0, $0xb8;
	[tilespmem:$0x18C80] =	vst v63  }
.LBB2_46:
.Ltmp37:
0x6f5: {  	(pc) =	sbr.rel @p4 .LBB2_53-.Ltmp37, $1  }
0x6f6: {  	_ =	sdelay $0x3  }
.LBB2_47:
0x6f7: {  	p0 =	sne.s32 s17, $0x6  }
.Ltmp38:
0x6f8: {  	_ = 	snop;
	(pc) =	sbr.rel @p0 .LBB2_49-.Ltmp38, $4  }
0x6f9: {  	_ = 	snop  }
0x6fa: {  	_ =	swait.ge [sflag:s28], $0x8000  }
0x6fb: {  	[sflag:s28] =	ssyncset.done $0x0  }
0x6fc: {  	[sflag:s28] =	ssyncadd.s32 $0xFFFF8000  }
0x6fd: {  	s8 =	simm.s32 @!p3 $0x2  }
0x6fe: {  	_ =	swait.ge @!p3 [sflag:s8], $0x1000  }
0x6ff: {  	s9 =	sld [smem:$0x7F7];
	_ =	sdelay $0x2  }
0x700: {  	[sflag:s8] =	ssyncset.done @!p3 $0x0;
	p0 =	seq.s32 s9, $0x1  }
0x701: {  	[sflag:s8] =	ssyncadd.s32 @!p3 $0xFFFFF000;
	s8 =	simm.s32 @p0 $0x2  }
0x702: {  	_ =	swait.ge @p0 [sflag:s8], $0x1000  }
0x703: {  	[sflag:s8] =	ssyncset.done @p0 $0x0  }
0x704: {  	[sflag:s8] =	ssyncadd.s32 @p0 $0xFFFFF000;
	s8 =	simm.s32 @p2 $0x2  }
0x705: {  	_ =	swait.ge @p2 [sflag:s8], $0x1000  }
0x706: {  	s11 =	sld [smem:$0x7F6];
	_ =	sdelay $0x2  }
0x707: {  	[sflag:s8] =	ssyncset.done @p2 $0x0;
	p0 =	seq.s32 s11, $0x1  }
0x708: {  	[sflag:s8] =	ssyncadd.s32 @p2 $0xFFFFF000;
	s8 =	simm.s32 @p0 $0x2  }
0x709: {  	_ =	swait.ge @p0 [sflag:s8], $0x1000  }
0x70a: {  	s15 =	sld [smem:$0x7F9];
	_ =	sdelay $0x1  }
0x70b: {  	[sflag:s8] =	ssyncset.done @p0 $0x0  }
0x70c: {  	[sflag:s8] =	ssyncadd.s32 @p0 $0xFFFFF000;
	p0 =	seq.s32 s15, $0x1  }
0x70d: {  	s8 =	simm.s32 @p0 $0x2  }
0x70e: {  	_ =	swait.ge @p0 [sflag:s8], $0x1000  }
0x70f: {  	[sflag:s8] =	ssyncset.done @p0 $0x0  }
0x710: {  	[sflag:s8] =	ssyncadd.s32 @p0 $0xFFFFF000;
	s8 =	simm.s32 @p5 $0x2  }
0x711: {  	_ =	swait.ge @p5 [sflag:s8], $0x1000  }
0x712: {  	s16 =	sld [smem:$0x7FA];
	_ =	sdelay $0x2  }
0x713: {  	[sflag:s8] =	ssyncset.done @p5 $0x0;
	p0 =	seq.s32 s16, $0x1  }
0x714: {  	[sflag:s8] =	ssyncadd.s32 @p5 $0xFFFFF000;
	s8 =	simm.s32 @p0 $0x2  }
0x715: {  	_ =	swait.ge @p0 [sflag:s8], $0x1000  }
0x716: {  	s9 =	smin.u32 s20, $0x380;
	s20 =	sld [smem:$0x7F8];
	_ =	sdelay $0x1  }
0x717: {  	[sflag:s8] =	ssyncset.done @p0 $0x0  }
0x718: {  	[sflag:s8] =	ssyncadd.s32 @p0 $0xFFFFF000;
	p0 =	seq.s32 s20, $0x1  }
0x719: {  	s9 =	sadd.s32 s9, s13;
	s8 =	simm.s32 @p0 $0x2  }
0x71a: {  	v5 =	vadd.s32 s9, v0;
	_ =	swait.ge @p0 [sflag:s8], $0x1000  }
0x71b: {  	v6 =	vshll.u32 v5, $0x1;
	[sflag:s8] =	ssyncset.done @p0 $0x0  }
0x71c: {  	s22 =	sadd.s32 $0x10, s9;
	v7 =	vand.u32 $0x7, v5;
	v6 =	vand.u32 $0xFFFFFFF0, v6;
	[sflag:s8] =	ssyncadd.s32 @p0 $0xFFFFF000  }
0x71d: {  	s24 =	sadd.s32 $0x20, s9;
	v6 =	vor.u32 v7, v6;
	[tilespmem:$0x18A80] =	vst v5;
	v5 =	vadd.s32 s22, v0  }
0x71e: {  	v7 =	vperm.xlane v6, v1;
	s11 =	sadd.s32 $0x30, s9;
	[tilespmem:$0x18A90] =	vst v5;
	v5 =	vadd.s32 s24, v0  }
0x71f: {  	s15 =	sadd.s32 $0x40, s9;
	[tilespmem:$0x18AA0] =	vst v5;
	v5 =	vadd.s32 s11, v0  }
0x720: {  	v6 =	vperm.xlane v6, v3;
	v7 =	vadd.s32 v2, v7;
	s16 =	sadd.s32 $0x50, s9;
	[tilespmem:$0x18AB0] =	vst v5;
	v5 =	vadd.s32 s15, v0  }
0x721: {  	s20 =	sadd.s32 $0x60, s9;
	[tilespmem:$0x18AC0] =	vst v5;
	v5 =	vadd.s32 s16, v0  }
0x722: {  	v6 =	vadd.s32 v2, v6;
	s22 =	sadd.s32 $0x70, s9;
	[tilespmem:$0x18AD0] =	vst v5;
	v5 =	vadd.s32 s20, v0  }
0x723: {  	[tilespmem:$0x18AE0] =	vst v5;
	v5 =	vadd.s32 s22, v0  }
0x724: {  	[tilespmem:$0x18AF0] =	vst v5  }
0x725: {  	[hbm4b:s4+s7] =	stream.indirect_vreg.scatter [tilespmem:s23], [sflag:$0x6], $0x80, v7, vm0, $0xb8;
	[tilespmem:$0x18C80] =	vst v63  }
0x726: {  	s24 =	simm.s32 $0x1080  }
0x727: {  	[hbm4b:s4+s7] =	stream.indirect_vreg.scatter [tilespmem:s24], [sflag:$0x6], $0x80, v6, vm0, $0xb8;
	[tilespmem:$0x18C80] =	vst v63  }
0x728: {  	v5 =	vld [tilespmem:$0x18A90];
	_ =	sdelay $0x4  }
0x729: {  	v6 =	vshll.u32 v5, $0x1  }
0x72a: {  	v5 =	vand.u32 $0x7, v5;
	v6 =	vand.u32 $0xFFFFFFF0, v6  }
0x72b: {  	v5 =	vor.u32 v5, v6  }
0x72c: {  	v6 =	vperm.xlane v5, v1;
	_ =	sdelay $0x1  }
0x72d: {  	v5 =	vperm.xlane v5, v3;
	v6 =	vadd.s32 v2, v6;
	_ =	sdelay $0x1  }
0x72e: {  	v5 =	vadd.s32 v2, v5;
	_ =	sdelay $0x1  }
0x72f: {  	s9 =	simm.s32 $0x1880  }
0x730: {  	[hbm4b:s4+s7] =	stream.indirect_vreg.scatter [tilespmem:s9], [sflag:$0x6], $0x80, v6, vm0, $0xb8;
	[tilespmem:$0x18C80] =	vst v63  }
0x731: {  	s11 =	simm.s32 $0x2080  }
0x732: {  	[hbm4b:s4+s7] =	stream.indirect_vreg.scatter [tilespmem:s11], [sflag:$0x6], $0x80, v5, vm0, $0xb8;
	[tilespmem:$0x18C80] =	vst v63  }
0x733: {  	v5 =	vld [tilespmem:$0x18AA0];
	_ =	sdelay $0x4  }
0x734: {  	v6 =	vshll.u32 v5, $0x1  }
0x735: {  	v5 =	vand.u32 $0x7, v5;
	v6 =	vand.u32 $0xFFFFFFF0, v6  }
0x736: {  	v5 =	vor.u32 v5, v6  }
0x737: {  	v6 =	vperm.xlane v5, v1;
	_ =	sdelay $0x1  }
0x738: {  	v5 =	vperm.xlane v5, v3;
	v6 =	vadd.s32 v2, v6;
	_ =	sdelay $0x1  }
0x739: {  	v5 =	vadd.s32 v2, v5;
	_ =	sdelay $0x1  }
0x73a: {  	s15 =	simm.s32 $0x2880  }
0x73b: {  	[hbm4b:s4+s7] =	stream.indirect_vreg.scatter [tilespmem:s15], [sflag:$0x6], $0x80, v6, vm0, $0xb8;
	[tilespmem:$0x18C80] =	vst v63  }
0x73c: {  	s16 =	simm.s32 $0x3080  }
0x73d: {  	[hbm4b:s4+s7] =	stream.indirect_vreg.scatter [tilespmem:s16], [sflag:$0x6], $0x80, v5, vm0, $0xb8;
	[tilespmem:$0x18C80] =	vst v63  }
0x73e: {  	v5 =	vld [tilespmem:$0x18AB0];
	_ =	sdelay $0x4  }
0x73f: {  	v6 =	vshll.u32 v5, $0x1  }
0x740: {  	v5 =	vand.u32 $0x7, v5;
	v6 =	vand.u32 $0xFFFFFFF0, v6  }
0x741: {  	v5 =	vor.u32 v5, v6  }
0x742: {  	v6 =	vperm.xlane v5, v1;
	_ =	sdelay $0x1  }
0x743: {  	v5 =	vperm.xlane v5, v3;
	v6 =	vadd.s32 v2, v6;
	_ =	sdelay $0x1  }
0x744: {  	v5 =	vadd.s32 v2, v5;
	_ =	sdelay $0x1  }
0x745: {  	s20 =	simm.s32 $0x3880  }
0x746: {  	[hbm4b:s4+s7] =	stream.indirect_vreg.scatter [tilespmem:s20], [sflag:$0x6], $0x80, v6, vm0, $0xb8;
	[tilespmem:$0x18C80] =	vst v63  }
0x747: {  	s22 =	simm.s32 $0x4080  }
0x748: {  	[hbm4b:s4+s7] =	stream.indirect_vreg.scatter [tilespmem:s22], [sflag:$0x6], $0x80, v5, vm0, $0xb8;
	[tilespmem:$0x18C80] =	vst v63  }
0x749: {  	v5 =	vld [tilespmem:$0x18AC0];
	_ =	sdelay $0x4  }
0x74a: {  	v6 =	vshll.u32 v5, $0x1  }
0x74b: {  	v5 =	vand.u32 $0x7, v5;
	v6 =	vand.u32 $0xFFFFFFF0, v6  }
0x74c: {  	v5 =	vor.u32 v5, v6  }
0x74d: {  	v6 =	vperm.xlane v5, v1;
	_ =	sdelay $0x1  }
0x74e: {  	v5 =	vperm.xlane v5, v3;
	v6 =	vadd.s32 v2, v6;
	_ =	sdelay $0x1  }
0x74f: {  	v5 =	vadd.s32 v2, v5;
	_ =	sdelay $0x1  }
0x750: {  	s24 =	simm.s32 $0x4880  }
0x751: {  	[hbm4b:s4+s7] =	stream.indirect_vreg.scatter [tilespmem:s24], [sflag:$0x6], $0x80, v6, vm0, $0xb8;
	[tilespmem:$0x18C80] =	vst v63  }
0x752: {  	s9 =	simm.s32 $0x5080  }
0x753: {  	[hbm4b:s4+s7] =	stream.indirect_vreg.scatter [tilespmem:s9], [sflag:$0x6], $0x80, v5, vm0, $0xb8;
	[tilespmem:$0x18C80] =	vst v63  }
0x754: {  	v5 =	vld [tilespmem:$0x18AD0];
	_ =	sdelay $0x4  }
0x755: {  	v6 =	vshll.u32 v5, $0x1  }
0x756: {  	v5 =	vand.u32 $0x7, v5;
	v6 =	vand.u32 $0xFFFFFFF0, v6  }
0x757: {  	v5 =	vor.u32 v5, v6  }
0x758: {  	v6 =	vperm.xlane v5, v1;
	_ =	sdelay $0x1  }
0x759: {  	v5 =	vperm.xlane v5, v3;
	v6 =	vadd.s32 v2, v6;
	_ =	sdelay $0x1  }
0x75a: {  	v5 =	vadd.s32 v2, v5;
	_ =	sdelay $0x1  }
0x75b: {  	s11 =	simm.s32 $0x5880  }
0x75c: {  	[hbm4b:s4+s7] =	stream.indirect_vreg.scatter [tilespmem:s11], [sflag:$0x6], $0x80, v6, vm0, $0xb8;
	[tilespmem:$0x18C80] =	vst v63  }
0x75d: {  	s15 =	simm.s32 $0x6080  }
0x75e: {  	[hbm4b:s4+s7] =	stream.indirect_vreg.scatter [tilespmem:s15], [sflag:$0x6], $0x80, v5, vm0, $0xb8;
	[tilespmem:$0x18C80] =	vst v63  }
0x75f: {  	v5 =	vld [tilespmem:$0x18AE0];
	_ =	sdelay $0x4  }
0x760: {  	v6 =	vshll.u32 v5, $0x1  }
0x761: {  	v5 =	vand.u32 $0x7, v5;
	v6 =	vand.u32 $0xFFFFFFF0, v6  }
0x762: {  	v5 =	vor.u32 v5, v6  }
0x763: {  	v6 =	vperm.xlane v5, v1;
	_ =	sdelay $0x1  }
0x764: {  	v5 =	vperm.xlane v5, v3;
	v6 =	vadd.s32 v2, v6;
	_ =	sdelay $0x1  }
0x765: {  	v5 =	vadd.s32 v2, v5;
	_ =	sdelay $0x1  }
0x766: {  	s16 =	simm.s32 $0x6880  }
0x767: {  	[hbm4b:s4+s7] =	stream.indirect_vreg.scatter [tilespmem:s16], [sflag:$0x6], $0x80, v6, vm0, $0xb8;
	[tilespmem:$0x18C80] =	vst v63  }
0x768: {  	s20 =	simm.s32 $0x7080  }
0x769: {  	[hbm4b:s4+s7] =	stream.indirect_vreg.scatter [tilespmem:s20], [sflag:$0x6], $0x80, v5, vm0, $0xb8;
	[tilespmem:$0x18C80] =	vst v63  }
0x76a: {  	v5 =	vld [tilespmem:$0x18AF0];
	_ =	sdelay $0x4  }
0x76b: {  	v6 =	vshll.u32 v5, $0x1  }
0x76c: {  	v5 =	vand.u32 $0x7, v5;
	v6 =	vand.u32 $0xFFFFFFF0, v6  }
0x76d: {  	v5 =	vor.u32 v5, v6  }
0x76e: {  	v6 =	vperm.xlane v5, v1;
	_ =	sdelay $0x1  }
0x76f: {  	v5 =	vperm.xlane v5, v3;
	v6 =	vadd.s32 v2, v6;
	_ =	sdelay $0x1  }
0x770: {  	p0 =	sgt.u32 s18, $0x380;
	v5 =	vadd.s32 v2, v5  }
.Ltmp39:
0x771: {  	_ = 	snop;
	(pc) =	sbr.rel @p0 .LBB2_50-.Ltmp39, $4  }
.Ltmp40:
0x772: {  	s22 =	simm.s32 $0x7880;
	(pc) =	sbr.rel @!p0 .LBB2_53-.Ltmp40, $4  }
0x773: {  	[hbm4b:s4+s7] =	stream.indirect_vreg.scatter [tilespmem:s22], [sflag:$0x6], $0x80, v6, vm0, $0xb8;
	[tilespmem:$0x18C80] =	vst v63  }
0x774: {  	s24 =	simm.s32 $0x8080  }
0x775: {  	[hbm4b:s4+s7] =	stream.indirect_vreg.scatter [tilespmem:s24], [sflag:$0x6], $0x80, v5, vm0, $0xb8;
	[tilespmem:$0x18C80] =	vst v63  }
0x776: {  	_ = 	snop  }
.LBB2_49:
.Ltmp41:
0x777: {  	(pc) =	sbr.rel @p1 .LBB2_53-.Ltmp41, $3  }
0x778: {  	_ =	sdelay $0x1  }
0x779: {  	s8 =	rddreg [dreg:$0xe]  }
0x77a: {  	[hbm4b:s8+s7] =	stream.linear.scatter [tilespmem:s23], [sflag:$0x6], $0x8000, $0x38;
	[tilespmem:$0x18C80] =	vst v63  }
.LBB2_50:
0x77b: {  	p0 =	sne.s32 s17, $0x7  }
.Ltmp42:
0x77c: {  	_ = 	snop;
	(pc) =	sbr.rel @p0 .LBB2_52-.Ltmp42, $4  }
0x77d: {  	_ = 	snop  }
0x77e: {  	_ =	swait.ge [sflag:s2], $0x8000  }
0x77f: {  	[sflag:s2] =	ssyncset.done $0x0  }
0x780: {  	[sflag:s2] =	ssyncadd.s32 $0xFFFF8000  }
0x781: {  	s8 =	simm.s32 @!p3 $0x2  }
0x782: {  	_ =	swait.ge @!p3 [sflag:s8], $0x1000  }
0x783: {  	s15 =	sld [smem:$0x7F7];
	_ =	sdelay $0x2  }
0x784: {  	[sflag:s8] =	ssyncset.done @!p3 $0x0;
	p0 =	seq.s32 s15, $0x1  }
0x785: {  	[sflag:s8] =	ssyncadd.s32 @!p3 $0xFFFFF000;
	s8 =	simm.s32 @p0 $0x2  }
0x786: {  	_ =	swait.ge @p0 [sflag:s8], $0x1000  }
0x787: {  	[sflag:s8] =	ssyncset.done @p0 $0x0  }
0x788: {  	[sflag:s8] =	ssyncadd.s32 @p0 $0xFFFFF000;
	s8 =	simm.s32 @p2 $0x2  }
0x789: {  	_ =	swait.ge @p2 [sflag:s8], $0x1000  }
0x78a: {  	s16 =	sld [smem:$0x7F6];
	_ =	sdelay $0x2  }
0x78b: {  	[sflag:s8] =	ssyncset.done @p2 $0x0;
	p0 =	seq.s32 s16, $0x1  }
0x78c: {  	[sflag:s8] =	ssyncadd.s32 @p2 $0xFFFFF000;
	s8 =	simm.s32 @p0 $0x2  }
0x78d: {  	_ =	swait.ge @p0 [sflag:s8], $0x1000  }
0x78e: {  	s17 =	sld [smem:$0x7F9];
	_ =	sdelay $0x1  }
0x78f: {  	[sflag:s8] =	ssyncset.done @p0 $0x0  }
0x790: {  	[sflag:s8] =	ssyncadd.s32 @p0 $0xFFFFF000;
	p0 =	seq.s32 s17, $0x1  }
0x791: {  	s8 =	simm.s32 @p0 $0x2  }
0x792: {  	_ =	swait.ge @p0 [sflag:s8], $0x1000  }
0x793: {  	[sflag:s8] =	ssyncset.done @p0 $0x0  }
0x794: {  	[sflag:s8] =	ssyncadd.s32 @p0 $0xFFFFF000;
	s8 =	simm.s32 @p5 $0x2  }
0x795: {  	_ =	swait.ge @p5 [sflag:s8], $0x1000  }
0x796: {  	s18 =	sld [smem:$0x7FA];
	_ =	sdelay $0x2  }
0x797: {  	[sflag:s8] =	ssyncset.done @p5 $0x0;
	p0 =	seq.s32 s18, $0x1  }
0x798: {  	[sflag:s8] =	ssyncadd.s32 @p5 $0xFFFFF000;
	s8 =	simm.s32 @p0 $0x2  }
0x799: {  	_ =	swait.ge @p0 [sflag:s8], $0x1000  }
0x79a: {  	s20 =	sld [smem:$0x7F8];
	_ =	sdelay $0x1  }
0x79b: {  	[sflag:s8] =	ssyncset.done @p0 $0x0  }
0x79c: {  	[sflag:s8] =	ssyncadd.s32 @p0 $0xFFFFF000;
	p0 =	seq.s32 s20, $0x1  }
0x79d: {  	s3 =	sadd.s32 s13, s3;
	s8 =	simm.s32 @p0 $0x2  }
0x79e: {  	v5 =	vadd.s32 s3, v0;
	_ =	swait.ge @p0 [sflag:s8], $0x1000  }
0x79f: {  	v6 =	vshll.u32 v5, $0x1;
	[sflag:s8] =	ssyncset.done @p0 $0x0  }
0x7a0: {  	s22 =	sadd.s32 $0x10, s3;
	v7 =	vand.u32 $0x7, v5;
	v6 =	vand.u32 $0xFFFFFFF0, v6;
	[sflag:s8] =	ssyncadd.s32 @p0 $0xFFFFF000  }
0x7a1: {  	s24 =	sadd.s32 $0x20, s3;
	v6 =	vor.u32 v7, v6;
	[tilespmem:$0x18B00] =	vst v5;
	v5 =	vadd.s32 s22, v0  }
0x7a2: {  	s9 =	sadd.s32 $0x30, s3;
	v7 =	vperm.xlane v6, v1;
	[tilespmem:$0x18B10] =	vst v5;
	v5 =	vadd.s32 s24, v0  }
0x7a3: {  	s11 =	sadd.s32 $0x40, s3;
	[tilespmem:$0x18B20] =	vst v5;
	v5 =	vadd.s32 s9, v0  }
0x7a4: {  	s15 =	sadd.s32 $0x50, s3;
	v6 =	vperm.xlane v6, v3;
	v7 =	vadd.s32 v2, v7;
	[tilespmem:$0x18B30] =	vst v5;
	v5 =	vadd.s32 s11, v0  }
0x7a5: {  	s16 =	sadd.s32 $0x60, s3;
	[tilespmem:$0x18B40] =	vst v5;
	v5 =	vadd.s32 s15, v0  }
0x7a6: {  	v6 =	vadd.s32 v2, v6;
	s3 =	sadd.s32 $0x70, s3;
	[tilespmem:$0x18B50] =	vst v5;
	v5 =	vadd.s32 s16, v0  }
0x7a7: {  	[tilespmem:$0x18B60] =	vst v5;
	v5 =	vadd.s32 s3, v0  }
0x7a8: {  	[tilespmem:$0x18B70] =	vst v5  }
0x7a9: {  	[hbm4b:s4+s7] =	stream.indirect_vreg.scatter [tilespmem:s21], [sflag:$0x7], $0x80, v7, vm0, $0xb8;
	[tilespmem:$0x18C80] =	vst v63  }
0x7aa: {  	s17 =	simm.s32 $0x9080  }
0x7ab: {  	[hbm4b:s4+s7] =	stream.indirect_vreg.scatter [tilespmem:s17], [sflag:$0x7], $0x80, v6, vm0, $0xb8;
	[tilespmem:$0x18C80] =	vst v63  }
0x7ac: {  	v5 =	vld [tilespmem:$0x18B10];
	_ =	sdelay $0x4  }
0x7ad: {  	v6 =	vshll.u32 v5, $0x1  }
0x7ae: {  	v5 =	vand.u32 $0x7, v5;
	v6 =	vand.u32 $0xFFFFFFF0, v6  }
0x7af: {  	v5 =	vor.u32 v5, v6  }
0x7b0: {  	v6 =	vperm.xlane v5, v1;
	_ =	sdelay $0x1  }
0x7b1: {  	v5 =	vperm.xlane v5, v3;
	v6 =	vadd.s32 v2, v6;
	_ =	sdelay $0x1  }
0x7b2: {  	v5 =	vadd.s32 v2, v5;
	_ =	sdelay $0x1  }
0x7b3: {  	s18 =	simm.s32 $0x9880  }
0x7b4: {  	[hbm4b:s4+s7] =	stream.indirect_vreg.scatter [tilespmem:s18], [sflag:$0x7], $0x80, v6, vm0, $0xb8;
	[tilespmem:$0x18C80] =	vst v63  }
0x7b5: {  	s20 =	simm.s32 $0xA080  }
0x7b6: {  	[hbm4b:s4+s7] =	stream.indirect_vreg.scatter [tilespmem:s20], [sflag:$0x7], $0x80, v5, vm0, $0xb8;
	[tilespmem:$0x18C80] =	vst v63  }
0x7b7: {  	v5 =	vld [tilespmem:$0x18B20];
	_ =	sdelay $0x4  }
0x7b8: {  	v6 =	vshll.u32 v5, $0x1  }
0x7b9: {  	v5 =	vand.u32 $0x7, v5;
	v6 =	vand.u32 $0xFFFFFFF0, v6  }
0x7ba: {  	v5 =	vor.u32 v5, v6  }
0x7bb: {  	v6 =	vperm.xlane v5, v1;
	_ =	sdelay $0x1  }
0x7bc: {  	v5 =	vperm.xlane v5, v3;
	v6 =	vadd.s32 v2, v6;
	_ =	sdelay $0x1  }
0x7bd: {  	v5 =	vadd.s32 v2, v5;
	_ =	sdelay $0x1  }
0x7be: {  	s22 =	simm.s32 $0xA880  }
0x7bf: {  	[hbm4b:s4+s7] =	stream.indirect_vreg.scatter [tilespmem:s22], [sflag:$0x7], $0x80, v6, vm0, $0xb8;
	[tilespmem:$0x18C80] =	vst v63  }
0x7c0: {  	s24 =	simm.s32 $0xB080  }
0x7c1: {  	[hbm4b:s4+s7] =	stream.indirect_vreg.scatter [tilespmem:s24], [sflag:$0x7], $0x80, v5, vm0, $0xb8;
	[tilespmem:$0x18C80] =	vst v63  }
0x7c2: {  	v5 =	vld [tilespmem:$0x18B30];
	_ =	sdelay $0x4  }
0x7c3: {  	v6 =	vshll.u32 v5, $0x1  }
0x7c4: {  	v5 =	vand.u32 $0x7, v5;
	v6 =	vand.u32 $0xFFFFFFF0, v6  }
0x7c5: {  	v5 =	vor.u32 v5, v6  }
0x7c6: {  	v6 =	vperm.xlane v5, v1;
	_ =	sdelay $0x1  }
0x7c7: {  	v5 =	vperm.xlane v5, v3;
	v6 =	vadd.s32 v2, v6;
	_ =	sdelay $0x1  }
0x7c8: {  	v5 =	vadd.s32 v2, v5;
	_ =	sdelay $0x1  }
0x7c9: {  	s8 =	simm.s32 $0xB880  }
0x7ca: {  	[hbm4b:s4+s7] =	stream.indirect_vreg.scatter [tilespmem:s8], [sflag:$0x7], $0x80, v6, vm0, $0xb8;
	[tilespmem:$0x18C80] =	vst v63  }
0x7cb: {  	s9 =	simm.s32 $0xC080  }
0x7cc: {  	[hbm4b:s4+s7] =	stream.indirect_vreg.scatter [tilespmem:s9], [sflag:$0x7], $0x80, v5, vm0, $0xb8;
	[tilespmem:$0x18C80] =	vst v63  }
0x7cd: {  	v5 =	vld [tilespmem:$0x18B40];
	_ =	sdelay $0x4  }
0x7ce: {  	v6 =	vshll.u32 v5, $0x1  }
0x7cf: {  	v5 =	vand.u32 $0x7, v5;
	v6 =	vand.u32 $0xFFFFFFF0, v6  }
0x7d0: {  	v5 =	vor.u32 v5, v6  }
0x7d1: {  	v6 =	vperm.xlane v5, v1;
	_ =	sdelay $0x1  }
0x7d2: {  	v5 =	vperm.xlane v5, v3;
	v6 =	vadd.s32 v2, v6;
	_ =	sdelay $0x1  }
0x7d3: {  	v5 =	vadd.s32 v2, v5;
	_ =	sdelay $0x1  }
0x7d4: {  	s11 =	simm.s32 $0xC880  }
0x7d5: {  	[hbm4b:s4+s7] =	stream.indirect_vreg.scatter [tilespmem:s11], [sflag:$0x7], $0x80, v6, vm0, $0xb8;
	[tilespmem:$0x18C80] =	vst v63  }
0x7d6: {  	s15 =	simm.s32 $0xD080  }
0x7d7: {  	[hbm4b:s4+s7] =	stream.indirect_vreg.scatter [tilespmem:s15], [sflag:$0x7], $0x80, v5, vm0, $0xb8;
	[tilespmem:$0x18C80] =	vst v63  }
0x7d8: {  	v5 =	vld [tilespmem:$0x18B50];
	_ =	sdelay $0x4  }
0x7d9: {  	v6 =	vshll.u32 v5, $0x1  }
0x7da: {  	v5 =	vand.u32 $0x7, v5;
	v6 =	vand.u32 $0xFFFFFFF0, v6  }
0x7db: {  	v5 =	vor.u32 v5, v6  }
0x7dc: {  	v6 =	vperm.xlane v5, v1;
	_ =	sdelay $0x1  }
0x7dd: {  	v5 =	vperm.xlane v5, v3;
	v6 =	vadd.s32 v2, v6;
	_ =	sdelay $0x1  }
0x7de: {  	v5 =	vadd.s32 v2, v5;
	_ =	sdelay $0x1  }
0x7df: {  	s16 =	simm.s32 $0xD880  }
0x7e0: {  	[hbm4b:s4+s7] =	stream.indirect_vreg.scatter [tilespmem:s16], [sflag:$0x7], $0x80, v6, vm0, $0xb8;
	[tilespmem:$0x18C80] =	vst v63  }
0x7e1: {  	s17 =	simm.s32 $0xE080  }
0x7e2: {  	[hbm4b:s4+s7] =	stream.indirect_vreg.scatter [tilespmem:s17], [sflag:$0x7], $0x80, v5, vm0, $0xb8;
	[tilespmem:$0x18C80] =	vst v63  }
0x7e3: {  	v5 =	vld [tilespmem:$0x18B60];
	_ =	sdelay $0x4  }
0x7e4: {  	v6 =	vshll.u32 v5, $0x1  }
0x7e5: {  	v5 =	vand.u32 $0x7, v5;
	v6 =	vand.u32 $0xFFFFFFF0, v6  }
0x7e6: {  	v5 =	vor.u32 v5, v6  }
0x7e7: {  	v6 =	vperm.xlane v5, v1;
	_ =	sdelay $0x1  }
0x7e8: {  	v5 =	vperm.xlane v5, v3;
	v6 =	vadd.s32 v2, v6;
	_ =	sdelay $0x1  }
0x7e9: {  	v5 =	vadd.s32 v2, v5;
	_ =	sdelay $0x1  }
0x7ea: {  	s18 =	simm.s32 $0xE880  }
0x7eb: {  	[hbm4b:s4+s7] =	stream.indirect_vreg.scatter [tilespmem:s18], [sflag:$0x7], $0x80, v6, vm0, $0xb8;
	[tilespmem:$0x18C80] =	vst v63  }
0x7ec: {  	s20 =	simm.s32 $0xF080  }
0x7ed: {  	[hbm4b:s4+s7] =	stream.indirect_vreg.scatter [tilespmem:s20], [sflag:$0x7], $0x80, v5, vm0, $0xb8;
	[tilespmem:$0x18C80] =	vst v63  }
0x7ee: {  	v5 =	vld [tilespmem:$0x18B70];
	_ =	sdelay $0x4  }
0x7ef: {  	v6 =	vshll.u32 v5, $0x1  }
0x7f0: {  	v5 =	vand.u32 $0x7, v5;
	v6 =	vand.u32 $0xFFFFFFF0, v6  }
0x7f1: {  	v5 =	vor.u32 v5, v6  }
0x7f2: {  	v6 =	vperm.xlane v5, v1;
	_ =	sdelay $0x1  }
0x7f3: {  	v5 =	vperm.xlane v5, v3;
	v6 =	vadd.s32 v2, v6;
	_ =	sdelay $0x1  }
0x7f4: {  	v5 =	vadd.s32 v2, v5  }
.Ltmp43:
0x7f5: {  	_ = 	snop;
	(pc) =	sbr.rel .LBB2_53-.Ltmp43, $4  }
0x7f6: {  	s22 =	simm.s32 $0xF880  }
0x7f7: {  	[hbm4b:s4+s7] =	stream.indirect_vreg.scatter [tilespmem:s22], [sflag:$0x7], $0x80, v6, vm0, $0xb8;
	[tilespmem:$0x18C80] =	vst v63  }
0x7f8: {  	s24 =	simm.s32 $0x10080  }
0x7f9: {  	[hbm4b:s4+s7] =	stream.indirect_vreg.scatter [tilespmem:s24], [sflag:$0x7], $0x80, v5, vm0, $0xb8;
	[tilespmem:$0x18C80] =	vst v63  }
.LBB2_55:
0x7fa: {  	_ =	sfence.sel $0x180000  }
0x7fb: {  	[bflag:$0x0] =	sbarrier.arrive $0xFFFF  }
0x7fc: {  	_ =	strace $0x90000047  }
0x7fd: {  	s0 =	stileid.u32;
	[bflag:$0x2] =	sbarrier.arrive $0xFFFF  }
0x7fe: {  	p0 =	sne.s32 s0, $0x0;
	s0 =	rddreg [dreg:$0x4]  }
0x7ff: {  	s0 =	sadd.s32 @!p0 $0x100000, s0  }
0x800: {  	[sflag:s0] =	ssyncadd.tile.s32 @!p0 $0x1;
	_ =	shalt  }
.Lfunc_end2:
_tile_overlayer_lowered:
.L_overlay_start_2:
0x801: {  	(tag) =	ssettag $0x2  }
0x802: {  	s0 =	rddreg [dreg:$0x0];
	s2 =	stileid.u32  }
0x803: {  	s1 =	rddreg [dreg:$0x1];
	p0 =	sne.s32 s2, $0x0  }
0x804: {  	s3 =	rddreg [dreg:$0x2];
	[bflag:$0x3] =	sbarrier.arrive $0xFFFF;
	s2 =	simm.s32 @!p0 $0x1C09  }
0x805: {  	[timem:s3], [sflag:s2] =	dma.local @!p0 [hbm:s0], s1  }
0x806: {  	s0 =	simm.s32 @!p0 $0x9  }
0x807: {  	_ =	swait.ge @!p0 [sflag:s0], s1  }
0x808: {  	s1 =	ssub.s32 @!p0 $0x0, s1;
	[sflag:s0] =	ssyncset.done @!p0 $0x0  }
0x809: {  	[sflag:s0] =	ssyncadd.s32 @!p0 s1  }
0x80a: {  	[bflag:$0x3] =	sbarrier.arrive $0xFFFF  }
0x80b: {  	_ =	shalt  }

</sc_bundles>
